<compile_context>
chip_gen: v7x
topology: tpu7x:2x2x1
jax: 0.10.2.dev20260603
libtpu: 0.0.44.dev20260713+nightly
codegen_flags: <defaults>
</compile_context>

<pallas_src>
import functools

import jax
import jax.numpy as jnp
from jax import lax
from jax.experimental import pallas as pl
from jax.experimental.pallas import tpu as pltpu
from jax.experimental.pallas import tpu_sc as plsc

B = 2
C = 96
H = 384
W = 384
N = H * W
NC = 2
NS = 16
NW = NC * NS
HALF = N // 2
NTASK = B * (C + 1) * 2
KMAX = (NTASK + NW - 1) // NW
WIN = 4 * W
NWIN = N // WIN
WPW = (B * NWIN) // NW
L = 16


def _pass1_body(flow_hbm, metric_hbm, dst_hbm, wgt_hbm,
                fxb, fyb, mb, dl0, dl1, wl0, wl1):
    wid = lax.axis_index("s") * NC + lax.axis_index("c")
    lanes = lax.iota(jnp.int32, L)
    dbufs = (dl0, dl1)
    wbufs = (wl0, wl1)

    def win_task(wt, _):
        win_id = wid * WPW + wt
        b = win_id // NWIN
        wi = win_id - b * NWIN
        src_off = b * N + wi * WIN
        pltpu.sync_copy(flow_hbm.at[pl.ds((b * 2 + 0) * N + wi * WIN, WIN)],
                        fxb)
        pltpu.sync_copy(flow_hbm.at[pl.ds((b * 2 + 1) * N + wi * WIN, WIN)],
                        fyb)
        pltpu.sync_copy(metric_hbm.at[pl.ds(src_off, WIN)], mb)
        y0row = wi * 4

        def vec(j, _):
            xi = (j % (W // L)) * L + lanes
            yrow = y0row + j // (W // L)
            fx = xi.astype(jnp.float32) + fxb[pl.ds(j * L, L)]
            fy = yrow.astype(jnp.float32) + fyb[pl.ds(j * L, L)]
            x0 = fx.astype(jnp.int32)
            x0 = jnp.where(x0.astype(jnp.float32) > fx, x0 - 1, x0)
            y0 = fy.astype(jnp.int32)
            y0 = jnp.where(y0.astype(jnp.float32) > fy, y0 - 1, y0)
            wx1 = fx - x0.astype(jnp.float32)
            wx0 = 1.0 - wx1
            wy1 = fy - y0.astype(jnp.float32)
            wy0 = 1.0 - wy1
            m = jnp.exp(mb[pl.ds(j * L, L)])
            x1 = x0 + 1
            y1 = y0 + 1
            vx0 = (x0 >= 0) & (x0 < W)
            vx1 = (x1 >= 0) & (x1 < W)
            vy0 = (y0 >= 0) & (y0 < H)
            vy1 = (y1 >= 0) & (y1 < H)
            cx0 = jnp.minimum(jnp.maximum(x0, 0), W - 1)
            cx1 = jnp.minimum(jnp.maximum(x1, 0), W - 1)
            cy0 = jnp.minimum(jnp.maximum(y0, 0), H - 1) * W
            cy1 = jnp.minimum(jnp.maximum(y1, 0), H - 1) * W
            zero = jnp.zeros((L,), jnp.float32)
            taps = (
                (cy0 + cx0, jnp.where(vx0 & vy0, wx0 * wy0 * m, zero)),
                (cy0 + cx1, jnp.where(vx1 & vy0, wx1 * wy0 * m, zero)),
                (cy1 + cx0, jnp.where(vx0 & vy1, wx0 * wy1 * m, zero)),
                (cy1 + cx1, jnp.where(vx1 & vy1, wx1 * wy1 * m, zero)),
            )
            zi = jnp.zeros((L,), jnp.int32)
            for half in range(2):
                base = half * HALF
                for t in range(4):
                    d, wv = taps[t]
                    local = d - base
                    inb = (local >= 0) & (local < HALF)
                    dbufs[half][pl.ds(t * WIN + j * L, L)] = (
                        jnp.where(inb, local, zi))
                    wbufs[half][pl.ds(t * WIN + j * L, L)] = (
                        jnp.where(inb, wv, zero))
            return 0

        lax.fori_loop(0, WIN // L, vec, 0)
        for half in range(2):
            off = (((b * 2 + half) * NWIN + wi) * 4) * WIN
            pltpu.sync_copy(dbufs[half], dst_hbm.at[pl.ds(off, 4 * WIN)])
            pltpu.sync_copy(wbufs[half], wgt_hbm.at[pl.ds(off, 4 * WIN)])
        return 0

    lax.fori_loop(0, WPW, win_task, 0)


def _pass2_body(dst_hbm, wgt_hbm, val_hbm, out_hbm,
                acc, db, wb, vb, sem0, sem1):
    wid = lax.axis_index("s") * NC + lax.axis_index("c")
    sems = (sem0, sem1)
    zero16 = jnp.zeros((L,), jnp.float32)

    def copies(slot, b, half, ch_flat, wi):
        toff = (((b * 2 + half) * NWIN + wi) * 4) * WIN
        return (
            pltpu.make_async_copy(dst_hbm.at[pl.ds(toff, 4 * WIN)],
                                  db.at[slot], sems[slot]),
            pltpu.make_async_copy(wgt_hbm.at[pl.ds(toff, 4 * WIN)],
                                  wb.at[slot], sems[slot]),
            pltpu.make_async_copy(val_hbm.at[pl.ds(ch_flat * N + wi * WIN,
                                                   WIN)],
                                  vb.at[slot], sems[slot]),
        )

    def task(k, _):
        tid = k * NW + wid

        @pl.when(tid < NTASK)
        def _():
            b = tid // (2 * (C + 1))
            rem = tid - b * (2 * (C + 1))
            ch = rem // 2
            half = rem - ch * 2
            ch_flat = b * (C + 1) + ch

            def zacc(z, _):
                acc[pl.ds(z * L, L)] = zero16
                return 0

            lax.fori_loop(0, HALF // L, zacc, 0)

            for cp in copies(0, b, half, ch_flat, 0):
                cp.start()

            def group(g, _):
                for s in range(2):
                    wi = g * 2 + s
                    nxt = wi + 1

                    @pl.when(nxt < NWIN)
                    def _():
                        for cp in copies(1 - s, b, half, ch_flat, nxt):
                            cp.start()

                    for cp in copies(s, b, half, ch_flat, wi):
                        cp.wait()

                    @plsc.parallel_loop(0, WIN // L, unroll=4)
                    def vec(i):
                        v = vb[s, pl.ds(i * L, L)]
                        for t in range(4):
                            d = db[s, pl.ds(t * WIN + i * L, L)]
                            wv = wb[s, pl.ds(t * WIN + i * L, L)]

                            @pl.when(jnp.any(wv != 0.0))
                            def _():
                                plsc.addupdate_scatter(acc, [d], wv * v)
                return 0

            lax.fori_loop(0, NWIN // 2, group, 0)
            pltpu.sync_copy(acc,
                            out_hbm.at[pl.ds(ch_flat * N + half * HALF,
                                             HALF)])

        return 0

    lax.fori_loop(0, KMAX, task, 0)


def _norm_body(num_ref, den_ref, o_ref):
    o_ref[...] = num_ref[...] / (den_ref[...] + 1e-7)


def kernel(tenInput, tenFlow, tenMetric):
    mesh = plsc.VectorSubcoreMesh(core_axis_name="c", subcore_axis_name="s")

    flow_flat = tenFlow.reshape(B * 2 * N)
    metric_flat = tenMetric.reshape(B * N)
    ones = jnp.ones((B, 1, H, W), dtype=tenInput.dtype)
    val_flat = jnp.concatenate([tenInput, ones], axis=1).reshape(B * (C + 1) * N)

    sc_params = pltpu.CompilerParams(needs_layout_passes=False)
    pass1 = functools.partial(
        pl.kernel,
        mesh=mesh,
        compiler_params=sc_params,
        out_type=(
            jax.ShapeDtypeStruct((B * 2 * 4 * N,), jnp.int32),
            jax.ShapeDtypeStruct((B * 2 * 4 * N,), jnp.float32),
        ),
        scratch_types=[
            pltpu.VMEM((WIN,), jnp.float32),
            pltpu.VMEM((WIN,), jnp.float32),
            pltpu.VMEM((WIN,), jnp.float32),
            pltpu.VMEM((4 * WIN,), jnp.int32),
            pltpu.VMEM((4 * WIN,), jnp.int32),
            pltpu.VMEM((4 * WIN,), jnp.float32),
            pltpu.VMEM((4 * WIN,), jnp.float32),
        ],
    )(_pass1_body)
    dst_flat, wgt_flat = pass1(flow_flat, metric_flat)

    pass2 = functools.partial(
        pl.kernel,
        mesh=mesh,
        compiler_params=sc_params,
        out_type=jax.ShapeDtypeStruct((B * (C + 1) * N,), jnp.float32),
        scratch_types=[
            pltpu.VMEM((HALF,), jnp.float32),
            pltpu.VMEM((2, 4 * WIN), jnp.int32),
            pltpu.VMEM((2, 4 * WIN), jnp.float32),
            pltpu.VMEM((2, WIN), jnp.float32),
            pltpu.SemaphoreType.DMA,
            pltpu.SemaphoreType.DMA,
        ],
    )(_pass2_body)
    out97 = pass2(dst_flat, wgt_flat, val_flat).reshape(B, C + 1, H, W)

    num = out97[:, :C]
    den = out97[:, C:]
    out = pl.pallas_call(
        _norm_body,
        grid=(B, C),
        in_specs=[
            pl.BlockSpec((1, 1, H, W), lambda b, c: (b, c, 0, 0)),
            pl.BlockSpec((1, 1, H, W), lambda b, c: (b, 0, 0, 0)),
        ],
        out_specs=pl.BlockSpec((1, 1, H, W), lambda b, c: (b, c, 0, 0)),
        out_shape=jax.ShapeDtypeStruct((B, C, H, W), jnp.float32),
    )(num, den)
    return out

# --- scband reference (transcript-rebuilt; emitter-appended) ---
"""Pipeline reference for scband-module-softsplat-7069516169444 (READ-ONLY COPY).

The authoritative reference and input builder live on the scoring server;
editing this copy changes nothing except your own understanding.
"""

import jax, jax.numpy as jnp
import numpy as np


def _softsplat_sum(inp, flow):
    B, C, H, W = inp.shape
    gx = jnp.arange(W, dtype=jnp.float32)[None, None, :]
    gy = jnp.arange(H, dtype=jnp.float32)[None, :, None]
    fx = gx + flow[:, 0]
    fy = gy + flow[:, 1]
    x0f = jnp.floor(fx)
    y0f = jnp.floor(fy)
    x1f = x0f + 1.0
    y1f = y0f + 1.0
    w_nw = (x1f - fx) * (y1f - fy)
    w_ne = (fx - x0f) * (y1f - fy)
    w_sw = (x1f - fx) * (fy - y0f)
    w_se = (fx - x0f) * (fy - y0f)
    ix0 = x0f.astype(jnp.int32)
    iy0 = y0f.astype(jnp.int32)
    ix1 = ix0 + 1
    iy1 = iy0 + 1
    inp_flat = jnp.transpose(inp, (0, 2, 3, 1)).reshape(B * H * W, C)
    boff = (jnp.arange(B, dtype=jnp.int32) * (H * W))[:, None, None]
    out = jnp.zeros((B * H * W, C), dtype=inp.dtype)
    for ix, iy, w in ((ix0, iy0, w_nw), (ix1, iy0, w_ne), (ix0, iy1, w_sw), (ix1, iy1, w_se)):
        valid = (ix >= 0) & (ix < W) & (iy >= 0) & (iy < H)
        idx = boff + jnp.clip(iy, 0, H - 1) * W + jnp.clip(ix, 0, W - 1)
        ww = jnp.where(valid, w, 0.0)
        out = out.at[idx.reshape(-1)].add(inp_flat * ww.reshape(-1)[:, None])
    return jnp.transpose(out.reshape(B, H, W, C), (0, 3, 1, 2))


def _softsplat(tenInput, tenFlow, tenMetric, strType):
    if strType == 'average':
        ones = jnp.ones((tenInput.shape[0], 1, tenInput.shape[2], tenInput.shape[3]), dtype=tenInput.dtype)
        inp = jnp.concatenate([tenInput, ones], axis=1)
    elif strType == 'linear':
        inp = jnp.concatenate([tenInput * tenMetric, tenMetric], axis=1)
    elif strType == 'softmax':
        m = jnp.exp(tenMetric)
        inp = jnp.concatenate([tenInput * m, m], axis=1)
    else:
        inp = tenInput
    out = _softsplat_sum(inp, tenFlow)
    if strType != 'summation':
        out = out[:, :-1, :, :] / (out[:, -1:, :, :] + 1e-07)
    return out


def setup_inputs(seed: int = 0) -> dict:
    key = jax.random.key(seed)
    k1, k2, k3 = jax.random.split(key, 3)
    tenInput = jax.random.normal(k1, (2, 96, 384, 384), dtype=jnp.float32)
    tenFlow = jax.random.normal(k2, (2, 2, 384, 384), dtype=jnp.float32)
    tenMetric = jax.random.normal(k3, (2, 1, 384, 384), dtype=jnp.float32)
    return {"tenInput": tenInput, "tenFlow": tenFlow, "tenMetric": tenMetric}


def reference(tenInput, tenFlow, tenMetric):
    return _softsplat(tenInput, tenFlow, tenMetric, 'softmax')

if __name__ == "__main__":
    import jax
    _d = setup_inputs()
    print(jax.jit(kernel)(*tuple(_d.values())))

</pallas_src>

<mosaic_0001>
#map = affine_map<(d0, d1) -> (0)>
module attributes {stable_mosaic.version = 14 : i64} {
  func.func @_pass2_body(%arg0: i32, %arg1: i32, %arg2: memref<2359296xi32, #tpu.memory_space<hbm>>, %arg3: memref<2359296xf32, #tpu.memory_space<hbm>>, %arg4: memref<28606464xf32, #tpu.memory_space<hbm>>, %arg5: memref<28606464xf32, #tpu.memory_space<hbm>>, %arg6: memref<73728xf32, #tpu.memory_space<vmem>>, %arg7: memref<2x6144xi32, #tpu.memory_space<vmem>>, %arg8: memref<2x6144xf32, #tpu.memory_space<vmem>>, %arg9: memref<2x1536xf32, #tpu.memory_space<vmem>>, %arg10: memref<!tpu.dma_semaphore, #tpu.memory_space<semaphore_mem>>, %arg11: memref<!tpu.dma_semaphore, #tpu.memory_space<semaphore_mem>>) attributes {dimension_semantics = [#tpu.dimension_semantics<core_parallel>, #tpu.dimension_semantics<subcore_parallel>], iteration_bounds = array<i64: 2, 16>, scalar_prefetch = 0 : i64, scratch_operands = 6 : i64, tpu.core_type = #tpu.core_type<sc_vector_subcore>, window_params = [{transform_indices = #map}, {transform_indices = #map}, {transform_indices = #map}, {transform_indices = #map}]} {
    %mul3A = arith.constant 2 : i32
    %mul3A_0 = arith.muli %arg1, %mul3A : i32
    %add3A = arith.addi %mul3A_0, %arg0 : i32
    %broadcast_in_dim3A = arith.constant 0.000000e+00 : f32
    %broadcast_in_dim3A_1 = vector.broadcast %broadcast_in_dim3A : f32 to vector<16xf32>
    %scan3A = arith.constant 0 : i32
    %scan3A_2 = arith.constant 0 : i32
    %scan3A_3 = arith.constant 13 : i32
    %scan3A_4 = arith.addi %scan3A_2, %scan3A_3 : i32
    %scan3A_5 = arith.constant 1 : i32
    %scan3A_6 = scf.for %scan3A_8 = %scan3A_2 to %scan3A_4 step %scan3A_5 iter_args(%scan3A_9 = %scan3A) -> (i32)  : i32 {
      %mul3A_10 = arith.constant 32 : i32
      %mul3A_11 = arith.muli %scan3A_8, %mul3A_10 : i32
      %add3A_12 = arith.addi %mul3A_11, %add3A : i32
      %lt3A = arith.constant 388 : i32
      %lt3A_13 = arith.cmpi slt, %add3A_12, %lt3A : i32
      %convert_element_type3A = arith.extui %lt3A_13 : i1 to i32
      %cond3A = arith.constant 0 : i32
      %cond3A_14 = arith.cmpi ne, %convert_element_type3A, %cond3A : i32
      scf.if %cond3A_14 {
        %jit3A = arith.constant 194 : i32
        %div3A = arith.divsi %add3A_12, %jit3A : i32
        %sign3A = arith.constant 0 : i32
        %sign3A_16 = arith.cmpi sgt, %add3A_12, %sign3A : i32
        %sign3A_17 = arith.extui %sign3A_16 : i1 to i32
        %sign3A_18 = arith.constant 0 : i32
        %sign3A_19 = arith.cmpi slt, %add3A_12, %sign3A_18 : i32
        %sign3A_20 = arith.extui %sign3A_19 : i1 to i32
        %sign3A_21 = arith.subi %sign3A_17, %sign3A_20 : i32
        %sign3A_22 = arith.constant 0 : i32
        %sign3A_23 = arith.cmpi sgt, %jit3A, %sign3A_22 : i32
        %sign3A_24 = arith.extui %sign3A_23 : i1 to i32
        %sign3A_25 = arith.constant 0 : i32
        %sign3A_26 = arith.cmpi slt, %jit3A, %sign3A_25 : i32
        %sign3A_27 = arith.extui %sign3A_26 : i1 to i32
        %sign3A_28 = arith.subi %sign3A_24, %sign3A_27 : i32
        %ne3A = arith.cmpi ne, %sign3A_21, %sign3A_28 : i32
        %rem3A = arith.remsi %add3A_12, %jit3A : i32
        %ne3A_29 = arith.constant 0 : i32
        %ne3A_30 = arith.cmpi ne, %rem3A, %ne3A_29 : i32
        %and3A = arith.andi %ne3A, %ne3A_30 : i1
        %sub3A = arith.constant 1 : i32
        %sub3A_31 = arith.subi %div3A, %sub3A : i32
        %select_n3A = arith.select %and3A, %sub3A_31, %div3A : i32
        %mul3A_32 = arith.constant 194 : i32
        %mul3A_33 = arith.muli %select_n3A, %mul3A_32 : i32
        %sub3A_34 = arith.subi %add3A_12, %mul3A_33 : i32
        %jit3A_35 = arith.constant 2 : i32
        %div3A_36 = arith.divsi %sub3A_34, %jit3A_35 : i32
        %sign3A_37 = arith.constant 0 : i32
        %sign3A_38 = arith.cmpi sgt, %sub3A_34, %sign3A_37 : i32
        %sign3A_39 = arith.extui %sign3A_38 : i1 to i32
        %sign3A_40 = arith.constant 0 : i32
        %sign3A_41 = arith.cmpi slt, %sub3A_34, %sign3A_40 : i32
        %sign3A_42 = arith.extui %sign3A_41 : i1 to i32
        %sign3A_43 = arith.subi %sign3A_39, %sign3A_42 : i32
        %sign3A_44 = arith.constant 0 : i32
        %sign3A_45 = arith.cmpi sgt, %jit3A_35, %sign3A_44 : i32
        %sign3A_46 = arith.extui %sign3A_45 : i1 to i32
        %sign3A_47 = arith.constant 0 : i32
        %sign3A_48 = arith.cmpi slt, %jit3A_35, %sign3A_47 : i32
        %sign3A_49 = arith.extui %sign3A_48 : i1 to i32
        %sign3A_50 = arith.subi %sign3A_46, %sign3A_49 : i32
        %ne3A_51 = arith.cmpi ne, %sign3A_43, %sign3A_50 : i32
        %rem3A_52 = arith.remsi %sub3A_34, %jit3A_35 : i32
        %ne3A_53 = arith.constant 0 : i32
        %ne3A_54 = arith.cmpi ne, %rem3A_52, %ne3A_53 : i32
        %and3A_55 = arith.andi %ne3A_51, %ne3A_54 : i1
        %sub3A_56 = arith.constant 1 : i32
        %sub3A_57 = arith.subi %div3A_36, %sub3A_56 : i32
        %select_n3A_58 = arith.select %and3A_55, %sub3A_57, %div3A_36 : i32
        %mul3A_59 = arith.constant 2 : i32
        %mul3A_60 = arith.muli %select_n3A_58, %mul3A_59 : i32
        %sub3A_61 = arith.subi %sub3A_34, %mul3A_60 : i32
        %mul3A_62 = arith.constant 97 : i32
        %mul3A_63 = arith.muli %select_n3A, %mul3A_62 : i32
        %add3A_64 = arith.addi %mul3A_63, %select_n3A_58 : i32
        %scan3A_65 = arith.constant 0 : i32
        %scan3A_66 = arith.constant 0 : i32
        %scan3A_67 = arith.constant 4608 : i32
        %scan3A_68 = arith.addi %scan3A_66, %scan3A_67 : i32
        %scan3A_69 = arith.constant 1 : i32
        %scan3A_70 = scf.for %scan3A_125 = %scan3A_66 to %scan3A_68 step %scan3A_69 iter_args(%scan3A_126 = %scan3A_65) -> (i32)  : i32 {
          %mul3A_127 = arith.constant 16 : i32
          %mul3A_128 = arith.muli %scan3A_125, %mul3A_127 : i32
          %swap3A = arith.index_cast %mul3A_128 : i32 to index
          %swap3A_129 = tpu.vector_load %arg6[%swap3A] {strides = array<i32>} : memref<73728xf32, #tpu.memory_space<vmem>>, vector<16xf32>,
          tpu.vector_store %arg6[%swap3A], %broadcast_in_dim3A_1 {strides = array<i32>} : memref<73728xf32, #tpu.memory_space<vmem>>, vector<16xf32>,
          %scan3A_130 = arith.constant 0 : i32
          scf.yield %scan3A_130 : i32
        }
        %scan3A_71 = arith.constant 4608 : i32
        %mul3A_72 = arith.constant 2 : i32
        %mul3A_73 = arith.muli %select_n3A, %mul3A_72 : i32
        %add3A_74 = arith.addi %mul3A_73, %sub3A_61 : i32
        %mul3A_75 = arith.constant 96 : i32
        %mul3A_76 = arith.muli %add3A_74, %mul3A_75 : i32
        %add3A_77 = arith.constant 0 : i32
        %add3A_78 = arith.addi %mul3A_76, %add3A_77 : i32
        %mul3A_79 = arith.constant 4 : i32
        %mul3A_80 = arith.muli %add3A_78, %mul3A_79 : i32
        %mul3A_81 = arith.constant 1536 : i32
        %mul3A_82 = arith.muli %mul3A_80, %mul3A_81 : i32
        %mul3A_83 = arith.constant 147456 : i32
        %mul3A_84 = arith.muli %add3A_64, %mul3A_83 : i32
        %add3A_85 = arith.constant 0 : i32
        %add3A_86 = arith.addi %mul3A_84, %add3A_85 : i32
        %dma_start3A = arith.constant 0 : i32
        %dma_start3A_87 = arith.constant 0 : i32
        %dma_start3A_88 = tpu.memref_slice %arg7[%dma_start3A, %dma_start3A_87] : memref<2x6144xi32, #tpu.memory_space<vmem>> -> memref<1x6144xi32, #tpu.memory_space<vmem>>
        %dma_start3A_89 = tpu.memref_squeeze %dma_start3A_88 : memref<1x6144xi32, #tpu.memory_space<vmem>> -> memref<6144xi32, #tpu.memory_space<vmem>>
        %dma_start3A_90 = tpu.memref_slice %arg2[%mul3A_82] : memref<2359296xi32, #tpu.memory_space<hbm>> -> memref<6144xi32, #tpu.memory_space<hbm>>
        %dma_start3A_91 = arith.constant 0 : i32
        %dma_start3A_92 = tpu.memref_slice %arg7[%dma_start3A, %dma_start3A_91] : memref<2x6144xi32, #tpu.memory_space<vmem>> -> memref<1x6144xi32, #tpu.memory_space<vmem>>
        %dma_start3A_93 = tpu.memref_squeeze %dma_start3A_92 : memref<1x6144xi32, #tpu.memory_space<vmem>> -> memref<6144xi32, #tpu.memory_space<vmem>>
        %dma_start3A_94 = tpu.memref_slice %arg2[%mul3A_82] : memref<2359296xi32, #tpu.memory_space<hbm>> -> memref<6144xi32, #tpu.memory_space<hbm>>
        tpu.enqueue_dma source(%dma_start3A_94 : memref<6144xi32, #tpu.memory_space<hbm>>) target(%dma_start3A_93 : memref<6144xi32, #tpu.memory_space<vmem>>) target_semaphore(%arg10 : memref<!tpu.dma_semaphore, #tpu.memory_space<semaphore_mem>>)
        %dma_start3A_95 = arith.constant 0 : i32
        %dma_start3A_96 = arith.constant 0 : i32
        %dma_start3A_97 = tpu.memref_slice %arg8[%dma_start3A_95, %dma_start3A_96] : memref<2x6144xf32, #tpu.memory_space<vmem>> -> memref<1x6144xf32, #tpu.memory_space<vmem>>
        %dma_start3A_98 = tpu.memref_squeeze %dma_start3A_97 : memref<1x6144xf32, #tpu.memory_space<vmem>> -> memref<6144xf32, #tpu.memory_space<vmem>>
        %dma_start3A_99 = tpu.memref_slice %arg3[%mul3A_82] : memref<2359296xf32, #tpu.memory_space<hbm>> -> memref<6144xf32, #tpu.memory_space<hbm>>
        %dma_start3A_100 = arith.constant 0 : i32
        %dma_start3A_101 = tpu.memref_slice %arg8[%dma_start3A_95, %dma_start3A_100] : memref<2x6144xf32, #tpu.memory_space<vmem>> -> memref<1x6144xf32, #tpu.memory_space<vmem>>
        %dma_start3A_102 = tpu.memref_squeeze %dma_start3A_101 : memref<1x6144xf32, #tpu.memory_space<vmem>> -> memref<6144xf32, #tpu.memory_space<vmem>>
        %dma_start3A_103 = tpu.memref_slice %arg3[%mul3A_82] : memref<2359296xf32, #tpu.memory_space<hbm>> -> memref<6144xf32, #tpu.memory_space<hbm>>
        tpu.enqueue_dma source(%dma_start3A_103 : memref<6144xf32, #tpu.memory_space<hbm>>) target(%dma_start3A_102 : memref<6144xf32, #tpu.memory_space<vmem>>) target_semaphore(%arg10 : memref<!tpu.dma_semaphore, #tpu.memory_space<semaphore_mem>>)
        %dma_start3A_104 = arith.constant 0 : i32
        %dma_start3A_105 = arith.constant 0 : i32
        %dma_start3A_106 = tpu.memref_slice %arg9[%dma_start3A_104, %dma_start3A_105] : memref<2x1536xf32, #tpu.memory_space<vmem>> -> memref<1x1536xf32, #tpu.memory_space<vmem>>
        %dma_start3A_107 = tpu.memref_squeeze %dma_start3A_106 : memref<1x1536xf32, #tpu.memory_space<vmem>> -> memref<1536xf32, #tpu.memory_space<vmem>>
        %dma_start3A_108 = tpu.memref_slice %arg4[%add3A_86] : memref<28606464xf32, #tpu.memory_space<hbm>> -> memref<1536xf32, #tpu.memory_space<hbm>>
        %dma_start3A_109 = arith.constant 0 : i32
        %dma_start3A_110 = tpu.memref_slice %arg9[%dma_start3A_104, %dma_start3A_109] : memref<2x1536xf32, #tpu.memory_space<vmem>> -> memref<1x1536xf32, #tpu.memory_space<vmem>>
        %dma_start3A_111 = tpu.memref_squeeze %dma_start3A_110 : memref<1x1536xf32, #tpu.memory_space<vmem>> -> memref<1536xf32, #tpu.memory_space<vmem>>
        %dma_start3A_112 = tpu.memref_slice %arg4[%add3A_86] : memref<28606464xf32, #tpu.memory_space<hbm>> -> memref<1536xf32, #tpu.memory_space<hbm>>
        tpu.enqueue_dma source(%dma_start3A_112 : memref<1536xf32, #tpu.memory_space<hbm>>) target(%dma_start3A_111 : memref<1536xf32, #tpu.memory_space<vmem>>) target_semaphore(%arg10 : memref<!tpu.dma_semaphore, #tpu.memory_space<semaphore_mem>>)
        %scan3A_113 = arith.constant 0 : i32
        %scan3A_114 = arith.constant 0 : i32
        %scan3A_115 = arith.constant 48 : i32
        %scan3A_116 = arith.addi %scan3A_114, %scan3A_115 : i32
        %scan3A_117 = arith.constant 1 : i32
        %scan3A_118 = scf.for %scan3A_125 = %scan3A_114 to %scan3A_116 step %scan3A_117 iter_args(%scan3A_126 = %scan3A_113) -> (i32)  : i32 {
          %mul3A_127 = arith.constant 2 : i32
          %mul3A_128 = arith.muli %scan3A_125, %mul3A_127 : i32
          %add3A_129 = arith.constant 0 : i32
          %add3A_130 = arith.addi %mul3A_128, %add3A_129 : i32
          %add3A_131 = arith.constant 1 : i32
          %add3A_132 = arith.addi %add3A_130, %add3A_131 : i32
          %lt3A_133 = arith.constant 96 : i32
          %lt3A_134 = arith.cmpi slt, %add3A_132, %lt3A_133 : i32
          %convert_element_type3A_135 = arith.extui %lt3A_134 : i1 to i32
          %cond3A_136 = arith.constant 0 : i32
          %cond3A_137 = arith.cmpi ne, %convert_element_type3A_135, %cond3A_136 : i32
          scf.if %cond3A_137 {
            %mul3A_238 = arith.constant 2 : i32
            %mul3A_239 = arith.muli %select_n3A, %mul3A_238 : i32
            %add3A_240 = arith.addi %mul3A_239, %sub3A_61 : i32
            %mul3A_241 = arith.constant 96 : i32
            %mul3A_242 = arith.muli %add3A_240, %mul3A_241 : i32
            %add3A_243 = arith.addi %mul3A_242, %add3A_132 : i32
            %mul3A_244 = arith.constant 4 : i32
            %mul3A_245 = arith.muli %add3A_243, %mul3A_244 : i32
            %mul3A_246 = arith.constant 1536 : i32
            %mul3A_247 = arith.muli %mul3A_245, %mul3A_246 : i32
            %mul3A_248 = arith.constant 147456 : i32
            %mul3A_249 = arith.muli %add3A_64, %mul3A_248 : i32
            %mul3A_250 = arith.constant 1536 : i32
            %mul3A_251 = arith.muli %add3A_132, %mul3A_250 : i32
            %add3A_252 = arith.addi %mul3A_249, %mul3A_251 : i32
            %dma_start3A_253 = arith.constant 1 : i32
            %dma_start3A_254 = arith.constant 0 : i32
            %dma_start3A_255 = tpu.memref_slice %arg7[%dma_start3A_253, %dma_start3A_254] : memref<2x6144xi32, #tpu.memory_space<vmem>> -> memref<1x6144xi32, #tpu.memory_space<vmem>>
            %dma_start3A_256 = tpu.memref_squeeze %dma_start3A_255 : memref<1x6144xi32, #tpu.memory_space<vmem>> -> memref<6144xi32, #tpu.memory_space<vmem>>
            %dma_start3A_257 = tpu.memref_slice %arg2[%mul3A_247] : memref<2359296xi32, #tpu.memory_space<hbm>> -> memref<6144xi32, #tpu.memory_space<hbm>>
            %dma_start3A_258 = arith.constant 0 : i32
            %dma_start3A_259 = tpu.memref_slice %arg7[%dma_start3A_253, %dma_start3A_258] : memref<2x6144xi32, #tpu.memory_space<vmem>> -> memref<1x6144xi32, #tpu.memory_space<vmem>>
            %dma_start3A_260 = tpu.memref_squeeze %dma_start3A_259 : memref<1x6144xi32, #tpu.memory_space<vmem>> -> memref<6144xi32, #tpu.memory_space<vmem>>
            %dma_start3A_261 = tpu.memref_slice %arg2[%mul3A_247] : memref<2359296xi32, #tpu.memory_space<hbm>> -> memref<6144xi32, #tpu.memory_space<hbm>>
            tpu.enqueue_dma source(%dma_start3A_261 : memref<6144xi32, #tpu.memory_space<hbm>>) target(%dma_start3A_260 : memref<6144xi32, #tpu.memory_space<vmem>>) target_semaphore(%arg11 : memref<!tpu.dma_semaphore, #tpu.memory_space<semaphore_mem>>)
            %dma_start3A_262 = arith.constant 1 : i32
            %dma_start3A_263 = arith.constant 0 : i32
            %dma_start3A_264 = tpu.memref_slice %arg8[%dma_start3A_262, %dma_start3A_263] : memref<2x6144xf32, #tpu.memory_space<vmem>> -> memref<1x6144xf32, #tpu.memory_space<vmem>>
            %dma_start3A_265 = tpu.memref_squeeze %dma_start3A_264 : memref<1x6144xf32, #tpu.memory_space<vmem>> -> memref<6144xf32, #tpu.memory_space<vmem>>
            %dma_start3A_266 = tpu.memref_slice %arg3[%mul3A_247] : memref<2359296xf32, #tpu.memory_space<hbm>> -> memref<6144xf32, #tpu.memory_space<hbm>>
            %dma_start3A_267 = arith.constant 0 : i32
            %dma_start3A_268 = tpu.memref_slice %arg8[%dma_start3A_262, %dma_start3A_267] : memref<2x6144xf32, #tpu.memory_space<vmem>> -> memref<1x6144xf32, #tpu.memory_space<vmem>>
            %dma_start3A_269 = tpu.memref_squeeze %dma_start3A_268 : memref<1x6144xf32, #tpu.memory_space<vmem>> -> memref<6144xf32, #tpu.memory_space<vmem>>
            %dma_start3A_270 = tpu.memref_slice %arg3[%mul3A_247] : memref<2359296xf32, #tpu.memory_space<hbm>> -> memref<6144xf32, #tpu.memory_space<hbm>>
            tpu.enqueue_dma source(%dma_start3A_270 : memref<6144xf32, #tpu.memory_space<hbm>>) target(%dma_start3A_269 : memref<6144xf32, #tpu.memory_space<vmem>>) target_semaphore(%arg11 : memref<!tpu.dma_semaphore, #tpu.memory_space<semaphore_mem>>)
            %dma_start3A_271 = arith.constant 1 : i32
            %dma_start3A_272 = arith.constant 0 : i32
            %dma_start3A_273 = tpu.memref_slice %arg9[%dma_start3A_271, %dma_start3A_272] : memref<2x1536xf32, #tpu.memory_space<vmem>> -> memref<1x1536xf32, #tpu.memory_space<vmem>>
            %dma_start3A_274 = tpu.memref_squeeze %dma_start3A_273 : memref<1x1536xf32, #tpu.memory_space<vmem>> -> memref<1536xf32, #tpu.memory_space<vmem>>
            %dma_start3A_275 = tpu.memref_slice %arg4[%add3A_252] : memref<28606464xf32, #tpu.memory_space<hbm>> -> memref<1536xf32, #tpu.memory_space<hbm>>
            %dma_start3A_276 = arith.constant 0 : i32
            %dma_start3A_277 = tpu.memref_slice %arg9[%dma_start3A_271, %dma_start3A_276] : memref<2x1536xf32, #tpu.memory_space<vmem>> -> memref<1x1536xf32, #tpu.memory_space<vmem>>
            %dma_start3A_278 = tpu.memref_squeeze %dma_start3A_277 : memref<1x1536xf32, #tpu.memory_space<vmem>> -> memref<1536xf32, #tpu.memory_space<vmem>>
            %dma_start3A_279 = tpu.memref_slice %arg4[%add3A_252] : memref<28606464xf32, #tpu.memory_space<hbm>> -> memref<1536xf32, #tpu.memory_space<hbm>>
            tpu.enqueue_dma source(%dma_start3A_279 : memref<1536xf32, #tpu.memory_space<hbm>>) target(%dma_start3A_278 : memref<1536xf32, #tpu.memory_space<vmem>>) target_semaphore(%arg11 : memref<!tpu.dma_semaphore, #tpu.memory_space<semaphore_mem>>)
          } else {
          }
          %mul3A_138 = arith.constant 2 : i32
          %mul3A_139 = arith.muli %select_n3A, %mul3A_138 : i32
          %add3A_140 = arith.addi %mul3A_139, %sub3A_61 : i32
          %mul3A_141 = arith.constant 96 : i32
          %mul3A_142 = arith.muli %add3A_140, %mul3A_141 : i32
          %add3A_143 = arith.addi %mul3A_142, %add3A_130 : i32
          %mul3A_144 = arith.constant 4 : i32
          %mul3A_145 = arith.muli %add3A_143, %mul3A_144 : i32
          %mul3A_146 = arith.constant 1536 : i32
          %mul3A_147 = arith.muli %mul3A_145, %mul3A_146 : i32
          %mul3A_148 = arith.constant 147456 : i32
          %mul3A_149 = arith.muli %add3A_64, %mul3A_148 : i32
          %mul3A_150 = arith.constant 1536 : i32
          %mul3A_151 = arith.muli %add3A_130, %mul3A_150 : i32
          %add3A_152 = arith.addi %mul3A_149, %mul3A_151 : i32
          %dma_wait3A = arith.constant 0 : i32
          %dma_wait3A_153 = arith.constant 0 : i32
          %dma_wait3A_154 = tpu.memref_slice %arg7[%dma_wait3A, %dma_wait3A_153] : memref<2x6144xi32, #tpu.memory_space<vmem>> -> memref<1x6144xi32, #tpu.memory_space<vmem>>
          %dma_wait3A_155 = tpu.memref_squeeze %dma_wait3A_154 : memref<1x6144xi32, #tpu.memory_space<vmem>> -> memref<6144xi32, #tpu.memory_space<vmem>>
          %dma_wait3A_156 = tpu.memref_slice %arg2[%mul3A_147] : memref<2359296xi32, #tpu.memory_space<hbm>> -> memref<6144xi32, #tpu.memory_space<hbm>>
          %dma_wait3A_157 = arith.constant 0 : i32
          %dma_wait3A_158 = tpu.memref_slice %arg7[%dma_wait3A, %dma_wait3A_157] : memref<2x6144xi32, #tpu.memory_space<vmem>> -> memref<1x6144xi32, #tpu.memory_space<vmem>>
          %dma_wait3A_159 = tpu.memref_squeeze %dma_wait3A_158 : memref<1x6144xi32, #tpu.memory_space<vmem>> -> memref<6144xi32, #tpu.memory_space<vmem>>
          %dma_wait3A_160 = tpu.memref_slice %arg2[%mul3A_147] : memref<2359296xi32, #tpu.memory_space<hbm>> -> memref<6144xi32, #tpu.memory_space<hbm>>
          tpu.wait_dma2 semaphore(%arg10 : memref<!tpu.dma_semaphore, #tpu.memory_space<semaphore_mem>>) src(%dma_wait3A_160 : memref<6144xi32, #tpu.memory_space<hbm>>) dst(%dma_wait3A_159 : memref<6144xi32, #tpu.memory_space<vmem>>)
          %dma_wait3A_161 = arith.constant 0 : i32
          %dma_wait3A_162 = arith.constant 0 : i32
          %dma_wait3A_163 = tpu.memref_slice %arg8[%dma_wait3A_161, %dma_wait3A_162] : memref<2x6144xf32, #tpu.memory_space<vmem>> -> memref<1x6144xf32, #tpu.memory_space<vmem>>
          %dma_wait3A_164 = tpu.memref_squeeze %dma_wait3A_163 : memref<1x6144xf32, #tpu.memory_space<vmem>> -> memref<6144xf32, #tpu.memory_space<vmem>>
          %dma_wait3A_165 = tpu.memref_slice %arg3[%mul3A_147] : memref<2359296xf32, #tpu.memory_space<hbm>> -> memref<6144xf32, #tpu.memory_space<hbm>>
          %dma_wait3A_166 = arith.constant 0 : i32
          %dma_wait3A_167 = tpu.memref_slice %arg8[%dma_wait3A_161, %dma_wait3A_166] : memref<2x6144xf32, #tpu.memory_space<vmem>> -> memref<1x6144xf32, #tpu.memory_space<vmem>>
          %dma_wait3A_168 = tpu.memref_squeeze %dma_wait3A_167 : memref<1x6144xf32, #tpu.memory_space<vmem>> -> memref<6144xf32, #tpu.memory_space<vmem>>
          %dma_wait3A_169 = tpu.memref_slice %arg3[%mul3A_147] : memref<2359296xf32, #tpu.memory_space<hbm>> -> memref<6144xf32, #tpu.memory_space<hbm>>
          tpu.wait_dma2 semaphore(%arg10 : memref<!tpu.dma_semaphore, #tpu.memory_space<semaphore_mem>>) src(%dma_wait3A_169 : memref<6144xf32, #tpu.memory_space<hbm>>) dst(%dma_wait3A_168 : memref<6144xf32, #tpu.memory_space<vmem>>)
          %dma_wait3A_170 = arith.constant 0 : i32
          %dma_wait3A_171 = arith.constant 0 : i32
          %dma_wait3A_172 = tpu.memref_slice %arg9[%dma_wait3A_170, %dma_wait3A_171] : memref<2x1536xf32, #tpu.memory_space<vmem>> -> memref<1x1536xf32, #tpu.memory_space<vmem>>
          %dma_wait3A_173 = tpu.memref_squeeze %dma_wait3A_172 : memref<1x1536xf32, #tpu.memory_space<vmem>> -> memref<1536xf32, #tpu.memory_space<vmem>>
          %dma_wait3A_174 = tpu.memref_slice %arg4[%add3A_152] : memref<28606464xf32, #tpu.memory_space<hbm>> -> memref<1536xf32, #tpu.memory_space<hbm>>
          %dma_wait3A_175 = arith.constant 0 : i32
          %dma_wait3A_176 = tpu.memref_slice %arg9[%dma_wait3A_170, %dma_wait3A_175] : memref<2x1536xf32, #tpu.memory_space<vmem>> -> memref<1x1536xf32, #tpu.memory_space<vmem>>
          %dma_wait3A_177 = tpu.memref_squeeze %dma_wait3A_176 : memref<1x1536xf32, #tpu.memory_space<vmem>> -> memref<1536xf32, #tpu.memory_space<vmem>>
          %dma_wait3A_178 = tpu.memref_slice %arg4[%add3A_152] : memref<28606464xf32, #tpu.memory_space<hbm>> -> memref<1536xf32, #tpu.memory_space<hbm>>
          tpu.wait_dma2 semaphore(%arg10 : memref<!tpu.dma_semaphore, #tpu.memory_space<semaphore_mem>>) src(%dma_wait3A_178 : memref<1536xf32, #tpu.memory_space<hbm>>) dst(%dma_wait3A_177 : memref<1536xf32, #tpu.memory_space<vmem>>)
          %parallel_loop3A = arith.constant 0 : i32
          %parallel_loop3A_179 = arith.constant 96 : i32
          %parallel_loop3A_180 = arith.constant 1 : i32
          scf.for %parallel_loop3A_238 = %parallel_loop3A to %parallel_loop3A_179 step %parallel_loop3A_180  : i32 {
            %parallel_loop3A_239 = arith.constant 16 : i32
            %parallel_loop3A_240 = arith.muli %parallel_loop3A_238, %parallel_loop3A_239 : i32
            %parallel_loop3A_241 = arith.constant 0 : i32
            %parallel_loop3A_242 = arith.index_cast %parallel_loop3A_241 : i32 to index
            %parallel_loop3A_243 = arith.index_cast %parallel_loop3A_240 : i32 to index
            %parallel_loop3A_244 = tpu.vector_load %arg9[%parallel_loop3A_242, %parallel_loop3A_243] {strides = array<i32>} : memref<2x1536xf32, #tpu.memory_space<vmem>>, vector<16xf32>,
            %parallel_loop3A_245 = arith.constant 16 : i32
            %parallel_loop3A_246 = arith.muli %parallel_loop3A_238, %parallel_loop3A_245 : i32
            %parallel_loop3A_247 = arith.constant 0 : i32
            %parallel_loop3A_248 = arith.addi %parallel_loop3A_247, %parallel_loop3A_246 : i32
            %parallel_loop3A_249 = arith.constant 0 : i32
            %parallel_loop3A_250 = arith.index_cast %parallel_loop3A_249 : i32 to index
            %parallel_loop3A_251 = arith.index_cast %parallel_loop3A_248 : i32 to index
            %parallel_loop3A_252 = tpu.vector_load %arg7[%parallel_loop3A_250, %parallel_loop3A_251] {strides = array<i32>} : memref<2x6144xi32, #tpu.memory_space<vmem>>, vector<16xi32>,
            %parallel_loop3A_253 = arith.constant 16 : i32
            %parallel_loop3A_254 = arith.muli %parallel_loop3A_238, %parallel_loop3A_253 : i32
            %parallel_loop3A_255 = arith.constant 0 : i32
            %parallel_loop3A_256 = arith.addi %parallel_loop3A_255, %parallel_loop3A_254 : i32
            %parallel_loop3A_257 = arith.constant 0 : i32
            %parallel_loop3A_258 = arith.index_cast %parallel_loop3A_257 : i32 to index
            %parallel_loop3A_259 = arith.index_cast %parallel_loop3A_256 : i32 to index
            %parallel_loop3A_260 = tpu.vector_load %arg8[%parallel_loop3A_258, %parallel_loop3A_259] {strides = array<i32>} : memref<2x6144xf32, #tpu.memory_space<vmem>>, vector<16xf32>,
            %parallel_loop3A_261 = arith.constant 0.000000e+00 : f32
            %parallel_loop3A_262 = vector.broadcast %parallel_loop3A_261 : f32 to vector<16xf32>
            %parallel_loop3A_263 = arith.cmpf one, %parallel_loop3A_260, %parallel_loop3A_262 : vector<16xf32>
            %parallel_loop3A_264 = arith.constant 1.000000e+00 : f32
            %parallel_loop3A_265 = arith.constant 0.000000e+00 : f32
            %parallel_loop3A_266 = vector.broadcast %parallel_loop3A_264 : f32 to vector<16xf32>
            %parallel_loop3A_267 = vector.broadcast %parallel_loop3A_265 : f32 to vector<16xf32>
            %parallel_loop3A_268 = arith.select %parallel_loop3A_263, %parallel_loop3A_266, %parallel_loop3A_267 : vector<16xi1>, vector<16xf32>
            %parallel_loop3A_269 = arith.constant true
            %parallel_loop3A_270 = vector.broadcast %parallel_loop3A_269 : i1 to vector<16xi1>
            %parallel_loop3A_271 = tpu.scan <max>, %parallel_loop3A_268 masked %parallel_loop3A_270 : vector<16xf32>, vector<16xi1> -> vector<16xf32>
            %parallel_loop3A_272 = vector.extract %parallel_loop3A_271[15] : f32 from vector<16xf32>
            %parallel_loop3A_273 = arith.constant 0.000000e+00 : f32
            %parallel_loop3A_274 = arith.cmpf ogt, %parallel_loop3A_272, %parallel_loop3A_273 : f32
            %parallel_loop3A_275 = arith.extui %parallel_loop3A_274 : i1 to i32
            %parallel_loop3A_276 = arith.constant 0 : i32
            %parallel_loop3A_277 = arith.cmpi ne, %parallel_loop3A_275, %parallel_loop3A_276 : i32
            scf.if %parallel_loop3A_277 {
              %parallel_loop3A_377 = arith.mulf %parallel_loop3A_260, %parallel_loop3A_244 : vector<16xf32>
              tpu.vector_store_idx %arg6[%parallel_loop3A_252], %parallel_loop3A_377 {add = true} : memref<73728xf32, #tpu.memory_space<vmem>>[vector<16xi32>], vector<16xf32>,
            } else {
            }
            %parallel_loop3A_278 = arith.constant 16 : i32
            %parallel_loop3A_279 = arith.muli %parallel_loop3A_238, %parallel_loop3A_278 : i32
            %parallel_loop3A_280 = arith.constant 1536 : i32
            %parallel_loop3A_281 = arith.addi %parallel_loop3A_280, %parallel_loop3A_279 : i32
            %parallel_loop3A_282 = arith.constant 0 : i32
            %parallel_loop3A_283 = arith.index_cast %parallel_loop3A_282 : i32 to index
            %parallel_loop3A_284 = arith.index_cast %parallel_loop3A_281 : i32 to index
            %parallel_loop3A_285 = tpu.vector_load %arg7[%parallel_loop3A_283, %parallel_loop3A_284] {strides = array<i32>} : memref<2x6144xi32, #tpu.memory_space<vmem>>, vector<16xi32>,
            %parallel_loop3A_286 = arith.constant 16 : i32
            %parallel_loop3A_287 = arith.muli %parallel_loop3A_238, %parallel_loop3A_286 : i32
            %parallel_loop3A_288 = arith.constant 1536 : i32
            %parallel_loop3A_289 = arith.addi %parallel_loop3A_288, %parallel_loop3A_287 : i32
            %parallel_loop3A_290 = arith.constant 0 : i32
            %parallel_loop3A_291 = arith.index_cast %parallel_loop3A_290 : i32 to index
            %parallel_loop3A_292 = arith.index_cast %parallel_loop3A_289 : i32 to index
            %parallel_loop3A_293 = tpu.vector_load %arg8[%parallel_loop3A_291, %parallel_loop3A_292] {strides = array<i32>} : memref<2x6144xf32, #tpu.memory_space<vmem>>, vector<16xf32>,
            %parallel_loop3A_294 = arith.constant 0.000000e+00 : f32
            %parallel_loop3A_295 = vector.broadcast %parallel_loop3A_294 : f32 to vector<16xf32>
            %parallel_loop3A_296 = arith.cmpf one, %parallel_loop3A_293, %parallel_loop3A_295 : vector<16xf32>
            %parallel_loop3A_297 = arith.constant 1.000000e+00 : f32
            %parallel_loop3A_298 = arith.constant 0.000000e+00 : f32
            %parallel_loop3A_299 = vector.broadcast %parallel_loop3A_297 : f32 to vector<16xf32>
            %parallel_loop3A_300 = vector.broadcast %parallel_loop3A_298 : f32 to vector<16xf32>
            %parallel_loop3A_301 = arith.select %parallel_loop3A_296, %parallel_loop3A_299, %parallel_loop3A_300 : vector<16xi1>, vector<16xf32>
            %parallel_loop3A_302 = arith.constant true
            %parallel_loop3A_303 = vector.broadcast %parallel_loop3A_302 : i1 to vector<16xi1>
            %parallel_loop3A_304 = tpu.scan <max>, %parallel_loop3A_301 masked %parallel_loop3A_303 : vector<16xf32>, vector<16xi1> -> vector<16xf32>
            %parallel_loop3A_305 = vector.extract %parallel_loop3A_304[15] : f32 from vector<16xf32>
            %parallel_loop3A_306 = arith.constant 0.000000e+00 : f32
            %parallel_loop3A_307 = arith.cmpf ogt, %parallel_loop3A_305, %parallel_loop3A_306 : f32
            %parallel_loop3A_308 = arith.extui %parallel_loop3A_307 : i1 to i32
            %parallel_loop3A_309 = arith.constant 0 : i32
            %parallel_loop3A_310 = arith.cmpi ne, %parallel_loop3A_308, %parallel_loop3A_309 : i32
            scf.if %parallel_loop3A_310 {
              %parallel_loop3A_377 = arith.mulf %parallel_loop3A_293, %parallel_loop3A_244 : vector<16xf32>
              tpu.vector_store_idx %arg6[%parallel_loop3A_285], %parallel_loop3A_377 {add = true} : memref<73728xf32, #tpu.memory_space<vmem>>[vector<16xi32>], vector<16xf32>,
            } else {
            }
            %parallel_loop3A_311 = arith.constant 16 : i32
            %parallel_loop3A_312 = arith.muli %parallel_loop3A_238, %parallel_loop3A_311 : i32
            %parallel_loop3A_313 = arith.constant 3072 : i32
            %parallel_loop3A_314 = arith.addi %parallel_loop3A_313, %parallel_loop3A_312 : i32
            %parallel_loop3A_315 = arith.constant 0 : i32
            %parallel_loop3A_316 = arith.index_cast %parallel_loop3A_315 : i32 to index
            %parallel_loop3A_317 = arith.index_cast %parallel_loop3A_314 : i32 to index
            %parallel_loop3A_318 = tpu.vector_load %arg7[%parallel_loop3A_316, %parallel_loop3A_317] {strides = array<i32>} : memref<2x6144xi32, #tpu.memory_space<vmem>>, vector<16xi32>,
            %parallel_loop3A_319 = arith.constant 16 : i32
            %parallel_loop3A_320 = arith.muli %parallel_loop3A_238, %parallel_loop3A_319 : i32
            %parallel_loop3A_321 = arith.constant 3072 : i32
            %parallel_loop3A_322 = arith.addi %parallel_loop3A_321, %parallel_loop3A_320 : i32
            %parallel_loop3A_323 = arith.constant 0 : i32
            %parallel_loop3A_324 = arith.index_cast %parallel_loop3A_323 : i32 to index
            %parallel_loop3A_325 = arith.index_cast %parallel_loop3A_322 : i32 to index
            %parallel_loop3A_326 = tpu.vector_load %arg8[%parallel_loop3A_324, %parallel_loop3A_325] {strides = array<i32>} : memref<2x6144xf32, #tpu.memory_space<vmem>>, vector<16xf32>,
            %parallel_loop3A_327 = arith.constant 0.000000e+00 : f32
            %parallel_loop3A_328 = vector.broadcast %parallel_loop3A_327 : f32 to vector<16xf32>
            %parallel_loop3A_329 = arith.cmpf one, %parallel_loop3A_326, %parallel_loop3A_328 : vector<16xf32>
            %parallel_loop3A_330 = arith.constant 1.000000e+00 : f32
            %parallel_loop3A_331 = arith.constant 0.000000e+00 : f32
            %parallel_loop3A_332 = vector.broadcast %parallel_loop3A_330 : f32 to vector<16xf32>
            %parallel_loop3A_333 = vector.broadcast %parallel_loop3A_331 : f32 to vector<16xf32>
            %parallel_loop3A_334 = arith.select %parallel_loop3A_329, %parallel_loop3A_332, %parallel_loop3A_333 : vector<16xi1>, vector<16xf32>
            %parallel_loop3A_335 = arith.constant true
            %parallel_loop3A_336 = vector.broadcast %parallel_loop3A_335 : i1 to vector<16xi1>
            %parallel_loop3A_337 = tpu.scan <max>, %parallel_loop3A_334 masked %parallel_loop3A_336 : vector<16xf32>, vector<16xi1> -> vector<16xf32>
            %parallel_loop3A_338 = vector.extract %parallel_loop3A_337[15] : f32 from vector<16xf32>
            %parallel_loop3A_339 = arith.constant 0.000000e+00 : f32
            %parallel_loop3A_340 = arith.cmpf ogt, %parallel_loop3A_338, %parallel_loop3A_339 : f32
            %parallel_loop3A_341 = arith.extui %parallel_loop3A_340 : i1 to i32
            %parallel_loop3A_342 = arith.constant 0 : i32
            %parallel_loop3A_343 = arith.cmpi ne, %parallel_loop3A_341, %parallel_loop3A_342 : i32
            scf.if %parallel_loop3A_343 {
              %parallel_loop3A_377 = arith.mulf %parallel_loop3A_326, %parallel_loop3A_244 : vector<16xf32>
              tpu.vector_store_idx %arg6[%parallel_loop3A_318], %parallel_loop3A_377 {add = true} : memref<73728xf32, #tpu.memory_space<vmem>>[vector<16xi32>], vector<16xf32>,
            } else {
            }
            %parallel_loop3A_344 = arith.constant 16 : i32
            %parallel_loop3A_345 = arith.muli %parallel_loop3A_238, %parallel_loop3A_344 : i32
            %parallel_loop3A_346 = arith.constant 4608 : i32
            %parallel_loop3A_347 = arith.addi %parallel_loop3A_346, %parallel_loop3A_345 : i32
            %parallel_loop3A_348 = arith.constant 0 : i32
            %parallel_loop3A_349 = arith.index_cast %parallel_loop3A_348 : i32 to index
            %parallel_loop3A_350 = arith.index_cast %parallel_loop3A_347 : i32 to index
            %parallel_loop3A_351 = tpu.vector_load %arg7[%parallel_loop3A_349, %parallel_loop3A_350] {strides = array<i32>} : memref<2x6144xi32, #tpu.memory_space<vmem>>, vector<16xi32>,
            %parallel_loop3A_352 = arith.constant 16 : i32
            %parallel_loop3A_353 = arith.muli %parallel_loop3A_238, %parallel_loop3A_352 : i32
            %parallel_loop3A_354 = arith.constant 4608 : i32
            %parallel_loop3A_355 = arith.addi %parallel_loop3A_354, %parallel_loop3A_353 : i32
            %parallel_loop3A_356 = arith.constant 0 : i32
            %parallel_loop3A_357 = arith.index_cast %parallel_loop3A_356 : i32 to index
            %parallel_loop3A_358 = arith.index_cast %parallel_loop3A_355 : i32 to index
            %parallel_loop3A_359 = tpu.vector_load %arg8[%parallel_loop3A_357, %parallel_loop3A_358] {strides = array<i32>} : memref<2x6144xf32, #tpu.memory_space<vmem>>, vector<16xf32>,
            %parallel_loop3A_360 = arith.constant 0.000000e+00 : f32
            %parallel_loop3A_361 = vector.broadcast %parallel_loop3A_360 : f32 to vector<16xf32>
            %parallel_loop3A_362 = arith.cmpf one, %parallel_loop3A_359, %parallel_loop3A_361 : vector<16xf32>
            %parallel_loop3A_363 = arith.constant 1.000000e+00 : f32
            %parallel_loop3A_364 = arith.constant 0.000000e+00 : f32
            %parallel_loop3A_365 = vector.broadcast %parallel_loop3A_363 : f32 to vector<16xf32>
            %parallel_loop3A_366 = vector.broadcast %parallel_loop3A_364 : f32 to vector<16xf32>
            %parallel_loop3A_367 = arith.select %parallel_loop3A_362, %parallel_loop3A_365, %parallel_loop3A_366 : vector<16xi1>, vector<16xf32>
            %parallel_loop3A_368 = arith.constant true
            %parallel_loop3A_369 = vector.broadcast %parallel_loop3A_368 : i1 to vector<16xi1>
            %parallel_loop3A_370 = tpu.scan <max>, %parallel_loop3A_367 masked %parallel_loop3A_369 : vector<16xf32>, vector<16xi1> -> vector<16xf32>
            %parallel_loop3A_371 = vector.extract %parallel_loop3A_370[15] : f32 from vector<16xf32>
            %parallel_loop3A_372 = arith.constant 0.000000e+00 : f32
            %parallel_loop3A_373 = arith.cmpf ogt, %parallel_loop3A_371, %parallel_loop3A_372 : f32
            %parallel_loop3A_374 = arith.extui %parallel_loop3A_373 : i1 to i32
            %parallel_loop3A_375 = arith.constant 0 : i32
            %parallel_loop3A_376 = arith.cmpi ne, %parallel_loop3A_374, %parallel_loop3A_375 : i32
            scf.if %parallel_loop3A_376 {
              %parallel_loop3A_377 = arith.mulf %parallel_loop3A_359, %parallel_loop3A_244 : vector<16xf32>
              tpu.vector_store_idx %arg6[%parallel_loop3A_351], %parallel_loop3A_377 {add = true} : memref<73728xf32, #tpu.memory_space<vmem>>[vector<16xi32>], vector<16xf32>,
            } else {
            }
          } {sc.loop_unroll_factor = 4 : i64, sc.parallel_access}
          %mul3A_181 = arith.constant 2 : i32
          %mul3A_182 = arith.muli %scan3A_125, %mul3A_181 : i32
          %add3A_183 = arith.constant 1 : i32
          %add3A_184 = arith.addi %mul3A_182, %add3A_183 : i32
          %add3A_185 = arith.constant 1 : i32
          %add3A_186 = arith.addi %add3A_184, %add3A_185 : i32
          %lt3A_187 = arith.constant 96 : i32
          %lt3A_188 = arith.cmpi slt, %add3A_186, %lt3A_187 : i32
          %convert_element_type3A_189 = arith.extui %lt3A_188 : i1 to i32
          %cond3A_190 = arith.constant 0 : i32
          %cond3A_191 = arith.cmpi ne, %convert_element_type3A_189, %cond3A_190 : i32
          scf.if %cond3A_191 {
            %mul3A_238 = arith.constant 2 : i32
            %mul3A_239 = arith.muli %select_n3A, %mul3A_238 : i32
            %add3A_240 = arith.addi %mul3A_239, %sub3A_61 : i32
            %mul3A_241 = arith.constant 96 : i32
            %mul3A_242 = arith.muli %add3A_240, %mul3A_241 : i32
            %add3A_243 = arith.addi %mul3A_242, %add3A_186 : i32
            %mul3A_244 = arith.constant 4 : i32
            %mul3A_245 = arith.muli %add3A_243, %mul3A_244 : i32
            %mul3A_246 = arith.constant 1536 : i32
            %mul3A_247 = arith.muli %mul3A_245, %mul3A_246 : i32
            %mul3A_248 = arith.constant 147456 : i32
            %mul3A_249 = arith.muli %add3A_64, %mul3A_248 : i32
            %mul3A_250 = arith.constant 1536 : i32
            %mul3A_251 = arith.muli %add3A_186, %mul3A_250 : i32
            %add3A_252 = arith.addi %mul3A_249, %mul3A_251 : i32
            %dma_start3A_253 = arith.constant 0 : i32
            %dma_start3A_254 = arith.constant 0 : i32
            %dma_start3A_255 = tpu.memref_slice %arg7[%dma_start3A_253, %dma_start3A_254] : memref<2x6144xi32, #tpu.memory_space<vmem>> -> memref<1x6144xi32, #tpu.memory_space<vmem>>
            %dma_start3A_256 = tpu.memref_squeeze %dma_start3A_255 : memref<1x6144xi32, #tpu.memory_space<vmem>> -> memref<6144xi32, #tpu.memory_space<vmem>>
            %dma_start3A_257 = tpu.memref_slice %arg2[%mul3A_247] : memref<2359296xi32, #tpu.memory_space<hbm>> -> memref<6144xi32, #tpu.memory_space<hbm>>
            %dma_start3A_258 = arith.constant 0 : i32
            %dma_start3A_259 = tpu.memref_slice %arg7[%dma_start3A_253, %dma_start3A_258] : memref<2x6144xi32, #tpu.memory_space<vmem>> -> memref<1x6144xi32, #tpu.memory_space<vmem>>
            %dma_start3A_260 = tpu.memref_squeeze %dma_start3A_259 : memref<1x6144xi32, #tpu.memory_space<vmem>> -> memref<6144xi32, #tpu.memory_space<vmem>>
            %dma_start3A_261 = tpu.memref_slice %arg2[%mul3A_247] : memref<2359296xi32, #tpu.memory_space<hbm>> -> memref<6144xi32, #tpu.memory_space<hbm>>
            tpu.enqueue_dma source(%dma_start3A_261 : memref<6144xi32, #tpu.memory_space<hbm>>) target(%dma_start3A_260 : memref<6144xi32, #tpu.memory_space<vmem>>) target_semaphore(%arg10 : memref<!tpu.dma_semaphore, #tpu.memory_space<semaphore_mem>>)
            %dma_start3A_262 = arith.constant 0 : i32
            %dma_start3A_263 = arith.constant 0 : i32
            %dma_start3A_264 = tpu.memref_slice %arg8[%dma_start3A_262, %dma_start3A_263] : memref<2x6144xf32, #tpu.memory_space<vmem>> -> memref<1x6144xf32, #tpu.memory_space<vmem>>
            %dma_start3A_265 = tpu.memref_squeeze %dma_start3A_264 : memref<1x6144xf32, #tpu.memory_space<vmem>> -> memref<6144xf32, #tpu.memory_space<vmem>>
            %dma_start3A_266 = tpu.memref_slice %arg3[%mul3A_247] : memref<2359296xf32, #tpu.memory_space<hbm>> -> memref<6144xf32, #tpu.memory_space<hbm>>
            %dma_start3A_267 = arith.constant 0 : i32
            %dma_start3A_268 = tpu.memref_slice %arg8[%dma_start3A_262, %dma_start3A_267] : memref<2x6144xf32, #tpu.memory_space<vmem>> -> memref<1x6144xf32, #tpu.memory_space<vmem>>
            %dma_start3A_269 = tpu.memref_squeeze %dma_start3A_268 : memref<1x6144xf32, #tpu.memory_space<vmem>> -> memref<6144xf32, #tpu.memory_space<vmem>>
            %dma_start3A_270 = tpu.memref_slice %arg3[%mul3A_247] : memref<2359296xf32, #tpu.memory_space<hbm>> -> memref<6144xf32, #tpu.memory_space<hbm>>
            tpu.enqueue_dma source(%dma_start3A_270 : memref<6144xf32, #tpu.memory_space<hbm>>) target(%dma_start3A_269 : memref<6144xf32, #tpu.memory_space<vmem>>) target_semaphore(%arg10 : memref<!tpu.dma_semaphore, #tpu.memory_space<semaphore_mem>>)
            %dma_start3A_271 = arith.constant 0 : i32
            %dma_start3A_272 = arith.constant 0 : i32
            %dma_start3A_273 = tpu.memref_slice %arg9[%dma_start3A_271, %dma_start3A_272] : memref<2x1536xf32, #tpu.memory_space<vmem>> -> memref<1x1536xf32, #tpu.memory_space<vmem>>
            %dma_start3A_274 = tpu.memref_squeeze %dma_start3A_273 : memref<1x1536xf32, #tpu.memory_space<vmem>> -> memref<1536xf32, #tpu.memory_space<vmem>>
            %dma_start3A_275 = tpu.memref_slice %arg4[%add3A_252] : memref<28606464xf32, #tpu.memory_space<hbm>> -> memref<1536xf32, #tpu.memory_space<hbm>>
            %dma_start3A_276 = arith.constant 0 : i32
            %dma_start3A_277 = tpu.memref_slice %arg9[%dma_start3A_271, %dma_start3A_276] : memref<2x1536xf32, #tpu.memory_space<vmem>> -> memref<1x1536xf32, #tpu.memory_space<vmem>>
            %dma_start3A_278 = tpu.memref_squeeze %dma_start3A_277 : memref<1x1536xf32, #tpu.memory_space<vmem>> -> memref<1536xf32, #tpu.memory_space<vmem>>
            %dma_start3A_279 = tpu.memref_slice %arg4[%add3A_252] : memref<28606464xf32, #tpu.memory_space<hbm>> -> memref<1536xf32, #tpu.memory_space<hbm>>
            tpu.enqueue_dma source(%dma_start3A_279 : memref<1536xf32, #tpu.memory_space<hbm>>) target(%dma_start3A_278 : memref<1536xf32, #tpu.memory_space<vmem>>) target_semaphore(%arg10 : memref<!tpu.dma_semaphore, #tpu.memory_space<semaphore_mem>>)
          } else {
          }
          %mul3A_192 = arith.constant 2 : i32
          %mul3A_193 = arith.muli %select_n3A, %mul3A_192 : i32
          %add3A_194 = arith.addi %mul3A_193, %sub3A_61 : i32
          %mul3A_195 = arith.constant 96 : i32
          %mul3A_196 = arith.muli %add3A_194, %mul3A_195 : i32
          %add3A_197 = arith.addi %mul3A_196, %add3A_184 : i32
          %mul3A_198 = arith.constant 4 : i32
          %mul3A_199 = arith.muli %add3A_197, %mul3A_198 : i32
          %mul3A_200 = arith.constant 1536 : i32
          %mul3A_201 = arith.muli %mul3A_199, %mul3A_200 : i32
          %mul3A_202 = arith.constant 147456 : i32
          %mul3A_203 = arith.muli %add3A_64, %mul3A_202 : i32
          %mul3A_204 = arith.constant 1536 : i32
          %mul3A_205 = arith.muli %add3A_184, %mul3A_204 : i32
          %add3A_206 = arith.addi %mul3A_203, %mul3A_205 : i32
          %dma_wait3A_207 = arith.constant 1 : i32
          %dma_wait3A_208 = arith.constant 0 : i32
          %dma_wait3A_209 = tpu.memref_slice %arg7[%dma_wait3A_207, %dma_wait3A_208] : memref<2x6144xi32, #tpu.memory_space<vmem>> -> memref<1x6144xi32, #tpu.memory_space<vmem>>
          %dma_wait3A_210 = tpu.memref_squeeze %dma_wait3A_209 : memref<1x6144xi32, #tpu.memory_space<vmem>> -> memref<6144xi32, #tpu.memory_space<vmem>>
          %dma_wait3A_211 = tpu.memref_slice %arg2[%mul3A_201] : memref<2359296xi32, #tpu.memory_space<hbm>> -> memref<6144xi32, #tpu.memory_space<hbm>>
          %dma_wait3A_212 = arith.constant 0 : i32
          %dma_wait3A_213 = tpu.memref_slice %arg7[%dma_wait3A_207, %dma_wait3A_212] : memref<2x6144xi32, #tpu.memory_space<vmem>> -> memref<1x6144xi32, #tpu.memory_space<vmem>>
          %dma_wait3A_214 = tpu.memref_squeeze %dma_wait3A_213 : memref<1x6144xi32, #tpu.memory_space<vmem>> -> memref<6144xi32, #tpu.memory_space<vmem>>
          %dma_wait3A_215 = tpu.memref_slice %arg2[%mul3A_201] : memref<2359296xi32, #tpu.memory_space<hbm>> -> memref<6144xi32, #tpu.memory_space<hbm>>
          tpu.wait_dma2 semaphore(%arg11 : memref<!tpu.dma_semaphore, #tpu.memory_space<semaphore_mem>>) src(%dma_wait3A_215 : memref<6144xi32, #tpu.memory_space<hbm>>) dst(%dma_wait3A_214 : memref<6144xi32, #tpu.memory_space<vmem>>)
          %dma_wait3A_216 = arith.constant 1 : i32
          %dma_wait3A_217 = arith.constant 0 : i32
          %dma_wait3A_218 = tpu.memref_slice %arg8[%dma_wait3A_216, %dma_wait3A_217] : memref<2x6144xf32, #tpu.memory_space<vmem>> -> memref<1x6144xf32, #tpu.memory_space<vmem>>
          %dma_wait3A_219 = tpu.memref_squeeze %dma_wait3A_218 : memref<1x6144xf32, #tpu.memory_space<vmem>> -> memref<6144xf32, #tpu.memory_space<vmem>>
          %dma_wait3A_220 = tpu.memref_slice %arg3[%mul3A_201] : memref<2359296xf32, #tpu.memory_space<hbm>> -> memref<6144xf32, #tpu.memory_space<hbm>>
          %dma_wait3A_221 = arith.constant 0 : i32
          %dma_wait3A_222 = tpu.memref_slice %arg8[%dma_wait3A_216, %dma_wait3A_221] : memref<2x6144xf32, #tpu.memory_space<vmem>> -> memref<1x6144xf32, #tpu.memory_space<vmem>>
          %dma_wait3A_223 = tpu.memref_squeeze %dma_wait3A_222 : memref<1x6144xf32, #tpu.memory_space<vmem>> -> memref<6144xf32, #tpu.memory_space<vmem>>
          %dma_wait3A_224 = tpu.memref_slice %arg3[%mul3A_201] : memref<2359296xf32, #tpu.memory_space<hbm>> -> memref<6144xf32, #tpu.memory_space<hbm>>
          tpu.wait_dma2 semaphore(%arg11 : memref<!tpu.dma_semaphore, #tpu.memory_space<semaphore_mem>>) src(%dma_wait3A_224 : memref<6144xf32, #tpu.memory_space<hbm>>) dst(%dma_wait3A_223 : memref<6144xf32, #tpu.memory_space<vmem>>)
          %dma_wait3A_225 = arith.constant 1 : i32
          %dma_wait3A_226 = arith.constant 0 : i32
          %dma_wait3A_227 = tpu.memref_slice %arg9[%dma_wait3A_225, %dma_wait3A_226] : memref<2x1536xf32, #tpu.memory_space<vmem>> -> memref<1x1536xf32, #tpu.memory_space<vmem>>
          %dma_wait3A_228 = tpu.memref_squeeze %dma_wait3A_227 : memref<1x1536xf32, #tpu.memory_space<vmem>> -> memref<1536xf32, #tpu.memory_space<vmem>>
          %dma_wait3A_229 = tpu.memref_slice %arg4[%add3A_206] : memref<28606464xf32, #tpu.memory_space<hbm>> -> memref<1536xf32, #tpu.memory_space<hbm>>
          %dma_wait3A_230 = arith.constant 0 : i32
          %dma_wait3A_231 = tpu.memref_slice %arg9[%dma_wait3A_225, %dma_wait3A_230] : memref<2x1536xf32, #tpu.memory_space<vmem>> -> memref<1x1536xf32, #tpu.memory_space<vmem>>
          %dma_wait3A_232 = tpu.memref_squeeze %dma_wait3A_231 : memref<1x1536xf32, #tpu.memory_space<vmem>> -> memref<1536xf32, #tpu.memory_space<vmem>>
          %dma_wait3A_233 = tpu.memref_slice %arg4[%add3A_206] : memref<28606464xf32, #tpu.memory_space<hbm>> -> memref<1536xf32, #tpu.memory_space<hbm>>
          tpu.wait_dma2 semaphore(%arg11 : memref<!tpu.dma_semaphore, #tpu.memory_space<semaphore_mem>>) src(%dma_wait3A_233 : memref<1536xf32, #tpu.memory_space<hbm>>) dst(%dma_wait3A_232 : memref<1536xf32, #tpu.memory_space<vmem>>)
          %parallel_loop3A_234 = arith.constant 0 : i32
          %parallel_loop3A_235 = arith.constant 96 : i32
          %parallel_loop3A_236 = arith.constant 1 : i32
          scf.for %parallel_loop3A_238 = %parallel_loop3A_234 to %parallel_loop3A_235 step %parallel_loop3A_236  : i32 {
            %parallel_loop3A_239 = arith.constant 16 : i32
            %parallel_loop3A_240 = arith.muli %parallel_loop3A_238, %parallel_loop3A_239 : i32
            %parallel_loop3A_241 = arith.constant 1 : i32
            %parallel_loop3A_242 = arith.index_cast %parallel_loop3A_241 : i32 to index
            %parallel_loop3A_243 = arith.index_cast %parallel_loop3A_240 : i32 to index
            %parallel_loop3A_244 = tpu.vector_load %arg9[%parallel_loop3A_242, %parallel_loop3A_243] {strides = array<i32>} : memref<2x1536xf32, #tpu.memory_space<vmem>>, vector<16xf32>,
            %parallel_loop3A_245 = arith.constant 16 : i32
            %parallel_loop3A_246 = arith.muli %parallel_loop3A_238, %parallel_loop3A_245 : i32
            %parallel_loop3A_247 = arith.constant 0 : i32
            %parallel_loop3A_248 = arith.addi %parallel_loop3A_247, %parallel_loop3A_246 : i32
            %parallel_loop3A_249 = arith.constant 1 : i32
            %parallel_loop3A_250 = arith.index_cast %parallel_loop3A_249 : i32 to index
            %parallel_loop3A_251 = arith.index_cast %parallel_loop3A_248 : i32 to index
            %parallel_loop3A_252 = tpu.vector_load %arg7[%parallel_loop3A_250, %parallel_loop3A_251] {strides = array<i32>} : memref<2x6144xi32, #tpu.memory_space<vmem>>, vector<16xi32>,
            %parallel_loop3A_253 = arith.constant 16 : i32
            %parallel_loop3A_254 = arith.muli %parallel_loop3A_238, %parallel_loop3A_253 : i32
            %parallel_loop3A_255 = arith.constant 0 : i32
            %parallel_loop3A_256 = arith.addi %parallel_loop3A_255, %parallel_loop3A_254 : i32
            %parallel_loop3A_257 = arith.constant 1 : i32
            %parallel_loop3A_258 = arith.index_cast %parallel_loop3A_257 : i32 to index
            %parallel_loop3A_259 = arith.index_cast %parallel_loop3A_256 : i32 to index
            %parallel_loop3A_260 = tpu.vector_load %arg8[%parallel_loop3A_258, %parallel_loop3A_259] {strides = array<i32>} : memref<2x6144xf32, #tpu.memory_space<vmem>>, vector<16xf32>,
            %parallel_loop3A_261 = arith.constant 0.000000e+00 : f32
            %parallel_loop3A_262 = vector.broadcast %parallel_loop3A_261 : f32 to vector<16xf32>
            %parallel_loop3A_263 = arith.cmpf one, %parallel_loop3A_260, %parallel_loop3A_262 : vector<16xf32>
            %parallel_loop3A_264 = arith.constant 1.000000e+00 : f32
            %parallel_loop3A_265 = arith.constant 0.000000e+00 : f32
            %parallel_loop3A_266 = vector.broadcast %parallel_loop3A_264 : f32 to vector<16xf32>
            %parallel_loop3A_267 = vector.broadcast %parallel_loop3A_265 : f32 to vector<16xf32>
            %parallel_loop3A_268 = arith.select %parallel_loop3A_263, %parallel_loop3A_266, %parallel_loop3A_267 : vector<16xi1>, vector<16xf32>
            %parallel_loop3A_269 = arith.constant true
            %parallel_loop3A_270 = vector.broadcast %parallel_loop3A_269 : i1 to vector<16xi1>
            %parallel_loop3A_271 = tpu.scan <max>, %parallel_loop3A_268 masked %parallel_loop3A_270 : vector<16xf32>, vector<16xi1> -> vector<16xf32>
            %parallel_loop3A_272 = vector.extract %parallel_loop3A_271[15] : f32 from vector<16xf32>
            %parallel_loop3A_273 = arith.constant 0.000000e+00 : f32
            %parallel_loop3A_274 = arith.cmpf ogt, %parallel_loop3A_272, %parallel_loop3A_273 : f32
            %parallel_loop3A_275 = arith.extui %parallel_loop3A_274 : i1 to i32
            %parallel_loop3A_276 = arith.constant 0 : i32
            %parallel_loop3A_277 = arith.cmpi ne, %parallel_loop3A_275, %parallel_loop3A_276 : i32
            scf.if %parallel_loop3A_277 {
              %parallel_loop3A_377 = arith.mulf %parallel_loop3A_260, %parallel_loop3A_244 : vector<16xf32>
              tpu.vector_store_idx %arg6[%parallel_loop3A_252], %parallel_loop3A_377 {add = true} : memref<73728xf32, #tpu.memory_space<vmem>>[vector<16xi32>], vector<16xf32>,
            } else {
            }
            %parallel_loop3A_278 = arith.constant 16 : i32
            %parallel_loop3A_279 = arith.muli %parallel_loop3A_238, %parallel_loop3A_278 : i32
            %parallel_loop3A_280 = arith.constant 1536 : i32
            %parallel_loop3A_281 = arith.addi %parallel_loop3A_280, %parallel_loop3A_279 : i32
            %parallel_loop3A_282 = arith.constant 1 : i32
            %parallel_loop3A_283 = arith.index_cast %parallel_loop3A_282 : i32 to index
            %parallel_loop3A_284 = arith.index_cast %parallel_loop3A_281 : i32 to index
            %parallel_loop3A_285 = tpu.vector_load %arg7[%parallel_loop3A_283, %parallel_loop3A_284] {strides = array<i32>} : memref<2x6144xi32, #tpu.memory_space<vmem>>, vector<16xi32>,
            %parallel_loop3A_286 = arith.constant 16 : i32
            %parallel_loop3A_287 = arith.muli %parallel_loop3A_238, %parallel_loop3A_286 : i32
            %parallel_loop3A_288 = arith.constant 1536 : i32
            %parallel_loop3A_289 = arith.addi %parallel_loop3A_288, %parallel_loop3A_287 : i32
            %parallel_loop3A_290 = arith.constant 1 : i32
            %parallel_loop3A_291 = arith.index_cast %parallel_loop3A_290 : i32 to index
            %parallel_loop3A_292 = arith.index_cast %parallel_loop3A_289 : i32 to index
            %parallel_loop3A_293 = tpu.vector_load %arg8[%parallel_loop3A_291, %parallel_loop3A_292] {strides = array<i32>} : memref<2x6144xf32, #tpu.memory_space<vmem>>, vector<16xf32>,
            %parallel_loop3A_294 = arith.constant 0.000000e+00 : f32
            %parallel_loop3A_295 = vector.broadcast %parallel_loop3A_294 : f32 to vector<16xf32>
            %parallel_loop3A_296 = arith.cmpf one, %parallel_loop3A_293, %parallel_loop3A_295 : vector<16xf32>
            %parallel_loop3A_297 = arith.constant 1.000000e+00 : f32
            %parallel_loop3A_298 = arith.constant 0.000000e+00 : f32
            %parallel_loop3A_299 = vector.broadcast %parallel_loop3A_297 : f32 to vector<16xf32>
            %parallel_loop3A_300 = vector.broadcast %parallel_loop3A_298 : f32 to vector<16xf32>
            %parallel_loop3A_301 = arith.select %parallel_loop3A_296, %parallel_loop3A_299, %parallel_loop3A_300 : vector<16xi1>, vector<16xf32>
            %parallel_loop3A_302 = arith.constant true
            %parallel_loop3A_303 = vector.broadcast %parallel_loop3A_302 : i1 to vector<16xi1>
            %parallel_loop3A_304 = tpu.scan <max>, %parallel_loop3A_301 masked %parallel_loop3A_303 : vector<16xf32>, vector<16xi1> -> vector<16xf32>
            %parallel_loop3A_305 = vector.extract %parallel_loop3A_304[15] : f32 from vector<16xf32>
            %parallel_loop3A_306 = arith.constant 0.000000e+00 : f32
            %parallel_loop3A_307 = arith.cmpf ogt, %parallel_loop3A_305, %parallel_loop3A_306 : f32
            %parallel_loop3A_308 = arith.extui %parallel_loop3A_307 : i1 to i32
            %parallel_loop3A_309 = arith.constant 0 : i32
            %parallel_loop3A_310 = arith.cmpi ne, %parallel_loop3A_308, %parallel_loop3A_309 : i32
            scf.if %parallel_loop3A_310 {
              %parallel_loop3A_377 = arith.mulf %parallel_loop3A_293, %parallel_loop3A_244 : vector<16xf32>
              tpu.vector_store_idx %arg6[%parallel_loop3A_285], %parallel_loop3A_377 {add = true} : memref<73728xf32, #tpu.memory_space<vmem>>[vector<16xi32>], vector<16xf32>,
            } else {
            }
            %parallel_loop3A_311 = arith.constant 16 : i32
            %parallel_loop3A_312 = arith.muli %parallel_loop3A_238, %parallel_loop3A_311 : i32
            %parallel_loop3A_313 = arith.constant 3072 : i32
            %parallel_loop3A_314 = arith.addi %parallel_loop3A_313, %parallel_loop3A_312 : i32
            %parallel_loop3A_315 = arith.constant 1 : i32
            %parallel_loop3A_316 = arith.index_cast %parallel_loop3A_315 : i32 to index
            %parallel_loop3A_317 = arith.index_cast %parallel_loop3A_314 : i32 to index
            %parallel_loop3A_318 = tpu.vector_load %arg7[%parallel_loop3A_316, %parallel_loop3A_317] {strides = array<i32>} : memref<2x6144xi32, #tpu.memory_space<vmem>>, vector<16xi32>,
            %parallel_loop3A_319 = arith.constant 16 : i32
            %parallel_loop3A_320 = arith.muli %parallel_loop3A_238, %parallel_loop3A_319 : i32
            %parallel_loop3A_321 = arith.constant 3072 : i32
            %parallel_loop3A_322 = arith.addi %parallel_loop3A_321, %parallel_loop3A_320 : i32
            %parallel_loop3A_323 = arith.constant 1 : i32
            %parallel_loop3A_324 = arith.index_cast %parallel_loop3A_323 : i32 to index
            %parallel_loop3A_325 = arith.index_cast %parallel_loop3A_322 : i32 to index
            %parallel_loop3A_326 = tpu.vector_load %arg8[%parallel_loop3A_324, %parallel_loop3A_325] {strides = array<i32>} : memref<2x6144xf32, #tpu.memory_space<vmem>>, vector<16xf32>,
            %parallel_loop3A_327 = arith.constant 0.000000e+00 : f32
            %parallel_loop3A_328 = vector.broadcast %parallel_loop3A_327 : f32 to vector<16xf32>
            %parallel_loop3A_329 = arith.cmpf one, %parallel_loop3A_326, %parallel_loop3A_328 : vector<16xf32>
            %parallel_loop3A_330 = arith.constant 1.000000e+00 : f32
            %parallel_loop3A_331 = arith.constant 0.000000e+00 : f32
            %parallel_loop3A_332 = vector.broadcast %parallel_loop3A_330 : f32 to vector<16xf32>
            %parallel_loop3A_333 = vector.broadcast %parallel_loop3A_331 : f32 to vector<16xf32>
            %parallel_loop3A_334 = arith.select %parallel_loop3A_329, %parallel_loop3A_332, %parallel_loop3A_333 : vector<16xi1>, vector<16xf32>
            %parallel_loop3A_335 = arith.constant true
            %parallel_loop3A_336 = vector.broadcast %parallel_loop3A_335 : i1 to vector<16xi1>
            %parallel_loop3A_337 = tpu.scan <max>, %parallel_loop3A_334 masked %parallel_loop3A_336 : vector<16xf32>, vector<16xi1> -> vector<16xf32>
            %parallel_loop3A_338 = vector.extract %parallel_loop3A_337[15] : f32 from vector<16xf32>
            %parallel_loop3A_339 = arith.constant 0.000000e+00 : f32
            %parallel_loop3A_340 = arith.cmpf ogt, %parallel_loop3A_338, %parallel_loop3A_339 : f32
            %parallel_loop3A_341 = arith.extui %parallel_loop3A_340 : i1 to i32
            %parallel_loop3A_342 = arith.constant 0 : i32
            %parallel_loop3A_343 = arith.cmpi ne, %parallel_loop3A_341, %parallel_loop3A_342 : i32
            scf.if %parallel_loop3A_343 {
              %parallel_loop3A_377 = arith.mulf %parallel_loop3A_326, %parallel_loop3A_244 : vector<16xf32>
              tpu.vector_store_idx %arg6[%parallel_loop3A_318], %parallel_loop3A_377 {add = true} : memref<73728xf32, #tpu.memory_space<vmem>>[vector<16xi32>], vector<16xf32>,
            } else {
            }
            %parallel_loop3A_344 = arith.constant 16 : i32
            %parallel_loop3A_345 = arith.muli %parallel_loop3A_238, %parallel_loop3A_344 : i32
            %parallel_loop3A_346 = arith.constant 4608 : i32
            %parallel_loop3A_347 = arith.addi %parallel_loop3A_346, %parallel_loop3A_345 : i32
            %parallel_loop3A_348 = arith.constant 1 : i32
            %parallel_loop3A_349 = arith.index_cast %parallel_loop3A_348 : i32 to index
            %parallel_loop3A_350 = arith.index_cast %parallel_loop3A_347 : i32 to index
            %parallel_loop3A_351 = tpu.vector_load %arg7[%parallel_loop3A_349, %parallel_loop3A_350] {strides = array<i32>} : memref<2x6144xi32, #tpu.memory_space<vmem>>, vector<16xi32>,
            %parallel_loop3A_352 = arith.constant 16 : i32
            %parallel_loop3A_353 = arith.muli %parallel_loop3A_238, %parallel_loop3A_352 : i32
            %parallel_loop3A_354 = arith.constant 4608 : i32
            %parallel_loop3A_355 = arith.addi %parallel_loop3A_354, %parallel_loop3A_353 : i32
            %parallel_loop3A_356 = arith.constant 1 : i32
            %parallel_loop3A_357 = arith.index_cast %parallel_loop3A_356 : i32 to index
            %parallel_loop3A_358 = arith.index_cast %parallel_loop3A_355 : i32 to index
            %parallel_loop3A_359 = tpu.vector_load %arg8[%parallel_loop3A_357, %parallel_loop3A_358] {strides = array<i32>} : memref<2x6144xf32, #tpu.memory_space<vmem>>, vector<16xf32>,
            %parallel_loop3A_360 = arith.constant 0.000000e+00 : f32
            %parallel_loop3A_361 = vector.broadcast %parallel_loop3A_360 : f32 to vector<16xf32>
            %parallel_loop3A_362 = arith.cmpf one, %parallel_loop3A_359, %parallel_loop3A_361 : vector<16xf32>
            %parallel_loop3A_363 = arith.constant 1.000000e+00 : f32
            %parallel_loop3A_364 = arith.constant 0.000000e+00 : f32
            %parallel_loop3A_365 = vector.broadcast %parallel_loop3A_363 : f32 to vector<16xf32>
            %parallel_loop3A_366 = vector.broadcast %parallel_loop3A_364 : f32 to vector<16xf32>
            %parallel_loop3A_367 = arith.select %parallel_loop3A_362, %parallel_loop3A_365, %parallel_loop3A_366 : vector<16xi1>, vector<16xf32>
            %parallel_loop3A_368 = arith.constant true
            %parallel_loop3A_369 = vector.broadcast %parallel_loop3A_368 : i1 to vector<16xi1>
            %parallel_loop3A_370 = tpu.scan <max>, %parallel_loop3A_367 masked %parallel_loop3A_369 : vector<16xf32>, vector<16xi1> -> vector<16xf32>
            %parallel_loop3A_371 = vector.extract %parallel_loop3A_370[15] : f32 from vector<16xf32>
            %parallel_loop3A_372 = arith.constant 0.000000e+00 : f32
            %parallel_loop3A_373 = arith.cmpf ogt, %parallel_loop3A_371, %parallel_loop3A_372 : f32
            %parallel_loop3A_374 = arith.extui %parallel_loop3A_373 : i1 to i32
            %parallel_loop3A_375 = arith.constant 0 : i32
            %parallel_loop3A_376 = arith.cmpi ne, %parallel_loop3A_374, %parallel_loop3A_375 : i32
            scf.if %parallel_loop3A_376 {
              %parallel_loop3A_377 = arith.mulf %parallel_loop3A_359, %parallel_loop3A_244 : vector<16xf32>
              tpu.vector_store_idx %arg6[%parallel_loop3A_351], %parallel_loop3A_377 {add = true} : memref<73728xf32, #tpu.memory_space<vmem>>[vector<16xi32>], vector<16xf32>,
            } else {
            }
          } {sc.loop_unroll_factor = 4 : i64, sc.parallel_access}
          %scan3A_237 = arith.constant 0 : i32
          scf.yield %scan3A_237 : i32
        }
        %scan3A_119 = arith.constant 48 : i32
        %mul3A_120 = arith.constant 147456 : i32
        %mul3A_121 = arith.muli %add3A_64, %mul3A_120 : i32
        %mul3A_122 = arith.constant 73728 : i32
        %mul3A_123 = arith.muli %sub3A_61, %mul3A_122 : i32
        %add3A_124 = arith.addi %mul3A_121, %mul3A_123 : i32
        "tpu.region"() ({
          %run_scoped3A = tpu.sem_alloc : memref<!tpu.dma_semaphore, #tpu.memory_space<semaphore_mem>>
          %dma_start3A_125 = tpu.memref_slice %arg5[%add3A_124] : memref<28606464xf32, #tpu.memory_space<hbm>> -> memref<73728xf32, #tpu.memory_space<hbm>>
          %dma_start3A_126 = tpu.memref_slice %arg5[%add3A_124] : memref<28606464xf32, #tpu.memory_space<hbm>> -> memref<73728xf32, #tpu.memory_space<hbm>>
          tpu.enqueue_dma source(%arg6 : memref<73728xf32, #tpu.memory_space<vmem>>) target(%dma_start3A_126 : memref<73728xf32, #tpu.memory_space<hbm>>) target_semaphore(%run_scoped3A : memref<!tpu.dma_semaphore, #tpu.memory_space<semaphore_mem>>)
          %dma_wait3A = tpu.memref_slice %arg5[%add3A_124] : memref<28606464xf32, #tpu.memory_space<hbm>> -> memref<73728xf32, #tpu.memory_space<hbm>>
          %dma_wait3A_127 = tpu.memref_slice %arg5[%add3A_124] : memref<28606464xf32, #tpu.memory_space<hbm>> -> memref<73728xf32, #tpu.memory_space<hbm>>
          tpu.wait_dma2 semaphore(%run_scoped3A : memref<!tpu.dma_semaphore, #tpu.memory_space<semaphore_mem>>) src(%arg6 : memref<73728xf32, #tpu.memory_space<vmem>>) dst(%dma_wait3A_127 : memref<73728xf32, #tpu.memory_space<hbm>>)
          tpu.yield
        }) : () -> ()
      } else {
      }
      %scan3A_15 = arith.constant 0 : i32
      scf.yield %scan3A_15 : i32
    }
    %scan3A_7 = arith.constant 13 : i32
    return
  }
}

#map = affine_map<(d0, d1) -> (0)>
module attributes {stable_mosaic.version = 14 : i64} {
  func.func @_pass1_body(%arg0: i32, %arg1: i32, %arg2: memref<589824xf32, #tpu.memory_space<hbm>>, %arg3: memref<294912xf32, #tpu.memory_space<hbm>>, %arg4: memref<2359296xi32, #tpu.memory_space<hbm>>, %arg5: memref<2359296xf32, #tpu.memory_space<hbm>>, %arg6: memref<1536xf32, #tpu.memory_space<vmem>>, %arg7: memref<1536xf32, #tpu.memory_space<vmem>>, %arg8: memref<1536xf32, #tpu.memory_space<vmem>>, %arg9: memref<6144xi32, #tpu.memory_space<vmem>>, %arg10: memref<6144xi32, #tpu.memory_space<vmem>>, %arg11: memref<6144xf32, #tpu.memory_space<vmem>>, %arg12: memref<6144xf32, #tpu.memory_space<vmem>>) attributes {dimension_semantics = [#tpu.dimension_semantics<core_parallel>, #tpu.dimension_semantics<subcore_parallel>], iteration_bounds = array<i64: 2, 16>, scalar_prefetch = 0 : i64, scratch_operands = 7 : i64, tpu.core_type = #tpu.core_type<sc_vector_subcore>, window_params = [{transform_indices = #map}, {transform_indices = #map}, {transform_indices = #map}, {transform_indices = #map}]} {
    %mul3A = arith.constant 2 : i32
    %mul3A_0 = arith.muli %arg1, %mul3A : i32
    %add3A = arith.addi %mul3A_0, %arg0 : i32
    %iota3A = tpu.iota {dimensions = array<i32: 0>} : vector<16xi32>
    %scan3A = arith.constant 0 : i32
    %scan3A_1 = arith.constant 0 : i32
    %scan3A_2 = arith.constant 6 : i32
    %scan3A_3 = arith.addi %scan3A_1, %scan3A_2 : i32
    %scan3A_4 = arith.constant 1 : i32
    %scan3A_5 = scf.for %scan3A_7 = %scan3A_1 to %scan3A_3 step %scan3A_4 iter_args(%scan3A_8 = %scan3A) -> (i32)  : i32 {
      %mul3A_9 = arith.constant 6 : i32
      %mul3A_10 = arith.muli %add3A, %mul3A_9 : i32
      %add3A_11 = arith.addi %mul3A_10, %scan3A_7 : i32
      %jit3A = arith.constant 96 : i32
      %div3A = arith.divsi %add3A_11, %jit3A : i32
      %sign3A = arith.constant 0 : i32
      %sign3A_12 = arith.cmpi sgt, %add3A_11, %sign3A : i32
      %sign3A_13 = arith.extui %sign3A_12 : i1 to i32
      %sign3A_14 = arith.constant 0 : i32
      %sign3A_15 = arith.cmpi slt, %add3A_11, %sign3A_14 : i32
      %sign3A_16 = arith.extui %sign3A_15 : i1 to i32
      %sign3A_17 = arith.subi %sign3A_13, %sign3A_16 : i32
      %sign3A_18 = arith.constant 0 : i32
      %sign3A_19 = arith.cmpi sgt, %jit3A, %sign3A_18 : i32
      %sign3A_20 = arith.extui %sign3A_19 : i1 to i32
      %sign3A_21 = arith.constant 0 : i32
      %sign3A_22 = arith.cmpi slt, %jit3A, %sign3A_21 : i32
      %sign3A_23 = arith.extui %sign3A_22 : i1 to i32
      %sign3A_24 = arith.subi %sign3A_20, %sign3A_23 : i32
      %ne3A = arith.cmpi ne, %sign3A_17, %sign3A_24 : i32
      %rem3A = arith.remsi %add3A_11, %jit3A : i32
      %ne3A_25 = arith.constant 0 : i32
      %ne3A_26 = arith.cmpi ne, %rem3A, %ne3A_25 : i32
      %and3A = arith.andi %ne3A, %ne3A_26 : i1
      %sub3A = arith.constant 1 : i32
      %sub3A_27 = arith.subi %div3A, %sub3A : i32
      %select_n3A = arith.select %and3A, %sub3A_27, %div3A : i32
      %mul3A_28 = arith.constant 96 : i32
      %mul3A_29 = arith.muli %select_n3A, %mul3A_28 : i32
      %sub3A_30 = arith.subi %add3A_11, %mul3A_29 : i32
      %mul3A_31 = arith.constant 147456 : i32
      %mul3A_32 = arith.muli %select_n3A, %mul3A_31 : i32
      %mul3A_33 = arith.constant 1536 : i32
      %mul3A_34 = arith.muli %sub3A_30, %mul3A_33 : i32
      %add3A_35 = arith.addi %mul3A_32, %mul3A_34 : i32
      %mul3A_36 = arith.constant 2 : i32
      %mul3A_37 = arith.muli %select_n3A, %mul3A_36 : i32
      %add3A_38 = arith.constant 0 : i32
      %add3A_39 = arith.addi %mul3A_37, %add3A_38 : i32
      %mul3A_40 = arith.constant 147456 : i32
      %mul3A_41 = arith.muli %add3A_39, %mul3A_40 : i32
      %mul3A_42 = arith.constant 1536 : i32
      %mul3A_43 = arith.muli %sub3A_30, %mul3A_42 : i32
      %add3A_44 = arith.addi %mul3A_41, %mul3A_43 : i32
      "tpu.region"() ({
        %run_scoped3A = tpu.sem_alloc : memref<!tpu.dma_semaphore, #tpu.memory_space<semaphore_mem>>
        %dma_start3A = tpu.memref_slice %arg2[%add3A_44] : memref<589824xf32, #tpu.memory_space<hbm>> -> memref<1536xf32, #tpu.memory_space<hbm>>
        %dma_start3A_86 = tpu.memref_slice %arg2[%add3A_44] : memref<589824xf32, #tpu.memory_space<hbm>> -> memref<1536xf32, #tpu.memory_space<hbm>>
        tpu.enqueue_dma source(%dma_start3A_86 : memref<1536xf32, #tpu.memory_space<hbm>>) target(%arg6 : memref<1536xf32, #tpu.memory_space<vmem>>) target_semaphore(%run_scoped3A : memref<!tpu.dma_semaphore, #tpu.memory_space<semaphore_mem>>)
        %dma_wait3A = tpu.memref_slice %arg2[%add3A_44] : memref<589824xf32, #tpu.memory_space<hbm>> -> memref<1536xf32, #tpu.memory_space<hbm>>
        %dma_wait3A_87 = tpu.memref_slice %arg2[%add3A_44] : memref<589824xf32, #tpu.memory_space<hbm>> -> memref<1536xf32, #tpu.memory_space<hbm>>
        tpu.wait_dma2 semaphore(%run_scoped3A : memref<!tpu.dma_semaphore, #tpu.memory_space<semaphore_mem>>) src(%dma_wait3A_87 : memref<1536xf32, #tpu.memory_space<hbm>>) dst(%arg6 : memref<1536xf32, #tpu.memory_space<vmem>>)
        tpu.yield
      }) : () -> ()
      %mul3A_45 = arith.constant 2 : i32
      %mul3A_46 = arith.muli %select_n3A, %mul3A_45 : i32
      %add3A_47 = arith.constant 1 : i32
      %add3A_48 = arith.addi %mul3A_46, %add3A_47 : i32
      %mul3A_49 = arith.constant 147456 : i32
      %mul3A_50 = arith.muli %add3A_48, %mul3A_49 : i32
      %mul3A_51 = arith.constant 1536 : i32
      %mul3A_52 = arith.muli %sub3A_30, %mul3A_51 : i32
      %add3A_53 = arith.addi %mul3A_50, %mul3A_52 : i32
      "tpu.region"() ({
        %run_scoped3A = tpu.sem_alloc : memref<!tpu.dma_semaphore, #tpu.memory_space<semaphore_mem>>
        %dma_start3A = tpu.memref_slice %arg2[%add3A_53] : memref<589824xf32, #tpu.memory_space<hbm>> -> memref<1536xf32, #tpu.memory_space<hbm>>
        %dma_start3A_86 = tpu.memref_slice %arg2[%add3A_53] : memref<589824xf32, #tpu.memory_space<hbm>> -> memref<1536xf32, #tpu.memory_space<hbm>>
        tpu.enqueue_dma source(%dma_start3A_86 : memref<1536xf32, #tpu.memory_space<hbm>>) target(%arg7 : memref<1536xf32, #tpu.memory_space<vmem>>) target_semaphore(%run_scoped3A : memref<!tpu.dma_semaphore, #tpu.memory_space<semaphore_mem>>)
        %dma_wait3A = tpu.memref_slice %arg2[%add3A_53] : memref<589824xf32, #tpu.memory_space<hbm>> -> memref<1536xf32, #tpu.memory_space<hbm>>
        %dma_wait3A_87 = tpu.memref_slice %arg2[%add3A_53] : memref<589824xf32, #tpu.memory_space<hbm>> -> memref<1536xf32, #tpu.memory_space<hbm>>
        tpu.wait_dma2 semaphore(%run_scoped3A : memref<!tpu.dma_semaphore, #tpu.memory_space<semaphore_mem>>) src(%dma_wait3A_87 : memref<1536xf32, #tpu.memory_space<hbm>>) dst(%arg7 : memref<1536xf32, #tpu.memory_space<vmem>>)
        tpu.yield
      }) : () -> ()
      "tpu.region"() ({
        %run_scoped3A = tpu.sem_alloc : memref<!tpu.dma_semaphore, #tpu.memory_space<semaphore_mem>>
        %dma_start3A = tpu.memref_slice %arg3[%add3A_35] : memref<294912xf32, #tpu.memory_space<hbm>> -> memref<1536xf32, #tpu.memory_space<hbm>>
        %dma_start3A_86 = tpu.memref_slice %arg3[%add3A_35] : memref<294912xf32, #tpu.memory_space<hbm>> -> memref<1536xf32, #tpu.memory_space<hbm>>
        tpu.enqueue_dma source(%dma_start3A_86 : memref<1536xf32, #tpu.memory_space<hbm>>) target(%arg8 : memref<1536xf32, #tpu.memory_space<vmem>>) target_semaphore(%run_scoped3A : memref<!tpu.dma_semaphore, #tpu.memory_space<semaphore_mem>>)
        %dma_wait3A = tpu.memref_slice %arg3[%add3A_35] : memref<294912xf32, #tpu.memory_space<hbm>> -> memref<1536xf32, #tpu.memory_space<hbm>>
        %dma_wait3A_87 = tpu.memref_slice %arg3[%add3A_35] : memref<294912xf32, #tpu.memory_space<hbm>> -> memref<1536xf32, #tpu.memory_space<hbm>>
        tpu.wait_dma2 semaphore(%run_scoped3A : memref<!tpu.dma_semaphore, #tpu.memory_space<semaphore_mem>>) src(%dma_wait3A_87 : memref<1536xf32, #tpu.memory_space<hbm>>) dst(%arg8 : memref<1536xf32, #tpu.memory_space<vmem>>)
        tpu.yield
      }) : () -> ()
      %mul3A_54 = arith.constant 4 : i32
      %mul3A_55 = arith.muli %sub3A_30, %mul3A_54 : i32
      %scan3A_56 = arith.constant 0 : i32
      %scan3A_57 = arith.constant 0 : i32
      %scan3A_58 = arith.constant 96 : i32
      %scan3A_59 = arith.addi %scan3A_57, %scan3A_58 : i32
      %scan3A_60 = arith.constant 1 : i32
      %scan3A_61 = scf.for %scan3A_86 = %scan3A_57 to %scan3A_59 step %scan3A_60 iter_args(%scan3A_87 = %scan3A_56) -> (i32)  : i32 {
        %jit3A_88 = arith.constant 24 : i32
        %eq3A = arith.constant 0 : i32
        %eq3A_89 = arith.cmpi eq, %jit3A_88, %eq3A : i32
        %jit3A_90 = arith.constant 1 : i32
        %select_n3A_91 = arith.select %eq3A_89, %jit3A_90, %jit3A_88 : i32
        %rem3A_92 = arith.remsi %scan3A_86, %select_n3A_91 : i32
        %ne3A_93 = arith.constant 0 : i32
        %ne3A_94 = arith.cmpi ne, %rem3A_92, %ne3A_93 : i32
        %lt3A = arith.constant 0 : i32
        %lt3A_95 = arith.cmpi slt, %rem3A_92, %lt3A : i32
        %lt3A_96 = arith.constant 0 : i32
        %lt3A_97 = arith.cmpi slt, %select_n3A_91, %lt3A_96 : i32
        %ne3A_98 = arith.xori %lt3A_95, %lt3A_97 : i1
        %and3A_99 = arith.andi %ne3A_98, %ne3A_94 : i1
        %add3A_100 = arith.addi %rem3A_92, %select_n3A_91 : i32
        %select_n3A_101 = arith.select %and3A_99, %add3A_100, %rem3A_92 : i32
        %mul3A_102 = arith.constant 16 : i32
        %mul3A_103 = arith.muli %select_n3A_101, %mul3A_102 : i32
        %add3A_104 = vector.broadcast %mul3A_103 : i32 to vector<16xi32>
        %add3A_105 = arith.addi %add3A_104, %iota3A : vector<16xi32>
        %jit3A_106 = arith.constant 24 : i32
        %div3A_107 = arith.divsi %scan3A_86, %jit3A_106 : i32
        %sign3A_108 = arith.constant 0 : i32
        %sign3A_109 = arith.cmpi sgt, %scan3A_86, %sign3A_108 : i32
        %sign3A_110 = arith.extui %sign3A_109 : i1 to i32
        %sign3A_111 = arith.constant 0 : i32
        %sign3A_112 = arith.cmpi slt, %scan3A_86, %sign3A_111 : i32
        %sign3A_113 = arith.extui %sign3A_112 : i1 to i32
        %sign3A_114 = arith.subi %sign3A_110, %sign3A_113 : i32
        %sign3A_115 = arith.constant 0 : i32
        %sign3A_116 = arith.cmpi sgt, %jit3A_106, %sign3A_115 : i32
        %sign3A_117 = arith.extui %sign3A_116 : i1 to i32
        %sign3A_118 = arith.constant 0 : i32
        %sign3A_119 = arith.cmpi slt, %jit3A_106, %sign3A_118 : i32
        %sign3A_120 = arith.extui %sign3A_119 : i1 to i32
        %sign3A_121 = arith.subi %sign3A_117, %sign3A_120 : i32
        %ne3A_122 = arith.cmpi ne, %sign3A_114, %sign3A_121 : i32
        %rem3A_123 = arith.remsi %scan3A_86, %jit3A_106 : i32
        %ne3A_124 = arith.constant 0 : i32
        %ne3A_125 = arith.cmpi ne, %rem3A_123, %ne3A_124 : i32
        %and3A_126 = arith.andi %ne3A_122, %ne3A_125 : i1
        %sub3A_127 = arith.constant 1 : i32
        %sub3A_128 = arith.subi %div3A_107, %sub3A_127 : i32
        %select_n3A_129 = arith.select %and3A_126, %sub3A_128, %div3A_107 : i32
        %add3A_130 = arith.addi %mul3A_55, %select_n3A_129 : i32
        %convert_element_type3A = arith.sitofp %add3A_105 : vector<16xi32> to vector<16xf32>
        %mul3A_131 = arith.constant 16 : i32
        %mul3A_132 = arith.muli %scan3A_86, %mul3A_131 : i32
        %get3A = arith.index_cast %mul3A_132 : i32 to index
        %get3A_133 = tpu.vector_load %arg6[%get3A] {strides = array<i32>} : memref<1536xf32, #tpu.memory_space<vmem>>, vector<16xf32>,
        %add3A_134 = arith.addf %convert_element_type3A, %get3A_133 : vector<16xf32>
        %convert_element_type3A_135 = arith.sitofp %add3A_130 : i32 to f32
        %mul3A_136 = arith.constant 16 : i32
        %mul3A_137 = arith.muli %scan3A_86, %mul3A_136 : i32
        %get3A_138 = arith.index_cast %mul3A_137 : i32 to index
        %get3A_139 = tpu.vector_load %arg7[%get3A_138] {strides = array<i32>} : memref<1536xf32, #tpu.memory_space<vmem>>, vector<16xf32>,
        %add3A_140 = vector.broadcast %convert_element_type3A_135 : f32 to vector<16xf32>
        %add3A_141 = arith.addf %add3A_140, %get3A_139 : vector<16xf32>
        %convert_element_type3A_142 = arith.fptosi %add3A_134 : vector<16xf32> to vector<16xi32>
        %convert_element_type3A_143 = arith.sitofp %convert_element_type3A_142 : vector<16xi32> to vector<16xf32>
        %gt3A = arith.cmpf ogt, %convert_element_type3A_143, %add3A_134 : vector<16xf32>
        %sub3A_144 = arith.constant 1 : i32
        %sub3A_145 = vector.broadcast %sub3A_144 : i32 to vector<16xi32>
        %sub3A_146 = arith.subi %convert_element_type3A_142, %sub3A_145 : vector<16xi32>
        %select_n3A_147 = arith.select %gt3A, %sub3A_146, %convert_element_type3A_142 : vector<16xi1>, vector<16xi32>
        %convert_element_type3A_148 = arith.fptosi %add3A_141 : vector<16xf32> to vector<16xi32>
        %convert_element_type3A_149 = arith.sitofp %convert_element_type3A_148 : vector<16xi32> to vector<16xf32>
        %gt3A_150 = arith.cmpf ogt, %convert_element_type3A_149, %add3A_141 : vector<16xf32>
        %sub3A_151 = arith.constant 1 : i32
        %sub3A_152 = vector.broadcast %sub3A_151 : i32 to vector<16xi32>
        %sub3A_153 = arith.subi %convert_element_type3A_148, %sub3A_152 : vector<16xi32>
        %select_n3A_154 = arith.select %gt3A_150, %sub3A_153, %convert_element_type3A_148 : vector<16xi1>, vector<16xi32>
        %convert_element_type3A_155 = arith.sitofp %select_n3A_147 : vector<16xi32> to vector<16xf32>
        %sub3A_156 = arith.subf %add3A_134, %convert_element_type3A_155 : vector<16xf32>
        %sub3A_157 = arith.constant 1.000000e+00 : f32
        %sub3A_158 = vector.broadcast %sub3A_157 : f32 to vector<16xf32>
        %sub3A_159 = arith.subf %sub3A_158, %sub3A_156 : vector<16xf32>
        %convert_element_type3A_160 = arith.sitofp %select_n3A_154 : vector<16xi32> to vector<16xf32>
        %sub3A_161 = arith.subf %add3A_141, %convert_element_type3A_160 : vector<16xf32>
        %sub3A_162 = arith.constant 1.000000e+00 : f32
        %sub3A_163 = vector.broadcast %sub3A_162 : f32 to vector<16xf32>
        %sub3A_164 = arith.subf %sub3A_163, %sub3A_161 : vector<16xf32>
        %mul3A_165 = arith.constant 16 : i32
        %mul3A_166 = arith.muli %scan3A_86, %mul3A_165 : i32
        %get3A_167 = arith.index_cast %mul3A_166 : i32 to index
        %get3A_168 = tpu.vector_load %arg8[%get3A_167] {strides = array<i32>} : memref<1536xf32, #tpu.memory_space<vmem>>, vector<16xf32>,
        %exp3A = math.exp %get3A_168 : vector<16xf32>
        %add3A_169 = arith.constant 1 : i32
        %add3A_170 = vector.broadcast %add3A_169 : i32 to vector<16xi32>
        %add3A_171 = arith.addi %select_n3A_147, %add3A_170 : vector<16xi32>
        %add3A_172 = arith.constant 1 : i32
        %add3A_173 = vector.broadcast %add3A_172 : i32 to vector<16xi32>
        %add3A_174 = arith.addi %select_n3A_154, %add3A_173 : vector<16xi32>
        %ge3A = arith.constant 0 : i32
        %ge3A_175 = vector.broadcast %ge3A : i32 to vector<16xi32>
        %ge3A_176 = arith.cmpi sge, %select_n3A_147, %ge3A_175 : vector<16xi32>
        %lt3A_177 = arith.constant 384 : i32
        %lt3A_178 = vector.broadcast %lt3A_177 : i32 to vector<16xi32>
        %lt3A_179 = arith.cmpi slt, %select_n3A_147, %lt3A_178 : vector<16xi32>
        %and3A_180 = arith.andi %ge3A_176, %lt3A_179 : vector<16xi1>
        %ge3A_181 = arith.constant 0 : i32
        %ge3A_182 = vector.broadcast %ge3A_181 : i32 to vector<16xi32>
        %ge3A_183 = arith.cmpi sge, %add3A_171, %ge3A_182 : vector<16xi32>
        %lt3A_184 = arith.constant 384 : i32
        %lt3A_185 = vector.broadcast %lt3A_184 : i32 to vector<16xi32>
        %lt3A_186 = arith.cmpi slt, %add3A_171, %lt3A_185 : vector<16xi32>
        %and3A_187 = arith.andi %ge3A_183, %lt3A_186 : vector<16xi1>
        %ge3A_188 = arith.constant 0 : i32
        %ge3A_189 = vector.broadcast %ge3A_188 : i32 to vector<16xi32>
        %ge3A_190 = arith.cmpi sge, %select_n3A_154, %ge3A_189 : vector<16xi32>
        %lt3A_191 = arith.constant 384 : i32
        %lt3A_192 = vector.broadcast %lt3A_191 : i32 to vector<16xi32>
        %lt3A_193 = arith.cmpi slt, %select_n3A_154, %lt3A_192 : vector<16xi32>
        %and3A_194 = arith.andi %ge3A_190, %lt3A_193 : vector<16xi1>
        %ge3A_195 = arith.constant 0 : i32
        %ge3A_196 = vector.broadcast %ge3A_195 : i32 to vector<16xi32>
        %ge3A_197 = arith.cmpi sge, %add3A_174, %ge3A_196 : vector<16xi32>
        %lt3A_198 = arith.constant 384 : i32
        %lt3A_199 = vector.broadcast %lt3A_198 : i32 to vector<16xi32>
        %lt3A_200 = arith.cmpi slt, %add3A_174, %lt3A_199 : vector<16xi32>
        %and3A_201 = arith.andi %ge3A_197, %lt3A_200 : vector<16xi1>
        %max3A = arith.constant 0 : i32
        %max3A_202 = vector.broadcast %max3A : i32 to vector<16xi32>
        %max3A_203 = arith.maxsi %select_n3A_147, %max3A_202 : vector<16xi32>
        %min3A = arith.constant 383 : i32
        %min3A_204 = vector.broadcast %min3A : i32 to vector<16xi32>
        %min3A_205 = arith.minsi %max3A_203, %min3A_204 : vector<16xi32>
        %max3A_206 = arith.constant 0 : i32
        %max3A_207 = vector.broadcast %max3A_206 : i32 to vector<16xi32>
        %max3A_208 = arith.maxsi %add3A_171, %max3A_207 : vector<16xi32>
        %min3A_209 = arith.constant 383 : i32
        %min3A_210 = vector.broadcast %min3A_209 : i32 to vector<16xi32>
        %min3A_211 = arith.minsi %max3A_208, %min3A_210 : vector<16xi32>
        %max3A_212 = arith.constant 0 : i32
        %max3A_213 = vector.broadcast %max3A_212 : i32 to vector<16xi32>
        %max3A_214 = arith.maxsi %select_n3A_154, %max3A_213 : vector<16xi32>
        %min3A_215 = arith.constant 383 : i32
        %min3A_216 = vector.broadcast %min3A_215 : i32 to vector<16xi32>
        %min3A_217 = arith.minsi %max3A_214, %min3A_216 : vector<16xi32>
        %mul3A_218 = arith.constant 384 : i32
        %mul3A_219 = vector.broadcast %mul3A_218 : i32 to vector<16xi32>
        %mul3A_220 = arith.muli %min3A_217, %mul3A_219 : vector<16xi32>
        %max3A_221 = arith.constant 0 : i32
        %max3A_222 = vector.broadcast %max3A_221 : i32 to vector<16xi32>
        %max3A_223 = arith.maxsi %add3A_174, %max3A_222 : vector<16xi32>
        %min3A_224 = arith.constant 383 : i32
        %min3A_225 = vector.broadcast %min3A_224 : i32 to vector<16xi32>
        %min3A_226 = arith.minsi %max3A_223, %min3A_225 : vector<16xi32>
        %mul3A_227 = arith.constant 384 : i32
        %mul3A_228 = vector.broadcast %mul3A_227 : i32 to vector<16xi32>
        %mul3A_229 = arith.muli %min3A_226, %mul3A_228 : vector<16xi32>
        %broadcast_in_dim3A = arith.constant 0.000000e+00 : f32
        %broadcast_in_dim3A_230 = vector.broadcast %broadcast_in_dim3A : f32 to vector<16xf32>
        %add3A_231 = arith.addi %mul3A_220, %min3A_205 : vector<16xi32>
        %and3A_232 = arith.andi %and3A_180, %and3A_194 : vector<16xi1>
        %mul3A_233 = arith.mulf %sub3A_159, %sub3A_164 : vector<16xf32>
        %mul3A_234 = arith.mulf %mul3A_233, %exp3A : vector<16xf32>
        %select_n3A_235 = arith.select %and3A_232, %mul3A_234, %broadcast_in_dim3A_230 : vector<16xi1>, vector<16xf32>
        %add3A_236 = arith.addi %mul3A_220, %min3A_211 : vector<16xi32>
        %and3A_237 = arith.andi %and3A_187, %and3A_194 : vector<16xi1>
        %mul3A_238 = arith.mulf %sub3A_156, %sub3A_164 : vector<16xf32>
        %mul3A_239 = arith.mulf %mul3A_238, %exp3A : vector<16xf32>
        %select_n3A_240 = arith.select %and3A_237, %mul3A_239, %broadcast_in_dim3A_230 : vector<16xi1>, vector<16xf32>
        %add3A_241 = arith.addi %mul3A_229, %min3A_205 : vector<16xi32>
        %and3A_242 = arith.andi %and3A_180, %and3A_201 : vector<16xi1>
        %mul3A_243 = arith.mulf %sub3A_159, %sub3A_161 : vector<16xf32>
        %mul3A_244 = arith.mulf %mul3A_243, %exp3A : vector<16xf32>
        %select_n3A_245 = arith.select %and3A_242, %mul3A_244, %broadcast_in_dim3A_230 : vector<16xi1>, vector<16xf32>
        %add3A_246 = arith.addi %mul3A_229, %min3A_211 : vector<16xi32>
        %and3A_247 = arith.andi %and3A_187, %and3A_201 : vector<16xi1>
        %mul3A_248 = arith.mulf %sub3A_156, %sub3A_161 : vector<16xf32>
        %mul3A_249 = arith.mulf %mul3A_248, %exp3A : vector<16xf32>
        %select_n3A_250 = arith.select %and3A_247, %mul3A_249, %broadcast_in_dim3A_230 : vector<16xi1>, vector<16xf32>
        %broadcast_in_dim3A_251 = arith.constant 0 : i32
        %broadcast_in_dim3A_252 = vector.broadcast %broadcast_in_dim3A_251 : i32 to vector<16xi32>
        %sub3A_253 = arith.constant 0 : i32
        %sub3A_254 = vector.broadcast %sub3A_253 : i32 to vector<16xi32>
        %sub3A_255 = arith.subi %add3A_231, %sub3A_254 : vector<16xi32>
        %ge3A_256 = arith.constant 0 : i32
        %ge3A_257 = vector.broadcast %ge3A_256 : i32 to vector<16xi32>
        %ge3A_258 = arith.cmpi sge, %sub3A_255, %ge3A_257 : vector<16xi32>
        %lt3A_259 = arith.constant 73728 : i32
        %lt3A_260 = vector.broadcast %lt3A_259 : i32 to vector<16xi32>
        %lt3A_261 = arith.cmpi slt, %sub3A_255, %lt3A_260 : vector<16xi32>
        %and3A_262 = arith.andi %ge3A_258, %lt3A_261 : vector<16xi1>
        %select_n3A_263 = arith.select %and3A_262, %sub3A_255, %broadcast_in_dim3A_252 : vector<16xi1>, vector<16xi32>
        %mul3A_264 = arith.constant 16 : i32
        %mul3A_265 = arith.muli %scan3A_86, %mul3A_264 : i32
        %add3A_266 = arith.constant 0 : i32
        %add3A_267 = arith.addi %add3A_266, %mul3A_265 : i32
        %swap3A = arith.index_cast %add3A_267 : i32 to index
        %swap3A_268 = tpu.vector_load %arg9[%swap3A] {strides = array<i32>} : memref<6144xi32, #tpu.memory_space<vmem>>, vector<16xi32>,
        tpu.vector_store %arg9[%swap3A], %select_n3A_263 {strides = array<i32>} : memref<6144xi32, #tpu.memory_space<vmem>>, vector<16xi32>,
        %select_n3A_269 = arith.select %and3A_262, %select_n3A_235, %broadcast_in_dim3A_230 : vector<16xi1>, vector<16xf32>
        %mul3A_270 = arith.constant 16 : i32
        %mul3A_271 = arith.muli %scan3A_86, %mul3A_270 : i32
        %add3A_272 = arith.constant 0 : i32
        %add3A_273 = arith.addi %add3A_272, %mul3A_271 : i32
        %swap3A_274 = arith.index_cast %add3A_273 : i32 to index
        %swap3A_275 = tpu.vector_load %arg11[%swap3A_274] {strides = array<i32>} : memref<6144xf32, #tpu.memory_space<vmem>>, vector<16xf32>,
        tpu.vector_store %arg11[%swap3A_274], %select_n3A_269 {strides = array<i32>} : memref<6144xf32, #tpu.memory_space<vmem>>, vector<16xf32>,
        %sub3A_276 = arith.constant 0 : i32
        %sub3A_277 = vector.broadcast %sub3A_276 : i32 to vector<16xi32>
        %sub3A_278 = arith.subi %add3A_236, %sub3A_277 : vector<16xi32>
        %ge3A_279 = arith.constant 0 : i32
        %ge3A_280 = vector.broadcast %ge3A_279 : i32 to vector<16xi32>
        %ge3A_281 = arith.cmpi sge, %sub3A_278, %ge3A_280 : vector<16xi32>
        %lt3A_282 = arith.constant 73728 : i32
        %lt3A_283 = vector.broadcast %lt3A_282 : i32 to vector<16xi32>
        %lt3A_284 = arith.cmpi slt, %sub3A_278, %lt3A_283 : vector<16xi32>
        %and3A_285 = arith.andi %ge3A_281, %lt3A_284 : vector<16xi1>
        %select_n3A_286 = arith.select %and3A_285, %sub3A_278, %broadcast_in_dim3A_252 : vector<16xi1>, vector<16xi32>
        %mul3A_287 = arith.constant 16 : i32
        %mul3A_288 = arith.muli %scan3A_86, %mul3A_287 : i32
        %add3A_289 = arith.constant 1536 : i32
        %add3A_290 = arith.addi %add3A_289, %mul3A_288 : i32
        %swap3A_291 = arith.index_cast %add3A_290 : i32 to index
        %swap3A_292 = tpu.vector_load %arg9[%swap3A_291] {strides = array<i32>} : memref<6144xi32, #tpu.memory_space<vmem>>, vector<16xi32>,
        tpu.vector_store %arg9[%swap3A_291], %select_n3A_286 {strides = array<i32>} : memref<6144xi32, #tpu.memory_space<vmem>>, vector<16xi32>,
        %select_n3A_293 = arith.select %and3A_285, %select_n3A_240, %broadcast_in_dim3A_230 : vector<16xi1>, vector<16xf32>
        %mul3A_294 = arith.constant 16 : i32
        %mul3A_295 = arith.muli %scan3A_86, %mul3A_294 : i32
        %add3A_296 = arith.constant 1536 : i32
        %add3A_297 = arith.addi %add3A_296, %mul3A_295 : i32
        %swap3A_298 = arith.index_cast %add3A_297 : i32 to index
        %swap3A_299 = tpu.vector_load %arg11[%swap3A_298] {strides = array<i32>} : memref<6144xf32, #tpu.memory_space<vmem>>, vector<16xf32>,
        tpu.vector_store %arg11[%swap3A_298], %select_n3A_293 {strides = array<i32>} : memref<6144xf32, #tpu.memory_space<vmem>>, vector<16xf32>,
        %sub3A_300 = arith.constant 0 : i32
        %sub3A_301 = vector.broadcast %sub3A_300 : i32 to vector<16xi32>
        %sub3A_302 = arith.subi %add3A_241, %sub3A_301 : vector<16xi32>
        %ge3A_303 = arith.constant 0 : i32
        %ge3A_304 = vector.broadcast %ge3A_303 : i32 to vector<16xi32>
        %ge3A_305 = arith.cmpi sge, %sub3A_302, %ge3A_304 : vector<16xi32>
        %lt3A_306 = arith.constant 73728 : i32
        %lt3A_307 = vector.broadcast %lt3A_306 : i32 to vector<16xi32>
        %lt3A_308 = arith.cmpi slt, %sub3A_302, %lt3A_307 : vector<16xi32>
        %and3A_309 = arith.andi %ge3A_305, %lt3A_308 : vector<16xi1>
        %select_n3A_310 = arith.select %and3A_309, %sub3A_302, %broadcast_in_dim3A_252 : vector<16xi1>, vector<16xi32>
        %mul3A_311 = arith.constant 16 : i32
        %mul3A_312 = arith.muli %scan3A_86, %mul3A_311 : i32
        %add3A_313 = arith.constant 3072 : i32
        %add3A_314 = arith.addi %add3A_313, %mul3A_312 : i32
        %swap3A_315 = arith.index_cast %add3A_314 : i32 to index
        %swap3A_316 = tpu.vector_load %arg9[%swap3A_315] {strides = array<i32>} : memref<6144xi32, #tpu.memory_space<vmem>>, vector<16xi32>,
        tpu.vector_store %arg9[%swap3A_315], %select_n3A_310 {strides = array<i32>} : memref<6144xi32, #tpu.memory_space<vmem>>, vector<16xi32>,
        %select_n3A_317 = arith.select %and3A_309, %select_n3A_245, %broadcast_in_dim3A_230 : vector<16xi1>, vector<16xf32>
        %mul3A_318 = arith.constant 16 : i32
        %mul3A_319 = arith.muli %scan3A_86, %mul3A_318 : i32
        %add3A_320 = arith.constant 3072 : i32
        %add3A_321 = arith.addi %add3A_320, %mul3A_319 : i32
        %swap3A_322 = arith.index_cast %add3A_321 : i32 to index
        %swap3A_323 = tpu.vector_load %arg11[%swap3A_322] {strides = array<i32>} : memref<6144xf32, #tpu.memory_space<vmem>>, vector<16xf32>,
        tpu.vector_store %arg11[%swap3A_322], %select_n3A_317 {strides = array<i32>} : memref<6144xf32, #tpu.memory_space<vmem>>, vector<16xf32>,
        %sub3A_324 = arith.constant 0 : i32
        %sub3A_325 = vector.broadcast %sub3A_324 : i32 to vector<16xi32>
        %sub3A_326 = arith.subi %add3A_246, %sub3A_325 : vector<16xi32>
        %ge3A_327 = arith.constant 0 : i32
        %ge3A_328 = vector.broadcast %ge3A_327 : i32 to vector<16xi32>
        %ge3A_329 = arith.cmpi sge, %sub3A_326, %ge3A_328 : vector<16xi32>
        %lt3A_330 = arith.constant 73728 : i32
        %lt3A_331 = vector.broadcast %lt3A_330 : i32 to vector<16xi32>
        %lt3A_332 = arith.cmpi slt, %sub3A_326, %lt3A_331 : vector<16xi32>
        %and3A_333 = arith.andi %ge3A_329, %lt3A_332 : vector<16xi1>
        %select_n3A_334 = arith.select %and3A_333, %sub3A_326, %broadcast_in_dim3A_252 : vector<16xi1>, vector<16xi32>
        %mul3A_335 = arith.constant 16 : i32
        %mul3A_336 = arith.muli %scan3A_86, %mul3A_335 : i32
        %add3A_337 = arith.constant 4608 : i32
        %add3A_338 = arith.addi %add3A_337, %mul3A_336 : i32
        %swap3A_339 = arith.index_cast %add3A_338 : i32 to index
        %swap3A_340 = tpu.vector_load %arg9[%swap3A_339] {strides = array<i32>} : memref<6144xi32, #tpu.memory_space<vmem>>, vector<16xi32>,
        tpu.vector_store %arg9[%swap3A_339], %select_n3A_334 {strides = array<i32>} : memref<6144xi32, #tpu.memory_space<vmem>>, vector<16xi32>,
        %select_n3A_341 = arith.select %and3A_333, %select_n3A_250, %broadcast_in_dim3A_230 : vector<16xi1>, vector<16xf32>
        %mul3A_342 = arith.constant 16 : i32
        %mul3A_343 = arith.muli %scan3A_86, %mul3A_342 : i32
        %add3A_344 = arith.constant 4608 : i32
        %add3A_345 = arith.addi %add3A_344, %mul3A_343 : i32
        %swap3A_346 = arith.index_cast %add3A_345 : i32 to index
        %swap3A_347 = tpu.vector_load %arg11[%swap3A_346] {strides = array<i32>} : memref<6144xf32, #tpu.memory_space<vmem>>, vector<16xf32>,
        tpu.vector_store %arg11[%swap3A_346], %select_n3A_341 {strides = array<i32>} : memref<6144xf32, #tpu.memory_space<vmem>>, vector<16xf32>,
        %sub3A_348 = arith.constant 73728 : i32
        %sub3A_349 = vector.broadcast %sub3A_348 : i32 to vector<16xi32>
        %sub3A_350 = arith.subi %add3A_231, %sub3A_349 : vector<16xi32>
        %ge3A_351 = arith.constant 0 : i32
        %ge3A_352 = vector.broadcast %ge3A_351 : i32 to vector<16xi32>
        %ge3A_353 = arith.cmpi sge, %sub3A_350, %ge3A_352 : vector<16xi32>
        %lt3A_354 = arith.constant 73728 : i32
        %lt3A_355 = vector.broadcast %lt3A_354 : i32 to vector<16xi32>
        %lt3A_356 = arith.cmpi slt, %sub3A_350, %lt3A_355 : vector<16xi32>
        %and3A_357 = arith.andi %ge3A_353, %lt3A_356 : vector<16xi1>
        %select_n3A_358 = arith.select %and3A_357, %sub3A_350, %broadcast_in_dim3A_252 : vector<16xi1>, vector<16xi32>
        %mul3A_359 = arith.constant 16 : i32
        %mul3A_360 = arith.muli %scan3A_86, %mul3A_359 : i32
        %add3A_361 = arith.constant 0 : i32
        %add3A_362 = arith.addi %add3A_361, %mul3A_360 : i32
        %swap3A_363 = arith.index_cast %add3A_362 : i32 to index
        %swap3A_364 = tpu.vector_load %arg10[%swap3A_363] {strides = array<i32>} : memref<6144xi32, #tpu.memory_space<vmem>>, vector<16xi32>,
        tpu.vector_store %arg10[%swap3A_363], %select_n3A_358 {strides = array<i32>} : memref<6144xi32, #tpu.memory_space<vmem>>, vector<16xi32>,
        %select_n3A_365 = arith.select %and3A_357, %select_n3A_235, %broadcast_in_dim3A_230 : vector<16xi1>, vector<16xf32>
        %mul3A_366 = arith.constant 16 : i32
        %mul3A_367 = arith.muli %scan3A_86, %mul3A_366 : i32
        %add3A_368 = arith.constant 0 : i32
        %add3A_369 = arith.addi %add3A_368, %mul3A_367 : i32
        %swap3A_370 = arith.index_cast %add3A_369 : i32 to index
        %swap3A_371 = tpu.vector_load %arg12[%swap3A_370] {strides = array<i32>} : memref<6144xf32, #tpu.memory_space<vmem>>, vector<16xf32>,
        tpu.vector_store %arg12[%swap3A_370], %select_n3A_365 {strides = array<i32>} : memref<6144xf32, #tpu.memory_space<vmem>>, vector<16xf32>,
        %sub3A_372 = arith.constant 73728 : i32
        %sub3A_373 = vector.broadcast %sub3A_372 : i32 to vector<16xi32>
        %sub3A_374 = arith.subi %add3A_236, %sub3A_373 : vector<16xi32>
        %ge3A_375 = arith.constant 0 : i32
        %ge3A_376 = vector.broadcast %ge3A_375 : i32 to vector<16xi32>
        %ge3A_377 = arith.cmpi sge, %sub3A_374, %ge3A_376 : vector<16xi32>
        %lt3A_378 = arith.constant 73728 : i32
        %lt3A_379 = vector.broadcast %lt3A_378 : i32 to vector<16xi32>
        %lt3A_380 = arith.cmpi slt, %sub3A_374, %lt3A_379 : vector<16xi32>
        %and3A_381 = arith.andi %ge3A_377, %lt3A_380 : vector<16xi1>
        %select_n3A_382 = arith.select %and3A_381, %sub3A_374, %broadcast_in_dim3A_252 : vector<16xi1>, vector<16xi32>
        %mul3A_383 = arith.constant 16 : i32
        %mul3A_384 = arith.muli %scan3A_86, %mul3A_383 : i32
        %add3A_385 = arith.constant 1536 : i32
        %add3A_386 = arith.addi %add3A_385, %mul3A_384 : i32
        %swap3A_387 = arith.index_cast %add3A_386 : i32 to index
        %swap3A_388 = tpu.vector_load %arg10[%swap3A_387] {strides = array<i32>} : memref<6144xi32, #tpu.memory_space<vmem>>, vector<16xi32>,
        tpu.vector_store %arg10[%swap3A_387], %select_n3A_382 {strides = array<i32>} : memref<6144xi32, #tpu.memory_space<vmem>>, vector<16xi32>,
        %select_n3A_389 = arith.select %and3A_381, %select_n3A_240, %broadcast_in_dim3A_230 : vector<16xi1>, vector<16xf32>
        %mul3A_390 = arith.constant 16 : i32
        %mul3A_391 = arith.muli %scan3A_86, %mul3A_390 : i32
        %add3A_392 = arith.constant 1536 : i32
        %add3A_393 = arith.addi %add3A_392, %mul3A_391 : i32
        %swap3A_394 = arith.index_cast %add3A_393 : i32 to index
        %swap3A_395 = tpu.vector_load %arg12[%swap3A_394] {strides = array<i32>} : memref<6144xf32, #tpu.memory_space<vmem>>, vector<16xf32>,
        tpu.vector_store %arg12[%swap3A_394], %select_n3A_389 {strides = array<i32>} : memref<6144xf32, #tpu.memory_space<vmem>>, vector<16xf32>,
        %sub3A_396 = arith.constant 73728 : i32
        %sub3A_397 = vector.broadcast %sub3A_396 : i32 to vector<16xi32>
        %sub3A_398 = arith.subi %add3A_241, %sub3A_397 : vector<16xi32>
        %ge3A_399 = arith.constant 0 : i32
        %ge3A_400 = vector.broadcast %ge3A_399 : i32 to vector<16xi32>
        %ge3A_401 = arith.cmpi sge, %sub3A_398, %ge3A_400 : vector<16xi32>
        %lt3A_402 = arith.constant 73728 : i32
        %lt3A_403 = vector.broadcast %lt3A_402 : i32 to vector<16xi32>
        %lt3A_404 = arith.cmpi slt, %sub3A_398, %lt3A_403 : vector<16xi32>
        %and3A_405 = arith.andi %ge3A_401, %lt3A_404 : vector<16xi1>
        %select_n3A_406 = arith.select %and3A_405, %sub3A_398, %broadcast_in_dim3A_252 : vector<16xi1>, vector<16xi32>
        %mul3A_407 = arith.constant 16 : i32
        %mul3A_408 = arith.muli %scan3A_86, %mul3A_407 : i32
        %add3A_409 = arith.constant 3072 : i32
        %add3A_410 = arith.addi %add3A_409, %mul3A_408 : i32
        %swap3A_411 = arith.index_cast %add3A_410 : i32 to index
        %swap3A_412 = tpu.vector_load %arg10[%swap3A_411] {strides = array<i32>} : memref<6144xi32, #tpu.memory_space<vmem>>, vector<16xi32>,
        tpu.vector_store %arg10[%swap3A_411], %select_n3A_406 {strides = array<i32>} : memref<6144xi32, #tpu.memory_space<vmem>>, vector<16xi32>,
        %select_n3A_413 = arith.select %and3A_405, %select_n3A_245, %broadcast_in_dim3A_230 : vector<16xi1>, vector<16xf32>
        %mul3A_414 = arith.constant 16 : i32
        %mul3A_415 = arith.muli %scan3A_86, %mul3A_414 : i32
        %add3A_416 = arith.constant 3072 : i32
        %add3A_417 = arith.addi %add3A_416, %mul3A_415 : i32
        %swap3A_418 = arith.index_cast %add3A_417 : i32 to index
        %swap3A_419 = tpu.vector_load %arg12[%swap3A_418] {strides = array<i32>} : memref<6144xf32, #tpu.memory_space<vmem>>, vector<16xf32>,
        tpu.vector_store %arg12[%swap3A_418], %select_n3A_413 {strides = array<i32>} : memref<6144xf32, #tpu.memory_space<vmem>>, vector<16xf32>,
        %sub3A_420 = arith.constant 73728 : i32
        %sub3A_421 = vector.broadcast %sub3A_420 : i32 to vector<16xi32>
        %sub3A_422 = arith.subi %add3A_246, %sub3A_421 : vector<16xi32>
        %ge3A_423 = arith.constant 0 : i32
        %ge3A_424 = vector.broadcast %ge3A_423 : i32 to vector<16xi32>
        %ge3A_425 = arith.cmpi sge, %sub3A_422, %ge3A_424 : vector<16xi32>
        %lt3A_426 = arith.constant 73728 : i32
        %lt3A_427 = vector.broadcast %lt3A_426 : i32 to vector<16xi32>
        %lt3A_428 = arith.cmpi slt, %sub3A_422, %lt3A_427 : vector<16xi32>
        %and3A_429 = arith.andi %ge3A_425, %lt3A_428 : vector<16xi1>
        %select_n3A_430 = arith.select %and3A_429, %sub3A_422, %broadcast_in_dim3A_252 : vector<16xi1>, vector<16xi32>
        %mul3A_431 = arith.constant 16 : i32
        %mul3A_432 = arith.muli %scan3A_86, %mul3A_431 : i32
        %add3A_433 = arith.constant 4608 : i32
        %add3A_434 = arith.addi %add3A_433, %mul3A_432 : i32
        %swap3A_435 = arith.index_cast %add3A_434 : i32 to index
        %swap3A_436 = tpu.vector_load %arg10[%swap3A_435] {strides = array<i32>} : memref<6144xi32, #tpu.memory_space<vmem>>, vector<16xi32>,
        tpu.vector_store %arg10[%swap3A_435], %select_n3A_430 {strides = array<i32>} : memref<6144xi32, #tpu.memory_space<vmem>>, vector<16xi32>,
        %select_n3A_437 = arith.select %and3A_429, %select_n3A_250, %broadcast_in_dim3A_230 : vector<16xi1>, vector<16xf32>
        %mul3A_438 = arith.constant 16 : i32
        %mul3A_439 = arith.muli %scan3A_86, %mul3A_438 : i32
        %add3A_440 = arith.constant 4608 : i32
        %add3A_441 = arith.addi %add3A_440, %mul3A_439 : i32
        %swap3A_442 = arith.index_cast %add3A_441 : i32 to index
        %swap3A_443 = tpu.vector_load %arg12[%swap3A_442] {strides = array<i32>} : memref<6144xf32, #tpu.memory_space<vmem>>, vector<16xf32>,
        tpu.vector_store %arg12[%swap3A_442], %select_n3A_437 {strides = array<i32>} : memref<6144xf32, #tpu.memory_space<vmem>>, vector<16xf32>,
        %scan3A_444 = arith.constant 0 : i32
        scf.yield %scan3A_444 : i32
      }
      %scan3A_62 = arith.constant 96 : i32
      %mul3A_63 = arith.constant 2 : i32
      %mul3A_64 = arith.muli %select_n3A, %mul3A_63 : i32
      %add3A_65 = arith.constant 0 : i32
      %add3A_66 = arith.addi %mul3A_64, %add3A_65 : i32
      %mul3A_67 = arith.constant 96 : i32
      %mul3A_68 = arith.muli %add3A_66, %mul3A_67 : i32
      %add3A_69 = arith.addi %mul3A_68, %sub3A_30 : i32
      %mul3A_70 = arith.constant 4 : i32
      %mul3A_71 = arith.muli %add3A_69, %mul3A_70 : i32
      %mul3A_72 = arith.constant 1536 : i32
      %mul3A_73 = arith.muli %mul3A_71, %mul3A_72 : i32
      "tpu.region"() ({
        %run_scoped3A = tpu.sem_alloc : memref<!tpu.dma_semaphore, #tpu.memory_space<semaphore_mem>>
        %dma_start3A = tpu.memref_slice %arg4[%mul3A_73] : memref<2359296xi32, #tpu.memory_space<hbm>> -> memref<6144xi32, #tpu.memory_space<hbm>>
        %dma_start3A_86 = tpu.memref_slice %arg4[%mul3A_73] : memref<2359296xi32, #tpu.memory_space<hbm>> -> memref<6144xi32, #tpu.memory_space<hbm>>
        tpu.enqueue_dma source(%arg9 : memref<6144xi32, #tpu.memory_space<vmem>>) target(%dma_start3A_86 : memref<6144xi32, #tpu.memory_space<hbm>>) target_semaphore(%run_scoped3A : memref<!tpu.dma_semaphore, #tpu.memory_space<semaphore_mem>>)
        %dma_wait3A = tpu.memref_slice %arg4[%mul3A_73] : memref<2359296xi32, #tpu.memory_space<hbm>> -> memref<6144xi32, #tpu.memory_space<hbm>>
        %dma_wait3A_87 = tpu.memref_slice %arg4[%mul3A_73] : memref<2359296xi32, #tpu.memory_space<hbm>> -> memref<6144xi32, #tpu.memory_space<hbm>>
        tpu.wait_dma2 semaphore(%run_scoped3A : memref<!tpu.dma_semaphore, #tpu.memory_space<semaphore_mem>>) src(%arg9 : memref<6144xi32, #tpu.memory_space<vmem>>) dst(%dma_wait3A_87 : memref<6144xi32, #tpu.memory_space<hbm>>)
        tpu.yield
      }) : () -> ()
      "tpu.region"() ({
        %run_scoped3A = tpu.sem_alloc : memref<!tpu.dma_semaphore, #tpu.memory_space<semaphore_mem>>
        %dma_start3A = tpu.memref_slice %arg5[%mul3A_73] : memref<2359296xf32, #tpu.memory_space<hbm>> -> memref<6144xf32, #tpu.memory_space<hbm>>
        %dma_start3A_86 = tpu.memref_slice %arg5[%mul3A_73] : memref<2359296xf32, #tpu.memory_space<hbm>> -> memref<6144xf32, #tpu.memory_space<hbm>>
        tpu.enqueue_dma source(%arg11 : memref<6144xf32, #tpu.memory_space<vmem>>) target(%dma_start3A_86 : memref<6144xf32, #tpu.memory_space<hbm>>) target_semaphore(%run_scoped3A : memref<!tpu.dma_semaphore, #tpu.memory_space<semaphore_mem>>)
        %dma_wait3A = tpu.memref_slice %arg5[%mul3A_73] : memref<2359296xf32, #tpu.memory_space<hbm>> -> memref<6144xf32, #tpu.memory_space<hbm>>
        %dma_wait3A_87 = tpu.memref_slice %arg5[%mul3A_73] : memref<2359296xf32, #tpu.memory_space<hbm>> -> memref<6144xf32, #tpu.memory_space<hbm>>
        tpu.wait_dma2 semaphore(%run_scoped3A : memref<!tpu.dma_semaphore, #tpu.memory_space<semaphore_mem>>) src(%arg11 : memref<6144xf32, #tpu.memory_space<vmem>>) dst(%dma_wait3A_87 : memref<6144xf32, #tpu.memory_space<hbm>>)
        tpu.yield
      }) : () -> ()
      %mul3A_74 = arith.constant 2 : i32
      %mul3A_75 = arith.muli %select_n3A, %mul3A_74 : i32
      %add3A_76 = arith.constant 1 : i32
      %add3A_77 = arith.addi %mul3A_75, %add3A_76 : i32
      %mul3A_78 = arith.constant 96 : i32
      %mul3A_79 = arith.muli %add3A_77, %mul3A_78 : i32
      %add3A_80 = arith.addi %mul3A_79, %sub3A_30 : i32
      %mul3A_81 = arith.constant 4 : i32
      %mul3A_82 = arith.muli %add3A_80, %mul3A_81 : i32
      %mul3A_83 = arith.constant 1536 : i32
      %mul3A_84 = arith.muli %mul3A_82, %mul3A_83 : i32
      "tpu.region"() ({
        %run_scoped3A = tpu.sem_alloc : memref<!tpu.dma_semaphore, #tpu.memory_space<semaphore_mem>>
        %dma_start3A = tpu.memref_slice %arg4[%mul3A_84] : memref<2359296xi32, #tpu.memory_space<hbm>> -> memref<6144xi32, #tpu.memory_space<hbm>>
        %dma_start3A_86 = tpu.memref_slice %arg4[%mul3A_84] : memref<2359296xi32, #tpu.memory_space<hbm>> -> memref<6144xi32, #tpu.memory_space<hbm>>
        tpu.enqueue_dma source(%arg10 : memref<6144xi32, #tpu.memory_space<vmem>>) target(%dma_start3A_86 : memref<6144xi32, #tpu.memory_space<hbm>>) target_semaphore(%run_scoped3A : memref<!tpu.dma_semaphore, #tpu.memory_space<semaphore_mem>>)
        %dma_wait3A = tpu.memref_slice %arg4[%mul3A_84] : memref<2359296xi32, #tpu.memory_space<hbm>> -> memref<6144xi32, #tpu.memory_space<hbm>>
        %dma_wait3A_87 = tpu.memref_slice %arg4[%mul3A_84] : memref<2359296xi32, #tpu.memory_space<hbm>> -> memref<6144xi32, #tpu.memory_space<hbm>>
        tpu.wait_dma2 semaphore(%run_scoped3A : memref<!tpu.dma_semaphore, #tpu.memory_space<semaphore_mem>>) src(%arg10 : memref<6144xi32, #tpu.memory_space<vmem>>) dst(%dma_wait3A_87 : memref<6144xi32, #tpu.memory_space<hbm>>)
        tpu.yield
      }) : () -> ()
      "tpu.region"() ({
        %run_scoped3A = tpu.sem_alloc : memref<!tpu.dma_semaphore, #tpu.memory_space<semaphore_mem>>
        %dma_start3A = tpu.memref_slice %arg5[%mul3A_84] : memref<2359296xf32, #tpu.memory_space<hbm>> -> memref<6144xf32, #tpu.memory_space<hbm>>
        %dma_start3A_86 = tpu.memref_slice %arg5[%mul3A_84] : memref<2359296xf32, #tpu.memory_space<hbm>> -> memref<6144xf32, #tpu.memory_space<hbm>>
        tpu.enqueue_dma source(%arg12 : memref<6144xf32, #tpu.memory_space<vmem>>) target(%dma_start3A_86 : memref<6144xf32, #tpu.memory_space<hbm>>) target_semaphore(%run_scoped3A : memref<!tpu.dma_semaphore, #tpu.memory_space<semaphore_mem>>)
        %dma_wait3A = tpu.memref_slice %arg5[%mul3A_84] : memref<2359296xf32, #tpu.memory_space<hbm>> -> memref<6144xf32, #tpu.memory_space<hbm>>
        %dma_wait3A_87 = tpu.memref_slice %arg5[%mul3A_84] : memref<2359296xf32, #tpu.memory_space<hbm>> -> memref<6144xf32, #tpu.memory_space<hbm>>
        tpu.wait_dma2 semaphore(%run_scoped3A : memref<!tpu.dma_semaphore, #tpu.memory_space<semaphore_mem>>) src(%arg12 : memref<6144xf32, #tpu.memory_space<vmem>>) dst(%dma_wait3A_87 : memref<6144xf32, #tpu.memory_space<hbm>>)
        tpu.yield
      }) : () -> ()
      %scan3A_85 = arith.constant 0 : i32
      scf.yield %scan3A_85 : i32
    }
    %scan3A_6 = arith.constant 6 : i32
    return
  }
}

module attributes {stable_mosaic.version = 14 : i64} {
  func.func @_norm_body(%arg0: i32, %arg1: i32, %arg2: memref<1x1x384x384xf32, #tpu.memory_space<vmem>>, %arg3: memref<1x1x384x384xf32, #tpu.memory_space<vmem>>, %arg4: memref<1x1x384x384xf32, #tpu.memory_space<vmem>>) attributes {dimension_semantics = [#tpu.dimension_semantics<arbitrary>, #tpu.dimension_semantics<arbitrary>], iteration_bounds = array<i64: 2, 96>, scalar_prefetch = 0 : i64, scratch_operands = 0 : i64, tpu.core_type = #tpu.core_type<tc>, window_params = [{transform_indices = @transform_0, window_bounds = array<i64: 1, 1, 384, 384>}, {transform_indices = @transform_1, window_bounds = array<i64: 1, 1, 384, 384>}, {transform_indices = @transform_2, window_bounds = array<i64: 1, 1, 384, 384>}]} {
    %get3A = arith.constant 0 : index
    %get3A_0 = arith.constant 0 : index
    %get3A_1 = arith.constant 0 : index
    %get3A_2 = arith.constant 0 : index
    %get3A_3 = vector.load %arg2[%get3A, %get3A_0, %get3A_1, %get3A_2] : memref<1x1x384x384xf32, #tpu.memory_space<vmem>>, vector<1x1x384x384xf32>
    %get3A_4 = arith.constant 0 : index
    %get3A_5 = arith.constant 0 : index
    %get3A_6 = arith.constant 0 : index
    %get3A_7 = arith.constant 0 : index
    %get3A_8 = vector.load %arg3[%get3A_4, %get3A_5, %get3A_6, %get3A_7] : memref<1x1x384x384xf32, #tpu.memory_space<vmem>>, vector<1x1x384x384xf32>
    %add3A = arith.constant 1.000000e-07 : f32
    %add3A_9 = vector.broadcast %add3A : f32 to vector<1x1x384x384xf32>
    %add3A_10 = arith.addf %get3A_8, %add3A_9 : vector<1x1x384x384xf32>
    %div3A = arith.divf %get3A_3, %add3A_10 : vector<1x1x384x384xf32>
    %swap3A = arith.constant 0 : index
    %swap3A_11 = arith.constant 0 : index
    %swap3A_12 = arith.constant 0 : index
    %swap3A_13 = arith.constant 0 : index
    %swap3A_14 = vector.load %arg4[%swap3A, %swap3A_11, %swap3A_12, %swap3A_13] : memref<1x1x384x384xf32, #tpu.memory_space<vmem>>, vector<1x1x384x384xf32>
    tpu.vector_store %arg4[%swap3A, %swap3A_11, %swap3A_12, %swap3A_13], %div3A {strides = array<i32>} : memref<1x1x384x384xf32, #tpu.memory_space<vmem>>, vector<1x1x384x384xf32>,
    return
  }
  func.func @transform_0(%arg0: i32, %arg1: i32) -> (i32, i32, i32, i32) {
    %c0_i32 = arith.constant 0 : i32
    %c0_i32_0 = arith.constant 0 : i32
    %c0_i32_1 = arith.constant 0 : i32
    return %arg0, %arg1, %c0_i32, %c0_i32_0 : i32, i32, i32, i32
  }
  func.func @transform_1(%arg0: i32, %arg1: i32) -> (i32, i32, i32, i32) {
    %c0_i32 = arith.constant 0 : i32
    %c0_i32_0 = arith.constant 0 : i32
    %c0_i32_1 = arith.constant 0 : i32
    %c0_i32_2 = arith.constant 0 : i32
    return %arg0, %c0_i32, %c0_i32_0, %c0_i32_1 : i32, i32, i32, i32
  }
  func.func @transform_2(%arg0: i32, %arg1: i32) -> (i32, i32, i32, i32) {
    %c0_i32 = arith.constant 0 : i32
    %c0_i32_0 = arith.constant 0 : i32
    %c0_i32_1 = arith.constant 0 : i32
    return %arg0, %arg1, %c0_i32, %c0_i32_0 : i32, i32, i32, i32
  }
}

</mosaic_0001>

<sc_bundles>
// kernel: kernel.5.cloned.1.call-start
scs
__scs_entry_jumppad:
0x0: {  	(pc) =	sbr.rel $0x88, $3  }
0x1: {  	(tag) =	ssettag $0x0;
	lr =	simm.s32 $0x1  }
0x2: {  	[smem:$0x3F9E] =	sst lr;
	_ =	strace $0xD0000000  }
0x3: {  	_ = 	snop  }
0x4: {  	_ = 	snop  }
0x5: {  	_ = 	snop  }
0x6: {  	_ = 	snop  }
0x7: {  	_ = 	snop  }
__scs_overlays_trampoline_lowered:
0x8: {  	[smem:$0x3FAD] =	sst s0  }
0x9: {  	[smem:$0x3FAE] =	sst s1  }
0xa: {  	[smem:$0x3FAF] =	sst s2  }
0xb: {  	[smem:$0x3FB0] =	sst s3  }
0xc: {  	[smem:$0x3FB1] =	sst s4  }
0xd: {  	[smem:$0x3FB2] =	sst s5  }
0xe: {  	[smem:$0x3FB3] =	sst s6  }
0xf: {  	[smem:$0x3FB4] =	sst s7  }
0x10: {  	[smem:$0x3FB5] =	sst s8  }
0x11: {  	[smem:$0x3FB6] =	sst s9;
	s0 =	simm.s32 @!p0 $0x0  }
0x12: {  	s1 =	sld [smem:$0x3F9C];
	s0 =	simm.s32 @p0 $0x1  }
0x13: {  	[smem:$0x3FB7] =	sst s0;
	s0 =	simm.s32 @!p1 $0x0  }
0x14: {  	s2 =	sld [smem:$0x3F9B];
	s0 =	simm.s32 @p1 $0x1  }
0x15: {  	[smem:$0x3FB8] =	sst s0;
	s0 =	simm.s32 @!p2 $0x0  }
0x16: {  	s3 =	sld [smem:$0x3FDB];
	s0 =	simm.s32 @p2 $0x1  }
0x17: {  	s4 =	simm.s32 $0x1BF5;
	[smem:$0x3FBA] =	sst s0  }
0x18: {  	s0 =	sld [smem:$0x3F9D];
	_ =	swait.ge [sflag:s4], $0x0  }
0x19: {  	s7 =	sld [smem:$0x3F9E]  }
0x1a: {  	s8 =	sadd.s32 $0xFFFFE003, lr  }
0x1b: {  	s9 =	sadd.s32 $0xFFFFFEF7, lr;
	s5 =	simm.s32 $0xFFFFFFFF;
	p2 =	slt.u32 s8, $0xFFFFF086  }
0x1c: {  	p1 =	slt.u32 s9, $0xF7A;
	s5 =	simm.s32 @!p2 $0x0  }
0x1d: {  	s5 =	simm.s32 @p1 $0x1;
	p0 =	seq.s32 s7, s2  }
0x1e: {  	s7 =	smul.u32 @!p0 $0xF7A, s2;
	p2 =	seq.s32 @!p0 s5, $0x0  }
0x1f: {  	s9 =	smul.u32 $0xF7A, s1;
	s8 =	simm.s32 @!p0 $0x1BF5;
	p2 =	por !p2, p0  }
0x20: {  	[sflag:s8] =	ssyncset.s32 @!p0 $0xFFFFF086;
	s6 =	sadd.s32 @!p0 s3, s7;
	s7 =	simm.s32 @!p0 $0x108  }
0x21: {  	s3 =	sadd.s32 s3, s9;
	s6 =	sadd.s32 @!p0 $0x88, s6;
	s7 =	simm.s32 @p2 $0x1082  }
0x22: {  	[simem:s7], [sflag:s8] =	dma.local @!p0 [hbm:s6], $0xF7A  }
0x23: {  	s9 =	sor.u32 $0xD0000000, s2;
	s6 =	simm.s32 $0x108;
	_ =	swait.ge @!p0 [sflag:s8], $0x0  }
0x24: {  	s3 =	sadd.s32 $0x88, s3;
	s6 =	simm.s32 @!p1 $0x1082;
	[sflag:s4] =	ssyncset.s32 $0xFFFFF086  }
0x25: {  	[simem:s6], [sflag:s4] =	dma.local [hbm:s3], $0xF7A  }
0x26: {  	[smem:$0x3F9E] =	sst s1;
	(tag) =	ssettag s2;
	_ =	strace s9  }
0x27: {  	s1 =	sld [smem:$0x3FAE]  }
0x28: {  	s2 =	sld [smem:$0x3FAF]  }
0x29: {  	s4 =	sld [smem:$0x3FB1]  }
0x2a: {  	p0 =	seq.s32 s5, $0x0;
	s5 =	sld [smem:$0x3FB2]  }
0x2b: {  	s6 =	sld [smem:$0x3FB3]  }
0x2c: {  	s7 =	sld [smem:$0x3FB4]  }
0x2d: {  	s3 =	simm.s32 $0x108;
	s8 =	sld [smem:$0x3FB5]  }
0x2e: {  	s3 =	simm.s32 @!p0 $0x1082;
	s9 =	sld [smem:$0x3FB6]  }
0x2f: {  	lr =	sadd.s32 s0, s3;
	s0 =	sld [smem:$0x3FAD]  }
0x30: {  	s3 =	sld [smem:$0x3FB0]  }
0x31: {  	[smem:$0x3FB9] =	sst s10  }
0x32: {  	s10 =	sld [smem:$0x3FB7];
	_ =	sdelay $0x3  }
0x33: {  	p0 =	seq.s32 s10, $0x1;
	s10 =	sld [smem:$0x3FB9];
	_ =	sdelay $0x3  }
0x34: {  	[smem:$0x3FB9] =	sst s10  }
0x35: {  	s10 =	sld [smem:$0x3FB8];
	_ =	sdelay $0x3  }
0x36: {  	p1 =	seq.s32 s10, $0x1;
	s10 =	sld [smem:$0x3FB9];
	_ =	sdelay $0x3  }
0x37: {  	[smem:$0x3FB9] =	sst s10  }
0x38: {  	s10 =	sld [smem:$0x3FBA]  }
0x39: {  	_ = 	snop;
	(pc) =	sbr.ind lr, $3  }
0x3a: {  	_ = 	snop  }
0x3b: {  	_ = 	snop  }
0x3c: {  	p2 =	seq.s32 s10, $0x1;
	s10 =	sld [smem:$0x3FB9]  }
0x3d: {  	_ =	shalt  }
0x3e: {  	_ =	shalt  }
0x3f: {  	_ =	shalt  }
0x40: {  	_ =	shalt  }
0x41: {  	_ =	shalt  }
0x42: {  	_ =	shalt  }
0x43: {  	_ =	shalt  }
0x44: {  	_ =	shalt  }
0x45: {  	_ =	shalt  }
0x46: {  	_ =	shalt  }
0x47: {  	_ =	shalt  }
0x48: {  	_ =	shalt  }
0x49: {  	_ =	shalt  }
0x4a: {  	_ =	shalt  }
0x4b: {  	_ =	shalt  }
0x4c: {  	_ =	shalt  }
0x4d: {  	_ =	shalt  }
0x4e: {  	_ =	shalt  }
0x4f: {  	_ =	shalt  }
0x50: {  	_ =	shalt  }
0x51: {  	_ =	shalt  }
0x52: {  	_ =	shalt  }
0x53: {  	_ =	shalt  }
0x54: {  	_ =	shalt  }
0x55: {  	_ =	shalt  }
0x56: {  	_ =	shalt  }
0x57: {  	_ =	shalt  }
0x58: {  	_ =	shalt  }
0x59: {  	_ =	shalt  }
0x5a: {  	_ =	shalt  }
0x5b: {  	_ =	shalt  }
0x5c: {  	_ =	shalt  }
0x5d: {  	_ =	shalt  }
0x5e: {  	_ =	shalt  }
0x5f: {  	_ =	shalt  }
0x60: {  	_ =	shalt  }
0x61: {  	_ =	shalt  }
0x62: {  	_ =	shalt  }
0x63: {  	_ =	shalt  }
0x64: {  	_ =	shalt  }
0x65: {  	_ =	shalt  }
0x66: {  	_ =	shalt  }
0x67: {  	_ =	shalt  }
0x68: {  	_ =	shalt  }
0x69: {  	_ =	shalt  }
0x6a: {  	_ =	shalt  }
0x6b: {  	_ =	shalt  }
0x6c: {  	_ =	shalt  }
0x6d: {  	_ =	shalt  }
0x6e: {  	_ =	shalt  }
0x6f: {  	_ =	shalt  }
0x70: {  	_ =	shalt  }
0x71: {  	_ =	shalt  }
0x72: {  	_ =	shalt  }
0x73: {  	_ =	shalt  }
0x74: {  	_ =	shalt  }
0x75: {  	_ =	shalt  }
0x76: {  	_ =	shalt  }
0x77: {  	_ =	shalt  }
0x78: {  	_ =	shalt  }
0x79: {  	_ =	shalt  }
0x7a: {  	_ =	shalt  }
0x7b: {  	_ =	shalt  }
0x7c: {  	_ =	shalt  }
0x7d: {  	_ =	shalt  }
0x7e: {  	_ =	shalt  }
0x7f: {  	_ =	shalt  }
0x80: {  	_ =	shalt  }
0x81: {  	_ =	shalt  }
0x82: {  	_ =	shalt  }
0x83: {  	_ =	shalt  }
0x84: {  	_ =	shalt  }
0x85: {  	_ =	shalt  }
0x86: {  	_ =	shalt  }
0x87: {  	_ =	shalt  }
.Lfunc_end0:
.L_simem_size_0:
called_computation_lowered:
.L_overlay_start_0:
0x88: {  	s2 =	sld [smem:$0x3FD9]  }
0x89: {  	s3 =	sld [smem:$0x3FFE];
	_ =	sdelay $0x1  }
0x8a: {  	s1 =	srdreg.scid  }
0x8b: {  	s0 =	sand.u32 $0x1, s1  }
0x8c: {  	s17 =	sshll.u32 s0, $0xA;
	s2 =	sadd.s32 s3, s2  }
0x8d: {  	s2 =	sadd.s32 s2, s17  }
0x8e: {  	[smem:$0x3FC5] =	sst s2  }
0x8f: {  	_ = 	snop  }
0x90: {  	s2 =	sld [smem:$0x3FD0];
	(tm) =	ssettm $0x1  }
0x91: {  	s18 =	sld [smem:$0x3FFB];
	_ =	sdelay $0x3  }
0x92: {  	_ =	strace s18  }
0x93: {  	s3 =	sld [smem:$0x3FFC];
	_ =	sdelay $0x3  }
0x94: {  	_ =	strace s3  }
0x95: {  	s3 =	sld [smem:$0x3FFD];
	_ =	sdelay $0x3  }
0x96: {  	_ =	strace s3  }
0x97: {  	_ =	strace $0x8FFFFFFF  }
0x98: {  	s19 =	sld [smem:$0x3FDB];
	_ =	sdelay $0x1  }
0x99: {  	s4 =	simm.s32 $_scs_section_size  }
0x9a: {  	s5 =	simm.s32 $_size__tile_overlayer_lowered;
	s6 =	simm.s32 $_tile_overlayer_lowered  }
0x9b: {  	s22 =	simm.s32 $0x1BFF;
	s21 =	sshll.u32 s6, $0x1;
	s3 =	sadd.s32 s4, s19  }
0x9c: {  	s7 =	simm.s32 $0x0;
	s20 =	sshll.u32 s5, $0x1;
	s5 =	sadd.s32 s21, s3  }
0x9d: {  	[timem:s7], [sflag:s22] =	dma.local [hbm:s5], s20  }
0x9e: {  	_ =	swait.ge [sflag:s22], s20  }
0x9f: {  	s4 =	ssub.s32 $0x0, s20;
	[sflag:s22] =	ssyncset.done $0x0  }
0xa0: {  	[sflag:s22] =	ssyncadd.s32 s4;
	_ =	sdelay $0x1  }
0xa1: {  	s23 =	simm.s32 $0x1B8B  }
0xa2: {  	_ =	swait.ge [sflag:s23], $0x1  }
0xa3: {  	[sflag:s23] =	ssyncset.done $0x0  }
0xa4: {  	s25 =	simm.s32 $0x1B8E;
	s24 =	sld [smem:$0x3FFE];
	[sflag:s23] =	ssyncadd.s32 $0xFFFFFFFF  }
0xa5: {  	s26 =	simm.s32 $execute0_lowered;
	[smem:$0x3FD2] =	sst s25  }
0xa6: {  	s5 =	sshll.u32 s26, $0x1;
	_ =	strace $0x80000046;
	[dreg:$0x1] =	wrdreg $0xFFFFFFFF  }
0xa7: {  	s28 =	simm.s32 $_size_execute0_lowered;
	s3 =	sadd.s32 s3, s5;
	[dreg:$0x0] =	wrdreg $0x0  }
0xa8: {  	s5 =	sshll.u32 s28, $0x1;
	[dreg:$0x2] =	wrdreg s3  }
0xa9: {  	[dreg:$0x3] =	wrdreg s5  }
0xaa: {  	[dreg:$0x4] =	wrdreg $0xC0  }
0xab: {  	_ =	task [dreg:s7], $0x5FFFF  }
0xac: {  	[dreg:$0x1] =	wrdreg $0xFFFFFFFF  }
0xad: {  	[dreg:$0x0] =	wrdreg $0x60  }
0xae: {  	[dreg:$0x2] =	wrdreg s24  }
0xaf: {  	[dreg:$0x3] =	wrdreg s2  }
0xb0: {  	[dreg:$0x4] =	wrdreg $0x9  }
0xb1: {  	_ =	task.clear_ibuf [dreg:s7], $0x5FFFF;
	_ =	strace $0x90000046  }
0xb2: {  	s29 =	simm.s32 $0x9;
	_ =	strace $0x80000048  }
0xb3: {  	_ =	swait.ge [sflag:s29], $0x1  }
0xb4: {  	[sflag:s29] =	ssyncadd.s32 $0xFFFFFFFF  }
0xb5: {  	_ =	strace $0x90000048  }
0xb6: {  	_ =	sfence  }
0xb7: {  	s30 =	sld [smem:$0x0];
	_ =	sdelay $0x2  }
0xb8: {  	s31 =	sshll.u32 s1, $0xD;
	s1 =	sshrl.u32 s1, $0x2  }
0xb9: {  	s3 =	sand.u32 $0x4000, s31;
	s1 =	sadd.s32 s1, s30  }
0xba: {  	s0 =	sor.u32 s3, s0;
	s1 =	sshll.u32 s1, $0x11  }
0xbb: {  	s0 =	sor.u32 s1, s0  }
0xbc: {  	s0 =	sadd.s32 $0x8F2B, s0  }
0xbd: {  	[sflag:s0] =	ssyncadd.remote.s32 $0x1  }
0xbe: {  	_ =	sfence.sel $0xFFFF  }
0xbf: {  	[dreg:$0x0] =	wrdreg $0xFFFFFFFF;
	(pc) =	sbr.abs _section_cstart, $3  }
0xc0: {  	[dreg:$0x1] =	wrdreg $0xFFFFFFFF  }
0xc1: {  	_ =	task.clear_ibuf [dreg:s7], $0x2FFFF;
	_ =	strace $0x9FFFFFFF  }
0xc2: {  	(tm) =	ssettm $0x7FFFFFFF  }
0xc3: {  	_ =	shalt  }
tec
execute0_lowered:
.L_overlay_start_1:
0x0: {  	(tag) =	ssettag $0x1  }
0x1: {  	s0 =	rddreg [dreg:$0x0]  }
0x2: {  	s1 =	rddreg [dreg:$0x1];
	s2 =	simm.s32 $0x0;
	s3 =	srdreg.scid  }
0x3: {  	s5 =	stileid.u32;
	s13 =	simm.s32 $0x5A00;
	s3 =	sand.u32 $0x1, s3  }
0x4: {  	[smem:$0x7FF] =	sst s2;
	s4 =	sadd.s32 $0x9C00, s0;
	s6 =	ssub.s32 $0x2, s3  }
0x5: {  	s8 =	sshll.u32 s5, $0x1;
	s5 =	sadd.s32 $0xC00, s0;
	s7 =	sshrl.u32 s6, $0x1  }
0x6: {  	_ =	strace $0x80000047;
	s3 =	sor.u32 s3, s8;
	s9 =	ssub.s32 s6, s7  }
0x7: {  	s6 =	sadd.s32 $0x1BC00, s0;
	s7 =	smul.u32 $0x6, s3;
	s31 =	smax.u32 s9, $0x1  }
0x8: {  	v0 =	vlaneseq.u32;
	v1 =	vimm.s32 $0x0;
	v2 =	vimm.s32 $0x12000;
	s3 =	simm.s32 $0x0;
	s9 =	simm.s32 $0x1;
	[dreg:$0x3] =	wrdreg s31  }
.LBB2_1:
0x9: {  	[dreg:$0x4] =	wrdreg s3;
	s15 =	simm.s32 $0x0  }
.LBB2_2:
0xa: {  	s0 =	sadd.s32 s7, s15  }
0xb: {  	s3 =	smulhi.u32 $0xAAAAAAAB, s0;
	_ =	sdelay $0x1  }
0xc: {  	s18 =	sshrl.u32 s3, $0x6  }
0xd: {  	s8 =	smul.u32 $0xFFFFFFA0, s18;
	_ =	sdelay $0x1  }
0xe: {  	s11 =	smul.u32 $0x48000, s18;
	s16 =	sadd.s32 s0, s8  }
0xf: {  	s0 =	smul.u32 $0x600, s16;
	_ =	sdelay $0x1  }
0x10: {  	s3 =	sshrl.u32 s3, $0x5;
	s8 =	sadd.s32 s11, s0  }
0x11: {  	s17 =	sor.u32 $0x1, s3;
	s8 =	sshrl.u32 s8, $0x3  }
0x12: {  	s24 =	simm.s32 $0x0;
	s14 =	smul.u32 $0x24000, s17;
	s12 =	sadd.s32 s4, s8  }
0x13: {  	[tilespmem:s24], [sflag:$0x1] =	stream.linear.gather [hbm4b:s12+s24], $0x600, $0x38;
	[tilespmem:$0x7200] =	vst v63  }
0x14: {  	s19 =	sadd.s32 s0, s14;
	_ =	swait.ge [sflag:s9], $0x600  }
0x15: {  	s25 =	simm.s32 $0x600;
	s3 =	sshrl.u32 s19, $0x3;
	[sflag:s9] =	ssyncset.done $0x0  }
0x16: {  	s20 =	smul.u32 $0x24000, s18;
	s3 =	sadd.s32 s4, s3;
	[sflag:s9] =	ssyncadd.s32 $0xFFFFFA00  }
0x17: {  	[tilespmem:s25], [sflag:$0x1] =	stream.linear.gather [hbm4b:s3+s24], $0x600, $0x38;
	[tilespmem:$0x7200] =	vst v63  }
0x18: {  	s21 =	smul.u32 $0xAB, s24;
	s0 =	sadd.s32 s20, s0;
	_ =	swait.ge [sflag:s9], $0x600  }
0x19: {  	s26 =	simm.s32 $0xC00;
	s0 =	sshrl.u32 s0, $0x3;
	[sflag:s9] =	ssyncset.done $0x0  }
0x1a: {  	s22 =	sshrl.u32 s21, $0xC;
	s0 =	sadd.s32 s5, s0;
	[sflag:s9] =	ssyncadd.s32 $0xFFFFFA00  }
0x1b: {  	[tilespmem:s26], [sflag:$0x1] =	stream.linear.gather [hbm4b:s0+s24], $0x600, $0x38;
	[tilespmem:$0x7200] =	vst v63  }
0x1c: {  	s29 =	simm.s32 $0x1;
	s0 =	sand.u32 $0xF, s22  }
0x1d: {  	s30 =	simm.s32 $0x2A10;
	s31 =	simm.s32 $0x5A10;
	s23 =	smul.u32 $0x18, s0  }
0x1e: {  	s21 =	simm.s32 $0x1200;
	s28 =	sshll.u32 s16, $0x2;
	s20 =	simm.s32 $0x5A00  }
0x1f: {  	s14 =	simm.s32 $0x0;
	s19 =	simm.s32 $0x2A00;
	s3 =	ssub.s32 $0x0, s23  }
0x20: {  	s8 =	simm.s32 $0x4210;
	_ =	swait.ge [sflag:s9], $0x600;
	s3 =	sand.u32 $0xFF, s3  }
0x21: {  	s0 =	sadd.s32 s0, s28;
	[sflag:s9] =	ssyncset.done $0x0;
	s3 =	sshll.u32 s3, $0x4  }
0x22: {  	s22 =	simm.s32 $0x4200;
	s10 =	scvt.s32.f32 s0;
	[sflag:s9] =	ssyncadd.s32 $0xFFFFFA00;
	v3 =	vor.u32 s3, v0  }
0x23: {  	s0 =	simm.s32 $0xC10;
	s23 =	simm.s32 $0x0;
	v4 =	vld [tilespmem:s25+$0x0];
	s3 =	simm.s32 $0x1210;
	v3 =	vcvt.s32.f32 v3  }
.LBB2_3:
0x24: {  	v5 =	vld [tilespmem:s24+$0x0];
	s14 =	sadd.s32 $0x10, s14;
	s24 =	sadd.s32 $0x10, s24;
	s25 =	sadd.s32 $0x10, s25  }
0x25: {  	p0 =	sne.s32 s29, $0x5F;
	s11 =	smov.u32 s29;
	s29 =	sadd.s32 $0x1, s29;
	v6 =	vld [tilespmem:s26+$0x0]  }
0x26: {  	s26 =	smov.u32 s0;
	_ =	sdelay $0x1  }
0x27: {  	v4 =	vadd.f32 s10, v4  }
0x28: {  	v3 =	vadd.f32 v3, v5  }
0x29: {  	v5 =	vtrunc.f32 v4;
	v6 =	vmul.f32 $1.442695020e+00, v6  }
0x2a: {  	v7 =	vtrunc.f32 v3;
	v8 =	vcvt.f32.s32 v5;
	vm0 =	vlt.f32 v4, v5  }
0x2b: {  	v5 =	vcvt.f32.s32 v7;
	vm1 =	vlt.f32 v3, v7;
	v7 =	vsel vm0, $0xFFFFFFFF, v1  }
0x2c: {  	s10 =	smul.u32 $0xAB, s11;
	v9 =	vsel vm1, $0xFFFFFFFF, v1;
	v7 =	vadd.s32 v8, v7;
	(erf) = vpow2.f32 v6  }
0x2d: {  	v5 =	vadd.s32 v5, v9;
	v6 =	vcvt.s32.f32 v7;
	v8 =	vadd.s32 $0x1, v7  }
0x2e: {  	s10 =	sshrl.u32 s10, $0xC;
	vm1 =	vlt.u32 v7, $0x180;
	v9 =	vcvt.s32.f32 v5;
	vm2 =	vgt.s32 v8, $0x0  }
0x2f: {  	s10 =	sand.u32 $0xF, s10;
	v10 =	vadd.s32 $0x1, v5;
	vm0 =	vlt.u32 v5, $0x180;
	vm3 =	vgt.s32 v5, $0x0  }
0x30: {  	s12 =	smul.u32 $0x18, s10;
	s10 =	sadd.s32 s10, s28;
	vm4 =	vgt.s32 v7, $0x0;
	v4 =	vsub.f32 v4, v6;
	v3 =	vsub.f32 v3, v9  }
0x31: {  	vm5 =	vgt.s32 v10, $0x0;
	v6 =	vnsel vm4, $0x0, v7;
	v7 =	vnsel vm2, $0x0, v8  }
0x32: {  	s11 =	ssub.s32 s11, s12;
	v6 =	vmin.u32 v6, $0x17F;
	v9 =	vsub.f32 $1.000000000e+00, v4;
	v11 =	vmul.f32 v4, v3  }
0x33: {  	s11 =	sand.u32 $0xFF, s11;
	v5 =	vnsel vm3, $0x0, v5;
	vm2 =	vmand vm0, vm1;
	v12 =	vnsel vm5, $0x0, v10  }
0x34: {  	s11 =	sshll.u32 s11, $0x4;
	v5 =	vmin.u32 v5, $0x17F;
	v13 =	vsub.f32 $1.000000000e+00, v3;
	v14 =	vmul.f32 v9, v3  }
0x35: {  	s10 =	scvt.s32.f32 s10;
	vm3 =	vlt.u32 v10, $0x180;
	v6 =	vmul.u32 $0x180, v6;
	v3 =	vor.u32 s11, v0;
	v10 =	vpop (erf)  }
0x36: {  	v7 =	vmin.u32 v7, $0x17F;
	vm4 =	vmand vm3, vm1;
	v3 =	vcvt.s32.f32 v3  }
0x37: {  	vm1 =	vlt.u32 v8, $0x180;
	v8 =	vmin.u32 v12, $0x17F;
	v7 =	vmul.u32 $0x180, v7  }
0x38: {  	vm3 =	vmand vm3, vm1;
	v9 =	vmul.f32 v9, v13;
	v4 =	vmul.f32 v4, v13  }
0x39: {  	v12 =	vadd.s32 v5, v6;
	v13 =	vmul.f32 v14, v10;
	v14 =	vadd.s32 v8, v7  }
0x3a: {  	v6 =	vadd.s32 v8, v6;
	v9 =	vmul.f32 v9, v10;
	vm5 =	vlt.u32 v14, $0x12000  }
0x3b: {  	vm6 =	vlt.u32 v12, $0x12000;
	vm7 =	vlt.u32 v6, $0x12000;
	v8 =	vmul.f32 v11, v10  }
0x3c: {  	v5 =	vadd.s32 v5, v7;
	v7 =	vnsel vm6, $0x0, v12;
	v9 =	vnsel vm2, $0x0, v9  }
0x3d: {  	v11 =	vnsel vm4, $0x0, v13;
	v8 =	vnsel vm3, $0x0, v8;
	[tilespmem:s21+$0x0] =	vst v7;
	v7 =	vnsel vm6, $0x0, v9;
	s21 =	smov.u32 s3  }
0x3e: {  	s11 =	sand.u32 $0x7F0, s23;
	s23 =	smov.u32 s14;
	v4 =	vmul.f32 v4, v10;
	vm2 =	vlt.u32 v5, $0x12000;
	[tilespmem:s22+$0x0] =	vst v7;
	v7 =	vnsel vm5, $0x0, v8;
	s22 =	smov.u32 s8  }
0x3f: {  	v10 =	vnsel vm7, $0x0, v6;
	v13 =	vnsel vm7, $0x0, v11;
	v15 =	vnsel vm2, $0x0, v5;
	[tilespmem:s11+$0x5400] =	vst v7  }
0x40: {  	vm0 =	vmand vm0, vm1;
	v7 =	vnsel vm5, $0x0, v14;
	[tilespmem:s11+$0x1800] =	vst v10;
	v10 =	vmax.u32 v12, $0x12000  }
0x41: {  	v16 =	vmax.u32 v5, $0x12000;
	v4 =	vnsel vm0, $0x0, v4;
	[tilespmem:s11+$0x4800] =	vst v13;
	v13 =	vmax.u32 v6, $0x12000  }
0x42: {  	v17 =	vmax.u32 v14, $0x12000;
	[tilespmem:s11+$0x1E00] =	vst v15;
	v15 =	vnsel vm2, $0x0, v4  }
0x43: {  	[tilespmem:s11+$0x2400] =	vst v7  }
0x44: {  	vm0 =	vgt.u32 v12, $0x11FFF;
	v7 =	vsub.s32 v10, v2;
	[tilespmem:s11+$0x4E00] =	vst v15  }
0x45: {  	[tilespmem:s19+$0x0] =	vst v7;
	v7 =	vnsel vm0, $0x0, v9;
	s19 =	smov.u32 s30  }
0x46: {  	vm0 =	vgt.u32 v6, $0x11FFF;
	v6 =	vsub.s32 v13, v2;
	[tilespmem:s20+$0x0] =	vst v7;
	s20 =	smov.u32 s31  }
0x47: {  	[tilespmem:s11+$0x3000] =	vst v6;
	v6 =	vnsel vm0, $0x0, v11  }
0x48: {  	vm0 =	vgt.u32 v5, $0x11FFF;
	v5 =	vsub.s32 v16, v2;
	[tilespmem:s11+$0x6000] =	vst v6  }
.Ltmp0:
0x49: {  	v4 =	vnsel vm0, $0x0, v4;
	[tilespmem:s11+$0x3600] =	vst v5;
	(pc) =	sbr.rel @p0 .LBB2_3-.Ltmp0, $4  }
0x4a: {  	vm0 =	vgt.u32 v14, $0x11FFF;
	[tilespmem:s11+$0x6600] =	vst v4;
	v4 =	vsub.s32 v17, v2  }
0x4b: {  	[tilespmem:s11+$0x3C00] =	vst v4;
	v4 =	vnsel vm0, $0x0, v8  }
0x4c: {  	s30 =	sadd.s32 $0x10, s30;
	s31 =	sadd.s32 $0x10, s31;
	[tilespmem:s11+$0x6C00] =	vst v4  }
0x4d: {  	s0 =	sadd.s32 $0x10, s0;
	s3 =	sadd.s32 $0x10, s3;
	s8 =	sadd.s32 $0x10, s8;
	v4 =	vld [tilespmem:s25+$0x0]  }
0x4e: {  	v5 =	vld [tilespmem:s24+$0x0]  }
0x4f: {  	v6 =	vld [tilespmem:s26+$0x0];
	_ =	sdelay $0x2  }
0x50: {  	v4 =	vadd.f32 s10, v4  }
0x51: {  	v3 =	vadd.f32 v3, v5  }
0x52: {  	v6 =	vmul.f32 $1.442695020e+00, v6;
	v39 =	vtrunc.f32 v4  }
0x53: {  	v7 =	vtrunc.f32 v3;
	v8 =	vcvt.f32.s32 v39;
	vm0 =	vlt.f32 v4, v39  }
0x54: {  	v40 =	vcvt.f32.s32 v7;
	vm1 =	vlt.f32 v3, v7;
	v41 =	vsel vm0, $0xFFFFFFFF, v1  }
0x55: {  	(erf) = vpow2.f32 v6;
	v9 =	vsel vm1, $0xFFFFFFFF, v1;
	v7 =	vadd.s32 v8, v41  }
0x56: {  	v5 =	vadd.s32 v40, v9;
	v42 =	vcvt.s32.f32 v7;
	v8 =	vadd.s32 $0x1, v7  }
0x57: {  	vm11 =	vlt.u32 v7, $0x180;
	vm4 =	vgt.s32 v7, $0x0;
	v9 =	vcvt.s32.f32 v5  }
0x58: {  	vm2 =	vgt.s32 v8, $0x0;
	v10 =	vadd.s32 $0x1, v5;
	vm0 =	vlt.u32 v5, $0x180  }
0x59: {  	vm3 =	vgt.s32 v5, $0x0;
	v43 =	vnsel vm4, $0x0, v7;
	vm15 =	vlt.u32 v8, $0x180  }
0x5a: {  	v4 =	vsub.f32 v4, v42;
	vm5 =	vgt.s32 v10, $0x0;
	v44 =	vnsel vm2, $0x0, v8  }
0x5b: {  	v6 =	vmin.u32 v43, $0x17F;
	v5 =	vnsel vm3, $0x0, v5;
	v3 =	vsub.f32 v3, v9  }
0x5c: {  	vm12 =	vmand vm0, vm11;
	vm13 =	vlt.u32 v10, $0x180;
	v12 =	vnsel vm5, $0x0, v10  }
0x5d: {  	v5 =	vmin.u32 v5, $0x17F;
	v45 =	vsub.f32 $1.000000000e+00, v4;
	v13 =	vsub.f32 $1.000000000e+00, v3  }
0x5e: {  	v6 =	vmul.u32 $0x180, v6;
	v7 =	vmin.u32 v44, $0x17F;
	vm14 =	vmand vm13, vm11  }
0x5f: {  	vm3 =	vmand vm13, vm15;
	v48 =	vmin.u32 v12, $0x17F;
	v46 =	vmul.f32 v45, v13  }
0x60: {  	v7 =	vmul.u32 $0x180, v7;
	v11 =	vmul.f32 v4, v3;
	v49 =	vadd.s32 v5, v6;
	v47 =	vpop (erf)  }
0x61: {  	v6 =	vadd.s32 v48, v6;
	v3 =	vmul.f32 v45, v3;
	v8 =	vmul.f32 v46, v47  }
0x62: {  	v14 =	vadd.s32 v48, v7;
	vm8 =	vlt.u32 v49, $0x12000;
	v11 =	vmul.f32 v11, v47  }
0x63: {  	v50 =	vnsel vm8, $0x0, v49;
	vm9 =	vlt.u32 v14, $0x12000;
	v8 =	vnsel vm12, $0x0, v8  }
0x64: {  	v3 =	vmul.f32 v3, v47;
	[tilespmem:s21+$0x0] =	vst v50;
	v11 =	vnsel vm3, $0x0, v11;
	v51 =	vnsel vm8, $0x0, v8  }
0x65: {  	s0 =	sand.u32 $0x7F0, s23;
	vm10 =	vlt.u32 v6, $0x12000;
	v4 =	vmul.f32 v4, v13;
	v52 =	vnsel vm9, $0x0, v11;
	[tilespmem:s22+$0x0] =	vst v51  }
0x66: {  	v5 =	vadd.s32 v5, v7;
	v53 =	vnsel vm10, $0x0, v6;
	v3 =	vnsel vm14, $0x0, v3;
	[tilespmem:s0+$0x5400] =	vst v52  }
0x67: {  	vm11 =	vlt.u32 v5, $0x12000;
	v4 =	vmul.f32 v4, v47;
	v54 =	vnsel vm10, $0x0, v3;
	[tilespmem:s0+$0x1800] =	vst v53  }
0x68: {  	vm0 =	vmand vm0, vm15;
	v55 =	vnsel vm11, $0x0, v5;
	[tilespmem:s0+$0x4800] =	vst v54  }
0x69: {  	v56 =	vnsel vm9, $0x0, v14;
	v4 =	vnsel vm0, $0x0, v4;
	[tilespmem:s0+$0x1E00] =	vst v55  }
0x6a: {  	v57 =	vmax.u32 v49, $0x12000;
	v58 =	vnsel vm11, $0x0, v4;
	[tilespmem:s0+$0x2400] =	vst v56  }
0x6b: {  	v7 =	vsub.s32 v57, v2;
	vm12 =	vgt.u32 v49, $0x11FFF;
	[tilespmem:s0+$0x4E00] =	vst v58  }
0x6c: {  	v59 =	vmax.u32 v6, $0x12000;
	v60 =	vnsel vm12, $0x0, v8;
	[tilespmem:s19+$0x0] =	vst v7  }
0x6d: {  	s3 =	smul.u32 $0xC0, s18;
	vm13 =	vgt.u32 v6, $0x11FFF;
	v61 =	vsub.s32 v59, v2;
	[tilespmem:s20+$0x0] =	vst v60  }
0x6e: {  	v62 =	vmax.u32 v5, $0x12000;
	v3 =	vnsel vm13, $0x0, v3;
	[tilespmem:s0+$0x3000] =	vst v61  }
0x6f: {  	s3 =	sadd.s32 s3, s16;
	vm14 =	vgt.u32 v5, $0x11FFF;
	[tilespmem:s0+$0x6000] =	vst v3;
	v3 =	vsub.s32 v62, v2  }
0x70: {  	s3 =	smul.u32 $0x1800, s3;
	v63 =	vmax.u32 v14, $0x12000;
	[tilespmem:s0+$0x3600] =	vst v3;
	v3 =	vnsel vm14, $0x0, v4  }
0x71: {  	vm15 =	vgt.u32 v14, $0x11FFF;
	[tilespmem:s0+$0x6600] =	vst v3;
	v3 =	vsub.s32 v63, v2  }
0x72: {  	s3 =	sshrl.u32 s3, $0x3;
	[tilespmem:s0+$0x3C00] =	vst v3;
	v3 =	vnsel vm15, $0x0, v11  }
0x73: {  	s8 =	simm.s32 $0x1200;
	s26 =	smul.u32 $0x60, s17;
	s24 =	sadd.s32 s1, s3;
	[tilespmem:s0+$0x6C00] =	vst v3  }
0x74: {  	[hbm4b:s24+s2] =	stream.linear.scatter [tilespmem:s8], [sflag:$0x1], $0x1800, $0x38;
	[tilespmem:$0x7200] =	vst v63  }
0x75: {  	_ =	swait.ge [sflag:s9], $0x1800  }
0x76: {  	s28 =	simm.s32 $0x4200;
	s29 =	sadd.s32 s16, s26;
	[sflag:s9] =	ssyncset.done $0x0  }
0x77: {  	s25 =	sadd.s32 s6, s3;
	s0 =	smul.u32 $0x1800, s29;
	[sflag:s9] =	ssyncadd.s32 $0xFFFFE800  }
0x78: {  	[hbm4b:s25+s2] =	stream.linear.scatter [tilespmem:s28], [sflag:$0x1], $0x1800, $0x38;
	[tilespmem:$0x7200] =	vst v63  }
0x79: {  	_ =	swait.ge [sflag:s9], $0x1800  }
0x7a: {  	s0 =	sshrl.u32 s0, $0x3;
	[sflag:s9] =	ssyncset.done $0x0  }
0x7b: {  	s31 =	simm.s32 $0x2A00;
	s30 =	sadd.s32 s1, s0;
	[sflag:s9] =	ssyncadd.s32 $0xFFFFE800  }
0x7c: {  	[hbm4b:s30+s2] =	stream.linear.scatter [tilespmem:s31], [sflag:$0x1], $0x1800, $0x38;
	[tilespmem:$0x7200] =	vst v63  }
0x7d: {  	s15 =	sadd.s32 $0x1, s15;
	_ =	swait.ge [sflag:s9], $0x1800  }
0x7e: {  	p0 =	sne.s32 s15, $0x6;
	[sflag:s9] =	ssyncset.done $0x0  }
.Ltmp1:
0x7f: {  	s0 =	sadd.s32 s6, s0;
	[sflag:s9] =	ssyncadd.s32 $0xFFFFE800;
	(pc) =	sbr.rel @p0 .LBB2_2-.Ltmp1, $4  }
0x80: {  	[hbm4b:s0+s2] =	stream.linear.scatter [tilespmem:s13], [sflag:$0x1], $0x1800, $0x38;
	[tilespmem:$0x7200] =	vst v63  }
0x81: {  	_ =	swait.ge [sflag:s9], $0x1800  }
0x82: {  	[sflag:s9] =	ssyncset.done $0x0  }
0x83: {  	[sflag:s9] =	ssyncadd.s32 $0xFFFFE800  }
0x84: {  	s3 =	rddreg [dreg:$0x4]  }
0x85: {  	s0 =	rddreg [dreg:$0x3];
	s3 =	sadd.s32 $0x1, s3  }
0x86: {  	p0 =	sne.s32 s3, s0  }
.Ltmp2:
0x87: {  	_ = 	snop;
	(pc) =	sbr.rel @p0 .LBB2_1-.Ltmp2, $1  }
0x88: {  	_ =	sdelay $0x3  }
0x89: {  	_ =	sfence.sel $0x180000  }
0x8a: {  	[bflag:$0x0] =	sbarrier.arrive $0xFFFF  }
0x8b: {  	_ =	strace $0x90000047  }
0x8c: {  	s0 =	stileid.u32;
	[bflag:$0x2] =	sbarrier.arrive $0xFFFF  }
0x8d: {  	p0 =	sne.s32 s0, $0x0;
	s0 =	rddreg [dreg:$0x2]  }
0x8e: {  	s0 =	sadd.s32 @!p0 $0x100000, s0  }
0x8f: {  	[sflag:s0] =	ssyncadd.tile.s32 @!p0 $0x1;
	_ =	shalt  }
.Lfunc_end2:
_tile_overlayer_lowered:
.L_overlay_start_2:
0x90: {  	(tag) =	ssettag $0x2  }
0x91: {  	s0 =	rddreg [dreg:$0x0];
	s2 =	stileid.u32  }
0x92: {  	s1 =	rddreg [dreg:$0x1];
	p0 =	sne.s32 s2, $0x0  }
0x93: {  	s3 =	rddreg [dreg:$0x2];
	[bflag:$0x3] =	sbarrier.arrive $0xFFFF;
	s2 =	simm.s32 @!p0 $0x1C01  }
0x94: {  	[timem:s3], [sflag:s2] =	dma.local @!p0 [hbm:s0], s1  }
0x95: {  	s0 =	simm.s32 @!p0 $0x1  }
0x96: {  	_ =	swait.ge @!p0 [sflag:s0], s1  }
0x97: {  	s1 =	ssub.s32 @!p0 $0x0, s1;
	[sflag:s0] =	ssyncset.done @!p0 $0x0  }
0x98: {  	[sflag:s0] =	ssyncadd.s32 @!p0 s1  }
0x99: {  	[bflag:$0x3] =	sbarrier.arrive $0xFFFF  }
0x9a: {  	_ =	shalt  }

// kernel: kernel.8.cloned.1.call-start
scs
__scs_entry_jumppad:
0x0: {  	(pc) =	sbr.rel $0x88, $3  }
0x1: {  	(tag) =	ssettag $0x0;
	lr =	simm.s32 $0x1  }
0x2: {  	[smem:$0x3F9E] =	sst lr;
	_ =	strace $0xD0000000  }
0x3: {  	_ = 	snop  }
0x4: {  	_ = 	snop  }
0x5: {  	_ = 	snop  }
0x6: {  	_ = 	snop  }
0x7: {  	_ = 	snop  }
__scs_overlays_trampoline_lowered:
0x8: {  	[smem:$0x3FAD] =	sst s0  }
0x9: {  	[smem:$0x3FAE] =	sst s1  }
0xa: {  	[smem:$0x3FAF] =	sst s2  }
0xb: {  	[smem:$0x3FB0] =	sst s3  }
0xc: {  	[smem:$0x3FB1] =	sst s4  }
0xd: {  	[smem:$0x3FB2] =	sst s5  }
0xe: {  	[smem:$0x3FB3] =	sst s6  }
0xf: {  	[smem:$0x3FB4] =	sst s7  }
0x10: {  	[smem:$0x3FB5] =	sst s8  }
0x11: {  	[smem:$0x3FB6] =	sst s9;
	s0 =	simm.s32 @!p0 $0x0  }
0x12: {  	s1 =	sld [smem:$0x3F9C];
	s0 =	simm.s32 @p0 $0x1  }
0x13: {  	[smem:$0x3FB7] =	sst s0;
	s0 =	simm.s32 @!p1 $0x0  }
0x14: {  	s2 =	sld [smem:$0x3F9B];
	s0 =	simm.s32 @p1 $0x1  }
0x15: {  	[smem:$0x3FB8] =	sst s0;
	s0 =	simm.s32 @!p2 $0x0  }
0x16: {  	s3 =	sld [smem:$0x3FDB];
	s0 =	simm.s32 @p2 $0x1  }
0x17: {  	s4 =	simm.s32 $0x1BF5;
	[smem:$0x3FBA] =	sst s0  }
0x18: {  	s0 =	sld [smem:$0x3F9D];
	_ =	swait.ge [sflag:s4], $0x0  }
0x19: {  	s7 =	sld [smem:$0x3F9E]  }
0x1a: {  	s8 =	sadd.s32 $0xFFFFE003, lr  }
0x1b: {  	s9 =	sadd.s32 $0xFFFFFEF7, lr;
	s5 =	simm.s32 $0xFFFFFFFF;
	p2 =	slt.u32 s8, $0xFFFFF086  }
0x1c: {  	p1 =	slt.u32 s9, $0xF7A;
	s5 =	simm.s32 @!p2 $0x0  }
0x1d: {  	s5 =	simm.s32 @p1 $0x1;
	p0 =	seq.s32 s7, s2  }
0x1e: {  	s7 =	smul.u32 @!p0 $0xF7A, s2;
	p2 =	seq.s32 @!p0 s5, $0x0  }
0x1f: {  	s9 =	smul.u32 $0xF7A, s1;
	s8 =	simm.s32 @!p0 $0x1BF5;
	p2 =	por !p2, p0  }
0x20: {  	[sflag:s8] =	ssyncset.s32 @!p0 $0xFFFFF086;
	s6 =	sadd.s32 @!p0 s3, s7;
	s7 =	simm.s32 @!p0 $0x108  }
0x21: {  	s3 =	sadd.s32 s3, s9;
	s6 =	sadd.s32 @!p0 $0x88, s6;
	s7 =	simm.s32 @p2 $0x1082  }
0x22: {  	[simem:s7], [sflag:s8] =	dma.local @!p0 [hbm:s6], $0xF7A  }
0x23: {  	s9 =	sor.u32 $0xD0000000, s2;
	s6 =	simm.s32 $0x108;
	_ =	swait.ge @!p0 [sflag:s8], $0x0  }
0x24: {  	s3 =	sadd.s32 $0x88, s3;
	s6 =	simm.s32 @!p1 $0x1082;
	[sflag:s4] =	ssyncset.s32 $0xFFFFF086  }
0x25: {  	[simem:s6], [sflag:s4] =	dma.local [hbm:s3], $0xF7A  }
0x26: {  	[smem:$0x3F9E] =	sst s1;
	(tag) =	ssettag s2;
	_ =	strace s9  }
0x27: {  	s1 =	sld [smem:$0x3FAE]  }
0x28: {  	s2 =	sld [smem:$0x3FAF]  }
0x29: {  	s4 =	sld [smem:$0x3FB1]  }
0x2a: {  	p0 =	seq.s32 s5, $0x0;
	s5 =	sld [smem:$0x3FB2]  }
0x2b: {  	s6 =	sld [smem:$0x3FB3]  }
0x2c: {  	s7 =	sld [smem:$0x3FB4]  }
0x2d: {  	s3 =	simm.s32 $0x108;
	s8 =	sld [smem:$0x3FB5]  }
0x2e: {  	s3 =	simm.s32 @!p0 $0x1082;
	s9 =	sld [smem:$0x3FB6]  }
0x2f: {  	lr =	sadd.s32 s0, s3;
	s0 =	sld [smem:$0x3FAD]  }
0x30: {  	s3 =	sld [smem:$0x3FB0]  }
0x31: {  	[smem:$0x3FB9] =	sst s10  }
0x32: {  	s10 =	sld [smem:$0x3FB7];
	_ =	sdelay $0x3  }
0x33: {  	p0 =	seq.s32 s10, $0x1;
	s10 =	sld [smem:$0x3FB9];
	_ =	sdelay $0x3  }
0x34: {  	[smem:$0x3FB9] =	sst s10  }
0x35: {  	s10 =	sld [smem:$0x3FB8];
	_ =	sdelay $0x3  }
0x36: {  	p1 =	seq.s32 s10, $0x1;
	s10 =	sld [smem:$0x3FB9];
	_ =	sdelay $0x3  }
0x37: {  	[smem:$0x3FB9] =	sst s10  }
0x38: {  	s10 =	sld [smem:$0x3FBA]  }
0x39: {  	_ = 	snop;
	(pc) =	sbr.ind lr, $3  }
0x3a: {  	_ = 	snop  }
0x3b: {  	_ = 	snop  }
0x3c: {  	p2 =	seq.s32 s10, $0x1;
	s10 =	sld [smem:$0x3FB9]  }
0x3d: {  	_ =	shalt  }
0x3e: {  	_ =	shalt  }
0x3f: {  	_ =	shalt  }
0x40: {  	_ =	shalt  }
0x41: {  	_ =	shalt  }
0x42: {  	_ =	shalt  }
0x43: {  	_ =	shalt  }
0x44: {  	_ =	shalt  }
0x45: {  	_ =	shalt  }
0x46: {  	_ =	shalt  }
0x47: {  	_ =	shalt  }
0x48: {  	_ =	shalt  }
0x49: {  	_ =	shalt  }
0x4a: {  	_ =	shalt  }
0x4b: {  	_ =	shalt  }
0x4c: {  	_ =	shalt  }
0x4d: {  	_ =	shalt  }
0x4e: {  	_ =	shalt  }
0x4f: {  	_ =	shalt  }
0x50: {  	_ =	shalt  }
0x51: {  	_ =	shalt  }
0x52: {  	_ =	shalt  }
0x53: {  	_ =	shalt  }
0x54: {  	_ =	shalt  }
0x55: {  	_ =	shalt  }
0x56: {  	_ =	shalt  }
0x57: {  	_ =	shalt  }
0x58: {  	_ =	shalt  }
0x59: {  	_ =	shalt  }
0x5a: {  	_ =	shalt  }
0x5b: {  	_ =	shalt  }
0x5c: {  	_ =	shalt  }
0x5d: {  	_ =	shalt  }
0x5e: {  	_ =	shalt  }
0x5f: {  	_ =	shalt  }
0x60: {  	_ =	shalt  }
0x61: {  	_ =	shalt  }
0x62: {  	_ =	shalt  }
0x63: {  	_ =	shalt  }
0x64: {  	_ =	shalt  }
0x65: {  	_ =	shalt  }
0x66: {  	_ =	shalt  }
0x67: {  	_ =	shalt  }
0x68: {  	_ =	shalt  }
0x69: {  	_ =	shalt  }
0x6a: {  	_ =	shalt  }
0x6b: {  	_ =	shalt  }
0x6c: {  	_ =	shalt  }
0x6d: {  	_ =	shalt  }
0x6e: {  	_ =	shalt  }
0x6f: {  	_ =	shalt  }
0x70: {  	_ =	shalt  }
0x71: {  	_ =	shalt  }
0x72: {  	_ =	shalt  }
0x73: {  	_ =	shalt  }
0x74: {  	_ =	shalt  }
0x75: {  	_ =	shalt  }
0x76: {  	_ =	shalt  }
0x77: {  	_ =	shalt  }
0x78: {  	_ =	shalt  }
0x79: {  	_ =	shalt  }
0x7a: {  	_ =	shalt  }
0x7b: {  	_ =	shalt  }
0x7c: {  	_ =	shalt  }
0x7d: {  	_ =	shalt  }
0x7e: {  	_ =	shalt  }
0x7f: {  	_ =	shalt  }
0x80: {  	_ =	shalt  }
0x81: {  	_ =	shalt  }
0x82: {  	_ =	shalt  }
0x83: {  	_ =	shalt  }
0x84: {  	_ =	shalt  }
0x85: {  	_ =	shalt  }
0x86: {  	_ =	shalt  }
0x87: {  	_ =	shalt  }
.Lfunc_end0:
.L_simem_size_0:
called_computation.1_lowered:
.L_overlay_start_0:
0x88: {  	s2 =	sld [smem:$0x3FD9]  }
0x89: {  	s3 =	sld [smem:$0x3FFE];
	_ =	sdelay $0x1  }
0x8a: {  	s1 =	srdreg.scid  }
0x8b: {  	s0 =	sand.u32 $0x1, s1  }
0x8c: {  	s17 =	sshll.u32 s0, $0xA;
	s2 =	sadd.s32 s3, s2  }
0x8d: {  	s2 =	sadd.s32 s2, s17  }
0x8e: {  	[smem:$0x3FC5] =	sst s2  }
0x8f: {  	_ = 	snop  }
0x90: {  	s2 =	sld [smem:$0x3FD0];
	(tm) =	ssettm $0x1  }
0x91: {  	s18 =	sld [smem:$0x3FFB];
	_ =	sdelay $0x3  }
0x92: {  	_ =	strace s18  }
0x93: {  	s3 =	sld [smem:$0x3FFC];
	_ =	sdelay $0x3  }
0x94: {  	_ =	strace s3  }
0x95: {  	s3 =	sld [smem:$0x3FFD];
	_ =	sdelay $0x3  }
0x96: {  	_ =	strace s3  }
0x97: {  	_ =	strace $0x8FFFFFFF  }
0x98: {  	s19 =	sld [smem:$0x3FDB];
	_ =	sdelay $0x1  }
0x99: {  	s4 =	simm.s32 $_scs_section_size  }
0x9a: {  	s5 =	simm.s32 $_size__tile_overlayer_lowered;
	s6 =	simm.s32 $_tile_overlayer_lowered  }
0x9b: {  	s22 =	simm.s32 $0x1BFF;
	s21 =	sshll.u32 s6, $0x1;
	s3 =	sadd.s32 s4, s19  }
0x9c: {  	s7 =	simm.s32 $0x0;
	s20 =	sshll.u32 s5, $0x1;
	s5 =	sadd.s32 s21, s3  }
0x9d: {  	[timem:s7], [sflag:s22] =	dma.local [hbm:s5], s20  }
0x9e: {  	_ =	swait.ge [sflag:s22], s20  }
0x9f: {  	s4 =	ssub.s32 $0x0, s20;
	[sflag:s22] =	ssyncset.done $0x0  }
0xa0: {  	[sflag:s22] =	ssyncadd.s32 s4;
	_ =	sdelay $0x1  }
0xa1: {  	s23 =	simm.s32 $0x1B8B  }
0xa2: {  	_ =	swait.ge [sflag:s23], $0x1  }
0xa3: {  	[sflag:s23] =	ssyncset.done $0x0  }
0xa4: {  	s25 =	simm.s32 $0x1B8E;
	s24 =	sld [smem:$0x3FFE];
	[sflag:s23] =	ssyncadd.s32 $0xFFFFFFFF  }
0xa5: {  	s26 =	simm.s32 $execute0_lowered;
	[smem:$0x3FD2] =	sst s25  }
0xa6: {  	s5 =	sshll.u32 s26, $0x1;
	_ =	strace $0x80000049;
	[dreg:$0x1] =	wrdreg $0xFFFFFFFF  }
0xa7: {  	s28 =	simm.s32 $_size_execute0_lowered;
	s3 =	sadd.s32 s3, s5;
	[dreg:$0x0] =	wrdreg $0x0  }
0xa8: {  	s5 =	sshll.u32 s28, $0x1;
	[dreg:$0x2] =	wrdreg s3  }
0xa9: {  	[dreg:$0x3] =	wrdreg s5  }
0xaa: {  	[dreg:$0x4] =	wrdreg $0xC0  }
0xab: {  	_ =	task [dreg:s7], $0x5FFFF  }
0xac: {  	[dreg:$0x1] =	wrdreg $0xFFFFFFFF  }
0xad: {  	[dreg:$0x0] =	wrdreg $0x60  }
0xae: {  	[dreg:$0x2] =	wrdreg s2  }
0xaf: {  	[dreg:$0x3] =	wrdreg s24  }
0xb0: {  	[dreg:$0x4] =	wrdreg $0x9  }
0xb1: {  	_ =	task.clear_ibuf [dreg:s7], $0x5FFFF;
	_ =	strace $0x90000049  }
0xb2: {  	s29 =	simm.s32 $0x9;
	_ =	strace $0x8000004B  }
0xb3: {  	_ =	swait.ge [sflag:s29], $0x1  }
0xb4: {  	[sflag:s29] =	ssyncadd.s32 $0xFFFFFFFF  }
0xb5: {  	_ =	strace $0x9000004B  }
0xb6: {  	_ =	sfence  }
0xb7: {  	s30 =	sld [smem:$0x0];
	_ =	sdelay $0x2  }
0xb8: {  	s31 =	sshll.u32 s1, $0xD;
	s1 =	sshrl.u32 s1, $0x2  }
0xb9: {  	s3 =	sand.u32 $0x4000, s31;
	s1 =	sadd.s32 s1, s30  }
0xba: {  	s0 =	sor.u32 s3, s0;
	s1 =	sshll.u32 s1, $0x11  }
0xbb: {  	s0 =	sor.u32 s1, s0  }
0xbc: {  	s0 =	sadd.s32 $0x8F2B, s0  }
0xbd: {  	[sflag:s0] =	ssyncadd.remote.s32 $0x1  }
0xbe: {  	_ =	sfence.sel $0xFFFF  }
0xbf: {  	[dreg:$0x0] =	wrdreg $0xFFFFFFFF;
	(pc) =	sbr.abs _section_cstart, $3  }
0xc0: {  	[dreg:$0x1] =	wrdreg $0xFFFFFFFF  }
0xc1: {  	_ =	task.clear_ibuf [dreg:s7], $0x2FFFF;
	_ =	strace $0x9FFFFFFF  }
0xc2: {  	(tm) =	ssettm $0x7FFFFFFF  }
0xc3: {  	_ =	shalt  }
tec
execute0_lowered:
.L_overlay_start_1:
0x0: {  	(tag) =	ssettag $0x1  }
0x1: {  	s0 =	rddreg [dreg:$0x1]  }
0x2: {  	s8 =	simm.s32 $0x0;
	s1 =	srdreg.scid;
	s4 =	stileid.u32  }
0x3: {  	[smem:$0x7FF] =	sst s8;
	s26 =	sadd.s32 $0x1BC00, s0;
	s2 =	sadd.s32 $0x3CCC00, s0  }
0x4: {  	s31 =	simm.s32 $0x0;
	_ =	strace $0x8000004A;
	[smem:$0x7F6] =	sst s26  }
0x5: {  	s3 =	sand.u32 $0x1, s1;
	s0 =	sadd.s32 $0x63C00, s0;
	[smem:$0x7F7] =	sst s2  }
0x6: {  	s1 =	sshll.u32 s4, $0x1;
	s28 =	ssub.s32 $0x2, s3;
	[smem:$0x7F8] =	sst s0  }
.Ltmp0:
0x7: {  	[smem:$0x7F9] =	sst s3;
	p0 =	seq.s32 s3, $0x1;
	(pc) =	sbr.rel .LBB2_1-.Ltmp0, $4  }
0x8: {  	[smem:$0x7FC] =	sst s31;
	s29 =	sshrl.u32 s28, $0x1;
	s2 =	simm.s32 @!p0 $0x0  }
0x9: {  	[smem:$0x7FD] =	sst s1;
	s30 =	ssub.s32 s28, s29;
	s2 =	simm.s32 @p0 $0x1  }
0xa: {  	[smem:$0x7FA] =	sst s2;
	s0 =	smax.u32 s30, $0x1  }
0xb: {  	v0 =	vimm.f32 $0.0e+00;
	[smem:$0x7FB] =	sst s0  }
.LBB2_27:
0xc: {  	s2 =	sld [smem:$0x7FC]  }
0xd: {  	s0 =	sld [smem:$0x7FB];
	_ =	sdelay $0x1  }
0xe: {  	s2 =	sadd.s32 $0x1, s2  }
0xf: {  	p0 =	sne.s32 s2, s0  }
.Ltmp1:
0x10: {  	_ = 	snop;
	(pc) =	sbr.rel @!p0 .LBB2_28-.Ltmp1, $2  }
0x11: {  	_ =	sdelay $0x2  }
0x12: {  	[smem:$0x7FC] =	sst s2  }
.LBB2_1:
.Ltmp2:
0x13: {  	(pc) =	sbr.rel .LBB2_2-.Ltmp2, $2  }
0x14: {  	_ =	sdelay $0x2  }
0x15: {  	s2 =	simm.s32 $0x0  }
.LBB2_26:
0x16: {  	s2 =	sadd.s32 $0x1, s2  }
0x17: {  	p0 =	sne.s32 s2, $0xD  }
.Ltmp3:
0x18: {  	_ = 	snop;
	(pc) =	sbr.rel @!p0 .LBB2_27-.Ltmp3, $1  }
0x19: {  	_ =	sdelay $0x3  }
.LBB2_2:
0x1a: {  	s0 =	sshll.u32 s2, $0x5  }
0x1b: {  	s0 =	sor.u32 s1, s0  }
0x1c: {  	p0 =	sgt.u32 s0, $0x183  }
.Ltmp4:
0x1d: {  	_ = 	snop;
	(pc) =	sbr.rel @p0 .LBB2_26-.Ltmp4, $1  }
0x1e: {  	_ =	sdelay $0x3  }
0x1f: {  	[smem:$0x7F5] =	sst s2;
	s1 =	simm.s32 $0x40;
	s2 =	simm.s32 $0x0  }
.LBB2_4:
0x20: {  	p0 =	sne.s32 s1, $0x47FC0;
	[tilespmem:s2+$0x0] =	vst v0;
	s2 =	smov.u32 s1;
	s1 =	sadd.s32 $0x40, s1  }
.Ltmp5:
0x21: {  	(pc) =	sbr.rel @p0 .LBB2_4-.Ltmp5, $2  }
0x22: {  	_ =	sdelay $0x2  }
0x23: {  	s2 =	sshra.s32 s2, $0x2  }
0x24: {  	s3 =	sld [smem:$0x7F9];
	_ =	sdelay $0x1  }
0x25: {  	p0 =	sgt.u32 s0, $0xC1;
	s1 =	simm.s32 $0xFFFFFF3E;
	s29 =	sld [smem:$0x7FA]  }
0x26: {  	s1 =	simm.s32 @!p0 $0x0;
	s28 =	sor.u32 s3, s0  }
0x27: {  	s0 =	sadd.s32 s28, s1  }
0x28: {  	p2 =	seq.s32 s29, $0x1;
	p1 =	slt.s32 s0, $0x1  }
0x29: {  	s1 =	sshrl.u32 s0, $0x1F;
	p1 =	por !p1, !p2  }
0x2a: {  	s3 =	simm.s32 $0x1;
	s1 =	sadd.s32 s1, s0;
	p1 =	por !p1, !p1  }
0x2b: {  	s1 =	sshra.s32 s1, $0x1;
	s3 =	simm.s32 @!p1 $0x0  }
0x2c: {  	s1 =	ssub.s32 s1, s3  }
0x2d: {  	s4 =	simm.s32 $0x2;
	s3 =	sshll.u32 s1, $0x1  }
0x2e: {  	s4 =	simm.s32 @!p0 $0x0;
	s0 =	ssub.s32 s0, s3  }
0x2f: {  	[smem:$0x7F4] =	sst s0;
	s0 =	sadd.s32 s4, s0  }
0x30: {  	s30 =	smul.u32 $0x90000, s0;
	_ =	sdelay $0x1  }
0x31: {  	s31 =	rddreg [dreg:$0x0];
	s3 =	sshrl.u32 s30, $0x3  }
0x32: {  	s5 =	simm.s32 $0x12000;
	s4 =	sadd.s32 s31, s3  }
0x33: {  	[tilespmem:s2+$0x0] =	vst v0;
	s2 =	simm.s32 $0x10;
	s6 =	simm.s32 $0x12100;
	s7 =	sadd.s32 $0x0, s4  }
.LBB2_6:
0x34: {  	[tilespmem:s5], [sflag:$0x1] =	stream.linear.gather [hbm4b:s7+s8], $0x80, $0x38;
	[tilespmem:$0x18C00] =	vst v63  }
0x35: {  	s7 =	smov.u32 s2;
	s5 =	smov.u32 s6;
	p1 =	sne.s32 s2, $0x2F0  }
.Ltmp6:
0x36: {  	s2 =	sadd.s32 $0x10, s2;
	(pc) =	sbr.rel @p1 .LBB2_6-.Ltmp6, $2  }
0x37: {  	_ =	sdelay $0x2  }
0x38: {  	s6 =	sadd.s32 $0x100, s6;
	s7 =	sadd.s32 s7, s4  }
0x39: {  	s2 =	sld [smem:$0x7F6];
	_ =	sdelay $0x1  }
0x3a: {  	[tilespmem:s5], [sflag:$0x1] =	stream.linear.gather [hbm4b:s7+s8], $0x80, $0x38;
	[tilespmem:$0x18C00] =	vst v63  }
0x3b: {  	s4 =	simm.s32 $0x10;
	s3 =	sadd.s32 s2, s3  }
0x3c: {  	s5 =	simm.s32 $0x15100;
	s2 =	simm.s32 $0x15000;
	s6 =	sadd.s32 $0x0, s3  }
.LBB2_8:
0x3d: {  	[tilespmem:s2], [sflag:$0x1] =	stream.linear.gather [hbm4b:s6+s8], $0x80, $0x38;
	[tilespmem:$0x18C00] =	vst v63  }
0x3e: {  	s6 =	smov.u32 s4;
	s2 =	smov.u32 s5;
	p1 =	sne.s32 s4, $0x2F0  }
.Ltmp7:
0x3f: {  	s4 =	sadd.s32 $0x10, s4;
	(pc) =	sbr.rel @p1 .LBB2_8-.Ltmp7, $2  }
0x40: {  	_ =	sdelay $0x2  }
0x41: {  	s5 =	sadd.s32 $0x100, s5;
	s6 =	sadd.s32 s6, s3  }
0x42: {  	s3 =	simm.s32 $0x61  }
0x43: {  	s3 =	simm.s32 @!p0 $0x0  }
0x44: {  	s1 =	sadd.s32 s3, s1  }
0x45: {  	s7 =	sld [smem:$0x7F7];
	s1 =	smul.u32 $0x24000, s1  }
0x46: {  	[tilespmem:s2], [sflag:$0x1] =	stream.linear.gather [hbm4b:s6+s8], $0x80, $0x38;
	[tilespmem:$0x18C00] =	vst v63  }
0x47: {  	[smem:$0x7F2] =	sst s1;
	s1 =	sshrl.u32 s1, $0x3  }
0x48: {  	s4 =	simm.s32 $0x0;
	s9 =	simm.s32 $0x18000;
	s1 =	sadd.s32 s7, s1  }
0x49: {  	[tilespmem:s9], [sflag:$0x1] =	stream.linear.gather [hbm4b:s1+s4], $0x80, $0x38;
	[tilespmem:$0x18C00] =	vst v63  }
0x4a: {  	s11 =	simm.s32 $0x18100;
	s10 =	sadd.s32 $0x10, s1  }
0x4b: {  	[tilespmem:s11], [sflag:$0x1] =	stream.linear.gather [hbm4b:s10+s4], $0x80, $0x38;
	[tilespmem:$0x18C00] =	vst v63  }
0x4c: {  	s13 =	simm.s32 $0x18200;
	s12 =	sadd.s32 $0x20, s1  }
0x4d: {  	[tilespmem:s13], [sflag:$0x1] =	stream.linear.gather [hbm4b:s12+s4], $0x80, $0x38;
	[tilespmem:$0x18C00] =	vst v63  }
0x4e: {  	s15 =	simm.s32 $0x18300;
	s14 =	sadd.s32 $0x30, s1  }
0x4f: {  	[tilespmem:s15], [sflag:$0x1] =	stream.linear.gather [hbm4b:s14+s4], $0x80, $0x38;
	[tilespmem:$0x18C00] =	vst v63  }
0x50: {  	s17 =	simm.s32 $0x18400;
	s16 =	sadd.s32 $0x40, s1  }
0x51: {  	[tilespmem:s17], [sflag:$0x1] =	stream.linear.gather [hbm4b:s16+s4], $0x80, $0x38;
	[tilespmem:$0x18C00] =	vst v63  }
0x52: {  	s19 =	simm.s32 $0x18500;
	s18 =	sadd.s32 $0x50, s1  }
0x53: {  	[tilespmem:s19], [sflag:$0x1] =	stream.linear.gather [hbm4b:s18+s4], $0x80, $0x38;
	[tilespmem:$0x18C00] =	vst v63  }
0x54: {  	s21 =	simm.s32 $0x18600;
	s20 =	sadd.s32 $0x60, s1  }
0x55: {  	[tilespmem:s21], [sflag:$0x1] =	stream.linear.gather [hbm4b:s20+s4], $0x80, $0x38;
	[tilespmem:$0x18C00] =	vst v63  }
0x56: {  	s23 =	simm.s32 $0x18700;
	s22 =	sadd.s32 $0x70, s1  }
0x57: {  	[tilespmem:s23], [sflag:$0x1] =	stream.linear.gather [hbm4b:s22+s4], $0x80, $0x38;
	[tilespmem:$0x18C00] =	vst v63  }
0x58: {  	s25 =	simm.s32 $0x18800;
	s24 =	sadd.s32 $0x80, s1  }
0x59: {  	[tilespmem:s25], [sflag:$0x1] =	stream.linear.gather [hbm4b:s24+s4], $0x80, $0x38;
	[tilespmem:$0x18C00] =	vst v63  }
0x5a: {  	s28 =	simm.s32 $0x18900;
	s26 =	sadd.s32 $0x90, s1  }
0x5b: {  	[tilespmem:s28], [sflag:$0x1] =	stream.linear.gather [hbm4b:s26+s4], $0x80, $0x38;
	[tilespmem:$0x18C00] =	vst v63  }
0x5c: {  	s30 =	simm.s32 $0x18A00;
	s0 =	smul.u32 $0x60, s0;
	s29 =	sadd.s32 $0xA0, s1  }
0x5d: {  	[tilespmem:s30], [sflag:$0x1] =	stream.linear.gather [hbm4b:s29+s4], $0x80, $0x38;
	[tilespmem:$0x18C00] =	vst v63  }
0x5e: {  	s31 =	simm.s32 $0x18B00;
	[smem:$0x7F3] =	sst s0;
	s1 =	sadd.s32 $0xB0, s1  }
0x5f: {  	[tilespmem:s31], [sflag:$0x1] =	stream.linear.gather [hbm4b:s1+s4], $0x80, $0x38;
	[tilespmem:$0x18C00] =	vst v63  }
.LBB2_10:
0x60: {  	s1 =	sld [smem:$0x7F3];
	_ =	sdelay $0x1  }
0x61: {  	s0 =	sshllo.u32 s4, $0x1  }
0x62: {  	s1 =	sadd.s32 s1, s0  }
0x63: {  	s1 =	smul.u32 $0x1800, s1  }
0x64: {  	[smem:$0x7F0] =	sst s4  }
0x65: {  	s2 =	sshll.u32 s4, $0x1;
	s31 =	rddreg [dreg:$0x0];
	s1 =	sshrl.u32 s1, $0x3  }
0x66: {  	s3 =	simm.s32 $0x12080;
	[smem:$0x7F1] =	sst s2;
	s2 =	sadd.s32 s31, s1  }
0x67: {  	s4 =	simm.s32 $0x10;
	s5 =	simm.s32 $0x12180;
	s6 =	sadd.s32 $0x0, s2  }
.LBB2_11:
0x68: {  	[tilespmem:s3], [sflag:$0x2] =	stream.linear.gather [hbm4b:s6+s8], $0x80, $0x38;
	[tilespmem:$0x18C00] =	vst v63  }
0x69: {  	s6 =	smov.u32 s4;
	s3 =	smov.u32 s5;
	p0 =	sne.s32 s4, $0x2F0  }
.Ltmp8:
0x6a: {  	s4 =	sadd.s32 $0x10, s4;
	(pc) =	sbr.rel @p0 .LBB2_11-.Ltmp8, $2  }
0x6b: {  	_ =	sdelay $0x2  }
0x6c: {  	s5 =	sadd.s32 $0x100, s5;
	s6 =	sadd.s32 s6, s2  }
0x6d: {  	s2 =	sld [smem:$0x7F6];
	_ =	sdelay $0x1  }
0x6e: {  	[tilespmem:s3], [sflag:$0x2] =	stream.linear.gather [hbm4b:s6+s8], $0x80, $0x38;
	[tilespmem:$0x18C00] =	vst v63  }
0x6f: {  	s3 =	simm.s32 $0x10;
	s1 =	sadd.s32 s2, s1  }
0x70: {  	s4 =	simm.s32 $0x15180;
	s2 =	simm.s32 $0x15080;
	s5 =	sadd.s32 $0x0, s1  }
.LBB2_13:
0x71: {  	[tilespmem:s2], [sflag:$0x2] =	stream.linear.gather [hbm4b:s5+s8], $0x80, $0x38;
	[tilespmem:$0x18C00] =	vst v63  }
0x72: {  	s5 =	smov.u32 s3;
	s2 =	smov.u32 s4;
	p0 =	sne.s32 s3, $0x2F0  }
.Ltmp9:
0x73: {  	s3 =	sadd.s32 $0x10, s3;
	(pc) =	sbr.rel @p0 .LBB2_13-.Ltmp9, $2  }
0x74: {  	_ =	sdelay $0x2  }
0x75: {  	s4 =	sadd.s32 $0x100, s4;
	s5 =	sadd.s32 s5, s1  }
0x76: {  	s0 =	smul.u32 $0x600, s0;
	s1 =	sld [smem:$0x7F2]  }
0x77: {  	[tilespmem:s2], [sflag:$0x2] =	stream.linear.gather [hbm4b:s5+s8], $0x80, $0x38;
	[tilespmem:$0x18C00] =	vst v63  }
0x78: {  	s17 =	sld [smem:$0x7F7]  }
0x79: {  	s0 =	sadd.s32 s1, s0  }
0x7a: {  	s0 =	sshrl.u32 s0, $0x3  }
0x7b: {  	s18 =	simm.s32 $0x0;
	s19 =	simm.s32 $0x18080;
	s0 =	sadd.s32 s17, s0  }
0x7c: {  	[tilespmem:s19], [sflag:$0x2] =	stream.linear.gather [hbm4b:s0+s18], $0x80, $0x38;
	[tilespmem:$0x18C00] =	vst v63  }
0x7d: {  	s3 =	simm.s32 $0x18180;
	s20 =	sadd.s32 $0x10, s0  }
0x7e: {  	[tilespmem:s3], [sflag:$0x2] =	stream.linear.gather [hbm4b:s20+s18], $0x80, $0x38;
	[tilespmem:$0x18C00] =	vst v63  }
0x7f: {  	s22 =	simm.s32 $0x18280;
	s21 =	sadd.s32 $0x20, s0  }
0x80: {  	[tilespmem:s22], [sflag:$0x2] =	stream.linear.gather [hbm4b:s21+s18], $0x80, $0x38;
	[tilespmem:$0x18C00] =	vst v63  }
0x81: {  	s24 =	simm.s32 $0x18380;
	s23 =	sadd.s32 $0x30, s0  }
0x82: {  	[tilespmem:s24], [sflag:$0x2] =	stream.linear.gather [hbm4b:s23+s18], $0x80, $0x38;
	[tilespmem:$0x18C00] =	vst v63  }
0x83: {  	s26 =	simm.s32 $0x18480;
	s25 =	sadd.s32 $0x40, s0  }
0x84: {  	[tilespmem:s26], [sflag:$0x2] =	stream.linear.gather [hbm4b:s25+s18], $0x80, $0x38;
	[tilespmem:$0x18C00] =	vst v63  }
0x85: {  	s4 =	simm.s32 $0x18580;
	s3 =	sadd.s32 $0x50, s0  }
0x86: {  	[tilespmem:s4], [sflag:$0x2] =	stream.linear.gather [hbm4b:s3+s18], $0x80, $0x38;
	[tilespmem:$0x18C00] =	vst v63  }
0x87: {  	s6 =	simm.s32 $0x18680;
	s5 =	sadd.s32 $0x60, s0  }
0x88: {  	[tilespmem:s6], [sflag:$0x2] =	stream.linear.gather [hbm4b:s5+s18], $0x80, $0x38;
	[tilespmem:$0x18C00] =	vst v63  }
0x89: {  	s8 =	simm.s32 $0x18780;
	s7 =	sadd.s32 $0x70, s0  }
0x8a: {  	[tilespmem:s8], [sflag:$0x2] =	stream.linear.gather [hbm4b:s7+s18], $0x80, $0x38;
	[tilespmem:$0x18C00] =	vst v63  }
0x8b: {  	s10 =	simm.s32 $0x18880;
	s9 =	sadd.s32 $0x80, s0  }
0x8c: {  	[tilespmem:s10], [sflag:$0x2] =	stream.linear.gather [hbm4b:s9+s18], $0x80, $0x38;
	[tilespmem:$0x18C00] =	vst v63  }
0x8d: {  	s12 =	simm.s32 $0x18980;
	s11 =	sadd.s32 $0x90, s0  }
0x8e: {  	[tilespmem:s12], [sflag:$0x2] =	stream.linear.gather [hbm4b:s11+s18], $0x80, $0x38;
	[tilespmem:$0x18C00] =	vst v63  }
0x8f: {  	s14 =	simm.s32 $0x18A80;
	s13 =	sadd.s32 $0xA0, s0  }
0x90: {  	[tilespmem:s14], [sflag:$0x2] =	stream.linear.gather [hbm4b:s13+s18], $0x80, $0x38;
	[tilespmem:$0x18C00] =	vst v63  }
0x91: {  	s15 =	simm.s32 $0x18B80;
	s16 =	simm.s32 $0x1;
	s0 =	sadd.s32 $0xB0, s0  }
0x92: {  	[tilespmem:s15], [sflag:$0x2] =	stream.linear.gather [hbm4b:s0+s18], $0x80, $0x38;
	[tilespmem:$0x18C00] =	vst v63  }
0x93: {  	_ =	swait.ge [sflag:s16], $0x1800  }
0x94: {  	[sflag:s16] =	ssyncset.done $0x0  }
0x95: {  	[sflag:s16] =	ssyncadd.s32 $0xFFFFE800  }
0x96: {  	_ =	swait.ge [sflag:s16], $0x1800  }
0x97: {  	[sflag:s16] =	ssyncset.done $0x0  }
0x98: {  	s17 =	simm.s32 $0x0;
	[sflag:s16] =	ssyncadd.s32 $0xFFFFE800  }
0x99: {  	s4 =	sand.u32 $0xF00, s18;
	s0 =	sand.u32 $0x40, s17;
	_ =	swait.ge [sflag:s16], $0x600  }
0x9a: {  	s1 =	sor.u32 s0, s4;
	[sflag:s16] =	ssyncset.done $0x0  }
0x9b: {  	s18 =	sor.u32 $0x15010, s1;
	[sflag:s16] =	ssyncadd.s32 $0xFFFFFA00  }
0x9c: {  	v1 =	vld [tilespmem:s18+$0x0];
	_ =	sdelay $0x4  }
0x9d: {  	vm0 =	vlt.f32 v1, $0.0e+00;
	vm1 =	vgt.f32 v1, $0.0e+00  }
0x9e: {  	vm0 =	vmor vm1, vm0  }
0x9f: {  	v2 =	vsel vm0, $0x3F800000, v0  }
0xa0: {  	(xrf0) =	vmax.scan.msk.f32 $0xffff, v2  }
0xa1: {  	v2 =	vld [tilespmem:s1+$0x15000];
	_ =	sdelay $0x2  }
0xa2: {  	s19 =	sor.u32 $0x15020, s1  }
0xa3: {  	v5 =	vld [tilespmem:s19+$0x0]  }
0xa4: {  	vm0 =	vlt.f32 v2, $0.0e+00;
	vm1 =	vgt.f32 v2, $0.0e+00;
	v3, _, _ =	vpop (xrf0)  }
0xa5: {  	vm0 =	vmor vm1, vm0;
	(v2sf) =	vpush v3, $0xF  }
0xa6: {  	v3 =	vsel vm0, $0x3F800000, v0  }
0xa7: {  	(xrf0) =	vmax.scan.msk.f32 $0xffff, v3  }
0xa8: {  	vm1 =	vlt.f32 v5, $0.0e+00;
	vm0 =	vgt.f32 v5, $0.0e+00  }
0xa9: {  	vm0 =	vmor vm0, vm1  }
0xaa: {  	v3 =	vsel vm0, $0x3F800000, v0  }
0xab: {  	(xrf0) =	vmax.scan.msk.f32 $0xffff, v3;
	_ =	sdelay $0x1  }
0xac: {  	v3, _, _ =	vpop (xrf0)  }
0xad: {  	(v2sf) =	vpush v3, $0xF;
	_ =	sdelay $0x1  }
0xae: {  	s20 =	sor.u32 $0x15030, s1  }
0xaf: {  	v7 =	vld [tilespmem:s20+$0x0];
	v3, _, _ =	vpop (xrf0)  }
0xb0: {  	(v2sf) =	vpush v3, $0xF;
	_ =	sdelay $0x1  }
0xb1: {  	s21 =	spop (v2sf)  }
0xb2: {  	p0 =	sgt.f32 s21, $0.0e+00  }
0xb3: {  	s2 =	sor.u32 $0x10, s1;
	vm1 =	vgt.f32 v7, $0.0e+00;
	vm0 =	vlt.f32 v7, $0.0e+00  }
0xb4: {  	s22 =	sor.u32 $0x18010, s1;
	vm0 =	vmor vm1, vm0;
	v8 =	vld @p0 [tilespmem:s2+$0x12000]  }
0xb5: {  	v13 =	vld [tilespmem:s22+$0x0];
	v3 =	vsel vm0, $0x3F800000, v0  }
0xb6: {  	s23 =	simm.s32 $0x40;
	s24 =	simm.s32 $0x80;
	(xrf0) =	vmax.scan.msk.f32 $0xffff, v3  }
0xb7: {  	s3 =	sand.u32 $0xF00, s24;
	s2 =	sand.u32 $0x40, s23  }
0xb8: {  	s6 =	sor.u32 s2, s3  }
0xb9: {  	s7 =	sor.u32 $0x15010, s6;
	v4 =	vld [tilespmem:s6+$0x15000]  }
0xba: {  	s25 =	simm.s32 $0xC20;
	v1 =	vmul.f32 @p0 v1, v13;
	s26 =	sor.u32 $0x15020, s6;
	v3 =	vld [tilespmem:s7+$0x0];
	s9 =	spop (v2sf)  }
0xbb: {  	s10 =	simm.s32 $0x610;
	s8 =	simm.s32 @p0 $0x0;
	v6 =	vld [tilespmem:s26+$0x0];
	p1 =	sgt.f32 s9, $0.0e+00  }
0xbc: {  	s5 =	sand.u32 $0x1F00, s25;
	v9, _, _ =	vpop (xrf0);
	s7 =	sand.u32 $0x50, s10;
	[tilespmem:v8+s8+$0x0] =	vst.idx.add.f32.msk @p0 $0xffff, v1  }
0xbd: {  	(v2sf) =	vpush v9, $0xF;
	s7 =	sor.u32 s7, s5;
	v1 =	vld @p1 [tilespmem:s1+$0x12000]  }
0xbe: {  	s11 =	spop (v2sf);
	v10 =	vld [tilespmem:s7+$0x15000]  }
0xbf: {  	v12 =	vld [tilespmem:s1+$0x18000];
	vm0 =	vlt.f32 v4, $0.0e+00;
	p0 =	sgt.f32 s11, $0.0e+00  }
0xc0: {  	s5 =	sor.u32 $0x20, s1;
	vm1 =	vgt.f32 v4, $0.0e+00;
	vm2 =	vlt.f32 v3, $0.0e+00;
	vm3 =	vgt.f32 v3, $0.0e+00  }
0xc1: {  	s12 =	sor.u32 $0x18020, s1;
	vm0 =	vmor vm1, vm0;
	vm1 =	vgt.f32 v6, $0.0e+00;
	vm2 =	vmor vm3, vm2;
	v8 =	vld @p0 [tilespmem:s5+$0x12000]  }
0xc2: {  	v18 =	vld [tilespmem:s12+$0x0];
	v9 =	vsel vm0, $0x3F800000, v0;
	vm0 =	vlt.f32 v6, $0.0e+00;
	v11 =	vsel vm2, $0x3F800000, v0  }
0xc3: {  	vm0 =	vmor vm1, vm0;
	(xrf0) =	vmax.scan.msk.f32 $0xffff, v11;
	vm1 =	vlt.f32 v10, $0.0e+00;
	vm2 =	vgt.f32 v10, $0.0e+00  }
0xc4: {  	v2 =	vmul.f32 @p1 v2, v12;
	v11 =	vsel vm0, $0x3F800000, v0;
	(xrf0) =	vmax.scan.msk.f32 $0xffff, v9;
	vm0 =	vmor vm2, vm1  }
0xc5: {  	s5 =	simm.s32 @p1 $0x0;
	(xrf0) =	vmax.scan.msk.f32 $0xffff, v11;
	v9 =	vsel vm0, $0x3F800000, v0  }
0xc6: {  	s14 =	sor.u32 $0x15030, s6;
	[tilespmem:v1+s5+$0x0] =	vst.idx.add.f32.msk @p1 $0xffff, v2;
	(xrf0) =	vmax.scan.msk.f32 $0xffff, v9  }
0xc7: {  	s13 =	simm.s32 $0xC40;
	s15 =	simm.s32 $0x620;
	s0 =	sadd.s32 s0, s4;
	v1 =	vmul.f32 @p0 v5, v18;
	v5 =	vld [tilespmem:s14+$0x0]  }
0xc8: {  	s4 =	sand.u32 $0x1F00, s13;
	s8 =	sand.u32 $0x60, s15;
	s9 =	simm.s32 @p0 $0x0;
	v14 =	vld [tilespmem:s0+$0x15C00]  }
0xc9: {  	s8 =	sor.u32 s8, s4;
	v2, _, _ =	vpop (xrf0);
	[tilespmem:v8+s9+$0x0] =	vst.idx.add.f32.msk @p0 $0xffff, v1  }
0xca: {  	(v2sf) =	vpush v2, $0xF;
	v9, _, _ =	vpop (xrf0);
	v15 =	vld [tilespmem:s8+$0x15000]  }
0xcb: {  	(v2sf) =	vpush v9, $0xF;
	v1, _, _ =	vpop (xrf0)  }
0xcc: {  	s16 =	spop (v2sf);
	(v2sf) =	vpush v1, $0xF;
	vm2 =	vlt.f32 v5, $0.0e+00;
	vm3 =	vgt.f32 v5, $0.0e+00;
	v1, _, _ =	vpop (xrf0)  }
0xcd: {  	p0 =	sgt.f32 s16, $0.0e+00;
	vm0 =	vlt.f32 v14, $0.0e+00;
	vm1 =	vgt.f32 v14, $0.0e+00;
	(v2sf) =	vpush v1, $0xF  }
0xce: {  	s4 =	sor.u32 $0x30, s1;
	vm2 =	vmor vm3, vm2;
	vm0 =	vmor vm1, vm0  }
0xcf: {  	s1 =	sor.u32 $0x18030, s1;
	v2 =	vsel vm2, $0x3F800000, v0;
	v1 =	vld @p0 [tilespmem:s4+$0x12000];
	vm1 =	vlt.f32 v15, $0.0e+00;
	vm2 =	vgt.f32 v15, $0.0e+00  }
0xd0: {  	v19 =	vld [tilespmem:s1+$0x0];
	(xrf0) =	vmax.scan.msk.f32 $0xffff, v2;
	v2 =	vsel vm0, $0x3F800000, v0;
	vm0 =	vmor vm2, vm1  }
0xd1: {  	s17 =	simm.s32 $0x80;
	s18 =	simm.s32 $0x100;
	(xrf0) =	vmax.scan.msk.f32 $0xffff, v2;
	v2 =	vsel vm0, $0x3F800000, v0  }
0xd2: {  	s5 =	sand.u32 $0xF00, s18;
	s4 =	sand.u32 $0x40, s17;
	(xrf0) =	vmax.scan.msk.f32 $0xffff, v2  }
0xd3: {  	s1 =	sor.u32 s4, s5  }
0xd4: {  	s19 =	sor.u32 $0x15010, s1;
	v9 =	vld [tilespmem:s1+$0x15000]  }
0xd5: {  	s20 =	simm.s32 $0x630;
	s10 =	simm.s32 $0xC60;
	s11 =	sor.u32 $0x15020, s1;
	v2 =	vmul.f32 @p0 v7, v19;
	v7 =	vld [tilespmem:s19+$0x0]  }
0xd6: {  	s10 =	sand.u32 $0x1F00, s10;
	s9 =	sand.u32 $0x70, s20;
	s12 =	simm.s32 @p0 $0x0;
	v8 =	vld [tilespmem:s11+$0x0];
	v11, _, _ =	vpop (xrf0)  }
0xd7: {  	s11 =	sor.u32 s9, s10;
	(v2sf) =	vpush v11, $0xF;
	[tilespmem:v1+s12+$0x0] =	vst.idx.add.f32.msk @p0 $0xffff, v2;
	v1, _, _ =	vpop (xrf0)  }
0xd8: {  	v24 =	vld [tilespmem:s11+$0x15000];
	(v2sf) =	vpush v1, $0xF;
	v1, _, _ =	vpop (xrf0)  }
0xd9: {  	vm0 =	vlt.f32 v9, $0.0e+00;
	s21 =	spop (v2sf);
	(v2sf) =	vpush v1, $0xF  }
0xda: {  	vm1 =	vgt.f32 v9, $0.0e+00;
	vm2 =	vlt.f32 v7, $0.0e+00;
	vm3 =	vgt.f32 v7, $0.0e+00;
	s22 =	spop (v2sf)  }
0xdb: {  	vm0 =	vmor vm1, vm0;
	vm1 =	vgt.f32 v8, $0.0e+00;
	vm2 =	vmor vm3, vm2;
	p2 =	sgt.f32 s21, $0.0e+00;
	s23 =	spop (v2sf)  }
0xdc: {  	s13 =	sor.u32 $0x10, s6;
	v1 =	vsel vm0, $0x3F800000, v0;
	vm0 =	vlt.f32 v8, $0.0e+00;
	v2 =	vsel vm2, $0x3F800000, v0;
	s24 =	spop (v2sf)  }
0xdd: {  	s14 =	sor.u32 $0x18010, s6;
	vm0 =	vmor vm1, vm0;
	(xrf0) =	vmax.scan.msk.f32 $0xffff, v2;
	v11 =	vld @p2 [tilespmem:s13+$0x12000];
	vm1 =	vlt.f32 v24, $0.0e+00;
	vm2 =	vgt.f32 v24, $0.0e+00;
	p3 =	sgt.f32 s24, $0.0e+00  }
0xde: {  	v2 =	vld [tilespmem:s14+$0x0];
	v16 =	vsel vm0, $0x3F800000, v0;
	(xrf0) =	vmax.scan.msk.f32 $0xffff, v1;
	vm0 =	vmor vm2, vm1  }
0xdf: {  	(xrf0) =	vmax.scan.msk.f32 $0xffff, v16;
	v1 =	vsel vm0, $0x3F800000, v0;
	v16 =	vld @p3 [tilespmem:s7+$0x12000]  }
0xe0: {  	p1 =	sgt.f32 s22, $0.0e+00;
	(xrf0) =	vmax.scan.msk.f32 $0xffff, v1;
	_ =	sdelay $0x1  }
0xe1: {  	s15 =	simm.s32 $0xC10;
	p0 =	sgt.f32 s23, $0.0e+00;
	v25 =	vld @p1 [tilespmem:s6+$0x12000]  }
0xe2: {  	s14 =	simm.s32 $0x650;
	s13 =	simm.s32 $0xCA0;
	v21 =	vmul.f32 @p2 v3, v2;
	v3 =	vld [tilespmem:s6+$0x18000];
	v20, _, _ =	vpop (xrf0);
	s7 =	sor.u32 $0x20, s6  }
0xe3: {  	s12 =	simm.s32 @p2 $0x0;
	s10 =	sand.u32 $0x50, s14;
	s9 =	sand.u32 $0x1F00, s13;
	v22, _, _ =	vpop (xrf0);
	(v2sf) =	vpush v20, $0xF;
	v17 =	vld @p0 [tilespmem:s7+$0x12000]  }
0xe4: {  	s26 =	simm.s32 $0x1820;
	s10 =	sor.u32 s10, s9;
	s9 =	sand.u32 $0x50, s15;
	v10 =	vmul.f32 @p3 v10, v13;
	(v2sf) =	vpush v22, $0xF;
	v20, _, _ =	vpop (xrf0);
	[tilespmem:v11+s12+$0x0] =	vst.idx.add.f32.msk @p2 $0xffff, v21  }
0xe5: {  	s13 =	simm.s32 @p3 $0x0;
	s7 =	sand.u32 $0x3F00, s26;
	(v2sf) =	vpush v20, $0xF;
	v23 =	vld [tilespmem:s10+$0x15000];
	s12 =	spop (v2sf);
	v11, _, _ =	vpop (xrf0)  }
0xe6: {  	s7 =	sor.u32 s9, s7;
	(v2sf) =	vpush v11, $0xF;
	s16 =	spop (v2sf);
	[tilespmem:v16+s13+$0x0] =	vst.idx.add.f32.msk @p3 $0xffff, v10  }
0xe7: {  	s25 =	sor.u32 $0x18020, s6;
	s17 =	spop (v2sf);
	v22 =	vld [tilespmem:s7+$0x15000]  }
0xe8: {  	v1 =	vld [tilespmem:s25+$0x0];
	p3 =	sgt.f32 s17, $0.0e+00  }
0xe9: {  	p2 =	sgt.f32 s16, $0.0e+00  }
0xea: {  	vm0 =	vlt.f32 v23, $0.0e+00;
	vm1 =	vgt.f32 v23, $0.0e+00;
	v16 =	vld @p3 [tilespmem:s8+$0x12000];
	s8 =	sadd.s32 $0xC00, s0  }
0xeb: {  	v4 =	vmul.f32 @p1 v4, v3;
	vm0 =	vmor vm1, vm0;
	v20 =	vld @p2 [tilespmem:s8+$0x12000]  }
0xec: {  	s9 =	simm.s32 @p1 $0x0;
	v10 =	vsel vm0, $0x3F800000, v0;
	vm1 =	vlt.f32 v22, $0.0e+00;
	vm0 =	vgt.f32 v22, $0.0e+00  }
0xed: {  	s22 =	sor.u32 $0x15030, s1;
	v6 =	vmul.f32 @p0 v6, v1;
	[tilespmem:v25+s9+$0x0] =	vst.idx.add.f32.msk @p1 $0xffff, v4;
	(xrf0) =	vmax.scan.msk.f32 $0xffff, v10;
	vm0 =	vmor vm0, vm1  }
0xee: {  	s20 =	simm.s32 $0x660;
	s19 =	simm.s32 $0xCC0;
	v11 =	vld [tilespmem:s22+$0x0];
	s13 =	simm.s32 @p0 $0x0;
	v4 =	vsel vm0, $0x3F800000, v0  }
0xef: {  	s21 =	sand.u32 $0x1F00, s19;
	s23 =	sadd.s32 s2, s3;
	s24 =	sand.u32 $0x60, s20;
	[tilespmem:v17+s13+$0x0] =	vst.idx.add.f32.msk @p0 $0xffff, v6;
	(xrf0) =	vmax.scan.msk.f32 $0xffff, v4;
	v4 =	vmul.f32 @p3 v15, v18  }
0xf0: {  	s18 =	simm.s32 $0x1840;
	s25 =	simm.s32 $0xC20;
	s9 =	sor.u32 s24, s21;
	v10 =	vld [tilespmem:s23+$0x15C00]  }
0xf1: {  	s2 =	sand.u32 $0x60, s25;
	v6 =	vmul.f32 @p2 v14, v12;
	v17 =	vld [tilespmem:s9+$0x15000];
	s3 =	simm.s32 @p3 $0x0;
	s8 =	sand.u32 $0x3F00, s18  }
0xf2: {  	s8 =	sor.u32 s2, s8;
	s2 =	simm.s32 @p2 $0x0;
	s16 =	spop (v2sf);
	[tilespmem:v16+s3+$0x0] =	vst.idx.add.f32.msk @p3 $0xffff, v4  }
0xf3: {  	s14 =	spop (v2sf);
	[tilespmem:v20+s2+$0x0] =	vst.idx.add.f32.msk @p2 $0xffff, v6;
	v4, _, _ =	vpop (xrf0)  }
0xf4: {  	vm2 =	vlt.f32 v11, $0.0e+00;
	s15 =	spop (v2sf);
	v16 =	vld [tilespmem:s8+$0x15000];
	(v2sf) =	vpush v4, $0xF  }
0xf5: {  	vm3 =	vgt.f32 v11, $0.0e+00;
	vm0 =	vlt.f32 v10, $0.0e+00;
	vm1 =	vgt.f32 v10, $0.0e+00;
	v21 =	vld [tilespmem:s0+$0x16800];
	s26 =	spop (v2sf)  }
0xf6: {  	vm2 =	vmor vm3, vm2;
	vm0 =	vmor vm1, vm0;
	vm1 =	vlt.f32 v17, $0.0e+00;
	p1 =	sgt.f32 s26, $0.0e+00;
	v4, _, _ =	vpop (xrf0)  }
0xf7: {  	s17 =	sor.u32 $0x18030, s6;
	(v2sf) =	vpush v4, $0xF;
	v4 =	vsel vm2, $0x3F800000, v0;
	vm2 =	vgt.f32 v17, $0.0e+00  }
0xf8: {  	s13 =	simm.s32 $0x180;
	p0 =	sgt.f32 s12, $0.0e+00;
	v14 =	vsel vm0, $0x3F800000, v0;
	s3 =	simm.s32 $0xC0;
	v6 =	vld @p1 [tilespmem:s11+$0x12000];
	(xrf0) =	vmax.scan.msk.f32 $0xffff, v4;
	vm0 =	vmor vm2, vm1  }
0xf9: {  	s6 =	sor.u32 $0x30, s6;
	s2 =	sand.u32 $0x40, s3;
	s3 =	sand.u32 $0xF00, s13;
	vm1 =	vlt.f32 v16, $0.0e+00;
	(xrf0) =	vmax.scan.msk.f32 $0xffff, v14;
	v14 =	vsel vm0, $0x3F800000, v0;
	vm0 =	vgt.f32 v16, $0.0e+00  }
0xfa: {  	v25 =	vld @p0 [tilespmem:s6+$0x12000];
	s22 =	sor.u32 s2, s3;
	vm2 =	vlt.f32 v21, $0.0e+00;
	vm3 =	vgt.f32 v21, $0.0e+00;
	vm0 =	vmor vm0, vm1  }
0xfb: {  	s18 =	sor.u32 $0x15010, s22;
	v15 =	vld [tilespmem:s22+$0x15000];
	(xrf0) =	vmax.scan.msk.f32 $0xffff, v14;
	vm1 =	vmor vm3, vm2;
	v14 =	vsel vm0, $0x3F800000, v0  }
0xfc: {  	v20 =	vld [tilespmem:s18+$0x0];
	v26 =	vsel vm1, $0x3F800000, v0;
	(xrf0) =	vmax.scan.msk.f32 $0xffff, v14  }
0xfd: {  	v24 =	vmul.f32 @p1 v24, v19;
	v4 =	vld [tilespmem:s17+$0x0];
	(xrf0) =	vmax.scan.msk.f32 $0xffff, v26  }
0xfe: {  	s19 =	simm.s32 $0x1860;
	s20 =	simm.s32 $0xC30;
	s21 =	sor.u32 $0x15020, s22  }
0xff: {  	s6 =	sand.u32 $0x3F00, s19;
	s11 =	sand.u32 $0x70, s20;
	s12 =	simm.s32 @p1 $0x0;
	v14 =	vld [tilespmem:s21+$0x0];
	v26, _, _ =	vpop (xrf0)  }
0x100: {  	s13 =	sor.u32 s11, s6;
	(v2sf) =	vpush v26, $0xF;
	v26, _, _ =	vpop (xrf0);
	[tilespmem:v6+s12+$0x0] =	vst.idx.add.f32.msk @p1 $0xffff, v24  }
0x101: {  	s25 =	sor.u32 $0x18010, s1;
	s24 =	simm.s32 $0xCE0;
	vm0 =	vlt.f32 v15, $0.0e+00;
	vm2 =	vlt.f32 v20, $0.0e+00;
	p1 =	sgt.f32 s16, $0.0e+00;
	(v2sf) =	vpush v26, $0xF;
	v30 =	vld [tilespmem:s13+$0x15000];
	v24, _, _ =	vpop (xrf0)  }
0x102: {  	s26 =	simm.s32 $0x670;
	s6 =	sand.u32 $0x1F00, s24;
	s11 =	sor.u32 $0x10, s1;
	vm3 =	vgt.f32 v20, $0.0e+00;
	v6 =	vmul.f32 @p0 v5, v4;
	v5 =	vld [tilespmem:s25+$0x0];
	(v2sf) =	vpush v24, $0xF;
	v24, _, _ =	vpop (xrf0)  }
0x103: {  	vm1 =	vgt.f32 v15, $0.0e+00;
	vm2 =	vmor vm3, vm2;
	s16 =	simm.s32 @p0 $0x0;
	s12 =	sand.u32 $0x70, s26;
	v26 =	vld @p1 [tilespmem:s11+$0x12000];
	v28, _, _ =	vpop (xrf0);
	(v2sf) =	vpush v24, $0xF;
	s17 =	spop (v2sf)  }
0x104: {  	vm0 =	vmor vm1, vm0;
	s12 =	sor.u32 s12, s6;
	[tilespmem:v25+s16+$0x0] =	vst.idx.add.f32.msk @p0 $0xffff, v6;
	v24 =	vsel vm2, $0x3F800000, v0;
	(v2sf) =	vpush v28, $0xF;
	p3 =	sgt.f32 s17, $0.0e+00  }
0x105: {  	v27 =	vsel vm0, $0x3F800000, v0;
	vm1 =	vgt.f32 v14, $0.0e+00;
	vm0 =	vlt.f32 v14, $0.0e+00;
	v32 =	vld [tilespmem:s12+$0x15000];
	(xrf0) =	vmax.scan.msk.f32 $0xffff, v24  }
0x106: {  	p2 =	sgt.f32 s14, $0.0e+00;
	vm0 =	vmor vm1, vm0;
	vm1 =	vlt.f32 v30, $0.0e+00;
	vm2 =	vgt.f32 v30, $0.0e+00;
	v24 =	vld @p3 [tilespmem:s10+$0x12000]  }
0x107: {  	v6 =	vsel vm0, $0x3F800000, v0;
	(xrf0) =	vmax.scan.msk.f32 $0xffff, v27;
	s17 =	spop (v2sf);
	vm0 =	vmor vm2, vm1  }
0x108: {  	v29 =	vld @p2 [tilespmem:s1+$0x12000];
	(xrf0) =	vmax.scan.msk.f32 $0xffff, v6;
	p4 =	sgt.f32 s17, $0.0e+00;
	v25 =	vsel vm0, $0x3F800000, v0  }
0x109: {  	p0 =	sgt.f32 s15, $0.0e+00;
	(xrf0) =	vmax.scan.msk.f32 $0xffff, v25;
	v25 =	vmul.f32 @p1 v7, v5;
	v7 =	vld [tilespmem:s1+$0x18000]  }
0x10a: {  	s18 =	sor.u32 $0x18020, s1;
	s6 =	sor.u32 $0x20, s1;
	vm0 =	vlt.f32 v32, $0.0e+00;
	vm1 =	vgt.f32 v32, $0.0e+00;
	v27 =	vld @p4 [tilespmem:s7+$0x12000]  }
0x10b: {  	s20 =	simm.s32 $0x18A0;
	s24 =	simm.s32 $0x690;
	s21 =	simm.s32 $0xD20;
	v28 =	vld @p0 [tilespmem:s6+$0x12000];
	vm0 =	vmor vm1, vm0;
	v31, _, _ =	vpop (xrf0)  }
0x10c: {  	s25 =	simm.s32 $0xC50;
	s26 =	sand.u32 $0x3F00, s20;
	s14 =	simm.s32 @p1 $0x0;
	v6 =	vld [tilespmem:s18+$0x0];
	v23 =	vmul.f32 @p3 v23, v2;
	(v2sf) =	vpush v31, $0xF;
	v31 =	vsel vm0, $0x3F800000, v0  }
0x10d: {  	s11 =	sand.u32 $0x50, s24;
	s10 =	sand.u32 $0x1F00, s21;
	[tilespmem:v26+s14+$0x0] =	vst.idx.add.f32.msk @p1 $0xffff, v25;
	s14 =	simm.s32 @p3 $0x0;
	(xrf0) =	vmax.scan.msk.f32 $0xffff, v31  }
0x10e: {  	s15 =	sand.u32 $0x50, s25;
	s17 =	simm.s32 $0x1210;
	s7 =	sor.u32 s11, s10;
	v33, _, _ =	vpop (xrf0);
	v9 =	vmul.f32 @p2 v9, v7;
	[tilespmem:v24+s14+$0x0] =	vst.idx.add.f32.msk @p3 $0xffff, v23  }
0x10f: {  	v22 =	vmul.f32 @p4 v22, v13;
	s11 =	sand.u32 $0x50, s17;
	s17 =	simm.s32 @p2 $0x0;
	(v2sf) =	vpush v33, $0xF;
	v25, _, _ =	vpop (xrf0);
	s14 =	spop (v2sf);
	v24 =	vld [tilespmem:s7+$0x15000]  }
0x110: {  	s19 =	simm.s32 $0x2420;
	s10 =	sor.u32 s15, s26;
	(v2sf) =	vpush v25, $0xF;
	v23, _, _ =	vpop (xrf0);
	[tilespmem:v29+s17+$0x0] =	vst.idx.add.f32.msk @p2 $0xffff, v9;
	s18 =	spop (v2sf)  }
0x111: {  	s6 =	sand.u32 $0x3F00, s19;
	s16 =	simm.s32 @p4 $0x0;
	(v2sf) =	vpush v23, $0xF;
	v25 =	vld [tilespmem:s10+$0x15000];
	s19 =	spop (v2sf)  }
0x112: {  	s11 =	sor.u32 s11, s6;
	v8 =	vmul.f32 @p0 v8, v6;
	[tilespmem:v27+s16+$0x0] =	vst.idx.add.f32.msk @p4 $0xffff, v22;
	s20 =	spop (v2sf)  }
0x113: {  	s16 =	simm.s32 @p0 $0x0;
	v26 =	vld [tilespmem:s11+$0x15000];
	p3 =	sgt.f32 s19, $0.0e+00;
	v22, _, _ =	vpop (xrf0);
	s21 =	spop (v2sf)  }
0x114: {  	[tilespmem:v28+s16+$0x0] =	vst.idx.add.f32.msk @p0 $0xffff, v8;
	(v2sf) =	vpush v22, $0xF;
	p1 =	sgt.f32 s21, $0.0e+00  }
0x115: {  	vm0 =	vlt.f32 v24, $0.0e+00;
	vm1 =	vgt.f32 v24, $0.0e+00;
	v9 =	vld @p3 [tilespmem:s9+$0x12000];
	s9 =	sadd.s32 $0x1800, s0  }
0x116: {  	p0 =	sgt.f32 s20, $0.0e+00;
	vm0 =	vmor vm1, vm0;
	v27 =	vld @p1 [tilespmem:s9+$0x12000]  }
0x117: {  	vm1 =	vlt.f32 v25, $0.0e+00;
	v22 =	vsel vm0, $0x3F800000, v0;
	vm0 =	vgt.f32 v25, $0.0e+00  }
0x118: {  	s31 =	sadd.s32 s4, s5;
	s25 =	sor.u32 $0x15030, s22;
	p2 =	sgt.f32 s18, $0.0e+00;
	v29 =	vld @p0 [tilespmem:s8+$0x12000];
	vm0 =	vmor vm0, vm1  }
0x119: {  	s24 =	simm.s32 $0xD40;
	s26 =	simm.s32 $0x6A0;
	v23 =	vld [tilespmem:s25+$0x0];
	s16 =	sadd.s32 $0xC00, s23;
	vm1 =	vlt.f32 v26, $0.0e+00;
	vm2 =	vgt.f32 v26, $0.0e+00;
	(xrf0) =	vmax.scan.msk.f32 $0xffff, v22;
	v8 =	vsel vm0, $0x3F800000, v0  }
0x11a: {  	s25 =	simm.s32 $0x1220;
	s18 =	sand.u32 $0x1F00, s24;
	s19 =	sand.u32 $0x60, s26;
	vm0 =	vmor vm2, vm1;
	(xrf0) =	vmax.scan.msk.f32 $0xffff, v8;
	v8 =	vld @p2 [tilespmem:s16+$0x12000]  }
0x11b: {  	s26 =	simm.s32 $0x2440;
	s6 =	sor.u32 s19, s18;
	s20 =	simm.s32 $0x18C0;
	v17 =	vmul.f32 @p3 v17, v1;
	v28 =	vmul.f32 @p1 v21, v12;
	v21 =	vld [tilespmem:s31+$0x15C00];
	v22 =	vsel vm0, $0x3F800000, v0  }
0x11c: {  	s18 =	simm.s32 $0x1230;
	s5 =	simm.s32 @p3 $0x0;
	s21 =	simm.s32 $0xC60;
	(xrf0) =	vmax.scan.msk.f32 $0xffff, v22;
	v22 =	vld [tilespmem:s6+$0x15000]  }
0x11d: {  	s4 =	sand.u32 $0x3F00, s20;
	s8 =	simm.s32 @p1 $0x0;
	s15 =	spop (v2sf);
	[tilespmem:v9+s5+$0x0] =	vst.idx.add.f32.msk @p3 $0xffff, v17  }
0x11e: {  	s20 =	simm.s32 $0x2460;
	v16 =	vmul.f32 @p0 v16, v18;
	s9 =	simm.s32 @p0 $0x0;
	s17 =	spop (v2sf);
	[tilespmem:v27+s8+$0x0] =	vst.idx.add.f32.msk @p1 $0xffff, v28  }
0x11f: {  	p5 =	sgt.f32 s15, $0.0e+00;
	s16 =	spop (v2sf);
	s5 =	sand.u32 $0x60, s21;
	v27 =	vld [tilespmem:s0+$0x17400]  }
0x120: {  	v10 =	vmul.f32 @p2 v10, v3;
	s15 =	simm.s32 $0x1320;
	v9, _, _ =	vpop (xrf0);
	s4 =	sor.u32 s5, s4;
	[tilespmem:v29+s9+$0x0] =	vst.idx.add.f32.msk @p0 $0xffff, v16;
	s24 =	spop (v2sf)  }
0x121: {  	vm3 =	vgt.f32 v23, $0.0e+00;
	p3 =	sgt.f32 s16, $0.0e+00;
	(v2sf) =	vpush v9, $0xF;
	v28 =	vld [tilespmem:s4+$0x15000];
	s8 =	simm.s32 @p2 $0x0;
	v17, _, _ =	vpop (xrf0);
	p1 =	sgt.f32 s24, $0.0e+00  }
0x122: {  	vm2 =	vlt.f32 v23, $0.0e+00;
	vm0 =	vlt.f32 v21, $0.0e+00;
	vm1 =	vgt.f32 v21, $0.0e+00;
	s21 =	simm.s32 $0x100;
	s5 =	sand.u32 $0x60, s25;
	s9 =	sand.u32 $0x3F00, s20;
	v9, _, _ =	vpop (xrf0);
	[tilespmem:v8+s8+$0x0] =	vst.idx.add.f32.msk @p2 $0xffff, v10  }
0x123: {  	vm2 =	vmor vm3, vm2;
	vm0 =	vmor vm1, vm0;
	s16 =	simm.s32 @!p3 $0x0;
	(v2sf) =	vpush v9, $0xF;
	v9 =	vld @p1 [tilespmem:s13+$0x12000];
	s13 =	sand.u32 $0x3F00, s26;
	s19 =	spop (v2sf)  }
0x124: {  	s24 =	simm.s32 $0x24C0;
	v8 =	vsel vm2, $0x3F800000, v0;
	v31 =	vld [tilespmem:s23+$0x16800];
	s8 =	sor.u32 s5, s13;
	p0 =	sgt.f32 s19, $0.0e+00;
	vm1 =	vlt.f32 v27, $0.0e+00;
	vm2 =	vgt.f32 v27, $0.0e+00  }
0x125: {  	s16 =	simm.s32 @p3 $0x1;
	(xrf0) =	vmax.scan.msk.f32 $0xffff, v8;
	v8 =	vsel vm0, $0x3F800000, v0;
	s5 =	simm.s32 $0x200;
	s19 =	sand.u32 $0x40, s21;
	v29 =	vld [tilespmem:s8+$0x15000];
	vm1 =	vmor vm2, vm1  }
0x126: {  	p2 =	sgt.f32 s14, $0.0e+00;
	vm0 =	vlt.f32 v22, $0.0e+00;
	(xrf0) =	vmax.scan.msk.f32 $0xffff, v8;
	s20 =	sand.u32 $0xF00, s5;
	vm2 =	vgt.f32 v22, $0.0e+00;
	v10 =	vld @p0 [tilespmem:s12+$0x12000];
	[dreg:$0x5] =	wrdreg s19;
	v8 =	vsel vm1, $0x3F800000, v0  }
0x127: {  	s26 =	simm.s32 $0x1260;
	[dreg:$0x6] =	wrdreg s20;
	s25 =	sor.u32 s19, s20;
	vm0 =	vmor vm2, vm0;
	(xrf0) =	vmax.scan.msk.f32 $0xffff, v8;
	v8 =	vmul.f32 @p1 v30, v19  }
0x128: {  	(v2sf) =	vpush v17, $0xF;
	s13 =	sand.u32 $0x60, s26;
	s20 =	sand.u32 $0x70, s18;
	s19 =	sor.u32 $0x15010, s25;
	v16 =	vld [tilespmem:s25+$0x15000];
	v30 =	vsel vm0, $0x3F800000, v0  }
0x129: {  	s12 =	sand.u32 $0x3F00, s24;
	v34 =	vmul.f32 @p0 v32, v4;
	vm1 =	vgt.f32 v28, $0.0e+00;
	s9 =	sor.u32 s20, s9;
	s20 =	sor.u32 $0x15020, s25;
	vm0 =	vlt.f32 v28, $0.0e+00;
	v17 =	vld [tilespmem:s19+$0x0];
	(xrf0) =	vmax.scan.msk.f32 $0xffff, v30  }
0x12a: {  	s14 =	simm.s32 $0x12E0;
	s21 =	sor.u32 s13, s12;
	s13 =	simm.s32 @p1 $0x0;
	vm2 =	vlt.f32 v31, $0.0e+00;
	vm3 =	vgt.f32 v31, $0.0e+00;
	v33 =	vld [tilespmem:s20+$0x0];
	vm0 =	vmor vm1, vm0  }
0x12b: {  	s26 =	simm.s32 $0x12A0;
	s24 =	simm.s32 $0x2540;
	s18 =	simm.s32 @p0 $0x0;
	vm1 =	vgt.f32 v29, $0.0e+00;
	vm4 =	vlt.f32 v29, $0.0e+00;
	[tilespmem:v9+s13+$0x0] =	vst.idx.add.f32.msk @p1 $0xffff, v8;
	v9 =	vsel vm0, $0x3F800000, v0;
	v8, _, _ =	vpop (xrf0)  }
0x12c: {  	s12 =	sand.u32 $0x60, s26;
	s26 =	simm.s32 $0xC70;
	s19 =	sand.u32 $0x3F00, s24;
	vm0 =	vmor vm3, vm2;
	vm1 =	vmor vm1, vm4;
	v32 =	vld [tilespmem:s9+$0x15000];
	(v2sf) =	vpush v8, $0xF;
	v8, _, _ =	vpop (xrf0);
	(xrf0) =	vmax.scan.msk.f32 $0xffff, v9  }
0x12d: {  	s24 =	simm.s32 $0x18E0;
	s20 =	simm.s32 $0x25C0;
	s19 =	sor.u32 s12, s19;
	vm2 =	vlt.f32 v16, $0.0e+00;
	(v2sf) =	vpush v8, $0xF;
	v8 =	vsel vm0, $0x3F800000, v0  }
0x12e: {  	s12 =	sand.u32 $0x3F00, s24;
	s13 =	sand.u32 $0x70, s26;
	p1 =	sgt.f32 s17, $0.0e+00;
	vm3 =	vgt.f32 v17, $0.0e+00;
	v9, _, _ =	vpop (xrf0);
	vm0 =	vgt.f32 v16, $0.0e+00;
	(xrf0) =	vmax.scan.msk.f32 $0xffff, v8;
	v8 =	vsel vm1, $0x3F800000, v0  }
0x12f: {  	s26 =	simm.s32 $0x2640;
	s13 =	sor.u32 s13, s12;
	s12 =	sand.u32 $0x60, s14;
	[tilespmem:v10+s18+$0x0] =	vst.idx.add.f32.msk @p0 $0xffff, v34;
	(v2sf) =	vpush v9, $0xF;
	vm1 =	vlt.f32 v17, $0.0e+00;
	v9, _, _ =	vpop (xrf0);
	vm0 =	vmor vm0, vm2  }
0x130: {  	s14 =	sand.u32 $0x3F00, s20;
	s17 =	spop (v2sf);
	v34 =	vld [tilespmem:s13+$0x15000];
	[smem:$0x7E6] =	sst s16;
	vm2 =	vgt.f32 v33, $0.0e+00;
	vm1 =	vmor vm3, vm1;
	(v2sf) =	vpush v9, $0xF  }
0x131: {  	s16 =	sor.u32 s12, s14;
	s12 =	sand.u32 $0x60, s15;
	s14 =	sand.u32 $0x3F00, s26;
	(xrf0) =	vmax.scan.msk.f32 $0xffff, v8;
	vm3 =	vlt.f32 v32, $0.0e+00;
	vm4 =	vgt.f32 v32, $0.0e+00;
	v9 =	vsel vm1, $0x3F800000, v0  }
0x132: {  	s18 =	sor.u32 $0x18030, s1;
	v8 =	vsel vm0, $0x3F800000, v0;
	vm0 =	vlt.f32 v33, $0.0e+00;
	s12 =	sor.u32 s12, s14;
	s24 =	spop (v2sf);
	vm1 =	vmor vm4, vm3;
	(xrf0) =	vmax.scan.msk.f32 $0xffff, v9;
	v10, _, _ =	vpop (xrf0)  }
0x133: {  	vm0 =	vmor vm2, vm0;
	p4 =	sgt.f32 s24, $0.0e+00;
	s24 =	sor.u32 $0x18020, s22;
	(xrf0) =	vmax.scan.msk.f32 $0xffff, v8;
	v30 =	vsel vm1, $0x3F800000, v0;
	(v2sf) =	vpush v10, $0xF;
	v10 =	vld [tilespmem:s18+$0x0];
	[dreg:$0x3] =	wrdreg s12  }
0x134: {  	s20 =	simm.s32 $0x1920;
	s1 =	sor.u32 $0x30, s1;
	p6 =	sgt.f32 s17, $0.0e+00;
	v35 =	vsel vm0, $0x3F800000, v0;
	(xrf0) =	vmax.scan.msk.f32 $0xffff, v30;
	v8 =	vld [tilespmem:s24+$0x0]  }
0x135: {  	s26 =	simm.s32 $0xD60;
	s15 =	sand.u32 $0x3F00, s20;
	s20 =	simm.s32 $0xDA0;
	v9, _, _ =	vpop (xrf0);
	(xrf0) =	vmax.scan.msk.f32 $0xffff, v35;
	v35 =	vld @p2 [tilespmem:s1+$0x12000]  }
0x136: {  	s17 =	simm.s32 $0x6E0;
	vm1 =	vlt.f32 v34, $0.0e+00;
	vm2 =	vgt.f32 v34, $0.0e+00;
	s18 =	sor.u32 $0x18010, s22;
	s12 =	sand.u32 $0x1F00, s26;
	v37 =	vld @p6 [tilespmem:s7+$0x12000];
	(v2sf) =	vpush v9, $0xF  }
0x137: {  	s26 =	simm.s32 $0xDC0;
	vm0 =	vmor vm2, vm1;
	s1 =	sor.u32 $0x10, s22;
	s24 =	spop (v2sf);
	v40 =	vld @p1 [tilespmem:s22+$0x12000];
	v36, _, _ =	vpop (xrf0)  }
0x138: {  	v9 =	vld [tilespmem:s18+$0x0];
	v30 =	vsel vm0, $0x3F800000, v0;
	p0 =	sgt.f32 s24, $0.0e+00;
	s18 =	sand.u32 $0x1F00, s20;
	s20 =	simm.s32 $0x6B0;
	(v2sf) =	vpush v36, $0xF  }
0x139: {  	(xrf0) =	vmax.scan.msk.f32 $0xffff, v30;
	v30 =	vld @p5 [tilespmem:s1+$0x12000];
	s1 =	sand.u32 $0x1F00, s26;
	s24 =	sand.u32 $0x70, s20;
	s26 =	simm.s32 $0x6D0  }
0x13a: {  	s7 =	sand.u32 $0x60, s17;
	v36 =	vld @p4 [tilespmem:s11+$0x12000];
	s30 =	sor.u32 s24, s12;
	s12 =	sand.u32 $0x50, s26  }
0x13b: {  	v58, _, _ =	vpop (xrf0);
	s11 =	sor.u32 s12, s18;
	v41 =	vmul.f32 @p2 v11, v10;
	v11 =	vld [tilespmem:s22+$0x18000];
	s12 =	sor.u32 $0x20, s22;
	s17 =	spop (v2sf)  }
0x13c: {  	v39, _, _ =	vpop (xrf0);
	(v2sf) =	vpush v58, $0xF;
	v42 =	vld @p3 [tilespmem:s12+$0x12000];
	p3 =	sgt.f32 s17, $0.0e+00  }
0x13d: {  	s0 =	sadd.s32 $0x2400, s0;
	s14 =	simm.s32 $0xC90;
	(v2sf) =	vpush v39, $0xF  }
0x13e: {  	v38 =	vld @p0 [tilespmem:s10+$0x12000];
	s20 =	sor.u32 s7, s1;
	s1 =	sand.u32 $0x50, s14;
	s7 =	simm.s32 @!p3 $0x0  }
0x13f: {  	s26 =	simm.s32 $0x24A0;
	s10 =	simm.s32 @p6 $0x0;
	s7 =	simm.s32 @p3 $0x1  }
0x140: {  	v24 =	vmul.f32 @p6 v24, v5;
	s14 =	simm.s32 $0x1250;
	s12 =	simm.s32 @p2 $0x0;
	[smem:$0x7EF] =	sst s7  }
0x141: {  	s18 =	spop (v2sf);
	s17 =	sor.u32 s1, s15;
	s1 =	sand.u32 $0x3F00, s26;
	v15 =	vmul.f32 @p1 v15, v11;
	[tilespmem:v35+s12+$0x0] =	vst.idx.add.f32.msk @p2 $0xffff, v41  }
0x142: {  	v20 =	vmul.f32 @p5 v20, v9;
	s15 =	sand.u32 $0x50, s14;
	s24 =	spop (v2sf);
	s7 =	simm.s32 @p1 $0x0;
	[tilespmem:v37+s10+$0x0] =	vst.idx.add.f32.msk @p6 $0xffff, v24  }
0x143: {  	v13 =	vmul.f32 @p4 v26, v13;
	s12 =	simm.s32 @p5 $0x0;
	p2 =	sgt.f32 s18, $0.0e+00;
	s18 =	spop (v2sf);
	[tilespmem:v40+s7+$0x0] =	vst.idx.add.f32.msk @p1 $0xffff, v15  }
0x144: {  	s10 =	simm.s32 @p4 $0x0;
	p6 =	sgt.f32 s24, $0.0e+00;
	[tilespmem:v30+s12+$0x0] =	vst.idx.add.f32.msk @p5 $0xffff, v20;
	v20 =	vmul.f32 @p0 v25, v2;
	s24 =	spop (v2sf)  }
0x145: {  	v59, _, _ =	vpop (xrf0);
	s14 =	sadd.s32 s2, s3;
	s12 =	simm.s32 @p0 $0x0;
	[tilespmem:v36+s10+$0x0] =	vst.idx.add.f32.msk @p4 $0xffff, v13;
	s26 =	spop (v2sf)  }
0x146: {  	v60, _, _ =	vpop (xrf0);
	(v2sf) =	vpush v59, $0xF;
	s3 =	sadd.s32 $0xC00, s31;
	p1 =	sgt.f32 s18, $0.0e+00;
	[tilespmem:v38+s12+$0x0] =	vst.idx.add.f32.msk @p0 $0xffff, v20;
	p3 =	sgt.f32 s26, $0.0e+00  }
0x147: {  	(v2sf) =	vpush v60, $0xF;
	s7 =	simm.s32 $0x1940;
	s18 =	spop (v2sf);
	s26 =	sld [smem:$0x7E6]  }
0x148: {  	v61, _, _ =	vpop (xrf0);
	v30 =	vld [tilespmem:s30+$0x15000];
	s12 =	sor.u32 s15, s1;
	s15 =	simm.s32 $0xCA0;
	p5 =	sgt.f32 s18, $0.0e+00  }
0x149: {  	(v2sf) =	vpush v61, $0xF;
	v13 =	vld @p6 [tilespmem:s0+$0x12000];
	p4 =	por p2, p2;
	s1 =	sand.u32 $0x3F00, s7;
	s2 =	sand.u32 $0x60, s15  }
0x14a: {  	v26 =	vld @p2 [tilespmem:s3+$0x12000];
	s15 =	sor.u32 s2, s1;
	p2 =	seq.s32 s26, $0x1;
	s1 =	simm.s32 @!p5 $0x0  }
0x14b: {  	v15 =	vld @p1 [tilespmem:s6+$0x12000];
	s6 =	sadd.s32 $0x1800, s23;
	s7 =	spop (v2sf);
	v14 =	vmul.f32 @p2 v14, v8;
	s1 =	simm.s32 @p5 $0x1  }
0x14c: {  	v20 =	vld @p3 [tilespmem:s6+$0x12000];
	s2 =	spop (v2sf);
	[smem:$0x7E9] =	sst s1;
	s1 =	simm.s32 @p2 $0x0  }
0x14d: {  	[tilespmem:v42+s1+$0x0] =	vst.idx.add.f32.msk @p2 $0xffff, v14;
	p2 =	sgt.f32 s2, $0.0e+00;
	_ =	sdelay $0x1  }
0x14e: {  	s10 =	simm.s32 $0x24E0;
	s1 =	simm.s32 @!p2 $0x0  }
0x14f: {  	s0 =	simm.s32 $0x1270;
	v24 =	vld [tilespmem:s11+$0x15000];
	[smem:$0x7E8] =	sst s17;
	s1 =	simm.s32 @p2 $0x1  }
0x150: {  	v12 =	vmul.f32 @p6 v27, v12;
	p0 =	sgt.f32 s24, $0.0e+00;
	s24 =	sand.u32 $0x3F00, s10;
	[smem:$0x7E7] =	sst s1  }
0x151: {  	s0 =	sand.u32 $0x70, s0;
	v22 =	vmul.f32 @p1 v22, v6;
	s1 =	simm.s32 @p6 $0x0;
	v25 =	vld [tilespmem:s17+$0x15000];
	[dreg:$0x4] =	wrdreg s12  }
0x152: {  	s3 =	sor.u32 $0x18030, s22;
	s28 =	sor.u32 s0, s24;
	s0 =	simm.s32 @p1 $0x0;
	[tilespmem:v13+s1+$0x0] =	vst.idx.add.f32.msk @p6 $0xffff, v12;
	v12 =	vmul.f32 @p3 v31, v3  }
0x153: {  	s24 =	simm.s32 $0x2520;
	s18 =	simm.s32 $0x1960;
	[tilespmem:v15+s0+$0x0] =	vst.idx.add.f32.msk @p1 $0xffff, v22;
	s1 =	simm.s32 @p3 $0x0  }
0x154: {  	s29 =	sand.u32 $0x3F00, s18;
	s18 =	sor.u32 $0x15030, s25;
	s6 =	spop (v2sf);
	[tilespmem:v20+s1+$0x0] =	vst.idx.add.f32.msk @p3 $0xffff, v12  }
0x155: {  	s26 =	simm.s32 $0x2560;
	s10 =	spop (v2sf);
	s1 =	sld [smem:$0x7E9]  }
0x156: {  	s2 =	simm.s32 $0x19A0;
	p5 =	sgt.f32 s10, $0.0e+00;
	s10 =	sor.u32 $0x18020, s25  }
0x157: {  	vm0 =	vlt.f32 v30, $0.0e+00;
	vm1 =	vgt.f32 v30, $0.0e+00;
	p2 =	sgt.f32 s6, $0.0e+00;
	s17 =	spop (v2sf);
	v13 =	vmul.f32 @p4 v21, v7;
	s0 =	sand.u32 $0x3F00, s24  }
0x158: {  	vm0 =	vmor vm1, vm0;
	vm1 =	vlt.f32 v24, $0.0e+00;
	vm2 =	vgt.f32 v24, $0.0e+00;
	v14 =	vld [tilespmem:s12+$0x15000];
	[dreg:$0x1d] =	wrdreg s0;
	p3 =	seq.s32 s1, $0x1;
	s1 =	simm.s32 @p4 $0x0  }
0x159: {  	s6 =	simm.s32 $0xDE0;
	p6 =	sgt.f32 s17, $0.0e+00;
	v12 =	vsel vm0, $0x3F800000, v0;
	vm0 =	vmor vm2, vm1;
	s0 =	sand.u32 $0x3F00, s2;
	[tilespmem:v26+s1+$0x0] =	vst.idx.add.f32.msk @p4 $0xffff, v13  }
0x15a: {  	s17 =	sand.u32 $0x3F00, s26;
	v15 =	vsel vm0, $0x3F800000, v0;
	vm1 =	vlt.f32 v25, $0.0e+00;
	vm0 =	vgt.f32 v25, $0.0e+00;
	v13 =	vld [tilespmem:s3+$0x0];
	[smem:$0x7EA] =	sst s0;
	s0 =	sand.u32 $0x1F00, s6  }
0x15b: {  	s24 =	smov.u32 s22;
	s12 =	simm.s32 $0x19C0;
	(xrf0) =	vmax.scan.msk.f32 $0xffff, v12;
	vm0 =	vmor vm0, vm1;
	v12 =	vld [tilespmem:s10+$0x0];
	[smem:$0x7EB] =	sst s0  }
0x15c: {  	s26 =	simm.s32 $0x19E0;
	s2 =	sor.u32 $0x18010, s25;
	(xrf0) =	vmax.scan.msk.f32 $0xffff, v15;
	v15 =	vsel vm0, $0x3F800000, v0;
	s0 =	sand.u32 $0x3F00, s12;
	v20 =	vld [tilespmem:s18+$0x0]  }
0x15d: {  	s22 =	simm.s32 $0x25A0;
	(xrf0) =	vmax.scan.msk.f32 $0xffff, v15;
	s3 =	sand.u32 $0x3F00, s26;
	v15 =	vld [tilespmem:s2+$0x0];
	[smem:$0x7EC] =	sst s0  }
0x15e: {  	vm1 =	vlt.f32 v14, $0.0e+00;
	vm2 =	vgt.f32 v14, $0.0e+00;
	s6 =	sand.u32 $0x3F00, s22;
	[dreg:$0x1b] =	wrdreg s3  }
0x15f: {  	vm0 =	vmor vm2, vm1;
	s10 =	simm.s32 $0x25E0;
	[dreg:$0xd] =	wrdreg s6  }
0x160: {  	v21 =	vsel vm0, $0x3F800000, v0;
	s12 =	simm.s32 $0xE20;
	s0 =	sand.u32 $0x3F00, s10;
	v37 =	vld @p0 [tilespmem:s4+$0x12000]  }
0x161: {  	(xrf0) =	vmax.scan.msk.f32 $0xffff, v21;
	s18 =	simm.s32 $0xE40;
	s22 =	sand.u32 $0x1F00, s12;
	v21 =	vld @p3 [tilespmem:s8+$0x12000];
	[dreg:$0xb] =	wrdreg s0  }
0x162: {  	s1 =	simm.s32 $0x1A20;
	[smem:$0x7ED] =	sst s22;
	s26 =	sand.u32 $0x1F00, s18  }
0x163: {  	s4 =	simm.s32 $0xE60;
	s0 =	sand.u32 $0x3F00, s1;
	[smem:$0x7EE] =	sst s26  }
0x164: {  	s2 =	simm.s32 $0x1A40;
	s6 =	sand.u32 $0x1F00, s4;
	v26 =	vld [tilespmem:s14+$0x15C00];
	[dreg:$0x15] =	wrdreg s0  }
0x165: {  	s8 =	sand.u32 $0x3F00, s2;
	[dreg:$0x1c] =	wrdreg s6  }
0x166: {  	[dreg:$0x12] =	wrdreg s8  }
0x167: {  	s18 =	simm.s32 $0x1A60;
	v27 =	vld [tilespmem:s15+$0x15000]  }
0x168: {  	v62, _, _ =	vpop (xrf0);
	s10 =	sld [smem:$0x7EF];
	s12 =	simm.s32 $0x2620;
	s1 =	sand.u32 $0x3F00, s18;
	v22 =	vld @p2 [tilespmem:s9+$0x12000]  }
0x169: {  	(v2sf) =	vpush v62, $0xF;
	s22 =	simm.s32 $0x2660;
	s0 =	sand.u32 $0x3F00, s12;
	v36 =	vld @p6 [tilespmem:s13+$0x12000];
	[dreg:$0xe] =	wrdreg s1  }
0x16a: {  	s26 =	sand.u32 $0x3F00, s22;
	[dreg:$0x8] =	wrdreg s0  }
0x16b: {  	v39 =	vmul.f32 @p0 v28, v1;
	v19 =	vmul.f32 @p2 v32, v19;
	v63, _, _ =	vpop (xrf0);
	p1 =	seq.s32 s10, $0x1;
	[dreg:$0xc] =	wrdreg s26  }
0x16c: {  	s3 =	simm.s32 @p0 $0x0;
	v38, _, _ =	vpop (xrf0);
	v31 =	vmul.f32 @p1 v23, v13;
	v23 =	vmul.f32 @p3 v29, v18;
	[dreg:$0x1a] =	wrdreg s20  }
0x16d: {  	(v2sf) =	vpush v63, $0xF;
	s18 =	simm.s32 $0x1330;
	s4 =	simm.s32 $0x1370;
	s12 =	simm.s32 @p3 $0x0;
	v18, _, _ =	vpop (xrf0);
	v33 =	vmul.f32 @p5 v33, v12;
	v29 =	vmul.f32 @p6 v34, v4;
	v28 =	vld [tilespmem:s20+$0x15000]  }
0x16e: {  	s13 =	simm.s32 $0x12B0;
	s0 =	simm.s32 $0x10;
	p4 =	por p1, p1;
	(v2sf) =	vpush v18, $0xF;
	v18 =	vld [tilespmem:s23+$0x17400];
	vm3 =	vlt.f32 v20, $0.0e+00;
	vm4 =	vgt.f32 v20, $0.0e+00  }
0x16f: {  	s22 =	simm.s32 @p1 $0x0;
	s1 =	simm.s32 $0xCB0;
	s20 =	simm.s32 $0x12F0;
	v32 =	vld [tilespmem:s31+$0x16800];
	vm1 =	vlt.f32 v26, $0.0e+00;
	vm2 =	vgt.f32 v26, $0.0e+00;
	vm0 =	vlt.f32 v27, $0.0e+00  }
.LBB2_15:
0x170: {  	[smem:$0x7DF] =	sst s21  }
0x171: {  	[smem:$0x7E4] =	sst s17  }
0x172: {  	s2 =	simm.s32 @!p5 $0x0;
	[smem:$0x7DE] =	sst s15  }
0x173: {  	[smem:$0x7E3] =	sst s16;
	s6 =	sadd.s32 $0xFFFFEDD0, s4;
	s5 =	sadd.s32 $0x80, s5  }
0x174: {  	[tilespmem:v21+s12+$0x0] =	vst.idx.add.f32.msk @p3 $0xffff, v23;
	s12 =	simm.s32 @p2 $0x0;
	s8 =	smov.u32 s14;
	s14 =	smov.u32 s31  }
0x175: {  	s31 =	smov.u32 s23;
	s1 =	sand.u32 $0x70, s1;
	s2 =	simm.s32 @p5 $0x1  }
0x176: {  	s9 =	sand.u32 $0x40, s6;
	s10 =	sand.u32 $0xF00, s5;
	s15 =	sadd.s32 $0xC20, s5  }
0x177: {  	[tilespmem:v37+s3+$0x0] =	vst.idx.add.f32.msk @p0 $0xffff, v39;
	s16 =	sadd.s32 $0xC40, s5;
	p0 =	sgt.f32 s7, $0.0e+00;
	[smem:$0x7DC] =	sst s2  }
0x178: {  	vm3 =	vmor vm4, vm3;
	[smem:$0x7E1] =	sst s10;
	s10 =	sor.u32 s9, s10;
	s17 =	spop (v2sf)  }
0x179: {  	vm1 =	vmor vm2, vm1;
	(v2sf) =	vpush v38, $0xF;
	v21 =	vsel vm3, $0x3F800000, v0;
	s6 =	sand.u32 $0x1F00, s15;
	s26 =	sand.u32 $0x1F00, s16;
	p1 =	sgt.f32 s17, $0.0e+00  }
0x17a: {  	vm2 =	vlt.f32 v18, $0.0e+00;
	vm3 =	vgt.f32 v18, $0.0e+00;
	(xrf0) =	vmax.scan.msk.f32 $0xffff, v21;
	s16 =	sadd.s32 $0x1840, s5;
	s3 =	sor.u32 $0x15020, s10;
	s2 =	sor.u32 $0x15030, s10;
	[tilespmem:v22+s12+$0x0] =	vst.idx.add.f32.msk @p2 $0xffff, v19  }
0x17b: {  	vm2 =	vmor vm3, vm2;
	v21 =	vsel vm1, $0x3F800000, v0;
	s12 =	sor.u32 $0x15010, s10;
	[smem:$0x7DD] =	sst s2;
	s2 =	sadd.s32 $0x1820, s5;
	v35 =	vld @p1 [tilespmem:s30+$0x12000]  }
0x17c: {  	(xrf0) =	vmax.scan.msk.f32 $0xffff, v21;
	v23 =	vsel vm2, $0x3F800000, v0;
	v19 =	vld [tilespmem:s21+$0x15000];
	s17 =	sadd.s32 $0xC60, s5;
	s21 =	sand.u32 $0x3F00, s16;
	s15 =	spop (v2sf)  }
0x17d: {  	(xrf0) =	vmax.scan.msk.f32 $0xffff, v23;
	v23 =	vmul.f32 @p0 v17, v15;
	s7 =	sand.u32 $0x3F00, s2;
	s23 =	sand.u32 $0x1F00, s17;
	v17 =	vld [tilespmem:s12+$0x0];
	s12 =	simm.s32 @p6 $0x0  }
0x17e: {  	[smem:$0x7E2] =	sst s21;
	s17 =	sadd.s32 $0x2420, s5;
	[tilespmem:v36+s12+$0x0] =	vst.idx.add.f32.msk @p6 $0xffff, v29;
	s16 =	spop (v2sf)  }
0x17f: {  	v29 =	vld [tilespmem:s3+$0x0];
	s3 =	sor.u32 $0x30, s24;
	s12 =	sand.u32 $0x3F00, s17;
	s17 =	sadd.s32 $0xFFFFFFF0, s4  }
0x180: {  	s2 =	sadd.s32 $0x2440, s5;
	p2 =	sgt.f32 s16, $0.0e+00;
	v38 =	vld @p4 [tilespmem:s3+$0x12000];
	s21 =	sand.u32 $0x60, s17;
	v34, _, _ =	vpop (xrf0)  }
0x181: {  	v30 =	vmul.f32 @p1 v30, v10;
	s16 =	sand.u32 $0x3F00, s2;
	s3 =	sor.u32 s1, s29;
	s1 =	rddreg [dreg:$0x4];
	(v2sf) =	vpush v34, $0xF;
	v34 =	vld [tilespmem:s28+$0x15000]  }
0x182: {  	s0 =	sadd.s32 $0x4, s0;
	v37 =	vld @p2 [tilespmem:s1+$0x12000];
	s1 =	sor.u32 s21, s16;
	s16 =	simm.s32 @p1 $0x0  }
0x183: {  	[smem:$0x7E0] =	sst s19;
	s2 =	simm.s32 @p5 $0x0;
	[tilespmem:v35+s16+$0x0] =	vst.idx.add.f32.msk @p1 $0xffff, v30;
	p1 =	slt.u32 s0, $0x5C  }
0x184: {  	s19 =	sor.u32 $0x20, s25;
	[smem:$0x7DB] =	sst s2;
	s2 =	simm.s32 @!p1 $0x0  }
0x185: {  	vm1 =	vlt.f32 v28, $0.0e+00;
	vm3 =	vgt.f32 v28, $0.0e+00;
	v21 =	vld @p5 [tilespmem:s19+$0x12000];
	s19 =	sor.u32 $0x10, s25;
	p3 =	sgt.f32 s15, $0.0e+00;
	s2 =	simm.s32 @p1 $0x1  }
0x186: {  	vm1 =	vmor vm3, vm1;
	v22 =	vld [tilespmem:s10+$0x15000];
	s30 =	sadd.s32 $0x1860, s5;
	s24 =	sadd.s32 $0xFFFFF3F0, s18;
	[smem:$0x7E5] =	sst s2  }
0x187: {  	vm3 =	vgt.f32 v27, $0.0e+00;
	v56 =	vsel vm1, $0x3F800000, v0;
	vm1 =	vlt.f32 v32, $0.0e+00;
	s30 =	sand.u32 $0x3F00, s30;
	v40 =	vld @p3 [tilespmem:s11+$0x12000];
	v57, _, _ =	vpop (xrf0);
	s2 =	smov.u32 s18;
	s18 =	sld [smem:$0x7E7]  }
0x188: {  	vm2 =	vgt.f32 v32, $0.0e+00;
	vm0 =	vmor vm3, vm0;
	(xrf0) =	vmax.scan.msk.f32 $0xffff, v56;
	s17 =	sor.u32 $0x18030, s25;
	s11 =	sld [smem:$0x7E8];
	(v2sf) =	vpush v57, $0xF;
	v35 =	vld [tilespmem:s3+$0x15000];
	s21 =	spop (v2sf)  }
0x189: {  	vm1 =	vmor vm2, vm1;
	v58 =	vsel vm0, $0x3F800000, v0;
	v36 =	vld [tilespmem:s17+$0x0];
	p6 =	sgt.f32 s21, $0.0e+00;
	s21 =	sand.u32 $0x60, s24;
	s24 =	sld [smem:$0x7EE]  }
0x18a: {  	v59 =	vsel vm1, $0x3F800000, v0;
	vm4 =	vgt.f32 v19, $0.0e+00;
	(xrf0) =	vmax.scan.msk.f32 $0xffff, v58;
	[tilespmem:v38+s22+$0x0] =	vst.idx.add.f32.msk @p4 $0xffff, v31;
	s22 =	sld [smem:$0x7EB];
	p5 =	seq.s32 s18, $0x1;
	s18 =	smov.u32 s26  }
0x18b: {  	vm3 =	vlt.f32 v19, $0.0e+00;
	vm0 =	vlt.f32 v22, $0.0e+00;
	v14 =	vmul.f32 @p2 v14, v2;
	s16 =	smov.u32 s25;
	s17 =	smov.u32 s20;
	[smem:$0x7EE] =	sst s18  }
0x18c: {  	vm1 =	vgt.f32 v22, $0.0e+00;
	vm2 =	vmor vm4, vm3;
	v60, _, _ =	vpop (xrf0);
	vm3 =	vgt.f32 v17, $0.0e+00;
	v41 =	vld @p5 [tilespmem:s25+$0x12000];
	s25 =	smov.u32 s10;
	s10 =	sor.u32 s21, s24;
	s21 =	rddreg [dreg:$0x1b]  }
0x18d: {  	(xrf0) =	vmax.scan.msk.f32 $0xffff, v59;
	v61 =	vsel vm2, $0x3F800000, v0;
	(v2sf) =	vpush v60, $0xF;
	vm2 =	vlt.f32 v17, $0.0e+00;
	v42 =	vld @p6 [tilespmem:s11+$0x12000];
	s11 =	sadd.s32 $0xFFFFF400, s20;
	s20 =	smov.u32 s30;
	s24 =	rddreg [dreg:$0xe]  }
0x18e: {  	v39 =	vld @p0 [tilespmem:s19+$0x12000];
	v2 =	vmov v5;
	vm0 =	vmor vm1, vm0;
	v5, _, _ =	vpop (xrf0);
	vm2 =	vmor vm3, vm2;
	s11 =	sand.u32 $0x70, s11;
	[dreg:$0xe] =	wrdreg s20  }
0x18f: {  	vm1 =	vgt.f32 v29, $0.0e+00;
	(xrf0) =	vmax.scan.msk.f32 $0xffff, v61;
	(v2sf) =	vpush v5, $0xF;
	v30 =	vsel vm2, $0x3F800000, v0;
	s30 =	sor.u32 s11, s22;
	s22 =	smov.u32 s23;
	s20 =	rddreg [dreg:$0x1c]  }
0x190: {  	v5 =	vmov v9;
	v9 =	vmov v15;
	v15 =	vsel vm0, $0x3F800000, v0;
	v62, _, _ =	vpop (xrf0);
	(xrf0) =	vmax.scan.msk.f32 $0xffff, v30;
	[dreg:$0x1c] =	wrdreg s22  }
0x191: {  	vm0 =	vlt.f32 v29, $0.0e+00;
	vm3 =	vlt.f32 v34, $0.0e+00;
	vm4 =	vgt.f32 v34, $0.0e+00;
	s29 =	smov.u32 s21;
	s26 =	smov.u32 s24;
	s21 =	rddreg [dreg:$0xc]  }
0x192: {  	vm0 =	vmor vm1, vm0;
	vm1 =	vmor vm4, vm3;
	v44 =	vld [tilespmem:s16+$0x18000];
	s11 =	simm.s32 @p0 $0x0;
	s24 =	smov.u32 s16;
	[dreg:$0x1b] =	wrdreg s26  }
0x193: {  	v43 =	vmul.f32 @p6 v25, v2;
	v25, _, _ =	vpop (xrf0);
	(xrf0) =	vmax.scan.msk.f32 $0xffff, v15;
	v15 =	vsel vm1, $0x3F800000, v0;
	s26 =	smov.u32 s21;
	s21 =	smov.u32 s20;
	s20 =	sld [smem:$0x7ED]  }
0x194: {  	(v2sf) =	vpush v62, $0xF;
	s16 =	sadd.s32 $0xFFFFF3E0, s2;
	[smem:$0x7EB] =	sst s21;
	s21 =	sadd.s32 $0xFFFFF9E0, s17  }
0x195: {  	v24 =	vmul.f32 @p3 v24, v5;
	v30 =	vsel vm0, $0x3F800000, v0;
	(v2sf) =	vpush v25, $0xF;
	v25, _, _ =	vpop (xrf0);
	s16 =	sand.u32 $0x50, s16;
	s23 =	spop (v2sf);
	s18 =	sand.u32 $0x50, s21  }
0x196: {  	(xrf0) =	vmax.scan.msk.f32 $0xffff, v15;
	vm0 =	vlt.f32 v35, $0.0e+00;
	(v2sf) =	vpush v25, $0xF;
	[tilespmem:v39+s11+$0x0] =	vst.idx.add.f32.msk @p0 $0xffff, v23;
	v15, _, _ =	vpop (xrf0);
	s11 =	sor.u32 s16, s20;
	s16 =	simm.s32 @p3 $0x0;
	s20 =	sld [smem:$0x7EA]  }
0x197: {  	vm1 =	vgt.f32 v35, $0.0e+00;
	(v2sf) =	vpush v15, $0xF;
	v15 =	vmul.f32 @p5 v16, v44;
	p0 =	sgt.f32 s23, $0.0e+00;
	s21 =	smov.u32 s6;
	s23 =	spop (v2sf);
	[tilespmem:v40+s16+$0x0] =	vst.idx.add.f32.msk @p3 $0xffff, v24  }
0x198: {  	vm0 =	vmor vm1, vm0;
	[smem:$0x7ED] =	sst s21;
	p1 =	sgt.f32 s23, $0.0e+00;
	s23 =	simm.s32 @p5 $0x0;
	v24 =	vld [tilespmem:s11+$0x15000]  }
0x199: {  	(xrf0) =	vmax.scan.msk.f32 $0xffff, v30;
	v25 =	vsel vm0, $0x3F800000, v0;
	s16 =	sor.u32 s18, s20;
	s20 =	rddreg [dreg:$0x15];
	[tilespmem:v41+s23+$0x0] =	vst.idx.add.f32.msk @p5 $0xffff, v15  }
0x19a: {  	(xrf0) =	vmax.scan.msk.f32 $0xffff, v25;
	s23 =	smov.u32 s7;
	[smem:$0x7E8] =	sst s16;
	v25 =	vld [tilespmem:s16+$0x15000];
	s16 =	simm.s32 @p6 $0x0  }
0x19b: {  	s21 =	simm.s32 @p2 $0x0;
	[dreg:$0x15] =	wrdreg s23;
	[tilespmem:v42+s16+$0x0] =	vst.idx.add.f32.msk @p6 $0xffff, v43  }
0x19c: {  	s16 =	spop (v2sf);
	[tilespmem:v37+s21+$0x0] =	vst.idx.add.f32.msk @p2 $0xffff, v14;
	s21 =	smov.u32 s20;
	s20 =	rddreg [dreg:$0x1d]  }
0x19d: {  	s18 =	sadd.s32 $0xFFFFFFE0, s13;
	p2 =	sgt.f32 s16, $0.0e+00;
	s16 =	rddreg [dreg:$0x8]  }
0x19e: {  	s19 =	sadd.s32 $0x2460, s5;
	v30 =	vld [tilespmem:s30+$0x15000];
	s6 =	sand.u32 $0x50, s18;
	[smem:$0x7EA] =	sst s21  }
0x19f: {  	s19 =	sand.u32 $0x3F00, s19;
	s6 =	sor.u32 s6, s20;
	s20 =	rddreg [dreg:$0xd]  }
0x1a0: {  	v23, _, _ =	vpop (xrf0);
	s18 =	smov.u32 s16;
	s16 =	smov.u32 s19;
	s19 =	sld [smem:$0x7DD]  }
0x1a1: {  	(v2sf) =	vpush v23, $0xF;
	[dreg:$0x4] =	wrdreg s6  }
0x1a2: {  	[dreg:$0xd] =	wrdreg s18  }
0x1a3: {  	v16 =	vmov v22;
	v22, _, _ =	vpop (xrf0);
	vm0 =	vlt.f32 v30, $0.0e+00;
	vm1 =	vgt.f32 v30, $0.0e+00;
	v14 =	vld [tilespmem:s6+$0x15000];
	s6 =	sld [smem:$0x7DB]  }
0x1a4: {  	v31 =	vmul.f32 @p0 v20, v36;
	v20, _, _ =	vpop (xrf0);
	vm0 =	vmor vm1, vm0;
	(v2sf) =	vpush v22, $0xF;
	s23 =	smov.u32 s20;
	s20 =	sld [smem:$0x7DC]  }
0x1a5: {  	s15 =	sor.u32 $0x18010, s25;
	s22 =	sor.u32 $0x18020, s25;
	v15, _, _ =	vpop (xrf0);
	(v2sf) =	vpush v20, $0xF;
	vm1 =	vlt.f32 v24, $0.0e+00;
	vm2 =	vgt.f32 v24, $0.0e+00;
	[dreg:$0xc] =	wrdreg s16  }
0x1a6: {  	p4 =	por p0, p0;
	v20 =	vsel vm0, $0x3F800000, v0;
	s21 =	spop (v2sf);
	(v2sf) =	vpush v15, $0xF;
	vm0 =	vmor vm2, vm1;
	[dreg:$0x1d] =	wrdreg s23  }
0x1a7: {  	(xrf0) =	vmax.scan.msk.f32 $0xffff, v20;
	vm1 =	vlt.f32 v25, $0.0e+00;
	s23 =	smov.u32 s12;
	v15 =	vsel vm0, $0x3F800000, v0;
	vm0 =	vgt.f32 v25, $0.0e+00;
	s12 =	sld [smem:$0x7DF];
	p3 =	seq.s32 s20, $0x1  }
0x1a8: {  	[dreg:$0x8] =	wrdreg s23;
	s23 =	smov.u32 s14;
	vm0 =	vmor vm0, vm1;
	[tilespmem:v21+s6+$0x0] =	vst.idx.add.f32.msk @p3 $0xffff, v33;
	s6 =	sadd.s32 $0x2400, s31  }
0x1a9: {  	(xrf0) =	vmax.scan.msk.f32 $0xffff, v15;
	s14 =	smov.u32 s10;
	s20 =	smov.u32 s2;
	v15 =	vsel vm0, $0x3F800000, v0;
	s2 =	rddreg [dreg:$0x1a];
	v21 =	vld @p2 [tilespmem:s6+$0x12000]  }
0x1aa: {  	p5 =	sgt.f32 s21, $0.0e+00;
	[dreg:$0x1a] =	wrdreg s14;
	s31 =	smov.u32 s8;
	(xrf0) =	vmax.scan.msk.f32 $0xffff, v15;
	v15 =	vld [tilespmem:s15+$0x0]  }
0x1ab: {  	s15 =	rddreg [dreg:$0x6];
	s6 =	smov.u32 s17;
	v22 =	vld [tilespmem:s22+$0x0];
	s17 =	spop (v2sf)  }
0x1ac: {  	s16 =	sadd.s32 $0xC00, s31;
	v33 =	vld @p5 [tilespmem:s2+$0x12000];
	s2 =	sld [smem:$0x7DE];
	s21 =	spop (v2sf)  }
0x1ad: {  	v40 =	vmul.f32 @p5 v28, v8;
	s22 =	simm.s32 @p0 $0x0;
	v28, _, _ =	vpop (xrf0);
	v41 =	vld @p1 [tilespmem:s16+$0x12000];
	p0 =	sgt.f32 s17, $0.0e+00;
	s17 =	sld [smem:$0x7E0]  }
0x1ae: {  	s8 =	spop (v2sf);
	p3 =	sgt.f32 s21, $0.0e+00;
	(v2sf) =	vpush v28, $0xF;
	v28 =	vld [tilespmem:s14+$0x15000]  }
0x1af: {  	v18 =	vmul.f32 @p2 v18, v3;
	s10 =	sadd.s32 $0x1800, s23;
	vm0 =	vlt.f32 v14, $0.0e+00;
	vm1 =	vgt.f32 v14, $0.0e+00;
	s14 =	rddreg [dreg:$0x5];
	v37 =	vld @p0 [tilespmem:s2+$0x12000];
	s7 =	spop (v2sf)  }
0x1b0: {  	vm0 =	vmor vm1, vm0;
	s2 =	simm.s32 @p2 $0x0;
	v42 =	vld @p3 [tilespmem:s10+$0x12000];
	s16 =	spop (v2sf);
	s21 =	smov.u32 s17  }
0x1b1: {  	v23 =	vsel vm0, $0x3F800000, v0;
	s17 =	smov.u32 s9;
	s9 =	sld [smem:$0x7E1];
	[tilespmem:v21+s2+$0x0] =	vst.idx.add.f32.msk @p2 $0xffff, v18;
	p2 =	sgt.f32 s16, $0.0e+00  }
0x1b2: {  	(xrf0) =	vmax.scan.msk.f32 $0xffff, v23;
	p6 =	sgt.f32 s8, $0.0e+00;
	[dreg:$0x5] =	wrdreg s17  }
0x1b3: {  	s14 =	sadd.s32 s14, s15;
	s17 =	rddreg [dreg:$0x12];
	s2 =	simm.s32 @!p2 $0x0  }
0x1b4: {  	v20 =	vld [tilespmem:s19+$0x0];
	s19 =	spop (v2sf);
	s16 =	sadd.s32 $0xFFFFF9F0, s6;
	s2 =	simm.s32 @p2 $0x1  }
0x1b5: {  	v3 =	vmov v7;
	v21 =	vld @p6 [tilespmem:s12+$0x12000];
	p2 =	sgt.f32 s19, $0.0e+00;
	[smem:$0x7E7] =	sst s2;
	s2 =	simm.s32 @p5 $0x0  }
0x1b6: {  	v7 =	vmov v11;
	v63, _, _ =	vpop (xrf0);
	v32 =	vmul.f32 @p3 v32, v3;
	s19 =	sld [smem:$0x7EC];
	[tilespmem:v33+s2+$0x0] =	vst.idx.add.f32.msk @p5 $0xffff, v40;
	s2 =	sand.u32 $0x60, s16;
	s16 =	smov.u32 s9  }
0x1b7: {  	v11 =	vmov v44;
	s18 =	smov.u32 s4;
	v44 =	vmul.f32 @p1 v26, v7;
	v38, _, _ =	vpop (xrf0);
	v26 =	vld [tilespmem:s14+$0x15C00];
	s9 =	simm.s32 @p3 $0x0;
	[dreg:$0x6] =	wrdreg s16  }
0x1b8: {  	s4 =	sadd.s32 $0x40, s4;
	(v2sf) =	vpush v63, $0xF;
	s12 =	spop (v2sf);
	v18, _, _ =	vpop (xrf0);
	[tilespmem:v42+s9+$0x0] =	vst.idx.add.f32.msk @p3 $0xffff, v32;
	s9 =	sld [smem:$0x7E2]  }
0x1b9: {  	s10 =	simm.s32 @p1 $0x0;
	s8 =	spop (v2sf);
	(v2sf) =	vpush v18, $0xF;
	s16 =	sld [smem:$0x7E3];
	v18 =	vld [tilespmem:s23+$0x17400]  }
0x1ba: {  	p5 =	sgt.f32 s12, $0.0e+00;
	[tilespmem:v41+s10+$0x0] =	vst.idx.add.f32.msk @p1 $0xffff, v44;
	s10 =	smov.u32 s26;
	s26 =	sld [smem:$0x7E5]  }
0x1bb: {  	s15 =	sor.u32 s2, s19;
	s19 =	smov.u32 s17;
	s17 =	rddreg [dreg:$0x3]  }
0x1bc: {  	v23 =	vmul.f32 @p6 v19, v1;
	p3 =	por p6, p6;
	p6 =	sgt.f32 s8, $0.0e+00;
	s8 =	sld [smem:$0x7E4]  }
0x1bd: {  	v39 =	vmul.f32 @p0 v27, v6;
	s2 =	smov.u32 s1;
	[smem:$0x7EC] =	sst s19;
	v27 =	vld [tilespmem:s15+$0x15000];
	p1 =	seq.s32 s26, $0x1  }
.Ltmp10:
0x1be: {  	v19 =	vmul.f32 @p2 v34, v4;
	v4 =	vmovc v10;
	v10 =	vmov v13;
	v13 =	vmov v36;
	[dreg:$0x3] =	wrdreg s2;
	v36 =	vld @p6 [tilespmem:s3+$0x12000];
	s3 =	sand.u32 $0x70, s13;
	(pc) =	sbr.rel @p1 .LBB2_15-.Ltmp10, $4  }
0x1bf: {  	s13 =	smov.u32 s6;
	s12 =	smov.u32 s9;
	s19 =	smov.u32 s16  }
0x1c0: {  	vm3 =	vlt.f32 v20, $0.0e+00;
	v1 =	vmovc v6;
	v6 =	vmovc v8;
	v8 =	vmov v12;
	v12 =	vmov v22;
	v22 =	vld @p2 [tilespmem:s28+$0x12000];
	s16 =	smov.u32 s17;
	s28 =	sor.u32 s3, s8;
	s9 =	rddreg [dreg:$0xb]  }
0x1c1: {  	vm4 =	vgt.f32 v20, $0.0e+00;
	vm1 =	vlt.f32 v26, $0.0e+00;
	vm2 =	vgt.f32 v26, $0.0e+00;
	[dreg:$0xb] =	wrdreg s10;
	s1 =	sadd.s32 $0xFFFFFA00, s13;
	s3 =	simm.s32 @p0 $0x0  }
0x1c2: {  	v33 =	vmul.f32 @p5 v29, v12;
	v29 =	vmul.f32 @p6 v35, v4;
	v32 =	vld [tilespmem:s31+$0x16800];
	[dreg:$0x12] =	wrdreg s12;
	s12 =	simm.s32 @p3 $0x0;
	s17 =	smov.u32 s9;
	vm0 =	vlt.f32 v27, $0.0e+00  }
0x1c3: {  	s0 =	spop (v2sf);
	vm3 =	vmor vm4, vm3  }
0x1c4: {  	vm1 =	vmor vm2, vm1;
	vm13 =	vlt.f32 v18, $0.0e+00;
	vm14 =	vgt.f32 v18, $0.0e+00;
	p1 =	sgt.f32 s0, $0.0e+00  }
0x1c5: {  	vm15 =	vlt.f32 v28, $0.0e+00;
	vm5 =	vgt.f32 v28, $0.0e+00;
	v35 =	vsel vm3, $0x3F800000, v0  }
0x1c6: {  	vm8 =	vgt.f32 v27, $0.0e+00;
	vm2 =	vmor vm14, vm13;
	v46 =	vsel vm1, $0x3F800000, v0;
	(xrf0) =	vmax.scan.msk.f32 $0xffff, v35;
	v34 =	vld @p1 [tilespmem:s30+$0x12000]  }
0x1c7: {  	vm7 =	vmor vm5, vm15;
	vm0 =	vmor vm8, vm0;
	v47 =	vsel vm2, $0x3F800000, v0;
	(xrf0) =	vmax.scan.msk.f32 $0xffff, v46  }
0x1c8: {  	v48 =	vsel vm7, $0x3F800000, v0;
	(xrf0) =	vmax.scan.msk.f32 $0xffff, v47;
	vm9 =	vlt.f32 v32, $0.0e+00;
	vm10 =	vgt.f32 v32, $0.0e+00  }
0x1c9: {  	[tilespmem:v37+s3+$0x0] =	vst.idx.add.f32.msk @p0 $0xffff, v39;
	s0 =	simm.s32 @p6 $0x0;
	v49 =	vsel vm0, $0x3F800000, v0;
	(xrf0) =	vmax.scan.msk.f32 $0xffff, v48;
	vm11 =	vmor vm10, vm9  }
0x1ca: {  	[tilespmem:v36+s0+$0x0] =	vst.idx.add.f32.msk @p6 $0xffff, v29;
	s0 =	sor.u32 $0x30, s24;
	v50 =	vsel vm11, $0x3F800000, v0;
	(xrf0) =	vmax.scan.msk.f32 $0xffff, v49  }
0x1cb: {  	v36 =	vld @p4 [tilespmem:s0+$0x12000];
	(xrf0) =	vmax.scan.msk.f32 $0xffff, v50  }
0x1cc: {  	(v2sf) =	vpush v38, $0xF;
	v29 =	vld [tilespmem:s21+$0x15000];
	v35 =	vmul.f32 @p1 v30, v10;
	v51, _, _ =	vpop (xrf0)  }
0x1cd: {  	s9 =	sand.u32 $0x70, s1;
	v30 =	vld [tilespmem:s28+$0x15000];
	s3 =	simm.s32 @p1 $0x0;
	(v2sf) =	vpush v51, $0xF;
	v52, _, _ =	vpop (xrf0)  }
0x1ce: {  	s1 =	sor.u32 s9, s29;
	(v2sf) =	vpush v52, $0xF;
	v53, _, _ =	vpop (xrf0);
	[tilespmem:v34+s3+$0x0] =	vst.idx.add.f32.msk @p1 $0xffff, v35  }
0x1cf: {  	(v2sf) =	vpush v53, $0xF;
	v54, _, _ =	vpop (xrf0);
	v35 =	vld [tilespmem:s1+$0x15000]  }
0x1d0: {  	(v2sf) =	vpush v54, $0xF;
	v56, _, _ =	vpop (xrf0)  }
0x1d1: {  	vm12 =	vgt.f32 v29, $0.0e+00;
	vm13 =	vlt.f32 v29, $0.0e+00;
	v57, _, _ =	vpop (xrf0);
	(v2sf) =	vpush v56, $0xF  }
0x1d2: {  	vm0 =	vmor vm12, vm13;
	(v2sf) =	vpush v57, $0xF  }
0x1d3: {  	vm14 =	vlt.f32 v30, $0.0e+00;
	vm15 =	vgt.f32 v30, $0.0e+00;
	v55 =	vsel vm0, $0x3F800000, v0;
	[tilespmem:v36+s22+$0x0] =	vst.idx.add.f32.msk @p4 $0xffff, v31  }
0x1d4: {  	vm4 =	vmor vm15, vm14;
	s2 =	sld [smem:$0x7EB];
	vm5 =	vlt.f32 v35, $0.0e+00;
	vm6 =	vgt.f32 v35, $0.0e+00  }
0x1d5: {  	s10 =	sadd.s32 $0xFFFFF400, s20;
	(xrf0) =	vmax.scan.msk.f32 $0xffff, v55;
	v58 =	vsel vm4, $0x3F800000, v0;
	vm7 =	vmor vm6, vm5  }
0x1d6: {  	s0 =	sand.u32 $0x70, s10;
	(xrf0) =	vmax.scan.msk.f32 $0xffff, v58;
	v59 =	vsel vm7, $0x3F800000, v0  }
0x1d7: {  	p0 =	sgt.f32 s7, $0.0e+00;
	s3 =	sor.u32 s0, s2;
	(xrf0) =	vmax.scan.msk.f32 $0xffff, v59  }
0x1d8: {  	s4 =	spop (v2sf);
	s0 =	sor.u32 $0x10, s25;
	v34 =	vld [tilespmem:s3+$0x15000]  }
0x1d9: {  	p1 =	sgt.f32 s4, $0.0e+00;
	v36 =	vld @p0 [tilespmem:s0+$0x12000]  }
0x1da: {  	s4 =	sor.u32 $0x20, s25;
	s2 =	simm.s32 @!p3 $0x0;
	s0 =	spop (v2sf)  }
0x1db: {  	s24 =	sld [smem:$0x7E7];
	v60, _, _ =	vpop (xrf0);
	s2 =	simm.s32 @p3 $0x1;
	s5 =	spop (v2sf)  }
0x1dc: {  	v31 =	vld @p5 [tilespmem:s4+$0x12000];
	(v2sf) =	vpush v60, $0xF;
	v61, _, _ =	vpop (xrf0);
	[smem:$0x7E9] =	sst s2;
	s6 =	spop (v2sf)  }
0x1dd: {  	s2 =	sld [smem:$0x7E8];
	(v2sf) =	vpush v61, $0xF;
	vm8 =	vlt.f32 v34, $0.0e+00;
	vm9 =	vgt.f32 v34, $0.0e+00;
	s22 =	spop (v2sf);
	v62, _, _ =	vpop (xrf0)  }
0x1de: {  	p4 =	seq.s32 s24, $0x1;
	p3 =	sgt.f32 s5, $0.0e+00;
	v37 =	vld @p1 [tilespmem:s11+$0x12000];
	vm0 =	vmor vm9, vm8;
	s4 =	spop (v2sf);
	(v2sf) =	vpush v62, $0xF  }
0x1df: {  	v40 =	vmul.f32 @p0 v17, v15;
	v38 =	vld @p4 [tilespmem:s25+$0x12000];
	v63 =	vsel vm0, $0x3F800000, v0;
	s26 =	spop (v2sf)  }
0x1e0: {  	s7 =	simm.s32 @p0 $0x0;
	v39 =	vld @p3 [tilespmem:s2+$0x12000];
	(xrf0) =	vmax.scan.msk.f32 $0xffff, v63;
	s9 =	spop (v2sf)  }
0x1e1: {  	[tilespmem:v36+s7+$0x0] =	vst.idx.add.f32.msk @p0 $0xffff, v40;
	p6 =	sgt.f32 s26, $0.0e+00;
	s10 =	spop (v2sf)  }
0x1e2: {  	v17 =	vld [tilespmem:s25+$0x18000];
	s2 =	rddreg [dreg:$0x1a];
	p0 =	sgt.f32 s10, $0.0e+00  }
0x1e3: {  	s7 =	sadd.s32 $0x1800, s31;
	v36 =	vld @p6 [tilespmem:s2+$0x12000]  }
0x1e4: {  	v40 =	vld @p0 [tilespmem:s7+$0x12000]  }
0x1e5: {  	v24 =	vmul.f32 @p1 v24, v9;
	s5 =	simm.s32 @p5 $0x0  }
0x1e6: {  	v25 =	vmul.f32 @p3 v25, v5;
	[tilespmem:v31+s5+$0x0] =	vst.idx.add.f32.msk @p5 $0xffff, v33;
	v41, _, _ =	vpop (xrf0);
	s7 =	simm.s32 @p1 $0x0  }
0x1e7: {  	v16 =	vmul.f32 @p4 v16, v17;
	(v2sf) =	vpush v41, $0xF;
	[tilespmem:v37+s7+$0x0] =	vst.idx.add.f32.msk @p1 $0xffff, v24;
	s7 =	simm.s32 @p3 $0x0  }
0x1e8: {  	p1 =	sgt.f32 s22, $0.0e+00;
	[tilespmem:v39+s7+$0x0] =	vst.idx.add.f32.msk @p3 $0xffff, v25;
	s7 =	simm.s32 @p4 $0x0  }
0x1e9: {  	v24 =	vmul.f32 @p6 v28, v8;
	[tilespmem:v38+s7+$0x0] =	vst.idx.add.f32.msk @p4 $0xffff, v16;
	s7 =	sadd.s32 $0xC00, s14  }
0x1ea: {  	s2 =	simm.s32 @p6 $0x0;
	v28 =	vmul.f32 @p0 v32, v7;
	v16 =	vld @p1 [tilespmem:s7+$0x12000]  }
0x1eb: {  	s5 =	spop (v2sf);
	p3 =	sgt.f32 s9, $0.0e+00;
	s7 =	simm.s32 @p0 $0x0;
	[tilespmem:v36+s2+$0x0] =	vst.idx.add.f32.msk @p6 $0xffff, v24  }
0x1ec: {  	s11 =	spop (v2sf);
	[tilespmem:v40+s7+$0x0] =	vst.idx.add.f32.msk @p0 $0xffff, v28  }
0x1ed: {  	s26 =	smov.u32 s28;
	v25 =	vld @p3 [tilespmem:s15+$0x12000];
	s8 =	sld [smem:$0x7ED];
	s28 =	spop (v2sf)  }
0x1ee: {  	s29 =	sadd.s32 $0xFFFFF3E0, s18;
	p4 =	sgt.f32 s28, $0.0e+00  }
0x1ef: {  	s10 =	sadd.s32 $0xFFFFFFE0, s13;
	s2 =	sand.u32 $0x50, s29;
	s15 =	sld [smem:$0x7EA]  }
0x1f0: {  	s22 =	sand.u32 $0x50, s10;
	s28 =	rddreg [dreg:$0x1d];
	s9 =	sor.u32 s2, s8;
	v37 =	vld @p4 [tilespmem:s1+$0x12000]  }
0x1f1: {  	s30 =	sadd.s32 $0xFFFFF9E0, s20;
	v26 =	vmul.f32 @p1 v26, v11;
	s10 =	sor.u32 s22, s28;
	v32 =	vld [tilespmem:s9+$0x15000]  }
0x1f2: {  	s8 =	sand.u32 $0x50, s30;
	v24 =	vld [tilespmem:s10+$0x15000];
	s1 =	simm.s32 @p1 $0x0  }
0x1f3: {  	v27 =	vmul.f32 @p3 v27, v6;
	s7 =	sor.u32 s8, s15;
	[tilespmem:v16+s1+$0x0] =	vst.idx.add.f32.msk @p1 $0xffff, v26  }
0x1f4: {  	v31 =	vld [tilespmem:s7+$0x15000];
	s1 =	simm.s32 @p3 $0x0;
	s29 =	rddreg [dreg:$0x5]  }
0x1f5: {  	s22 =	smov.u32 s14;
	s30 =	rddreg [dreg:$0x6];
	[tilespmem:v25+s1+$0x0] =	vst.idx.add.f32.msk @p3 $0xffff, v27  }
0x1f6: {  	v25 =	vld [tilespmem:s31+$0x17400];
	s2 =	sadd.s32 s29, s30;
	s28 =	sld [smem:$0x7EE];
	s30 =	spop (v2sf)  }
0x1f7: {  	s8 =	sadd.s32 $0xFFFFF3F0, s18;
	v35 =	vmul.f32 @p4 v35, v10;
	v39 =	vld [tilespmem:s22+$0x16800];
	s14 =	sld [smem:$0x7EC];
	p1 =	sgt.f32 s30, $0.0e+00  }
0x1f8: {  	s15 =	sadd.s32 $0xFFFFF9F0, s20;
	s1 =	sand.u32 $0x60, s8;
	v28 =	vld [tilespmem:s2+$0x15C00];
	vm10 =	vlt.f32 v32, $0.0e+00;
	vm11 =	vgt.f32 v32, $0.0e+00;
	vm14 =	vlt.f32 v24, $0.0e+00  }
0x1f9: {  	s29 =	sand.u32 $0x60, s15;
	vm15 =	vgt.f32 v24, $0.0e+00;
	s28 =	sor.u32 s1, s28;
	vm12 =	vlt.f32 v31, $0.0e+00;
	vm13 =	vgt.f32 v31, $0.0e+00;
	v38 =	vld @p1 [tilespmem:s3+$0x12000]  }
0x1fa: {  	p3 =	sgt.f32 s6, $0.0e+00;
	s14 =	sor.u32 s29, s14;
	vm0 =	vmor vm11, vm10;
	vm8 =	vmor vm15, vm14;
	v34 =	vmul.f32 @p1 v34, v13;
	v36 =	vld [tilespmem:s28+$0x15000]  }
0x1fb: {  	s1 =	sor.u32 $0x30, s25;
	vm7 =	vmor vm13, vm12;
	v33 =	vld [tilespmem:s14+$0x15000];
	v42 =	vsel vm0, $0x3F800000, v0;
	v44 =	vsel vm8, $0x3F800000, v0  }
0x1fc: {  	s15 =	sor.u32 $0x18030, s25;
	vm11 =	vlt.f32 v25, $0.0e+00;
	vm12 =	vgt.f32 v25, $0.0e+00;
	v40 =	vld @p3 [tilespmem:s1+$0x12000];
	v43 =	vsel vm7, $0x3F800000, v0;
	(xrf0) =	vmax.scan.msk.f32 $0xffff, v42  }
0x1fd: {  	v16 =	vld [tilespmem:s15+$0x0];
	vm1 =	vmor vm12, vm11;
	vm9 =	vlt.f32 v28, $0.0e+00;
	vm10 =	vgt.f32 v28, $0.0e+00;
	(xrf0) =	vmax.scan.msk.f32 $0xffff, v43  }
0x1fe: {  	s1 =	simm.s32 @p4 $0x0;
	vm8 =	vlt.f32 v39, $0.0e+00;
	v46 =	vsel vm1, $0x3F800000, v0;
	vm0 =	vmor vm10, vm9;
	(xrf0) =	vmax.scan.msk.f32 $0xffff, v44  }
0x1ff: {  	[tilespmem:v37+s1+$0x0] =	vst.idx.add.f32.msk @p4 $0xffff, v35;
	v45 =	vsel vm0, $0x3F800000, v0;
	vm13 =	vlt.f32 v36, $0.0e+00;
	vm14 =	vgt.f32 v36, $0.0e+00  }
0x200: {  	s25 =	sand.u32 $0x70, s13;
	vm15 =	vlt.f32 v33, $0.0e+00;
	(xrf0) =	vmax.scan.msk.f32 $0xffff, v45;
	vm7 =	vgt.f32 v33, $0.0e+00;
	vm6 =	vmor vm14, vm13  }
0x201: {  	v26 =	vld [tilespmem:s19+$0x15000];
	s6 =	sor.u32 s25, s17;
	vm9 =	vgt.f32 v39, $0.0e+00;
	(xrf0) =	vmax.scan.msk.f32 $0xffff, v46;
	vm0 =	vmor vm7, vm15;
	v47 =	vsel vm6, $0x3F800000, v0  }
0x202: {  	s29 =	sadd.s32 $0xFFFFFA00, s20;
	s3 =	simm.s32 @p1 $0x0;
	v27 =	vld [tilespmem:s6+$0x15000];
	v20 =	vmul.f32 @p3 v20, v16;
	vm1 =	vmor vm9, vm8;
	v48, _, _ =	vpop (xrf0);
	v49 =	vsel vm0, $0x3F800000, v0;
	(xrf0) =	vmax.scan.msk.f32 $0xffff, v47  }
0x203: {  	s1 =	sand.u32 $0x70, s29;
	s30 =	rddreg [dreg:$0x1b];
	v51 =	vsel vm1, $0x3F800000, v0;
	[tilespmem:v38+s3+$0x0] =	vst.idx.add.f32.msk @p1 $0xffff, v34;
	s3 =	simm.s32 @p3 $0x0;
	v50, _, _ =	vpop (xrf0);
	(xrf0) =	vmax.scan.msk.f32 $0xffff, v49  }
0x204: {  	s8 =	sadd.s32 $0xFFFFF400, s18;
	s13 =	sor.u32 s1, s30;
	(v2sf) =	vpush v48, $0xF;
	[tilespmem:v40+s3+$0x0] =	vst.idx.add.f32.msk @p3 $0xffff, v20;
	v52, _, _ =	vpop (xrf0);
	(xrf0) =	vmax.scan.msk.f32 $0xffff, v51  }
0x205: {  	s1 =	sand.u32 $0x70, s8;
	v34 =	vld [tilespmem:s13+$0x15000];
	s3 =	rddreg [dreg:$0x1c];
	(v2sf) =	vpush v52, $0xF  }
0x206: {  	vm11 =	vlt.f32 v26, $0.0e+00;
	vm10 =	vgt.f32 v26, $0.0e+00;
	s8 =	sor.u32 s1, s3;
	(v2sf) =	vpush v50, $0xF;
	v53, _, _ =	vpop (xrf0)  }
0x207: {  	vm0 =	vmor vm10, vm11;
	v35 =	vld [tilespmem:s8+$0x15000];
	(v2sf) =	vpush v53, $0xF;
	v54, _, _ =	vpop (xrf0)  }
0x208: {  	vm12 =	vlt.f32 v27, $0.0e+00;
	vm13 =	vgt.f32 v27, $0.0e+00;
	(v2sf) =	vpush v54, $0xF;
	v55, _, _ =	vpop (xrf0)  }
0x209: {  	v56 =	vsel vm0, $0x3F800000, v0;
	vm14 =	vmor vm13, vm12;
	(v2sf) =	vpush v55, $0xF;
	v57, _, _ =	vpop (xrf0)  }
0x20a: {  	vm15 =	vlt.f32 v34, $0.0e+00;
	vm4 =	vgt.f32 v34, $0.0e+00;
	v58, _, _ =	vpop (xrf0);
	(v2sf) =	vpush v57, $0xF  }
0x20b: {  	v59 =	vsel vm14, $0x3F800000, v0;
	(xrf0) =	vmax.scan.msk.f32 $0xffff, v56;
	vm5 =	vmor vm4, vm15;
	(v2sf) =	vpush v58, $0xF  }
0x20c: {  	v60 =	vsel vm5, $0x3F800000, v0;
	(xrf0) =	vmax.scan.msk.f32 $0xffff, v59;
	vm6 =	vlt.f32 v35, $0.0e+00;
	vm7 =	vgt.f32 v35, $0.0e+00  }
0x20d: {  	(xrf0) =	vmax.scan.msk.f32 $0xffff, v60;
	vm0 =	vmor vm7, vm6  }
0x20e: {  	v61 =	vsel vm0, $0x3F800000, v0  }
0x20f: {  	(xrf0) =	vmax.scan.msk.f32 $0xffff, v61;
	_ =	sdelay $0x1  }
0x210: {  	v62, _, _ =	vpop (xrf0)  }
0x211: {  	(v2sf) =	vpush v62, $0xF;
	v63, _, _ =	vpop (xrf0)  }
0x212: {  	(v2sf) =	vpush v63, $0xF;
	v37, _, _ =	vpop (xrf0);
	s15 =	spop (v2sf)  }
0x213: {  	(v2sf) =	vpush v37, $0xF;
	s1 =	spop (v2sf)  }
0x214: {  	s24 =	smov.u32 s18;
	v38, _, _ =	vpop (xrf0);
	s18 =	spop (v2sf)  }
0x215: {  	(v2sf) =	vpush v38, $0xF;
	s17 =	spop (v2sf)  }
0x216: {  	p6 =	sgt.f32 s15, $0.0e+00;
	s3 =	spop (v2sf)  }
0x217: {  	s25 =	spop (v2sf)  }
0x218: {  	v20 =	vld @p6 [tilespmem:s9+$0x12000];
	p1 =	sgt.f32 s18, $0.0e+00;
	s29 =	spop (v2sf)  }
0x219: {  	p0 =	sgt.f32 s25, $0.0e+00;
	s30 =	spop (v2sf)  }
0x21a: {  	v37 =	vld @p1 [tilespmem:s7+$0x12000];
	p5 =	sgt.f32 s30, $0.0e+00  }
0x21b: {  	s7 =	sadd.s32 $0x1800, s22;
	v38 =	vld @p0 [tilespmem:s28+$0x12000]  }
0x21c: {  	p4 =	sgt.f32 s17, $0.0e+00;
	v40 =	vld @p5 [tilespmem:s7+$0x12000]  }
0x21d: {  	s7 =	sadd.s32 $0xC00, s2  }
0x21e: {  	v32 =	vmul.f32 @p6 v32, v15;
	v41 =	vld @p4 [tilespmem:s7+$0x12000]  }
0x21f: {  	p3 =	sgt.f32 s29, $0.0e+00;
	s7 =	simm.s32 @p6 $0x0  }
0x220: {  	s28 =	spop (v2sf);
	[tilespmem:v20+s7+$0x0] =	vst.idx.add.f32.msk @p6 $0xffff, v32;
	v20 =	vmul.f32 @p1 v31, v9  }
0x221: {  	v31 =	vld @p3 [tilespmem:s14+$0x12000];
	v32 =	vmul.f32 @p0 v36, v12;
	s7 =	simm.s32 @p1 $0x0;
	s9 =	spop (v2sf)  }
0x222: {  	[tilespmem:v37+s7+$0x0] =	vst.idx.add.f32.msk @p1 $0xffff, v20;
	v20 =	vmul.f32 @p5 v39, v11;
	s7 =	simm.s32 @p0 $0x0;
	s17 =	spop (v2sf)  }
0x223: {  	p1 =	sgt.f32 s17, $0.0e+00;
	[tilespmem:v38+s7+$0x0] =	vst.idx.add.f32.msk @p0 $0xffff, v32;
	s7 =	simm.s32 @p5 $0x0  }
0x224: {  	s18 =	spop (v2sf);
	[tilespmem:v40+s7+$0x0] =	vst.idx.add.f32.msk @p5 $0xffff, v20;
	v20 =	vmul.f32 @p4 v28, v17  }
0x225: {  	v32 =	vld @p1 [tilespmem:s13+$0x12000];
	p0 =	sgt.f32 s18, $0.0e+00;
	s13 =	simm.s32 @p4 $0x0  }
0x226: {  	s25 =	sadd.s32 $0xFFFFF9E0, s24;
	[tilespmem:v41+s13+$0x0] =	vst.idx.add.f32.msk @p4 $0xffff, v20  }
0x227: {  	s7 =	sand.u32 $0x50, s25;
	v36 =	vld @p0 [tilespmem:s8+$0x12000];
	s13 =	rddreg [dreg:$0x15]  }
0x228: {  	s29 =	sadd.s32 $0xFFFFFFE0, s20;
	v28 =	vld [tilespmem:s22+$0x17400];
	v20 =	vmul.f32 @p3 v33, v8;
	s15 =	sor.u32 s7, s13  }
0x229: {  	s30 =	rddreg [dreg:$0xd];
	s7 =	sand.u32 $0x50, s29;
	s13 =	simm.s32 @p3 $0x0;
	v33 =	vld [tilespmem:s15+$0x15000]  }
0x22a: {  	s7 =	sor.u32 s7, s30;
	[tilespmem:v31+s13+$0x0] =	vst.idx.add.f32.msk @p3 $0xffff, v20  }
0x22b: {  	s14 =	sadd.s32 $0xFFFFF9F0, s24;
	v20 =	vld [tilespmem:s7+$0x15000]  }
0x22c: {  	s13 =	sand.u32 $0x60, s14;
	s17 =	rddreg [dreg:$0x12]  }
0x22d: {  	s17 =	sor.u32 s13, s17  }
0x22e: {  	v34 =	vmul.f32 @p1 v34, v13;
	v35 =	vmul.f32 @p0 v35, v16;
	v37 =	vld [tilespmem:s17+$0x15000]  }
0x22f: {  	v38 =	vld [tilespmem:s2+$0x16800];
	vm12 =	vlt.f32 v28, $0.0e+00;
	s13 =	simm.s32 @p1 $0x0;
	vm8 =	vlt.f32 v33, $0.0e+00;
	vm9 =	vgt.f32 v33, $0.0e+00  }
0x230: {  	[tilespmem:v32+s13+$0x0] =	vst.idx.add.f32.msk @p1 $0xffff, v34;
	vm0 =	vmor vm9, vm8;
	vm10 =	vlt.f32 v20, $0.0e+00;
	vm11 =	vgt.f32 v20, $0.0e+00  }
0x231: {  	s18 =	sand.u32 $0x70, s20;
	s14 =	simm.s32 @p0 $0x0;
	v31 =	vld [tilespmem:s16+$0x15000];
	vm13 =	vgt.f32 v28, $0.0e+00;
	s29 =	rddreg [dreg:$0xb];
	v40 =	vsel vm0, $0x3F800000, v0;
	vm0 =	vmor vm11, vm10  }
0x232: {  	s20 =	sadd.s32 $0xFFFFFA00, s24;
	vm1 =	vmor vm13, vm12;
	[tilespmem:v36+s14+$0x0] =	vst.idx.add.f32.msk @p0 $0xffff, v35;
	s8 =	sor.u32 s18, s29;
	(xrf0) =	vmax.scan.msk.f32 $0xffff, v40;
	v41 =	vsel vm0, $0x3F800000, v0  }
0x233: {  	s13 =	sand.u32 $0x70, s20;
	v42 =	vsel vm1, $0x3F800000, v0;
	s14 =	rddreg [dreg:$0xe];
	v32 =	vld [tilespmem:s8+$0x15000];
	vm14 =	vlt.f32 v37, $0.0e+00;
	vm8 =	vgt.f32 v37, $0.0e+00;
	(xrf0) =	vmax.scan.msk.f32 $0xffff, v41  }
0x234: {  	vm15 =	vlt.f32 v38, $0.0e+00;
	s18 =	sor.u32 s13, s14;
	vm9 =	vgt.f32 v38, $0.0e+00;
	vm0 =	vmor vm8, vm14  }
0x235: {  	v35 =	vld [tilespmem:s18+$0x15000];
	vm1 =	vmor vm9, vm15;
	(xrf0) =	vmax.scan.msk.f32 $0xffff, v42;
	v43 =	vsel vm0, $0x3F800000, v0  }
0x236: {  	v44 =	vsel vm1, $0x3F800000, v0;
	(xrf0) =	vmax.scan.msk.f32 $0xffff, v43  }
0x237: {  	vm10 =	vgt.f32 v31, $0.0e+00;
	vm11 =	vlt.f32 v31, $0.0e+00;
	(xrf0) =	vmax.scan.msk.f32 $0xffff, v44  }
0x238: {  	vm12 =	vmor vm10, vm11;
	vm13 =	vlt.f32 v32, $0.0e+00;
	vm14 =	vgt.f32 v32, $0.0e+00;
	v46, _, _ =	vpop (xrf0)  }
0x239: {  	v45 =	vsel vm12, $0x3F800000, v0;
	vm0 =	vmor vm14, vm13;
	v47, _, _ =	vpop (xrf0)  }
0x23a: {  	vm15 =	vlt.f32 v35, $0.0e+00;
	vm4 =	vgt.f32 v35, $0.0e+00;
	(v2sf) =	vpush v47, $0xF  }
0x23b: {  	v48 =	vsel vm0, $0x3F800000, v0;
	vm5 =	vmor vm4, vm15;
	(xrf0) =	vmax.scan.msk.f32 $0xffff, v45;
	v50, _, _ =	vpop (xrf0);
	(v2sf) =	vpush v46, $0xF  }
0x23c: {  	v49 =	vsel vm5, $0x3F800000, v0;
	(xrf0) =	vmax.scan.msk.f32 $0xffff, v48;
	v51, _, _ =	vpop (xrf0);
	(v2sf) =	vpush v50, $0xF  }
0x23d: {  	(xrf0) =	vmax.scan.msk.f32 $0xffff, v49;
	v52, _, _ =	vpop (xrf0);
	(v2sf) =	vpush v51, $0xF  }
0x23e: {  	(v2sf) =	vpush v52, $0xF;
	_ =	sdelay $0x2  }
0x23f: {  	v53, _, _ =	vpop (xrf0)  }
0x240: {  	(v2sf) =	vpush v53, $0xF;
	v54, _, _ =	vpop (xrf0)  }
0x241: {  	(v2sf) =	vpush v54, $0xF;
	v55, _, _ =	vpop (xrf0)  }
0x242: {  	(v2sf) =	vpush v55, $0xF;
	_ =	sdelay $0x4  }
0x243: {  	s14 =	spop (v2sf)  }
0x244: {  	s30 =	spop (v2sf)  }
0x245: {  	s13 =	spop (v2sf)  }
0x246: {  	s29 =	spop (v2sf)  }
0x247: {  	p4 =	sgt.f32 s30, $0.0e+00;
	s30 =	spop (v2sf)  }
0x248: {  	p1 =	sgt.f32 s30, $0.0e+00  }
0x249: {  	s25 =	smov.u32 s16;
	s16 =	sadd.s32 $0x1800, s2;
	v34 =	vld @p4 [tilespmem:s15+$0x12000]  }
0x24a: {  	p0 =	sgt.f32 s29, $0.0e+00;
	v36 =	vld @p1 [tilespmem:s16+$0x12000]  }
0x24b: {  	s15 =	spop (v2sf)  }
0x24c: {  	v39 =	vld @p0 [tilespmem:s17+$0x12000];
	s16 =	spop (v2sf)  }
0x24d: {  	s20 =	smov.u32 s19;
	s19 =	spop (v2sf)  }
0x24e: {  	p3 =	sgt.f32 s19, $0.0e+00  }
0x24f: {  	v33 =	vmul.f32 @p4 v33, v15  }
0x250: {  	s17 =	simm.s32 @p4 $0x0;
	v38 =	vmul.f32 @p1 v38, v17;
	v40 =	vld @p3 [tilespmem:s18+$0x12000]  }
0x251: {  	s18 =	simm.s32 @p1 $0x0;
	[tilespmem:v34+s17+$0x0] =	vst.idx.add.f32.msk @p4 $0xffff, v33  }
0x252: {  	s29 =	sadd.s32 $0xFFFFFFE0, s24;
	v33 =	vmul.f32 @p0 v37, v12;
	[tilespmem:v36+s18+$0x0] =	vst.idx.add.f32.msk @p1 $0xffff, v38  }
0x253: {  	s17 =	sand.u32 $0x50, s29;
	s18 =	simm.s32 @p0 $0x0;
	s30 =	rddreg [dreg:$0x8]  }
0x254: {  	[tilespmem:v39+s18+$0x0] =	vst.idx.add.f32.msk @p0 $0xffff, v33;
	s17 =	sor.u32 s17, s30  }
0x255: {  	v33 =	vld [tilespmem:s17+$0x15000]  }
0x256: {  	v34 =	vmul.f32 @p3 v35, v16  }
0x257: {  	s18 =	simm.s32 @p3 $0x0  }
0x258: {  	[tilespmem:v40+s18+$0x0] =	vst.idx.add.f32.msk @p3 $0xffff, v34  }
0x259: {  	s30 =	sld [smem:$0x7E9]  }
0x25a: {  	v35 =	vld [tilespmem:s2+$0x17400];
	vm6 =	vlt.f32 v33, $0.0e+00;
	vm7 =	vgt.f32 v33, $0.0e+00  }
0x25b: {  	p1 =	sgt.f32 s0, $0.0e+00;
	s0 =	simm.s32 @p2 $0x0;
	s29 =	rddreg [dreg:$0xc];
	vm0 =	vmor vm7, vm6  }
0x25c: {  	s19 =	rddreg [dreg:$0x3];
	[tilespmem:v22+s0+$0x0] =	vst.idx.add.f32.msk @p2 $0xffff, v19;
	p0 =	seq.s32 s30, $0x1;
	v56 =	vsel vm0, $0x3F800000, v0  }
0x25d: {  	[tilespmem:v21+s12+$0x0] =	vst.idx.add.f32.msk @p0 $0xffff, v23;
	(xrf0) =	vmax.scan.msk.f32 $0xffff, v56  }
0x25e: {  	p5 =	sgt.f32 s4, $0.0e+00;
	v34 =	vld [tilespmem:s19+$0x15000];
	s0 =	rddreg [dreg:$0x4]  }
0x25f: {  	p2 =	sgt.f32 s5, $0.0e+00;
	vm8 =	vlt.f32 v35, $0.0e+00;
	vm9 =	vgt.f32 v35, $0.0e+00;
	p0 =	sgt.f32 s1, $0.0e+00;
	v19 =	vld @p1 [tilespmem:s0+$0x12000];
	s0 =	sadd.s32 $0x2400, s23  }
0x260: {  	vm10 =	vmor vm9, vm8;
	v21 =	vld @p5 [tilespmem:s0+$0x12000]  }
0x261: {  	s24 =	sand.u32 $0x70, s24;
	v57 =	vsel vm10, $0x3F800000, v0;
	v23 =	vld @p2 [tilespmem:s21+$0x12000];
	s0 =	simm.s32 @!p0 $0x0  }
0x262: {  	p3 =	sgt.f32 s11, $0.0e+00;
	s18 =	sor.u32 s24, s29;
	(xrf0) =	vmax.scan.msk.f32 $0xffff, v57;
	s0 =	simm.s32 @p0 $0x1  }
0x263: {  	v36 =	vld [tilespmem:s18+$0x15000];
	vm11 =	vgt.f32 v34, $0.0e+00;
	vm12 =	vlt.f32 v34, $0.0e+00;
	[smem:$0x7D9] =	sst s0;
	v60, _, _ =	vpop (xrf0)  }
0x264: {  	p4 =	sgt.f32 s3, $0.0e+00;
	vm0 =	vmor vm11, vm12;
	v37 =	vld @p3 [tilespmem:s26+$0x12000];
	(v2sf) =	vpush v60, $0xF  }
0x265: {  	v2 =	vmul.f32 @p1 v14, v2;
	v58 =	vsel vm0, $0x3F800000, v0;
	s0 =	sadd.s32 $0x2400, s31;
	v38 =	vld @p0 [tilespmem:s10+$0x12000]  }
0x266: {  	v3 =	vmul.f32 @p5 v18, v3;
	(xrf0) =	vmax.scan.msk.f32 $0xffff, v58;
	v39 =	vld @p4 [tilespmem:s0+$0x12000];
	s0 =	simm.s32 @p1 $0x0  }
0x267: {  	v1 =	vmul.f32 @p2 v29, v1;
	[tilespmem:v19+s0+$0x0] =	vst.idx.add.f32.msk @p1 $0xffff, v2;
	s0 =	simm.s32 @p5 $0x0  }
0x268: {  	p6 =	sgt.f32 s28, $0.0e+00;
	v61, _, _ =	vpop (xrf0);
	[tilespmem:v21+s0+$0x0] =	vst.idx.add.f32.msk @p5 $0xffff, v3;
	s0 =	simm.s32 @p2 $0x0  }
0x269: {  	p0 =	sgt.f32 s9, $0.0e+00;
	(v2sf) =	vpush v61, $0xF;
	[tilespmem:v23+s0+$0x0] =	vst.idx.add.f32.msk @p2 $0xffff, v1  }
0x26a: {  	v22 =	vld @p6 [tilespmem:s20+$0x12000];
	s23 =	sld [smem:$0x7D9]  }
0x26b: {  	v14 =	vld @p0 [tilespmem:s6+$0x12000]  }
0x26c: {  	vm13 =	vlt.f32 v36, $0.0e+00;
	vm14 =	vgt.f32 v36, $0.0e+00;
	v62, _, _ =	vpop (xrf0)  }
0x26d: {  	vm15 =	vmor vm14, vm13;
	v2 =	vmul.f32 @p3 v30, v4;
	(v2sf) =	vpush v62, $0xF;
	p1 =	seq.s32 s23, $0x1  }
0x26e: {  	v59 =	vsel vm15, $0x3F800000, v0;
	s0 =	simm.s32 @p3 $0x0;
	v1 =	vmul.f32 @p1 v24, v5  }
0x26f: {  	(xrf0) =	vmax.scan.msk.f32 $0xffff, v59;
	[tilespmem:v37+s0+$0x0] =	vst.idx.add.f32.msk @p3 $0xffff, v2;
	v2 =	vmul.f32 @p4 v25, v7;
	s0 =	simm.s32 @p1 $0x0  }
0x270: {  	[tilespmem:v38+s0+$0x0] =	vst.idx.add.f32.msk @p1 $0xffff, v1;
	s0 =	simm.s32 @p4 $0x0;
	v1 =	vmul.f32 @p6 v26, v6  }
0x271: {  	[tilespmem:v39+s0+$0x0] =	vst.idx.add.f32.msk @p4 $0xffff, v2;
	v2 =	vmul.f32 @p0 v27, v10;
	s0 =	simm.s32 @p6 $0x0  }
0x272: {  	[tilespmem:v22+s0+$0x0] =	vst.idx.add.f32.msk @p6 $0xffff, v1;
	p6 =	sgt.f32 s14, $0.0e+00;
	s0 =	simm.s32 @p0 $0x0  }
0x273: {  	[tilespmem:v14+s0+$0x0] =	vst.idx.add.f32.msk @p0 $0xffff, v2;
	p0 =	sgt.f32 s13, $0.0e+00;
	s24 =	spop (v2sf)  }
0x274: {  	p2 =	sgt.f32 s15, $0.0e+00;
	s0 =	sadd.s32 $0x2400, s22;
	v1 =	vld @p6 [tilespmem:s7+$0x12000];
	p4 =	sgt.f32 s24, $0.0e+00  }
0x275: {  	v63, _, _ =	vpop (xrf0);
	v2 =	vld @p0 [tilespmem:s0+$0x12000]  }
0x276: {  	(v2sf) =	vpush v63, $0xF;
	v3 =	vld @p2 [tilespmem:s25+$0x12000];
	s0 =	simm.s32 @!p4 $0x0  }
0x277: {  	p3 =	sgt.f32 s16, $0.0e+00;
	s0 =	simm.s32 @p4 $0x1  }
0x278: {  	s26 =	spop (v2sf);
	[smem:$0x7DA] =	sst s0  }
0x279: {  	p1 =	sgt.f32 s26, $0.0e+00;
	v4 =	vld @p3 [tilespmem:s8+$0x12000]  }
0x27a: {  	s1 =	sadd.s32 $0x2400, s2;
	v9 =	vmul.f32 @p6 v20, v9;
	v5 =	vld @p4 [tilespmem:s17+$0x12000]  }
0x27b: {  	v11 =	vmul.f32 @p0 v28, v11;
	s0 =	simm.s32 @p6 $0x0;
	v6 =	vld @p1 [tilespmem:s1+$0x12000]  }
0x27c: {  	s28 =	spop (v2sf);
	[tilespmem:v1+s0+$0x0] =	vst.idx.add.f32.msk @p6 $0xffff, v9;
	s0 =	simm.s32 @p0 $0x0;
	v1 =	vmul.f32 @p2 v31, v8  }
0x27d: {  	p4 =	sgt.f32 s28, $0.0e+00;
	[tilespmem:v2+s0+$0x0] =	vst.idx.add.f32.msk @p0 $0xffff, v11;
	s0 =	simm.s32 @p2 $0x0  }
0x27e: {  	[tilespmem:v3+s0+$0x0] =	vst.idx.add.f32.msk @p2 $0xffff, v1  }
0x27f: {  	v7 =	vld @p4 [tilespmem:s19+$0x12000];
	s30 =	sld [smem:$0x7DA];
	_ =	sdelay $0x2  }
0x280: {  	v2 =	vmul.f32 @p3 v32, v13;
	p0 =	seq.s32 s30, $0x1  }
0x281: {  	s0 =	simm.s32 @p3 $0x0;
	v1 =	vmul.f32 @p0 v33, v15  }
0x282: {  	[tilespmem:v4+s0+$0x0] =	vst.idx.add.f32.msk @p3 $0xffff, v2;
	s0 =	simm.s32 @p0 $0x0;
	v2 =	vmul.f32 @p1 v35, v17  }
0x283: {  	s29 =	spop (v2sf);
	[tilespmem:v5+s0+$0x0] =	vst.idx.add.f32.msk @p0 $0xffff, v1;
	s0 =	simm.s32 @p1 $0x0;
	v1 =	vmul.f32 @p4 v34, v12  }
0x284: {  	p5 =	sgt.f32 s29, $0.0e+00;
	[tilespmem:v6+s0+$0x0] =	vst.idx.add.f32.msk @p1 $0xffff, v2;
	s0 =	simm.s32 @p4 $0x0  }
0x285: {  	[tilespmem:v7+s0+$0x0] =	vst.idx.add.f32.msk @p4 $0xffff, v1  }
0x286: {  	v10 =	vld @p5 [tilespmem:s18+$0x12000];
	s31 =	sld [smem:$0x7F0];
	_ =	sdelay $0x2  }
0x287: {  	p0 =	seq.s32 s31, $0x2F  }
.Ltmp11:
0x288: {  	_ = 	snop;
	(pc) =	sbr.rel @p0 .LBB2_22-.Ltmp11, $4  }
0x289: {  	_ = 	snop  }
0x28a: {  	v2 =	vmul.f32 @p5 v36, v16  }
0x28b: {  	s0 =	simm.s32 @p5 $0x0  }
0x28c: {  	[tilespmem:v10+s0+$0x0] =	vst.idx.add.f32.msk @p5 $0xffff, v2  }
0x28d: {  	s0 =	sld [smem:$0x7F1]  }
0x28e: {  	s1 =	sld [smem:$0x7F3];
	_ =	sdelay $0x1  }
0x28f: {  	s0 =	sadd.s32 $0x2, s0  }
0x290: {  	s1 =	sadd.s32 s1, s0  }
0x291: {  	s1 =	smul.u32 $0x1800, s1;
	_ =	sdelay $0x1  }
0x292: {  	s2 =	rddreg [dreg:$0x0];
	s1 =	sshrl.u32 s1, $0x3  }
0x293: {  	s3 =	simm.s32 $0x12000;
	s4 =	simm.s32 $0x10;
	s2 =	sadd.s32 s2, s1  }
0x294: {  	s5 =	simm.s32 $0x12100;
	s7 =	simm.s32 $0x0;
	s6 =	sadd.s32 $0x0, s2  }
.LBB2_18:
0x295: {  	[tilespmem:s3], [sflag:$0x1] =	stream.linear.gather [hbm4b:s6+s7], $0x80, $0x38;
	[tilespmem:$0x18C00] =	vst v63  }
0x296: {  	s6 =	smov.u32 s4;
	s3 =	smov.u32 s5;
	p0 =	sne.s32 s4, $0x2F0  }
.Ltmp12:
0x297: {  	s4 =	sadd.s32 $0x10, s4;
	(pc) =	sbr.rel @p0 .LBB2_18-.Ltmp12, $2  }
0x298: {  	_ =	sdelay $0x2  }
0x299: {  	s5 =	sadd.s32 $0x100, s5;
	s6 =	sadd.s32 s6, s2  }
0x29a: {  	s2 =	sld [smem:$0x7F6];
	_ =	sdelay $0x1  }
0x29b: {  	[tilespmem:s3], [sflag:$0x1] =	stream.linear.gather [hbm4b:s6+s7], $0x80, $0x38;
	[tilespmem:$0x18C00] =	vst v63  }
0x29c: {  	s3 =	simm.s32 $0x10;
	s1 =	sadd.s32 s2, s1  }
0x29d: {  	s4 =	simm.s32 $0x15100;
	s2 =	simm.s32 $0x15000;
	s5 =	sadd.s32 $0x0, s1  }
.LBB2_20:
0x29e: {  	[tilespmem:s2], [sflag:$0x1] =	stream.linear.gather [hbm4b:s5+s7], $0x80, $0x38;
	[tilespmem:$0x18C00] =	vst v63  }
0x29f: {  	s5 =	smov.u32 s3;
	s2 =	smov.u32 s4;
	p0 =	sne.s32 s3, $0x2F0  }
.Ltmp13:
0x2a0: {  	s3 =	sadd.s32 $0x10, s3;
	(pc) =	sbr.rel @p0 .LBB2_20-.Ltmp13, $2  }
0x2a1: {  	_ =	sdelay $0x2  }
0x2a2: {  	s4 =	sadd.s32 $0x100, s4;
	s5 =	sadd.s32 s5, s1  }
0x2a3: {  	s0 =	smul.u32 $0x600, s0;
	s1 =	sld [smem:$0x7F2]  }
0x2a4: {  	[tilespmem:s2], [sflag:$0x1] =	stream.linear.gather [hbm4b:s5+s7], $0x80, $0x38;
	[tilespmem:$0x18C00] =	vst v63  }
0x2a5: {  	s8 =	sld [smem:$0x7F7]  }
0x2a6: {  	s0 =	sadd.s32 s1, s0  }
0x2a7: {  	s0 =	sshrl.u32 s0, $0x3  }
0x2a8: {  	s9 =	simm.s32 $0x18000;
	s0 =	sadd.s32 s8, s0  }
0x2a9: {  	[tilespmem:s9], [sflag:$0x1] =	stream.linear.gather [hbm4b:s0+s7], $0x80, $0x38;
	[tilespmem:$0x18C00] =	vst v63  }
0x2aa: {  	s11 =	simm.s32 $0x18100;
	s10 =	sadd.s32 $0x10, s0  }
0x2ab: {  	[tilespmem:s11], [sflag:$0x1] =	stream.linear.gather [hbm4b:s10+s7], $0x80, $0x38;
	[tilespmem:$0x18C00] =	vst v63  }
0x2ac: {  	s13 =	simm.s32 $0x18200;
	s12 =	sadd.s32 $0x20, s0  }
0x2ad: {  	[tilespmem:s13], [sflag:$0x1] =	stream.linear.gather [hbm4b:s12+s7], $0x80, $0x38;
	[tilespmem:$0x18C00] =	vst v63  }
0x2ae: {  	s15 =	simm.s32 $0x18300;
	s14 =	sadd.s32 $0x30, s0  }
0x2af: {  	[tilespmem:s15], [sflag:$0x1] =	stream.linear.gather [hbm4b:s14+s7], $0x80, $0x38;
	[tilespmem:$0x18C00] =	vst v63  }
0x2b0: {  	s17 =	simm.s32 $0x18400;
	s16 =	sadd.s32 $0x40, s0  }
0x2b1: {  	[tilespmem:s17], [sflag:$0x1] =	stream.linear.gather [hbm4b:s16+s7], $0x80, $0x38;
	[tilespmem:$0x18C00] =	vst v63  }
0x2b2: {  	s19 =	simm.s32 $0x18500;
	s18 =	sadd.s32 $0x50, s0  }
0x2b3: {  	[tilespmem:s19], [sflag:$0x1] =	stream.linear.gather [hbm4b:s18+s7], $0x80, $0x38;
	[tilespmem:$0x18C00] =	vst v63  }
0x2b4: {  	s21 =	simm.s32 $0x18600;
	s20 =	sadd.s32 $0x60, s0  }
0x2b5: {  	[tilespmem:s21], [sflag:$0x1] =	stream.linear.gather [hbm4b:s20+s7], $0x80, $0x38;
	[tilespmem:$0x18C00] =	vst v63  }
0x2b6: {  	s23 =	simm.s32 $0x18700;
	s22 =	sadd.s32 $0x70, s0  }
0x2b7: {  	[tilespmem:s23], [sflag:$0x1] =	stream.linear.gather [hbm4b:s22+s7], $0x80, $0x38;
	[tilespmem:$0x18C00] =	vst v63  }
0x2b8: {  	s25 =	simm.s32 $0x18800;
	s24 =	sadd.s32 $0x80, s0  }
0x2b9: {  	[tilespmem:s25], [sflag:$0x1] =	stream.linear.gather [hbm4b:s24+s7], $0x80, $0x38;
	[tilespmem:$0x18C00] =	vst v63  }
0x2ba: {  	s28 =	simm.s32 $0x18900;
	s26 =	sadd.s32 $0x90, s0  }
0x2bb: {  	[tilespmem:s28], [sflag:$0x1] =	stream.linear.gather [hbm4b:s26+s7], $0x80, $0x38;
	[tilespmem:$0x18C00] =	vst v63  }
0x2bc: {  	s30 =	simm.s32 $0x18A00;
	s29 =	sadd.s32 $0xA0, s0  }
0x2bd: {  	[tilespmem:s30], [sflag:$0x1] =	stream.linear.gather [hbm4b:s29+s7], $0x80, $0x38;
	[tilespmem:$0x18C00] =	vst v63  }
0x2be: {  	s31 =	simm.s32 $0x18B00;
	s0 =	sadd.s32 $0xB0, s0  }
0x2bf: {  	[tilespmem:s31], [sflag:$0x1] =	stream.linear.gather [hbm4b:s0+s7], $0x80, $0x38;
	[tilespmem:$0x18C00] =	vst v63  }
.LBB2_22:
0x2c0: {  	s1 =	simm.s32 $0x2  }
0x2c1: {  	_ =	swait.ge [sflag:s1], $0x1800  }
0x2c2: {  	[sflag:s1] =	ssyncset.done $0x0  }
0x2c3: {  	[sflag:s1] =	ssyncadd.s32 $0xFFFFE800  }
0x2c4: {  	_ =	swait.ge [sflag:s1], $0x1800  }
0x2c5: {  	p0 =	por $0x0, $0x0;
	s0 =	simm.s32 $0x1;
	[sflag:s1] =	ssyncset.done $0x0  }
0x2c6: {  	s0 =	simm.s32 @!p0 $0x0;
	[sflag:s1] =	ssyncadd.s32 $0xFFFFE800  }
0x2c7: {  	s0 =	sshll.u32 s0, $0x6;
	_ =	swait.ge [sflag:s1], $0x600  }
0x2c8: {  	s0 =	sadd.s32 $0x0, s0;
	[sflag:s1] =	ssyncset.done $0x0  }
0x2c9: {  	[sflag:s1] =	ssyncadd.s32 $0xFFFFFA00;
	s1 =	sor.u32 $0xB0, s0  }
0x2ca: {  	s3 =	sor.u32 $0x90, s0;
	v4 =	vld [tilespmem:s1+$0x15000]  }
0x2cb: {  	s2 =	sor.u32 $0x80, s0;
	v6 =	vld [tilespmem:s3+$0x15000]  }
0x2cc: {  	v5 =	vld [tilespmem:s2+$0x15000]  }
0x2cd: {  	s0 =	sor.u32 $0xA0, s0  }
0x2ce: {  	v7 =	vld [tilespmem:s0+$0x15000]  }
0x2cf: {  	vm0 =	vlt.f32 v4, $0.0e+00;
	vm1 =	vgt.f32 v4, $0.0e+00  }
0x2d0: {  	vm2 =	vlt.f32 v6, $0.0e+00;
	vm3 =	vgt.f32 v6, $0.0e+00;
	vm0 =	vmor vm1, vm0  }
0x2d1: {  	vm1 =	vlt.f32 v5, $0.0e+00;
	v1 =	vsel vm0, $0x3F800000, v0;
	vm0 =	vgt.f32 v5, $0.0e+00  }
0x2d2: {  	(xrf0) =	vmax.scan.msk.f32 $0xffff, v1;
	vm0 =	vmor vm0, vm1;
	vm1 =	vmor vm3, vm2  }
0x2d3: {  	vm2 =	vlt.f32 v7, $0.0e+00;
	vm3 =	vgt.f32 v7, $0.0e+00;
	v1 =	vsel vm0, $0x3F800000, v0  }
0x2d4: {  	v2 =	vsel vm1, $0x3F800000, v0;
	vm0 =	vmor vm3, vm2;
	(xrf0) =	vmax.scan.msk.f32 $0xffff, v1  }
0x2d5: {  	v1 =	vsel vm0, $0x3F800000, v0;
	(xrf0) =	vmax.scan.msk.f32 $0xffff, v2;
	_ =	sdelay $0x1  }
0x2d6: {  	(xrf0) =	vmax.scan.msk.f32 $0xffff, v1  }
0x2d7: {  	v1, _, _ =	vpop (xrf0)  }
0x2d8: {  	(v2sf) =	vpush v1, $0xF  }
0x2d9: {  	v1, _, _ =	vpop (xrf0)  }
0x2da: {  	(v2sf) =	vpush v1, $0xF;
	v1, _, _ =	vpop (xrf0)  }
0x2db: {  	(v2sf) =	vpush v1, $0xF  }
0x2dc: {  	v1, _, _ =	vpop (xrf0)  }
0x2dd: {  	(v2sf) =	vpush v1, $0xF;
	_ =	sdelay $0x9  }
0x2de: {  	s4 =	spop (v2sf)  }
0x2df: {  	p4 =	sgt.f32 s4, $0.0e+00  }
0x2e0: {  	v12 =	vld [tilespmem:s1+$0x18000];
	s14 =	spop (v2sf)  }
0x2e1: {  	v8 =	vld @p4 [tilespmem:s1+$0x12000];
	p2 =	sgt.f32 s14, $0.0e+00;
	s15 =	spop (v2sf)  }
0x2e2: {  	v1 =	vld [tilespmem:s2+$0x18000];
	p3 =	sgt.f32 s15, $0.0e+00  }
0x2e3: {  	s16 =	spop (v2sf);
	v9 =	vld @p2 [tilespmem:s2+$0x12000]  }
0x2e4: {  	p1 =	sgt.f32 s16, $0.0e+00;
	v10 =	vld @p3 [tilespmem:s3+$0x12000]  }
0x2e5: {  	v2 =	vld [tilespmem:s3+$0x18000]  }
0x2e6: {  	s17 =	simm.s32 $0x630;
	s18 =	simm.s32 $0xC60;
	v11 =	vld @p1 [tilespmem:s0+$0x12000]  }
0x2e7: {  	s19 =	simm.s32 $0xC20;
	s20 =	simm.s32 $0x0;
	s21 =	simm.s32 $0xC40;
	v3 =	vld [tilespmem:s0+$0x18000];
	v4 =	vmul.f32 @p4 v4, v12  }
0x2e8: {  	s1 =	sand.u32 $0x1F00, s18;
	s2 =	simm.s32 @p4 $0x0;
	s0 =	sand.u32 $0x70, s17  }
0x2e9: {  	s5 =	simm.s32 $0x0;
	s22 =	simm.s32 $0x610;
	s1 =	sor.u32 s1, s0;
	[tilespmem:v8+s2+$0x0] =	vst.idx.add.f32.msk @p4 $0xffff, v4;
	v4 =	vmul.f32 @p2 v5, v1  }
0x2ea: {  	s8 =	simm.s32 $0x620;
	s5 =	sand.u32 $0x40, s5;
	s4 =	simm.s32 @p2 $0x0;
	v6 =	vmul.f32 @p3 v6, v2;
	v5 =	vld [tilespmem:s1+$0x15080]  }
0x2eb: {  	p0 =	por !p0, !p0;
	s6 =	simm.s32 @p3 $0x0;
	s0 =	sand.u32 $0xF00, s20;
	[tilespmem:v9+s4+$0x0] =	vst.idx.add.f32.msk @p2 $0xffff, v4  }
0x2ec: {  	s3 =	sand.u32 $0x1F00, s19;
	v7 =	vmul.f32 @p1 v7, v3;
	s9 =	sor.u32 s5, s0;
	s4 =	sand.u32 $0x50, s22;
	[tilespmem:v10+s6+$0x0] =	vst.idx.add.f32.msk @p3 $0xffff, v6  }
0x2ed: {  	s7 =	simm.s32 @p1 $0x0;
	s6 =	sor.u32 s3, s4;
	v8 =	vld [tilespmem:s9+$0x15C80];
	s3 =	simm.s32 $0x1  }
0x2ee: {  	s8 =	sand.u32 $0x60, s8;
	s2 =	sand.u32 $0x1F00, s21;
	[tilespmem:v11+s7+$0x0] =	vst.idx.add.f32.msk @p1 $0xffff, v7;
	s3 =	simm.s32 @!p0 $0x0  }
0x2ef: {  	s8 =	sor.u32 s2, s8;
	v10 =	vld [tilespmem:s6+$0x15080];
	s23 =	sshll.u32 s3, $0x6  }
0x2f0: {  	v9 =	vld [tilespmem:s8+$0x15080];
	vm0 =	vlt.f32 v5, $0.0e+00;
	vm1 =	vgt.f32 v5, $0.0e+00;
	s24 =	sadd.s32 $0x80, s23  }
0x2f1: {  	vm0 =	vmor vm1, vm0;
	s4 =	sor.u32 $0xB0, s24  }
0x2f2: {  	s2 =	sor.u32 $0x80, s24;
	v4 =	vsel vm0, $0x3F800000, v0;
	v13 =	vld [tilespmem:s4+$0x15000]  }
0x2f3: {  	vm0 =	vlt.f32 v8, $0.0e+00;
	vm1 =	vgt.f32 v8, $0.0e+00;
	v14 =	vld [tilespmem:s2+$0x15000];
	(xrf0) =	vmax.scan.msk.f32 $0xffff, v4  }
0x2f4: {  	vm2 =	vlt.f32 v10, $0.0e+00;
	vm3 =	vgt.f32 v10, $0.0e+00;
	vm0 =	vmor vm1, vm0  }
0x2f5: {  	vm4 =	vlt.f32 v9, $0.0e+00;
	vm5 =	vgt.f32 v9, $0.0e+00;
	vm1 =	vmor vm3, vm2  }
0x2f6: {  	s3 =	sor.u32 $0x90, s24;
	v4 =	vsel vm0, $0x3F800000, v0;
	vm2 =	vmor vm5, vm4;
	v6 =	vsel vm1, $0x3F800000, v0  }
0x2f7: {  	s7 =	sor.u32 $0xA0, s24;
	v15 =	vld [tilespmem:s3+$0x15000];
	(xrf0) =	vmax.scan.msk.f32 $0xffff, v4;
	v7 =	vsel vm2, $0x3F800000, v0;
	vm0 =	vlt.f32 v13, $0.0e+00;
	vm1 =	vgt.f32 v13, $0.0e+00  }
0x2f8: {  	v16 =	vld [tilespmem:s7+$0x15000];
	(xrf0) =	vmax.scan.msk.f32 $0xffff, v6;
	vm2 =	vlt.f32 v14, $0.0e+00;
	vm3 =	vgt.f32 v14, $0.0e+00;
	vm0 =	vmor vm1, vm0  }
0x2f9: {  	(xrf0) =	vmax.scan.msk.f32 $0xffff, v7;
	v11, _, _ =	vpop (xrf0);
	v4 =	vsel vm0, $0x3F800000, v0;
	vm0 =	vmor vm3, vm2  }
0x2fa: {  	(v2sf) =	vpush v11, $0xF;
	(xrf0) =	vmax.scan.msk.f32 $0xffff, v4;
	v4 =	vsel vm0, $0x3F800000, v0;
	_ =	sdelay $0x1  }
0x2fb: {  	vm12 =	vgt.f32 v15, $0.0e+00;
	vm1 =	vlt.f32 v15, $0.0e+00  }
0x2fc: {  	vm1 =	vmor vm12, vm1;
	vm2 =	vlt.f32 v16, $0.0e+00;
	vm3 =	vgt.f32 v16, $0.0e+00;
	(xrf0) =	vmax.scan.msk.f32 $0xffff, v4;
	v4, _, _ =	vpop (xrf0)  }
0x2fd: {  	v6 =	vsel vm1, $0x3F800000, v0;
	vm0 =	vmor vm3, vm2;
	(v2sf) =	vpush v4, $0xF;
	v4, _, _ =	vpop (xrf0)  }
0x2fe: {  	v7 =	vsel vm0, $0x3F800000, v0;
	(xrf0) =	vmax.scan.msk.f32 $0xffff, v6;
	(v2sf) =	vpush v4, $0xF;
	v4, _, _ =	vpop (xrf0)  }
0x2ff: {  	(xrf0) =	vmax.scan.msk.f32 $0xffff, v7;
	(v2sf) =	vpush v4, $0xF;
	v4, _, _ =	vpop (xrf0)  }
0x300: {  	(v2sf) =	vpush v4, $0xF;
	_ =	sdelay $0x1  }
0x301: {  	v4, _, _ =	vpop (xrf0)  }
0x302: {  	(v2sf) =	vpush v4, $0xF  }
0x303: {  	v4, _, _ =	vpop (xrf0)  }
0x304: {  	(v2sf) =	vpush v4, $0xF;
	v4, _, _ =	vpop (xrf0)  }
0x305: {  	(v2sf) =	vpush v4, $0xF;
	_ =	sdelay $0x1  }
0x306: {  	s10 =	spop (v2sf)  }
0x307: {  	p1 =	sgt.f32 s10, $0.0e+00  }
0x308: {  	s1 =	sor.u32 $0x80, s1  }
0x309: {  	v7 =	vld @p1 [tilespmem:s1+$0x12000]  }
0x30a: {  	s18 =	spop (v2sf)  }
0x30b: {  	s16 =	spop (v2sf)  }
0x30c: {  	s15 =	spop (v2sf)  }
0x30d: {  	s11 =	spop (v2sf)  }
0x30e: {  	s25 =	simm.s32 $0xC30;
	s26 =	simm.s32 $0x1860;
	v6 =	vld [tilespmem:s2+$0x18000];
	p4 =	sgt.f32 s11, $0.0e+00  }
0x30f: {  	v4 =	vld [tilespmem:s3+$0x18000];
	s10 =	sand.u32 $0x3F00, s26;
	v5 =	vmul.f32 @p1 v5, v12;
	s1 =	sand.u32 $0x70, s25  }
0x310: {  	s12 =	simm.s32 @p1 $0x0;
	s14 =	sor.u32 s10, s1;
	s10 =	spop (v2sf);
	v17 =	vld @p4 [tilespmem:s4+$0x12000]  }
0x311: {  	p3 =	sgt.f32 s10, $0.0e+00;
	[tilespmem:v7+s12+$0x0] =	vst.idx.add.f32.msk @p1 $0xffff, v5  }
0x312: {  	s11 =	spop (v2sf);
	v7 =	vld [tilespmem:s4+$0x18000]  }
0x313: {  	p1 =	sgt.f32 s11, $0.0e+00;
	s12 =	spop (v2sf);
	v18 =	vld @p3 [tilespmem:s2+$0x12000]  }
0x314: {  	v11 =	vld [tilespmem:s14+$0x15080];
	p2 =	sgt.f32 s12, $0.0e+00  }
0x315: {  	v20 =	vld @p1 [tilespmem:s3+$0x12000]  }
0x316: {  	v21 =	vld @p2 [tilespmem:s7+$0x12000]  }
0x317: {  	s13 =	simm.s32 $0x80;
	s19 =	simm.s32 $0xCC0;
	v5 =	vld [tilespmem:s7+$0x18000]  }
0x318: {  	s17 =	simm.s32 $0xCA0;
	s20 =	simm.s32 $0x670;
	s21 =	simm.s32 $0xCE0;
	v13 =	vmul.f32 @p4 v13, v7  }
0x319: {  	s22 =	sand.u32 $0x70, s20;
	s10 =	simm.s32 @p4 $0x0;
	s7 =	sand.u32 $0x1F00, s21  }
0x31a: {  	p0 =	por !p0, !p0;
	s23 =	sand.u32 $0x1F00, s19;
	v14 =	vmul.f32 @p3 v14, v6;
	vm0 =	vlt.f32 v11, $0.0e+00;
	vm1 =	vgt.f32 v11, $0.0e+00;
	[tilespmem:v17+s10+$0x0] =	vst.idx.add.f32.msk @p4 $0xffff, v13;
	s10 =	sor.u32 s7, s22  }
0x31b: {  	s24 =	simm.s32 $0x40;
	s2 =	sand.u32 $0x1F00, s17;
	s3 =	simm.s32 @p3 $0x0;
	v13 =	vmul.f32 @p1 v15, v4;
	vm0 =	vmor vm1, vm0;
	v19 =	vld [tilespmem:s10+$0x15080]  }
0x31c: {  	s4 =	sand.u32 $0xF00, s13;
	s13 =	simm.s32 $0x650;
	s11 =	simm.s32 @p1 $0x0;
	v15 =	vmul.f32 @p2 v16, v5;
	v16 =	vsel vm0, $0x3F800000, v0;
	[tilespmem:v18+s3+$0x0] =	vst.idx.add.f32.msk @p3 $0xffff, v14  }
0x31d: {  	s17 =	simm.s32 $0x660;
	s12 =	simm.s32 @p2 $0x0;
	s7 =	sand.u32 $0x40, s24;
	(xrf0) =	vmax.scan.msk.f32 $0xffff, v16;
	[tilespmem:v20+s11+$0x0] =	vst.idx.add.f32.msk @p1 $0xffff, v13  }
0x31e: {  	s13 =	sand.u32 $0x50, s13;
	s3 =	sor.u32 s7, s4;
	s11 =	simm.s32 $0x1;
	[tilespmem:v21+s12+$0x0] =	vst.idx.add.f32.msk @p2 $0xffff, v15  }
0x31f: {  	s25 =	sand.u32 $0x60, s17;
	s2 =	sor.u32 s2, s13;
	v15 =	vld [tilespmem:s3+$0x15C80];
	s11 =	simm.s32 @!p0 $0x0  }
0x320: {  	s1 =	sor.u32 s23, s25;
	v14 =	vld [tilespmem:s2+$0x15080];
	s11 =	sshll.u32 s11, $0x6  }
0x321: {  	v13 =	vld [tilespmem:s1+$0x15080];
	s26 =	sadd.s32 $0x100, s11  }
0x322: {  	vm0 =	vlt.f32 v19, $0.0e+00;
	vm1 =	vgt.f32 v19, $0.0e+00;
	s17 =	sor.u32 $0xB0, s26  }
0x323: {  	vm0 =	vmor vm1, vm0;
	v16, _, _ =	vpop (xrf0);
	v23 =	vld [tilespmem:s17+$0x15000]  }
0x324: {  	(v2sf) =	vpush v16, $0xF;
	v16 =	vsel vm0, $0x3F800000, v0;
	vm0 =	vlt.f32 v15, $0.0e+00  }
0x325: {  	vm1 =	vgt.f32 v15, $0.0e+00;
	vm2 =	vlt.f32 v14, $0.0e+00;
	vm3 =	vgt.f32 v14, $0.0e+00  }
0x326: {  	s13 =	sor.u32 $0x80, s26;
	vm0 =	vmor vm1, vm0;
	vm1 =	vmor vm3, vm2;
	vm2 =	vlt.f32 v13, $0.0e+00  }
0x327: {  	s11 =	sor.u32 $0x90, s26;
	v24 =	vld [tilespmem:s13+$0x15000];
	(xrf0) =	vmax.scan.msk.f32 $0xffff, v16;
	vm3 =	vgt.f32 v13, $0.0e+00;
	v16 =	vsel vm0, $0x3F800000, v0;
	v17 =	vsel vm1, $0x3F800000, v0  }
0x328: {  	v22 =	vld [tilespmem:s11+$0x15000];
	vm0 =	vmor vm3, vm2;
	(xrf0) =	vmax.scan.msk.f32 $0xffff, v16;
	vm1 =	vlt.f32 v23, $0.0e+00;
	vm2 =	vgt.f32 v23, $0.0e+00  }
0x329: {  	s12 =	sor.u32 $0xA0, s26;
	v16 =	vsel vm0, $0x3F800000, v0;
	(xrf0) =	vmax.scan.msk.f32 $0xffff, v17;
	vm0 =	vmor vm2, vm1  }
0x32a: {  	v20 =	vld [tilespmem:s12+$0x15000];
	(xrf0) =	vmax.scan.msk.f32 $0xffff, v16;
	v16 =	vsel vm0, $0x3F800000, v0;
	_ =	sdelay $0x1  }
0x32b: {  	vm1 =	vgt.f32 v24, $0.0e+00;
	vm0 =	vlt.f32 v24, $0.0e+00  }
0x32c: {  	vm3 =	vgt.f32 v22, $0.0e+00;
	(xrf0) =	vmax.scan.msk.f32 $0xffff, v16;
	vm0 =	vmor vm1, vm0;
	v16, _, _ =	vpop (xrf0)  }
0x32d: {  	vm2 =	vlt.f32 v22, $0.0e+00;
	(v2sf) =	vpush v16, $0xF;
	v16 =	vsel vm0, $0x3F800000, v0  }
0x32e: {  	vm1 =	vmor vm3, vm2;
	vm2 =	vgt.f32 v20, $0.0e+00;
	vm0 =	vlt.f32 v20, $0.0e+00;
	v18, _, _ =	vpop (xrf0);
	(xrf0) =	vmax.scan.msk.f32 $0xffff, v16  }
0x32f: {  	v17 =	vsel vm1, $0x3F800000, v0;
	vm0 =	vmor vm2, vm0  }
0x330: {  	p2 =	sgt.f32 s18, $0.0e+00;
	(v2sf) =	vpush v18, $0xF;
	v16, _, _ =	vpop (xrf0);
	(xrf0) =	vmax.scan.msk.f32 $0xffff, v17;
	v17 =	vsel vm0, $0x3F800000, v0  }
0x331: {  	s9 =	sadd.s32 $0xC80, s9;
	(v2sf) =	vpush v16, $0xF;
	v16, _, _ =	vpop (xrf0);
	(xrf0) =	vmax.scan.msk.f32 $0xffff, v17  }
0x332: {  	p3 =	sgt.f32 s16, $0.0e+00;
	v18 =	vld @p2 [tilespmem:s9+$0x12000];
	(v2sf) =	vpush v16, $0xF;
	v16, _, _ =	vpop (xrf0)  }
0x333: {  	s6 =	sor.u32 $0x80, s6;
	p4 =	sgt.f32 s15, $0.0e+00;
	(v2sf) =	vpush v16, $0xF  }
0x334: {  	s8 =	sor.u32 $0x80, s8;
	v17 =	vld @p3 [tilespmem:s6+$0x12000];
	s18 =	spop (v2sf);
	v21, _, _ =	vpop (xrf0)  }
0x335: {  	v16 =	vld @p4 [tilespmem:s8+$0x12000];
	p1 =	sgt.f32 s18, $0.0e+00;
	(v2sf) =	vpush v21, $0xF  }
0x336: {  	s6 =	sor.u32 $0x80, s14;
	v21, _, _ =	vpop (xrf0)  }
0x337: {  	v25 =	vld @p1 [tilespmem:s6+$0x12000];
	(v2sf) =	vpush v21, $0xF;
	v21, _, _ =	vpop (xrf0)  }
0x338: {  	v8 =	vmul.f32 @p2 v8, v1;
	(v2sf) =	vpush v21, $0xF  }
0x339: {  	s8 =	simm.s32 @p2 $0x0  }
0x33a: {  	s0 =	sadd.s32 s5, s0;
	s20 =	simm.s32 $0x1840;
	s19 =	simm.s32 $0x1820;
	v10 =	vmul.f32 @p3 v10, v2;
	[tilespmem:v18+s8+$0x0] =	vst.idx.add.f32.msk @p2 $0xffff, v8  }
0x33b: {  	s23 =	simm.s32 $0x1230;
	s21 =	simm.s32 $0xC10;
	v9 =	vmul.f32 @p4 v9, v3;
	s14 =	simm.s32 @p3 $0x0;
	v18 =	vld [tilespmem:s0+$0x16880]  }
0x33c: {  	s15 =	simm.s32 @p4 $0x0;
	s6 =	sand.u32 $0x3F00, s19;
	s8 =	sand.u32 $0x50, s21;
	[tilespmem:v17+s14+$0x0] =	vst.idx.add.f32.msk @p3 $0xffff, v10  }
0x33d: {  	s25 =	simm.s32 $0x2460;
	s6 =	sor.u32 s6, s8;
	[tilespmem:v16+s15+$0x0] =	vst.idx.add.f32.msk @p4 $0xffff, v9;
	v9 =	vmul.f32 @p1 v11, v12;
	s24 =	spop (v2sf)  }
0x33e: {  	s22 =	simm.s32 $0xC20;
	v17 =	vld [tilespmem:s6+$0x15080];
	s15 =	simm.s32 @p1 $0x0;
	p5 =	sgt.f32 s24, $0.0e+00  }
0x33f: {  	s5 =	sand.u32 $0x60, s22;
	s10 =	sor.u32 $0x80, s10;
	s21 =	spop (v2sf);
	[tilespmem:v25+s15+$0x0] =	vst.idx.add.f32.msk @p1 $0xffff, v9  }
0x340: {  	s26 =	sand.u32 $0x3F00, s25;
	s9 =	sand.u32 $0x3F00, s20;
	v25 =	vld @p5 [tilespmem:s10+$0x12000];
	s22 =	spop (v2sf)  }
0x341: {  	s5 =	sor.u32 s9, s5;
	v8 =	vld [tilespmem:s13+$0x18000];
	s8 =	sand.u32 $0x70, s23;
	s16 =	spop (v2sf)  }
0x342: {  	s18 =	sor.u32 s26, s8;
	v16 =	vld [tilespmem:s5+$0x15080];
	s14 =	spop (v2sf)  }
0x343: {  	v21 =	vld [tilespmem:s18+$0x15080];
	p4 =	sgt.f32 s14, $0.0e+00  }
0x344: {  	s20 =	simm.s32 $0x2420;
	s23 =	simm.s32 $0x2440;
	v11 =	vld [tilespmem:s17+$0x18000];
	vm0 =	vlt.f32 v18, $0.0e+00;
	vm1 =	vgt.f32 v18, $0.0e+00;
	s15 =	spop (v2sf)  }
0x345: {  	s26 =	simm.s32 $0x18E0;
	vm0 =	vmor vm1, vm0;
	s24 =	simm.s32 $0xC70;
	vm2 =	vlt.f32 v17, $0.0e+00;
	vm1 =	vgt.f32 v17, $0.0e+00;
	v26 =	vld @p4 [tilespmem:s17+$0x12000];
	p1 =	sgt.f32 s15, $0.0e+00  }
0x346: {  	v9 =	vld [tilespmem:s11+$0x18000];
	v27 =	vsel vm0, $0x3F800000, v0;
	s8 =	sand.u32 $0x70, s24;
	s24 =	simm.s32 $0xD40;
	v19 =	vmul.f32 @p5 v19, v7;
	vm1 =	vmor vm1, vm2;
	s19 =	spop (v2sf)  }
0x347: {  	(xrf0) =	vmax.scan.msk.f32 $0xffff, v27;
	vm3 =	vlt.f32 v16, $0.0e+00;
	vm13 =	vgt.f32 v16, $0.0e+00;
	v28 =	vsel vm1, $0x3F800000, v0;
	s15 =	simm.s32 @p5 $0x0;
	p2 =	sgt.f32 s19, $0.0e+00;
	s25 =	spop (v2sf);
	v27 =	vld @p1 [tilespmem:s13+$0x12000]  }
0x348: {  	s10 =	sand.u32 $0x3F00, s20;
	s20 =	simm.s32 $0xD60;
	vm0 =	vmor vm13, vm3;
	vm1 =	vlt.f32 v21, $0.0e+00;
	vm2 =	vgt.f32 v21, $0.0e+00;
	[tilespmem:v25+s15+$0x0] =	vst.idx.add.f32.msk @p5 $0xffff, v19;
	p3 =	sgt.f32 s25, $0.0e+00  }
0x349: {  	(xrf0) =	vmax.scan.msk.f32 $0xffff, v28;
	v29 =	vsel vm0, $0x3F800000, v0;
	vm0 =	vmor vm2, vm1;
	s17 =	sand.u32 $0x3F00, s26;
	s26 =	simm.s32 $0x80;
	s19 =	simm.s32 $0x6B0;
	v28 =	vld @p2 [tilespmem:s11+$0x12000]  }
0x34a: {  	(xrf0) =	vmax.scan.msk.f32 $0xffff, v29;
	v29 =	vsel vm0, $0x3F800000, v0;
	s9 =	sor.u32 s17, s8;
	s13 =	simm.s32 @p4 $0x0;
	s8 =	sand.u32 $0x70, s19;
	v25 =	vld @p3 [tilespmem:s12+$0x12000]  }
0x34b: {  	v10 =	vld [tilespmem:s12+$0x18000];
	(xrf0) =	vmax.scan.msk.f32 $0xffff, v29;
	v19 =	vmul.f32 @p4 v23, v11;
	s19 =	simm.s32 $0x100;
	s25 =	simm.s32 $0x100;
	s12 =	sand.u32 $0x1F00, s20  }
0x34c: {  	v23 =	vld [tilespmem:s9+$0x15080];
	s11 =	sand.u32 $0x3F00, s23;
	s23 =	simm.s32 $0xD20;
	s17 =	sor.u32 s12, s8  }
0x34d: {  	v24 =	vmul.f32 @p1 v24, v8;
	s12 =	sand.u32 $0x1F00, s23;
	s23 =	sand.u32 $0xF00, s19;
	s8 =	sand.u32 $0x1F00, s24;
	[tilespmem:v26+s13+$0x0] =	vst.idx.add.f32.msk @p4 $0xffff, v19  }
0x34e: {  	s24 =	sand.u32 $0x40, s26;
	v26, _, _ =	vpop (xrf0);
	s13 =	simm.s32 @p1 $0x0;
	v19 =	vld [tilespmem:s17+$0x15080];
	[dreg:$0x16] =	wrdreg s25  }
0x34f: {  	s15 =	simm.s32 $0x690;
	v22 =	vmul.f32 @p2 v22, v9;
	s19 =	sor.u32 s24, s23;
	(v2sf) =	vpush v26, $0xF;
	v26, _, _ =	vpop (xrf0);
	[tilespmem:v27+s13+$0x0] =	vst.idx.add.f32.msk @p1 $0xffff, v24  }
0x350: {  	p0 =	por !p0, !p0;
	s20 =	simm.s32 @p2 $0x0;
	v20 =	vmul.f32 @p3 v20, v10;
	(v2sf) =	vpush v26, $0xF;
	v26, _, _ =	vpop (xrf0);
	s13 =	sand.u32 $0x50, s15;
	v30 =	vld [tilespmem:s19+$0x15C80]  }
0x351: {  	s25 =	simm.s32 @p3 $0x0;
	(v2sf) =	vpush v26, $0xF;
	v24, _, _ =	vpop (xrf0);
	[tilespmem:v28+s20+$0x0] =	vst.idx.add.f32.msk @p2 $0xffff, v22;
	s20 =	sor.u32 s12, s13;
	s12 =	simm.s32 @!p0 $0x0  }
0x352: {  	s14 =	simm.s32 $0x18A0;
	s26 =	simm.s32 $0x6A0;
	vm0 =	vlt.f32 v23, $0.0e+00;
	vm1 =	vgt.f32 v23, $0.0e+00;
	(v2sf) =	vpush v24, $0xF;
	[tilespmem:v25+s25+$0x0] =	vst.idx.add.f32.msk @p3 $0xffff, v20;
	s12 =	simm.s32 @p0 $0x1  }
0x353: {  	vm0 =	vmor vm1, vm0;
	s15 =	sand.u32 $0x60, s26;
	[smem:$0x7D4] =	sst s12;
	s12 =	simm.s32 $0x1  }
0x354: {  	s26 =	simm.s32 $0x1220;
	s8 =	sor.u32 s8, s15;
	v20 =	vsel vm0, $0x3F800000, v0;
	vm1 =	vlt.f32 v19, $0.0e+00;
	vm2 =	vgt.f32 v19, $0.0e+00;
	s12 =	simm.s32 @!p0 $0x0  }
0x355: {  	s15 =	sand.u32 $0x60, s26;
	s25 =	simm.s32 $0x1210;
	(xrf0) =	vmax.scan.msk.f32 $0xffff, v20;
	v25 =	vld [tilespmem:s20+$0x15080];
	vm0 =	vmor vm2, vm1;
	s12 =	sshll.u32 s12, $0x6  }
0x356: {  	s13 =	sand.u32 $0x3F00, s14;
	s14 =	sand.u32 $0x50, s25;
	v24 =	vld [tilespmem:s8+$0x15080];
	v20 =	vsel vm0, $0x3F800000, v0;
	vm0 =	vlt.f32 v30, $0.0e+00;
	vm1 =	vgt.f32 v30, $0.0e+00;
	s25 =	sadd.s32 $0x180, s12  }
0x357: {  	s28 =	simm.s32 $0x1250;
	s11 =	sor.u32 s11, s15;
	vm0 =	vmor vm1, vm0;
	s15 =	sor.u32 $0xB0, s25  }
0x358: {  	s28 =	sand.u32 $0x50, s28;
	s29 =	sadd.s32 s7, s4;
	s3 =	sadd.s32 $0xC80, s3;
	(xrf0) =	vmax.scan.msk.f32 $0xffff, v20;
	v20 =	vsel vm0, $0x3F800000, v0;
	v29 =	vld [tilespmem:s15+$0x15000]  }
0x359: {  	s2 =	sor.u32 $0x80, s2;
	s1 =	sor.u32 $0x80, s1;
	p1 =	sgt.f32 s21, $0.0e+00  }
0x35a: {  	s14 =	sor.u32 s10, s14;
	s12 =	simm.s32 $0xC50;
	s10 =	sor.u32 $0x80, s25;
	vm1 =	vlt.f32 v25, $0.0e+00;
	vm0 =	vgt.f32 v25, $0.0e+00  }
0x35b: {  	s26 =	simm.s32 $0x18C0;
	s4 =	sand.u32 $0x50, s12;
	s7 =	sor.u32 $0x90, s25;
	v26 =	vld [tilespmem:s10+$0x15000];
	(xrf0) =	vmax.scan.msk.f32 $0xffff, v20;
	vm2 =	vlt.f32 v24, $0.0e+00;
	vm3 =	vgt.f32 v24, $0.0e+00;
	v20, _, _ =	vpop (xrf0);
	vm0 =	vmor vm0, vm1  }
0x35c: {  	p3 =	sgt.f32 s16, $0.0e+00;
	s12 =	sor.u32 s13, s4;
	s4 =	sor.u32 $0xA0, s25;
	v27 =	vld [tilespmem:s7+$0x15000];
	vm1 =	vmor vm3, vm2;
	(v2sf) =	vpush v20, $0xF;
	v20 =	vsel vm0, $0x3F800000, v0  }
0x35d: {  	p0 =	sgt.f32 s22, $0.0e+00;
	s13 =	sand.u32 $0x3F00, s26;
	s26 =	simm.s32 $0xC60;
	v28 =	vld [tilespmem:s4+$0x15000];
	v22 =	vsel vm1, $0x3F800000, v0;
	vm0 =	vlt.f32 v29, $0.0e+00;
	vm1 =	vgt.f32 v29, $0.0e+00  }
0x35e: {  	s25 =	simm.s32 $0x24A0;
	s26 =	sand.u32 $0x60, s26;
	(xrf0) =	vmax.scan.msk.f32 $0xffff, v20;
	v20 =	vld @p1 [tilespmem:s3+$0x12000];
	s3 =	spop (v2sf);
	vm0 =	vmor vm1, vm0  }
0x35f: {  	s25 =	sand.u32 $0x3F00, s25;
	s13 =	sor.u32 s13, s26;
	v31, _, _ =	vpop (xrf0);
	(xrf0) =	vmax.scan.msk.f32 $0xffff, v22;
	s16 =	spop (v2sf);
	v22 =	vsel vm0, $0x3F800000, v0  }
0x360: {  	s26 =	sor.u32 s25, s28;
	s25 =	simm.s32 $0x1260;
	(v2sf) =	vpush v31, $0xF;
	vm2 =	vlt.f32 v26, $0.0e+00;
	vm3 =	vgt.f32 v26, $0.0e+00;
	s21 =	spop (v2sf)  }
0x361: {  	s22 =	simm.s32 $0x24C0;
	vm14 =	vgt.f32 v27, $0.0e+00;
	v31 =	vld @p0 [tilespmem:s2+$0x12000];
	s2 =	sand.u32 $0x60, s25;
	vm1 =	vlt.f32 v27, $0.0e+00;
	vm0 =	vmor vm3, vm2;
	s25 =	spop (v2sf)  }
0x362: {  	s18 =	sor.u32 $0x80, s18;
	v32 =	vld @p3 [tilespmem:s1+$0x12000];
	s22 =	sand.u32 $0x3F00, s22;
	vm1 =	vmor vm14, vm1;
	vm2 =	vlt.f32 v28, $0.0e+00;
	vm3 =	vgt.f32 v28, $0.0e+00;
	(xrf0) =	vmax.scan.msk.f32 $0xffff, v22;
	p5 =	sgt.f32 s25, $0.0e+00;
	v22, _, _ =	vpop (xrf0)  }
0x363: {  	s28 =	sor.u32 s22, s2;
	s22 =	sadd.s32 s24, s23;
	s2 =	simm.s32 $0x1920;
	v33 =	vsel vm0, $0x3F800000, v0;
	(v2sf) =	vpush v22, $0xF;
	v22 =	vsel vm1, $0x3F800000, v0  }
0x364: {  	s23 =	simm.s32 $0xC90;
	s24 =	simm.s32 $0x1940;
	p4 =	sgt.f32 s3, $0.0e+00;
	vm0 =	vmor vm3, vm2;
	(xrf0) =	vmax.scan.msk.f32 $0xffff, v33;
	v33 =	vld @p5 [tilespmem:s18+$0x12000]  }
0x365: {  	s1 =	sand.u32 $0x3F00, s2;
	s2 =	sand.u32 $0x50, s23;
	p2 =	sgt.f32 s16, $0.0e+00;
	v61 =	vsel vm0, $0x3F800000, v0;
	(xrf0) =	vmax.scan.msk.f32 $0xffff, v22  }
0x366: {  	v15 =	vmul.f32 @p1 v15, v6;
	v14 =	vmul.f32 @p0 v14, v4;
	s16 =	simm.s32 $0x2520;
	s30 =	sor.u32 s1, s2;
	s25 =	simm.s32 $0xCA0;
	v22, _, _ =	vpop (xrf0);
	(xrf0) =	vmax.scan.msk.f32 $0xffff, v61  }
0x367: {  	v13 =	vmul.f32 @p3 v13, v5;
	s1 =	sand.u32 $0x3F00, s24;
	s2 =	sand.u32 $0x60, s25;
	s18 =	simm.s32 @p1 $0x0  }
0x368: {  	[tilespmem:v20+s18+$0x0] =	vst.idx.add.f32.msk @p1 $0xffff, v15;
	s18 =	smov.u32 s29;
	s29 =	sor.u32 s1, s2;
	s1 =	simm.s32 @p0 $0x0;
	(v2sf) =	vpush v22, $0xF;
	v22, _, _ =	vpop (xrf0)  }
0x369: {  	s2 =	simm.s32 @p3 $0x0;
	p1 =	sgt.f32 s21, $0.0e+00;
	s21 =	simm.s32 $0x1290;
	[tilespmem:v31+s1+$0x0] =	vst.idx.add.f32.msk @p0 $0xffff, v14;
	(v2sf) =	vpush v22, $0xF;
	v22, _, _ =	vpop (xrf0)  }
0x36a: {  	v12 =	vmul.f32 @p5 v21, v12;
	s1 =	sadd.s32 $0x1880, s0;
	[tilespmem:v32+s2+$0x0] =	vst.idx.add.f32.msk @p3 $0xffff, v13;
	s2 =	sand.u32 $0x3F00, s16;
	s3 =	sand.u32 $0x50, s21;
	(v2sf) =	vpush v22, $0xF;
	v14, _, _ =	vpop (xrf0)  }
0x36b: {  	s16 =	sor.u32 s2, s3;
	s3 =	simm.s32 @p5 $0x0;
	(v2sf) =	vpush v14, $0xF;
	v13, _, _ =	vpop (xrf0);
	v14 =	vld @p4 [tilespmem:s1+$0x12000]  }
0x36c: {  	s6 =	sor.u32 $0x80, s6;
	s23 =	simm.s32 $0x2540;
	s24 =	simm.s32 $0x12A0;
	(v2sf) =	vpush v13, $0xF;
	[tilespmem:v33+s3+$0x0] =	vst.idx.add.f32.msk @p5 $0xffff, v12;
	v13, _, _ =	vpop (xrf0)  }
0x36d: {  	s2 =	sand.u32 $0x3F00, s23;
	s25 =	spop (v2sf);
	(v2sf) =	vpush v13, $0xF;
	v13 =	vld @p2 [tilespmem:s6+$0x12000];
	s6 =	sadd.s32 $0x2480, s0  }
0x36e: {  	v20 =	vld [tilespmem:s18+$0x16880];
	s1 =	sand.u32 $0x60, s24;
	p5 =	sgt.f32 s25, $0.0e+00;
	[dreg:$0x7] =	wrdreg s6  }
0x36f: {  	s5 =	sor.u32 $0x80, s5;
	s21 =	sor.u32 s2, s1;
	s1 =	sor.u32 $0x80, s9;
	v21 =	vld [tilespmem:s12+$0x15080]  }
0x370: {  	s24 =	simm.s32 $0x24E0;
	s3 =	sadd.s32 $0xC80, s19;
	s19 =	spop (v2sf);
	v15 =	vld @p5 [tilespmem:s1+$0x12000]  }
0x371: {  	s2 =	simm.s32 $0x1270;
	s25 =	simm.s32 $0x180;
	p6 =	sgt.f32 s19, $0.0e+00;
	v12 =	vld @p1 [tilespmem:s5+$0x12000]  }
0x372: {  	v18 =	vmul.f32 @p4 v18, v1;
	s9 =	simm.s32 @p2 $0x0;
	v22 =	vld [tilespmem:s13+$0x15080];
	s5 =	sor.u32 $0x80, s17;
	s23 =	spop (v2sf)  }
0x373: {  	s2 =	sand.u32 $0x70, s2;
	v31 =	vld @p6 [tilespmem:s5+$0x12000];
	s5 =	simm.s32 @p4 $0x0;
	p0 =	sgt.f32 s23, $0.0e+00  }
0x374: {  	v17 =	vmul.f32 @p2 v17, v2;
	s6 =	sor.u32 $0x80, s20;
	s1 =	simm.s32 $0xDA0;
	s17 =	sand.u32 $0x3F00, s24;
	[tilespmem:v14+s5+$0x0] =	vst.idx.add.f32.msk @p4 $0xffff, v18  }
0x375: {  	s31 =	sor.u32 s17, s2;
	s2 =	simm.s32 @p1 $0x0;
	s1 =	sand.u32 $0x1F00, s1;
	v32 =	vld @p0 [tilespmem:s3+$0x12000]  }
0x376: {  	v14 =	vmul.f32 @p1 v16, v3;
	v16 =	vmul.f32 @p5 v23, v7;
	s5 =	simm.s32 $0x1960;
	s23 =	simm.s32 $0xCB0;
	[tilespmem:v13+s9+$0x0] =	vst.idx.add.f32.msk @p2 $0xffff, v17;
	s3 =	simm.s32 @p5 $0x0  }
0x377: {  	v13 =	vld [tilespmem:s0+$0x17480];
	s0 =	sand.u32 $0x70, s23;
	s23 =	simm.s32 $0xDE0;
	s19 =	spop (v2sf)  }
0x378: {  	vm0 =	vlt.f32 v20, $0.0e+00;
	vm1 =	vgt.f32 v20, $0.0e+00;
	p3 =	sgt.f32 s19, $0.0e+00;
	s20 =	spop (v2sf);
	[tilespmem:v15+s3+$0x0] =	vst.idx.add.f32.msk @p5 $0xffff, v16;
	s3 =	simm.s32 @p6 $0x0  }
0x379: {  	vm0 =	vmor vm1, vm0;
	[tilespmem:v12+s2+$0x0] =	vst.idx.add.f32.msk @p1 $0xffff, v14;
	s2 =	sand.u32 $0x3F00, s5;
	s5 =	simm.s32 @p0 $0x0;
	s24 =	spop (v2sf)  }
0x37a: {  	vm2 =	vlt.f32 v21, $0.0e+00;
	vm1 =	vgt.f32 v21, $0.0e+00;
	vm3 =	vlt.f32 v22, $0.0e+00;
	p2 =	sgt.f32 s20, $0.0e+00;
	s20 =	simm.s32 $0x6F0;
	s9 =	spop (v2sf)  }
0x37b: {  	vm15 =	vgt.f32 v22, $0.0e+00;
	v12 =	vsel vm0, $0x3F800000, v0;
	vm0 =	vmor vm1, vm2;
	v16 =	vld [tilespmem:s14+$0x15080];
	p1 =	sgt.f32 s24, $0.0e+00;
	s24 =	simm.s32 $0xDC0;
	p5 =	sgt.f32 s9, $0.0e+00  }
0x37c: {  	vm1 =	vmor vm15, vm3;
	v14 =	vsel vm0, $0x3F800000, v0;
	(xrf0) =	vmax.scan.msk.f32 $0xffff, v12;
	v12 =	vmul.f32 @p6 v19, v11;
	v19 =	vld [tilespmem:s15+$0x18000];
	s17 =	spop (v2sf);
	s9 =	sor.u32 s2, s0;
	s0 =	sand.u32 $0x70, s20  }
0x37d: {  	v15 =	vsel vm1, $0x3F800000, v0;
	v33 =	vld @p3 [tilespmem:s6+$0x12000];
	(xrf0) =	vmax.scan.msk.f32 $0xffff, v14;
	s2 =	sand.u32 $0x1F00, s23;
	s6 =	sand.u32 $0x1F00, s24;
	s20 =	simm.s32 $0xC0  }
0x37e: {  	v14 =	vmul.f32 @p0 v30, v8;
	[tilespmem:v31+s3+$0x0] =	vst.idx.add.f32.msk @p6 $0xffff, v12;
	(xrf0) =	vmax.scan.msk.f32 $0xffff, v15;
	s24 =	sand.u32 $0xF00, s25;
	s3 =	sor.u32 $0x80, s8;
	p6 =	sgt.f32 s17, $0.0e+00  }
0x37f: {  	v30 =	vld @p1 [tilespmem:s15+$0x12000];
	s17 =	simm.s32 $0x6E0;
	s15 =	sor.u32 $0x80, s14;
	s19 =	spop (v2sf)  }
0x380: {  	s23 =	sand.u32 $0x60, s17;
	s17 =	simm.s32 $0x19A0;
	[tilespmem:v32+s5+$0x0] =	vst.idx.add.f32.msk @p0 $0xffff, v14;
	s5 =	simm.s32 $0x6D0  }
0x381: {  	v18 =	vld [tilespmem:s31+$0x15080];
	p4 =	sgt.f32 s19, $0.0e+00;
	s19 =	sor.u32 s2, s0;
	s0 =	sand.u32 $0x50, s5  }
0x382: {  	v17 =	vld [tilespmem:s11+$0x15080];
	v12, _, _ =	vpop (xrf0);
	[dreg:$0xf] =	wrdreg s15;
	s15 =	simm.s32 $0x25A0;
	s5 =	sor.u32 s1, s0  }
0x383: {  	(v2sf) =	vpush v12, $0xF;
	v12, _, _ =	vpop (xrf0);
	s1 =	sor.u32 s6, s23;
	s0 =	sand.u32 $0x40, s20;
	v23 =	vld [tilespmem:s9+$0x15080];
	s23 =	sor.u32 $0x80, s11  }
0x384: {  	v31 =	vld @p2 [tilespmem:s3+$0x12000];
	s20 =	simm.s32 $0xCD0;
	s3 =	simm.s32 $0x19C0;
	(v2sf) =	vpush v12, $0xF;
	v12, _, _ =	vpop (xrf0);
	[dreg:$0x18] =	wrdreg s23  }
0x385: {  	s6 =	sor.u32 s0, s24;
	s24 =	sadd.s32 s0, s24;
	s0 =	sand.u32 $0x3F00, s17;
	(v2sf) =	vpush v12, $0xF;
	v12 =	vld [tilespmem:s10+$0x18000]  }
0x386: {  	vm0 =	vlt.f32 v13, $0.0e+00;
	vm1 =	vgt.f32 v13, $0.0e+00;
	s2 =	sand.u32 $0x50, s20;
	s23 =	sor.u32 $0x80, s13;
	v32 =	vld @p5 [tilespmem:s10+$0x12000];
	s10 =	simm.s32 $0xCE0  }
0x387: {  	v25 =	vmul.f32 @p3 v25, v9;
	vm0 =	vmor vm1, vm0;
	s8 =	sor.u32 s0, s2;
	s0 =	sand.u32 $0x3F00, s3;
	v14 =	vld [tilespmem:s7+$0x18000];
	s2 =	sand.u32 $0x60, s10  }
0x388: {  	vm3 =	vgt.f32 v16, $0.0e+00;
	vm1 =	vlt.f32 v18, $0.0e+00;
	vm2 =	vgt.f32 v18, $0.0e+00;
	v35 =	vld @p6 [tilespmem:s7+$0x12000];
	[smem:$0x7D3] =	sst s23;
	s14 =	sor.u32 s0, s2;
	s0 =	sand.u32 $0x3F00, s15  }
0x389: {  	v15 =	vsel vm0, $0x3F800000, v0;
	vm1 =	vmor vm2, vm1;
	vm2 =	vlt.f32 v16, $0.0e+00;
	[dreg:$0x1e] =	wrdreg s0  }
0x38a: {  	(xrf0) =	vmax.scan.msk.f32 $0xffff, v15;
	s11 =	smov.u32 s26;
	v34 =	vsel vm1, $0x3F800000, v0;
	vm0 =	vmor vm3, vm2;
	s0 =	simm.s32 @p3 $0x0;
	v36 =	vld @p4 [tilespmem:s4+$0x12000]  }
0x38b: {  	s17 =	sor.u32 $0x80, s12;
	v15 =	vsel vm0, $0x3F800000, v0;
	(xrf0) =	vmax.scan.msk.f32 $0xffff, v34;
	s12 =	sadd.s32 $0x2480, s18;
	s10 =	sld [smem:$0x7D4];
	[tilespmem:v33+s0+$0x0] =	vst.idx.add.f32.msk @p3 $0xffff, v25  }
0x38c: {  	v29 =	vmul.f32 @p1 v29, v19;
	s13 =	sor.u32 $0x80, s11;
	(xrf0) =	vmax.scan.msk.f32 $0xffff, v15;
	v15 =	vld [tilespmem:s4+$0x18000];
	[dreg:$0x17] =	wrdreg s12  }
0x38d: {  	s26 =	smov.u32 s28;
	s0 =	simm.s32 @p1 $0x0;
	[dreg:$0x19] =	wrdreg s13  }
0x38e: {  	s4 =	smov.u32 s14;
	s14 =	sor.u32 $0x80, s26;
	[tilespmem:v30+s0+$0x0] =	vst.idx.add.f32.msk @p1 $0xffff, v29  }
0x38f: {  	s20 =	simm.s32 $0x25C0;
	s15 =	simm.s32 $0x12B0;
	[dreg:$0x13] =	wrdreg s14  }
0x390: {  	s28 =	sand.u32 $0x3F00, s20;
	s20 =	sadd.s32 $0x1880, s22;
	[smem:$0x7D5] =	sst s15  }
0x391: {  	s23 =	sor.u32 $0x80, s30;
	v25 =	vmul.f32 @p2 v24, v10;
	v24 =	vld [tilespmem:s19+$0x15080];
	[smem:$0x7D6] =	sst s20  }
0x392: {  	vm1 =	vlt.f32 v17, $0.0e+00;
	vm2 =	vgt.f32 v17, $0.0e+00;
	s2 =	simm.s32 @p2 $0x0;
	[smem:$0x7D7] =	sst s23  }
0x393: {  	vm0 =	vmor vm2, vm1;
	s3 =	sor.u32 $0x80, s29;
	vm1 =	vlt.f32 v23, $0.0e+00;
	vm2 =	vgt.f32 v23, $0.0e+00;
	[tilespmem:v31+s2+$0x0] =	vst.idx.add.f32.msk @p2 $0xffff, v25  }
0x394: {  	v62 =	vsel vm0, $0x3F800000, v0;
	vm0 =	vmor vm2, vm1;
	p0 =	seq.s32 s10, $0x1;
	s10 =	sadd.s32 $0x2480, s22;
	v26 =	vmul.f32 @p5 v26, v12;
	[dreg:$0x1f] =	wrdreg s3  }
0x395: {  	(xrf0) =	vmax.scan.msk.f32 $0xffff, v62;
	v63 =	vsel vm0, $0x3F800000, v0;
	s2 =	simm.s32 @p5 $0x0;
	[dreg:$0x10] =	wrdreg s10  }
0x396: {  	(xrf0) =	vmax.scan.msk.f32 $0xffff, v63;
	[tilespmem:v32+s2+$0x0] =	vst.idx.add.f32.msk @p5 $0xffff, v26  }
0x397: {  	v27 =	vmul.f32 @p6 v27, v14;
	s12 =	sor.u32 $0x80, s16;
	[dreg:$0x9] =	wrdreg s16  }
0x398: {  	s7 =	sadd.s32 $0x1880, s18;
	p0 =	por !p0, !p0;
	v29, _, _ =	vpop (xrf0);
	v28 =	vmul.f32 @p4 v28, v15;
	[dreg:$0x14] =	wrdreg s12  }
0x399: {  	s13 =	sor.u32 $0x80, s21;
	s0 =	simm.s32 $0xC;
	v25, _, _ =	vpop (xrf0);
	[dreg:$0xa] =	wrdreg s21  }
0x39a: {  	s14 =	simm.s32 $0x180;
	v26, _, _ =	vpop (xrf0);
	s2 =	simm.s32 @p6 $0x0;
	[dreg:$0x11] =	wrdreg s13  }
0x39b: {  	s20 =	sadd.s32 $0xC80, s6;
	(v2sf) =	vpush v25, $0xF;
	[tilespmem:v35+s2+$0x0] =	vst.idx.add.f32.msk @p6 $0xffff, v27;
	v27, _, _ =	vpop (xrf0);
	s15 =	spop (v2sf);
	s2 =	simm.s32 @p4 $0x0  }
0x39c: {  	s3 =	sor.u32 $0x80, s5;
	s12 =	simm.s32 $0x12F0;
	(v2sf) =	vpush v29, $0xF;
	[tilespmem:v36+s2+$0x0] =	vst.idx.add.f32.msk @p4 $0xffff, v28;
	v28, _, _ =	vpop (xrf0);
	s16 =	spop (v2sf)  }
0x39d: {  	s21 =	sor.u32 $0x80, s1;
	v25 =	vld [tilespmem:s6+$0x15C80];
	vm0 =	vlt.f32 v24, $0.0e+00;
	vm1 =	vgt.f32 v24, $0.0e+00;
	(v2sf) =	vpush v28, $0xF;
	s23 =	spop (v2sf);
	[smem:$0x7D8] =	sst s14  }
.LBB2_23:
0x39e: {  	[smem:$0x7CA] =	sst s3  }
0x39f: {  	[smem:$0x7CB] =	sst s21;
	s2 =	simm.s32 @!p0 $0x0;
	s0 =	sadd.s32 $0x4, s0  }
0x3a0: {  	s25 =	sadd.s32 $0x80, s25;
	v34 =	vld [tilespmem:s30+$0x15080];
	p5 =	sgt.f32 s16, $0.0e+00;
	s30 =	sor.u32 $0x80, s8  }
0x3a1: {  	s16 =	sadd.s32 $0xFFFFFFF0, s12;
	s2 =	simm.s32 @p0 $0x1;
	p1 =	slt.u32 s0, $0x5C  }
0x3a2: {  	s10 =	sadd.s32 $0xC20, s25;
	s6 =	sadd.s32 $0xC40, s25;
	s14 =	sadd.s32 $0x1820, s25  }
0x3a3: {  	[smem:$0x7CF] =	sst s2;
	s2 =	simm.s32 $0x1;
	s3 =	simm.s32 @!p1 $0x0  }
0x3a4: {  	s6 =	sand.u32 $0x1F00, s6;
	s2 =	simm.s32 @!p0 $0x0;
	p0 =	sgt.f32 s15, $0.0e+00  }
0x3a5: {  	s3 =	simm.s32 @p1 $0x1;
	[smem:$0x7CE] =	sst s6;
	s2 =	sshll.u32 s2, $0x6  }
0x3a6: {  	v30 =	vld [tilespmem:s5+$0x15080];
	vm0 =	vmor vm1, vm0;
	(v2sf) =	vpush v26, $0xF;
	[smem:$0x7D2] =	sst s3;
	s3 =	sadd.s32 s2, s25;
	s2 =	sand.u32 $0x1F00, s10  }
0x3a7: {  	v26 =	vsel vm0, $0x3F800000, v0;
	s10 =	sand.u32 $0xF00, s25;
	s5 =	sor.u32 $0x80, s3;
	s15 =	sor.u32 $0x90, s3  }
0x3a8: {  	v29 =	vld [tilespmem:s1+$0x15080];
	vm1 =	vgt.f32 v25, $0.0e+00;
	(v2sf) =	vpush v27, $0xF;
	vm0 =	vlt.f32 v25, $0.0e+00;
	(xrf0) =	vmax.scan.msk.f32 $0xffff, v26;
	s21 =	sor.u32 $0xB0, s3;
	[smem:$0x7CD] =	sst s2;
	s1 =	sor.u32 $0xA0, s3  }
0x3a9: {  	vm0 =	vmor vm1, vm0;
	[smem:$0x7CC] =	sst s10;
	s3 =	sadd.s32 $0x1840, s25;
	s2 =	sand.u32 $0x3F00, s14  }
0x3aa: {  	v52 =	vld [tilespmem:s29+$0x15080];
	v35 =	vsel vm0, $0x3F800000, v0;
	s10 =	sor.u32 $0x80, s31;
	[smem:$0x7D0] =	sst s2;
	s13 =	spop (v2sf)  }
0x3ab: {  	v32 =	vmul.f32 @p0 v20, v6;
	v20 =	vld [tilespmem:s22+$0x16880];
	vm1 =	vlt.f32 v30, $0.0e+00;
	vm2 =	vgt.f32 v30, $0.0e+00;
	s6 =	sand.u32 $0x3F00, s3;
	s2 =	sadd.s32 $0x2420, s25;
	p1 =	sgt.f32 s13, $0.0e+00  }
0x3ac: {  	(xrf0) =	vmax.scan.msk.f32 $0xffff, v35;
	v39 =	vld @p0 [tilespmem:s7+$0x12000];
	vm1 =	vmor vm2, vm1;
	s3 =	smov.u32 s4;
	[smem:$0x7D1] =	sst s6;
	s6 =	sadd.s32 $0xFFFFFFE0, s12  }
0x3ad: {  	v36 =	vsel vm1, $0x3F800000, v0;
	s13 =	sadd.s32 $0x2440, s25;
	v37 =	vld @p1 [tilespmem:s10+$0x12000];
	s10 =	sor.u32 $0x80, s4;
	s4 =	smov.u32 s8  }
0x3ae: {  	v26 =	vld [tilespmem:s21+$0x15000];
	v33, _, _ =	vpop (xrf0);
	(xrf0) =	vmax.scan.msk.f32 $0xffff, v36;
	s8 =	smov.u32 s22;
	s22 =	sand.u32 $0x50, s6;
	s6 =	sand.u32 $0x3F00, s2  }
0x3af: {  	v42 =	vld @p5 [tilespmem:s17+$0x12000];
	s2 =	sand.u32 $0x3F00, s13;
	s13 =	sand.u32 $0x60, s16;
	s16 =	rddreg [dreg:$0x1e]  }
0x3b0: {  	vm3 =	vgt.f32 v29, $0.0e+00;
	vm2 =	vlt.f32 v29, $0.0e+00;
	v28 =	vld [tilespmem:s5+$0x15000];
	s29 =	sor.u32 s16, s22;
	s16 =	sor.u32 s28, s13;
	s13 =	spop (v2sf)  }
0x3b1: {  	s7 =	rddreg [dreg:$0x7];
	v27 =	vld [tilespmem:s15+$0x15000];
	vm0 =	vmor vm3, vm2;
	p4 =	sgt.f32 s13, $0.0e+00  }
0x3b2: {  	v48 =	vld [tilespmem:s5+$0x18000];
	v38 =	vsel vm0, $0x3F800000, v0;
	v41, _, _ =	vpop (xrf0);
	(v2sf) =	vpush v33, $0xF;
	s28 =	smov.u32 s26;
	s26 =	smov.u32 s11;
	s11 =	sld [smem:$0x7D3]  }
0x3b3: {  	p3 =	sgt.f32 s23, $0.0e+00;
	s23 =	simm.s32 @p0 $0x0;
	vm2 =	vlt.f32 v26, $0.0e+00;
	vm3 =	vgt.f32 v26, $0.0e+00;
	s22 =	spop (v2sf);
	(v2sf) =	vpush v41, $0xF;
	v41 =	vld @p4 [tilespmem:s7+$0x12000]  }
0x3b4: {  	v45 =	vmul.f32 @p1 v18, v7;
	v7 =	vmov v11;
	v11 =	vmov v19;
	v19, _, _ =	vpop (xrf0);
	p2 =	sgt.f32 s22, $0.0e+00;
	[tilespmem:v39+s23+$0x0] =	vst.idx.add.f32.msk @p0 $0xffff, v32;
	s23 =	smov.u32 s6  }
0x3b5: {  	vm4 =	vlt.f32 v28, $0.0e+00;
	vm5 =	vgt.f32 v28, $0.0e+00;
	s17 =	simm.s32 @p1 $0x0;
	s22 =	spop (v2sf);
	(v2sf) =	vpush v19, $0xF;
	v19 =	vld @p3 [tilespmem:s11+$0x12000];
	[dreg:$0x1e] =	wrdreg s23  }
0x3b6: {  	vm6 =	vgt.f32 v27, $0.0e+00;
	vm2 =	vmor vm3, vm2;
	vm3 =	vlt.f32 v27, $0.0e+00;
	p6 =	sgt.f32 s22, $0.0e+00;
	[tilespmem:v37+s17+$0x0] =	vst.idx.add.f32.msk @p1 $0xffff, v45;
	s17 =	sld [smem:$0x7D6]  }
0x3b7: {  	(xrf0) =	vmax.scan.msk.f32 $0xffff, v38;
	vm4 =	vmor vm5, vm4;
	v51 =	vsel vm2, $0x3F800000, v0;
	s11 =	spop (v2sf);
	v32 =	vmul.f32 @p4 v13, v1;
	v13 =	vld [tilespmem:s18+$0x17480];
	s18 =	sld [smem:$0x7D8]  }
0x3b8: {  	v31 =	vld [tilespmem:s1+$0x15000];
	vm3 =	vmor vm6, vm3;
	v44 =	vsel vm4, $0x3F800000, v0;
	(xrf0) =	vmax.scan.msk.f32 $0xffff, v51;
	p1 =	sgt.f32 s11, $0.0e+00;
	s11 =	rddreg [dreg:$0x18]  }
0x3b9: {  	s14 =	sadd.s32 $0x1880, s24;
	v49 =	vld [tilespmem:s15+$0x18000];
	v40 =	vsel vm3, $0x3F800000, v0;
	(xrf0) =	vmax.scan.msk.f32 $0xffff, v44;
	s7 =	smov.u32 s17;
	s17 =	rddreg [dreg:$0xf]  }
0x3ba: {  	(xrf0) =	vmax.scan.msk.f32 $0xffff, v40;
	v37 =	vmul.f32 @p5 v21, v4;
	v40 =	vld @p6 [tilespmem:s17+$0x12000];
	s17 =	smov.u32 s14;
	s14 =	sld [smem:$0x7D7]  }
0x3bb: {  	s23 =	smov.u32 s2;
	s2 =	simm.s32 @p5 $0x0;
	v45 =	vld @p1 [tilespmem:s11+$0x12000];
	s11 =	rddreg [dreg:$0x1f]  }
0x3bc: {  	vm0 =	vlt.f32 v20, $0.0e+00;
	[tilespmem:v42+s2+$0x0] =	vst.idx.add.f32.msk @p5 $0xffff, v37;
	s2 =	rddreg [dreg:$0x19]  }
0x3bd: {  	vm1 =	vgt.f32 v20, $0.0e+00;
	vm13 =	vlt.f32 v31, $0.0e+00;
	vm14 =	vgt.f32 v31, $0.0e+00;
	[smem:$0x7D6] =	sst s17;
	s17 =	smov.u32 s14;
	s14 =	smov.u32 s30  }
0x3be: {  	vm0 =	vmor vm1, vm0;
	vm3 =	vmor vm14, vm13;
	[smem:$0x7D7] =	sst s14  }
0x3bf: {  	vm1 =	vgt.f32 v34, $0.0e+00;
	vm2 =	vlt.f32 v34, $0.0e+00;
	v43 =	vsel vm3, $0x3F800000, v0;
	s14 =	smov.u32 s11;
	s11 =	rddreg [dreg:$0x17]  }
0x3c0: {  	v54 =	vsel vm0, $0x3F800000, v0;
	vm0 =	vmor vm1, vm2;
	v18, _, _ =	vpop (xrf0);
	(xrf0) =	vmax.scan.msk.f32 $0xffff, v43;
	[smem:$0x7D3] =	sst s14  }
0x3c1: {  	v55 =	vsel vm0, $0x3F800000, v0;
	v53, _, _ =	vpop (xrf0);
	(xrf0) =	vmax.scan.msk.f32 $0xffff, v54;
	s14 =	smov.u32 s10;
	s10 =	rddreg [dreg:$0x10]  }
0x3c2: {  	(xrf0) =	vmax.scan.msk.f32 $0xffff, v55;
	[dreg:$0x1f] =	wrdreg s14;
	s14 =	smov.u32 s11  }
0x3c3: {  	(v2sf) =	vpush v18, $0xF;
	s11 =	smov.u32 s10;
	[dreg:$0x7] =	wrdreg s14  }
0x3c4: {  	(v2sf) =	vpush v53, $0xF;
	v57, _, _ =	vpop (xrf0);
	s10 =	smov.u32 s2;
	[dreg:$0x17] =	wrdreg s11  }
0x3c5: {  	s9 =	sor.u32 $0x80, s9;
	s31 =	sadd.s32 $0x2480, s24;
	v38 =	vmul.f32 @p6 v16, v2;
	(v2sf) =	vpush v57, $0xF;
	v2, _, _ =	vpop (xrf0);
	[dreg:$0xf] =	wrdreg s10  }
0x3c6: {  	v18 =	vld @p2 [tilespmem:s9+$0x12000];
	(v2sf) =	vpush v2, $0xF;
	v2, _, _ =	vpop (xrf0);
	s14 =	smov.u32 s31;
	s11 =	sld [smem:$0x7D5]  }
0x3c7: {  	s22 =	sor.u32 $0x80, s29;
	(v2sf) =	vpush v2, $0xF;
	v16, _, _ =	vpop (xrf0);
	[dreg:$0x10] =	wrdreg s14  }
0x3c8: {  	v50 =	vld [tilespmem:s1+$0x18000];
	s30 =	smov.u32 s4;
	s10 =	spop (v2sf);
	(v2sf) =	vpush v16, $0xF;
	v16, _, _ =	vpop (xrf0);
	s14 =	rddreg [dreg:$0x16]  }
0x3c9: {  	v44 =	vmul.f32 @p3 v22, v5;
	s4 =	simm.s32 @p6 $0x0;
	p5 =	sgt.f32 s10, $0.0e+00;
	s10 =	rddreg [dreg:$0x14];
	(v2sf) =	vpush v16, $0xF;
	v16 =	vld [tilespmem:s26+$0x15080]  }
0x3ca: {  	[tilespmem:v40+s4+$0x0] =	vst.idx.add.f32.msk @p6 $0xffff, v38;
	s6 =	sadd.s32 $0x2460, s14;
	s14 =	smov.u32 s18;
	s18 =	simm.s32 @p3 $0x0  }
0x3cb: {  	s4 =	sld [smem:$0x7CB];
	s2 =	sand.u32 $0x70, s11;
	[tilespmem:v19+s18+$0x0] =	vst.idx.add.f32.msk @p3 $0xffff, v44;
	s18 =	smov.u32 s22  }
0x3cc: {  	v21 =	vmov v34;
	v34 =	vmul.f32 @p1 v17, v3;
	v17 =	vmul.f32 @p2 v23, v7;
	s11 =	simm.s32 @p2 $0x0;
	s6 =	sand.u32 $0x3F00, s6;
	[dreg:$0x14] =	wrdreg s18  }
0x3cd: {  	s31 =	sor.u32 s6, s2;
	s2 =	sor.u32 $0x80, s19;
	s19 =	rddreg [dreg:$0x13]  }
0x3ce: {  	[tilespmem:v18+s11+$0x0] =	vst.idx.add.f32.msk @p2 $0xffff, v17;
	s18 =	rddreg [dreg:$0x9]  }
0x3cf: {  	s6 =	smov.u32 s25;
	v17 =	vld [tilespmem:s28+$0x15080];
	s28 =	smov.u32 s23;
	s23 =	rddreg [dreg:$0xa]  }
0x3d0: {  	s11 =	smov.u32 s10;
	[smem:$0x7D8] =	sst s6  }
0x3d1: {  	s13 =	sor.u32 $0x80, s16;
	s9 =	simm.s32 @p4 $0x0;
	[dreg:$0x19] =	wrdreg s11  }
0x3d2: {  	v19 =	vld @p5 [tilespmem:s2+$0x12000];
	s22 =	smov.u32 s19;
	s6 =	rddreg [dreg:$0x11];
	s11 =	smov.u32 s13  }
0x3d3: {  	s19 =	smov.u32 s29;
	s29 =	smov.u32 s3;
	[dreg:$0x18] =	wrdreg s22  }
0x3d4: {  	s3 =	simm.s32 @p1 $0x0;
	[dreg:$0x11] =	wrdreg s11;
	s11 =	smov.u32 s18  }
0x3d5: {  	vm15 =	vgt.f32 v52, $0.0e+00;
	vm3 =	vlt.f32 v52, $0.0e+00;
	s18 =	smov.u32 s8;
	s8 =	spop (v2sf);
	[tilespmem:v45+s3+$0x0] =	vst.idx.add.f32.msk @p1 $0xffff, v34;
	s3 =	sld [smem:$0x7CA]  }
0x3d6: {  	vm1 =	vmor vm15, vm3;
	[tilespmem:v41+s9+$0x0] =	vst.idx.add.f32.msk @p4 $0xffff, v32;
	p2 =	sgt.f32 s8, $0.0e+00;
	s9 =	spop (v2sf)  }
0x3d7: {  	v56 =	vsel vm1, $0x3F800000, v0;
	v18 =	vld [tilespmem:s31+$0x15080];
	s10 =	smov.u32 s6;
	p3 =	sgt.f32 s9, $0.0e+00;
	s13 =	spop (v2sf)  }
0x3d8: {  	(xrf0) =	vmax.scan.msk.f32 $0xffff, v56;
	v24 =	vmul.f32 @p5 v24, v11;
	[dreg:$0x9] =	wrdreg s19;
	s22 =	smov.u32 s12;
	v32 =	vld @p2 [tilespmem:s20+$0x12000];
	s19 =	spop (v2sf)  }
0x3d9: {  	[dreg:$0x13] =	wrdreg s10;
	v34 =	vld @p3 [tilespmem:s3+$0x12000];
	s3 =	simm.s32 @p5 $0x0;
	p1 =	sgt.f32 s19, $0.0e+00  }
0x3da: {  	s26 =	smov.u32 s23;
	s6 =	smov.u32 s16;
	[smem:$0x7D5] =	sst s22;
	[tilespmem:v19+s3+$0x0] =	vst.idx.add.f32.msk @p5 $0xffff, v24  }
0x3db: {  	s16 =	sadd.s32 $0x1860, s14;
	[dreg:$0xa] =	wrdreg s6;
	s20 =	spop (v2sf);
	v24 =	vld @p1 [tilespmem:s21+$0x12000]  }
0x3dc: {  	vm0 =	vlt.f32 v13, $0.0e+00;
	vm1 =	vgt.f32 v13, $0.0e+00;
	s22 =	smov.u32 s24;
	s10 =	sadd.s32 $0xFFFFFA00, s12;
	p4 =	sgt.f32 s20, $0.0e+00;
	v19 =	vld [tilespmem:s21+$0x18000]  }
0x3dd: {  	v1 =	vmov v6;
	vm0 =	vmor vm1, vm0;
	s6 =	sand.u32 $0x3F00, s16;
	s2 =	sand.u32 $0x70, s10;
	s23 =	spop (v2sf)  }
0x3de: {  	v58 =	vsel vm0, $0x3F800000, v0;
	v23, _, _ =	vpop (xrf0);
	p0 =	sgt.f32 s13, $0.0e+00;
	s9 =	sor.u32 s6, s2;
	vm0 =	vlt.f32 v18, $0.0e+00;
	vm1 =	vgt.f32 v18, $0.0e+00;
	s24 =	spop (v2sf);
	v36 =	vld @p4 [tilespmem:s5+$0x12000]  }
0x3df: {  	v6 =	vmovc v8;
	v8 =	vmov v12;
	(xrf0) =	vmax.scan.msk.f32 $0xffff, v58;
	s12 =	sadd.s32 $0x40, s12;
	(v2sf) =	vpush v23, $0xF;
	vm0 =	vmor vm1, vm0;
	p6 =	sgt.f32 s24, $0.0e+00;
	v23 =	vld [tilespmem:s9+$0x15080]  }
0x3e0: {  	[dreg:$0x16] =	wrdreg s14;
	s8 =	sadd.s32 $0xFFFFEDD0, s12;
	v25 =	vmul.f32 @p2 v25, v8;
	v33 =	vld @p0 [tilespmem:s4+$0x12000];
	v59 =	vsel vm0, $0x3F800000, v0  }
0x3e1: {  	s10 =	simm.s32 @p2 $0x0;
	vm1 =	vgt.f32 v16, $0.0e+00;
	s20 =	sadd.s32 $0xFFFFF400, s12;
	vm0 =	vlt.f32 v16, $0.0e+00;
	(xrf0) =	vmax.scan.msk.f32 $0xffff, v59;
	p5 =	sgt.f32 s23, $0.0e+00;
	v39 =	vld @p6 [tilespmem:s1+$0x12000];
	v40 =	vmul.f32 @p1 v26, v19  }
0x3e2: {  	v12 =	vmovc v48;
	vm2 =	vlt.f32 v17, $0.0e+00;
	vm0 =	vmor vm1, vm0;
	vm1 =	vgt.f32 v17, $0.0e+00;
	s4 =	simm.s32 @p4 $0x0;
	s5 =	sand.u32 $0x70, s20;
	[tilespmem:v32+s10+$0x0] =	vst.idx.add.f32.msk @p2 $0xffff, v25;
	s10 =	simm.s32 @p1 $0x0  }
0x3e3: {  	v2 =	vmovc v4;
	v28 =	vmul.f32 @p4 v28, v12;
	v60 =	vsel vm0, $0x3F800000, v0;
	vm0 =	vmor vm1, vm2;
	s21 =	sadd.s32 $0xC60, s25;
	[tilespmem:v24+s10+$0x0] =	vst.idx.add.f32.msk @p1 $0xffff, v40;
	s10 =	sand.u32 $0x40, s8;
	s8 =	sld [smem:$0x7CC]  }
0x3e4: {  	v4 =	vmovc v9;
	v9 =	vmovc v14;
	s23 =	sadd.s32 $0xFFFFF3E0, s12;
	s24 =	sadd.s32 $0xFFFFF3F0, s12;
	v62 =	vsel vm0, $0x3F800000, v0;
	s14 =	sand.u32 $0x1F00, s21;
	vm0 =	vlt.f32 v23, $0.0e+00;
	vm1 =	vgt.f32 v23, $0.0e+00  }
0x3e5: {  	v3 =	vmov v5;
	v5 =	vmov v10;
	v61, _, _ =	vpop (xrf0);
	(xrf0) =	vmax.scan.msk.f32 $0xffff, v60;
	v38 =	vld @p5 [tilespmem:s15+$0x12000];
	s21 =	sand.u32 $0x60, s24;
	s24 =	sld [smem:$0x7CE];
	s19 =	sor.u32 s14, s5;
	vm0 =	vmor vm1, vm0  }
0x3e6: {  	v10 =	vmovc v15;
	v30 =	vmul.f32 @p3 v30, v9;
	(xrf0) =	vmax.scan.msk.f32 $0xffff, v62;
	s5 =	sand.u32 $0x50, s23;
	s23 =	sld [smem:$0x7CD];
	v25 =	vsel vm0, $0x3F800000, v0;
	[tilespmem:v36+s4+$0x0] =	vst.idx.add.f32.msk @p4 $0xffff, v28;
	s14 =	sor.u32 s10, s8  }
0x3e7: {  	v29 =	vmul.f32 @p0 v29, v10;
	s3 =	simm.s32 @p3 $0x0;
	v63, _, _ =	vpop (xrf0);
	(xrf0) =	vmax.scan.msk.f32 $0xffff, v25;
	s20 =	sadd.s32 $0xC80, s14;
	v25 =	vld [tilespmem:s14+$0x15C80];
	s14 =	sld [smem:$0x7D2]  }
0x3e8: {  	v15 =	vmov v50;
	s2 =	simm.s32 @p0 $0x0;
	s6 =	simm.s32 @p5 $0x0;
	s15 =	spop (v2sf);
	[tilespmem:v34+s3+$0x0] =	vst.idx.add.f32.msk @p3 $0xffff, v30  }
0x3e9: {  	v31 =	vmul.f32 @p6 v31, v15;
	s13 =	simm.s32 @p6 $0x0;
	s16 =	spop (v2sf);
	s3 =	sld [smem:$0x7CF];
	[tilespmem:v33+s2+$0x0] =	vst.idx.add.f32.msk @p0 $0xffff, v29  }
0x3ea: {  	v14 =	vmov v49;
	s1 =	sor.u32 s24, s21;
	s5 =	sor.u32 s23, s5;
	v24 =	vld [tilespmem:s19+$0x15080];
	p1 =	seq.s32 s14, $0x1  }
.Ltmp14:
0x3eb: {  	v37 =	vmul.f32 @p5 v27, v14;
	s21 =	sor.u32 $0x80, s1;
	[tilespmem:v39+s13+$0x0] =	vst.idx.add.f32.msk @p6 $0xffff, v31;
	s13 =	sld [smem:$0x7D1];
	(pc) =	sbr.rel @p1 .LBB2_23-.Ltmp14, $4  }
0x3ec: {  	v26, _, _ =	vpop (xrf0);
	p3 =	seq.s32 s3, $0x1;
	s24 =	sadd.s32 s10, s8;
	s10 =	sld [smem:$0x7D0]  }
0x3ed: {  	(v2sf) =	vpush v63, $0xF;
	s3 =	sor.u32 $0x80, s5;
	v27, _, _ =	vpop (xrf0);
	[tilespmem:v38+s6+$0x0] =	vst.idx.add.f32.msk @p5 $0xffff, v37;
	s6 =	sadd.s32 $0xFFFFF9E0, s12;
	s8 =	sadd.s32 $0xFFFFF9F0, s12  }
0x3ee: {  	s2 =	sand.u32 $0x50, s6;
	s23 =	spop (v2sf);
	(v2sf) =	vpush v61, $0xF;
	s6 =	sand.u32 $0x60, s8;
	v28, _, _ =	vpop (xrf0)  }
0x3ef: {  	v22 =	vmovc v52;
	p0 =	por !p3, !p3;
	s4 =	sor.u32 s13, s6;
	s8 =	sor.u32 s10, s2;
	vm0 =	vlt.f32 v24, $0.0e+00;
	vm1 =	vgt.f32 v24, $0.0e+00;
	(v2sf) =	vpush v28, $0xF  }
0x3f0: {  	vm0 =	vmor vm1, vm0  }
0x3f1: {  	v29 =	vsel vm0, $0x3F800000, v0  }
0x3f2: {  	(xrf0) =	vmax.scan.msk.f32 $0xffff, v29  }
0x3f3: {  	v28 =	vld [tilespmem:s5+$0x15080];
	vm13 =	vlt.f32 v25, $0.0e+00;
	vm14 =	vgt.f32 v25, $0.0e+00  }
0x3f4: {  	vm0 =	vmor vm14, vm13  }
0x3f5: {  	v30 =	vld [tilespmem:s1+$0x15080];
	v54 =	vsel vm0, $0x3F800000, v0  }
0x3f6: {  	(xrf0) =	vmax.scan.msk.f32 $0xffff, v54  }
0x3f7: {  	(v2sf) =	vpush v26, $0xF  }
0x3f8: {  	(v2sf) =	vpush v27, $0xF;
	vm15 =	vlt.f32 v28, $0.0e+00;
	vm2 =	vgt.f32 v28, $0.0e+00;
	v56, _, _ =	vpop (xrf0)  }
0x3f9: {  	vm4 =	vmor vm2, vm15;
	(v2sf) =	vpush v56, $0xF  }
0x3fa: {  	vm5 =	vlt.f32 v30, $0.0e+00;
	vm6 =	vgt.f32 v30, $0.0e+00;
	v55 =	vsel vm4, $0x3F800000, v0  }
0x3fb: {  	vm0 =	vmor vm6, vm5;
	(xrf0) =	vmax.scan.msk.f32 $0xffff, v55  }
0x3fc: {  	v58 =	vsel vm0, $0x3F800000, v0;
	v57, _, _ =	vpop (xrf0)  }
0x3fd: {  	(xrf0) =	vmax.scan.msk.f32 $0xffff, v58;
	(v2sf) =	vpush v57, $0xF;
	_ =	sdelay $0x1  }
0x3fe: {  	p2 =	sgt.f32 s15, $0.0e+00  }
0x3ff: {  	p1 =	sgt.f32 s16, $0.0e+00  }
0x400: {  	v29 =	vld @p2 [tilespmem:s7+$0x12000];
	v59, _, _ =	vpop (xrf0)  }
0x401: {  	v31 =	vld @p1 [tilespmem:s17+$0x12000];
	(v2sf) =	vpush v59, $0xF  }
0x402: {  	s2 =	sld [smem:$0x7D3];
	s0 =	spop (v2sf);
	v60, _, _ =	vpop (xrf0)  }
0x403: {  	p0 =	sgt.f32 s23, $0.0e+00;
	s1 =	spop (v2sf);
	(v2sf) =	vpush v60, $0xF  }
0x404: {  	s16 =	spop (v2sf)  }
0x405: {  	v32 =	vld @p0 [tilespmem:s2+$0x12000];
	p3 =	sgt.f32 s16, $0.0e+00;
	s5 =	spop (v2sf)  }
0x406: {  	v26 =	vld [tilespmem:s29+$0x15080];
	v20 =	vmul.f32 @p2 v20, v6;
	s2 =	sor.u32 $0x80, s9;
	s7 =	spop (v2sf)  }
0x407: {  	v21 =	vmul.f32 @p1 v21, v4;
	v33 =	vld @p3 [tilespmem:s2+$0x12000];
	s2 =	simm.s32 @p2 $0x0;
	s6 =	spop (v2sf)  }
0x408: {  	[tilespmem:v29+s2+$0x0] =	vst.idx.add.f32.msk @p2 $0xffff, v20;
	s2 =	simm.s32 @p1 $0x0;
	p4 =	sgt.f32 s6, $0.0e+00  }
0x409: {  	[tilespmem:v31+s2+$0x0] =	vst.idx.add.f32.msk @p1 $0xffff, v21;
	s2 =	sor.u32 $0x80, s19  }
0x40a: {  	v29 =	vld @p4 [tilespmem:s2+$0x12000]  }
0x40b: {  	v27 =	vld [tilespmem:s30+$0x15080];
	v20 =	vmul.f32 @p0 v22, v5;
	s17 =	spop (v2sf)  }
0x40c: {  	v21 =	vld [tilespmem:s18+$0x17480];
	p2 =	sgt.f32 s17, $0.0e+00;
	s2 =	simm.s32 @p0 $0x0  }
0x40d: {  	[tilespmem:v32+s2+$0x0] =	vst.idx.add.f32.msk @p0 $0xffff, v20  }
0x40e: {  	v31 =	vld @p2 [tilespmem:s20+$0x12000];
	v20 =	vmul.f32 @p3 v23, v11  }
0x40f: {  	v32 =	vld [tilespmem:s22+$0x16880];
	s2 =	simm.s32 @p3 $0x0  }
0x410: {  	s13 =	smov.u32 s8;
	v23 =	vmul.f32 @p4 v24, v19;
	s18 =	spop (v2sf);
	[tilespmem:v33+s2+$0x0] =	vst.idx.add.f32.msk @p3 $0xffff, v20  }
0x411: {  	v22 =	vld [tilespmem:s11+$0x15080];
	s8 =	simm.s32 @p4 $0x0;
	p1 =	sgt.f32 s18, $0.0e+00;
	s2 =	sld [smem:$0x7D5]  }
0x412: {  	s19 =	rddreg [dreg:$0x16];
	s20 =	spop (v2sf);
	[tilespmem:v29+s8+$0x0] =	vst.idx.add.f32.msk @p4 $0xffff, v23  }
0x413: {  	vm9 =	vlt.f32 v27, $0.0e+00;
	vm10 =	vgt.f32 v27, $0.0e+00;
	p0 =	sgt.f32 s20, $0.0e+00;
	v34 =	vld @p1 [tilespmem:s3+$0x12000];
	s3 =	sadd.s32 $0x2460, s19;
	s10 =	sld [smem:$0x7D8]  }
0x414: {  	vm3 =	vlt.f32 v26, $0.0e+00;
	vm4 =	vgt.f32 v26, $0.0e+00;
	vm11 =	vmor vm10, vm9;
	v20 =	vld [tilespmem:s26+$0x15080];
	s2 =	sand.u32 $0x70, s2;
	s3 =	sand.u32 $0x3F00, s3  }
0x415: {  	v24 =	vmul.f32 @p2 v25, v12;
	vm7 =	vlt.f32 v32, $0.0e+00;
	vm8 =	vgt.f32 v32, $0.0e+00;
	v25 =	vld @p0 [tilespmem:s21+$0x12000];
	s3 =	sor.u32 s3, s2  }
0x416: {  	s14 =	smov.u32 s4;
	vm12 =	vmor vm4, vm3;
	v62 =	vsel vm11, $0x3F800000, v0;
	vm0 =	vmor vm8, vm7;
	s21 =	sadd.s32 $0xFFFFFA00, s12;
	v23 =	vld [tilespmem:s3+$0x15080];
	s23 =	sadd.s32 $0x1860, s10  }
0x417: {  	vm13 =	vlt.f32 v21, $0.0e+00;
	vm14 =	vgt.f32 v21, $0.0e+00;
	s6 =	simm.s32 @p2 $0x0;
	v61 =	vsel vm0, $0x3F800000, v0;
	s2 =	sand.u32 $0x70, s21;
	s4 =	sand.u32 $0x3F00, s23  }
0x418: {  	v63 =	vsel vm12, $0x3F800000, v0;
	vm15 =	vmor vm14, vm13;
	[tilespmem:v31+s6+$0x0] =	vst.idx.add.f32.msk @p2 $0xffff, v24;
	(xrf0) =	vmax.scan.msk.f32 $0xffff, v61;
	s25 =	sor.u32 s4, s2  }
0x419: {  	vm6 =	vlt.f32 v22, $0.0e+00;
	v33 =	vsel vm15, $0x3F800000, v0;
	vm7 =	vgt.f32 v22, $0.0e+00;
	v31 =	vld [tilespmem:s25+$0x15080]  }
0x41a: {  	v28 =	vmul.f32 @p1 v28, v14;
	v29 =	vmul.f32 @p0 v30, v15;
	vm8 =	vmor vm7, vm6  }
0x41b: {  	vm9 =	vlt.f32 v20, $0.0e+00;
	(xrf0) =	vmax.scan.msk.f32 $0xffff, v62;
	vm4 =	vlt.f32 v23, $0.0e+00;
	vm5 =	vgt.f32 v23, $0.0e+00  }
0x41c: {  	s8 =	simm.s32 @p1 $0x0;
	vm10 =	vgt.f32 v20, $0.0e+00;
	v35 =	vsel vm8, $0x3F800000, v0;
	v30 =	vld [tilespmem:s24+$0x16880];
	(xrf0) =	vmax.scan.msk.f32 $0xffff, v63;
	vm0 =	vmor vm5, vm4  }
0x41d: {  	vm11 =	vmor vm10, vm9;
	(xrf0) =	vmax.scan.msk.f32 $0xffff, v33;
	[tilespmem:v34+s8+$0x0] =	vst.idx.add.f32.msk @p1 $0xffff, v28;
	v34 =	vsel vm0, $0x3F800000, v0  }
0x41e: {  	v36 =	vsel vm11, $0x3F800000, v0;
	s2 =	simm.s32 @p0 $0x0;
	v28 =	vld [tilespmem:s13+$0x15080];
	v37, _, _ =	vpop (xrf0);
	(xrf0) =	vmax.scan.msk.f32 $0xffff, v34;
	vm12 =	vlt.f32 v31, $0.0e+00;
	vm13 =	vgt.f32 v31, $0.0e+00  }
0x41f: {  	[tilespmem:v25+s2+$0x0] =	vst.idx.add.f32.msk @p0 $0xffff, v29;
	(v2sf) =	vpush v37, $0xF;
	(xrf0) =	vmax.scan.msk.f32 $0xffff, v35;
	vm14 =	vmor vm13, vm12  }
0x420: {  	v29 =	vld [tilespmem:s14+$0x15080];
	(xrf0) =	vmax.scan.msk.f32 $0xffff, v36;
	v38 =	vsel vm14, $0x3F800000, v0  }
0x421: {  	v39, _, _ =	vpop (xrf0);
	(xrf0) =	vmax.scan.msk.f32 $0xffff, v38  }
0x422: {  	vm15 =	vlt.f32 v30, $0.0e+00;
	vm4 =	vgt.f32 v30, $0.0e+00;
	v40, _, _ =	vpop (xrf0);
	(v2sf) =	vpush v39, $0xF  }
0x423: {  	vm0 =	vmor vm4, vm15;
	v41, _, _ =	vpop (xrf0);
	vm5 =	vlt.f32 v28, $0.0e+00;
	vm6 =	vgt.f32 v28, $0.0e+00  }
0x424: {  	v43 =	vsel vm0, $0x3F800000, v0;
	(v2sf) =	vpush v40, $0xF;
	vm7 =	vmor vm6, vm5;
	v42, _, _ =	vpop (xrf0)  }
0x425: {  	vm8 =	vlt.f32 v29, $0.0e+00;
	vm9 =	vgt.f32 v29, $0.0e+00;
	v35 =	vsel vm7, $0x3F800000, v0;
	v44, _, _ =	vpop (xrf0);
	(xrf0) =	vmax.scan.msk.f32 $0xffff, v43  }
0x426: {  	vm10 =	vmor vm9, vm8;
	(v2sf) =	vpush v42, $0xF;
	v45, _, _ =	vpop (xrf0);
	(xrf0) =	vmax.scan.msk.f32 $0xffff, v35  }
0x427: {  	v47 =	vsel vm10, $0x3F800000, v0;
	(v2sf) =	vpush v41, $0xF;
	v46, _, _ =	vpop (xrf0)  }
0x428: {  	(xrf0) =	vmax.scan.msk.f32 $0xffff, v47;
	(v2sf) =	vpush v46, $0xF;
	_ =	sdelay $0x1  }
0x429: {  	(v2sf) =	vpush v44, $0xF  }
0x42a: {  	v48, _, _ =	vpop (xrf0);
	(v2sf) =	vpush v45, $0xF  }
0x42b: {  	v49, _, _ =	vpop (xrf0);
	(v2sf) =	vpush v48, $0xF  }
0x42c: {  	(v2sf) =	vpush v49, $0xF  }
0x42d: {  	s2 =	sld [smem:$0x7D6];
	s26 =	spop (v2sf);
	v50, _, _ =	vpop (xrf0)  }
0x42e: {  	p2 =	sgt.f32 s26, $0.0e+00;
	(v2sf) =	vpush v50, $0xF;
	_ =	sdelay $0x1  }
0x42f: {  	s29 =	spop (v2sf);
	v24 =	vld @p2 [tilespmem:s2+$0x12000];
	s2 =	sld [smem:$0x7D7]  }
0x430: {  	p1 =	sgt.f32 s29, $0.0e+00;
	_ =	sdelay $0x1  }
0x431: {  	s30 =	spop (v2sf);
	v25 =	vld @p1 [tilespmem:s2+$0x12000]  }
0x432: {  	s4 =	spop (v2sf)  }
0x433: {  	p4 =	sgt.f32 s30, $0.0e+00;
	s8 =	spop (v2sf)  }
0x434: {  	s2 =	rddreg [dreg:$0x1f];
	s18 =	spop (v2sf)  }
0x435: {  	v33 =	vld @p4 [tilespmem:s2+$0x12000];
	p0 =	sgt.f32 s18, $0.0e+00  }
0x436: {  	v32 =	vmul.f32 @p2 v32, v8;
	s2 =	sor.u32 $0x80, s25;
	s19 =	spop (v2sf)  }
0x437: {  	v27 =	vmul.f32 @p1 v27, v9;
	s20 =	spop (v2sf);
	v34 =	vld @p0 [tilespmem:s2+$0x12000];
	s2 =	simm.s32 @p2 $0x0  }
0x438: {  	s21 =	spop (v2sf);
	[tilespmem:v24+s2+$0x0] =	vst.idx.add.f32.msk @p2 $0xffff, v32;
	s2 =	simm.s32 @p1 $0x0  }
0x439: {  	p2 =	sgt.f32 s21, $0.0e+00;
	s23 =	spop (v2sf);
	[tilespmem:v25+s2+$0x0] =	vst.idx.add.f32.msk @p1 $0xffff, v27  }
0x43a: {  	v24 =	vld [tilespmem:s22+$0x17480];
	p3 =	sgt.f32 s23, $0.0e+00;
	s2 =	sadd.s32 $0x1880, s24  }
0x43b: {  	v25 =	vmul.f32 @p4 v26, v10;
	s25 =	spop (v2sf);
	v32 =	vld @p2 [tilespmem:s2+$0x12000];
	s2 =	sor.u32 $0x80, s13  }
0x43c: {  	p1 =	sgt.f32 s25, $0.0e+00;
	v35 =	vld @p3 [tilespmem:s2+$0x12000];
	s2 =	simm.s32 @p4 $0x0  }
0x43d: {  	s26 =	sadd.s32 $0x2460, s10;
	[tilespmem:v33+s2+$0x0] =	vst.idx.add.f32.msk @p4 $0xffff, v25;
	s2 =	sor.u32 $0x80, s14;
	v25 =	vmul.f32 @p0 v31, v19  }
0x43e: {  	s29 =	sand.u32 $0x3F00, s26;
	s30 =	sand.u32 $0x70, s12;
	s10 =	simm.s32 @p0 $0x0;
	v31 =	vld @p1 [tilespmem:s2+$0x12000]  }
0x43f: {  	s9 =	sor.u32 s29, s30;
	[tilespmem:v34+s10+$0x0] =	vst.idx.add.f32.msk @p0 $0xffff, v25  }
0x440: {  	v27 =	vld [tilespmem:s9+$0x15080];
	s13 =	rddreg [dreg:$0x9]  }
0x441: {  	v30 =	vmul.f32 @p2 v30, v12;
	s14 =	rddreg [dreg:$0xa];
	v26 =	vld [tilespmem:s13+$0x15080]  }
0x442: {  	v28 =	vmul.f32 @p3 v28, v14;
	s2 =	simm.s32 @p2 $0x0;
	v25 =	vld [tilespmem:s14+$0x15080]  }
0x443: {  	s10 =	simm.s32 @p3 $0x0;
	[tilespmem:v32+s2+$0x0] =	vst.idx.add.f32.msk @p2 $0xffff, v30  }
0x444: {  	s15 =	sadd.s32 $0xFFFFFFE0, s12;
	s16 =	sadd.s32 $0xFFFFFFF0, s12;
	v29 =	vmul.f32 @p1 v29, v15;
	[tilespmem:v35+s10+$0x0] =	vst.idx.add.f32.msk @p3 $0xffff, v28  }
0x445: {  	vm11 =	vlt.f32 v24, $0.0e+00;
	vm12 =	vgt.f32 v24, $0.0e+00;
	s13 =	simm.s32 @p1 $0x0;
	s2 =	sand.u32 $0x50, s15;
	v28 =	vld [tilespmem:s24+$0x17480];
	s10 =	rddreg [dreg:$0x1e]  }
0x446: {  	s17 =	sand.u32 $0x60, s16;
	vm0 =	vmor vm12, vm11;
	s10 =	sor.u32 s10, s2;
	[tilespmem:v31+s13+$0x0] =	vst.idx.add.f32.msk @p1 $0xffff, v29;
	vm13 =	vlt.f32 v27, $0.0e+00;
	vm14 =	vgt.f32 v27, $0.0e+00  }
0x447: {  	s12 =	sor.u32 s28, s17;
	v51 =	vsel vm0, $0x3F800000, v0;
	vm15 =	vmor vm14, vm13;
	v30 =	vld [tilespmem:s10+$0x15080]  }
0x448: {  	vm4 =	vlt.f32 v26, $0.0e+00;
	vm5 =	vgt.f32 v26, $0.0e+00;
	v32 =	vld [tilespmem:s12+$0x15080];
	vm6 =	vlt.f32 v25, $0.0e+00  }
0x449: {  	(xrf0) =	vmax.scan.msk.f32 $0xffff, v51;
	vm7 =	vgt.f32 v25, $0.0e+00;
	v52 =	vsel vm15, $0x3F800000, v0;
	vm0 =	vmor vm5, vm4  }
0x44a: {  	vm1 =	vmor vm7, vm6;
	(xrf0) =	vmax.scan.msk.f32 $0xffff, v52;
	vm8 =	vlt.f32 v28, $0.0e+00;
	vm9 =	vgt.f32 v28, $0.0e+00  }
0x44b: {  	v53 =	vsel vm0, $0x3F800000, v0;
	v54 =	vsel vm1, $0x3F800000, v0;
	vm10 =	vmor vm9, vm8  }
0x44c: {  	(xrf0) =	vmax.scan.msk.f32 $0xffff, v53;
	v55 =	vsel vm10, $0x3F800000, v0;
	vm11 =	vlt.f32 v30, $0.0e+00;
	vm12 =	vgt.f32 v30, $0.0e+00  }
0x44d: {  	(xrf0) =	vmax.scan.msk.f32 $0xffff, v54;
	vm13 =	vlt.f32 v32, $0.0e+00;
	vm14 =	vgt.f32 v32, $0.0e+00;
	vm0 =	vmor vm12, vm11  }
0x44e: {  	(xrf0) =	vmax.scan.msk.f32 $0xffff, v55;
	vm15 =	vmor vm14, vm13;
	v56 =	vsel vm0, $0x3F800000, v0  }
0x44f: {  	p1 =	sgt.f32 s0, $0.0e+00;
	v57, _, _ =	vpop (xrf0);
	v58 =	vsel vm15, $0x3F800000, v0;
	(xrf0) =	vmax.scan.msk.f32 $0xffff, v56  }
0x450: {  	p0 =	sgt.f32 s1, $0.0e+00;
	s0 =	sor.u32 $0x80, s31;
	v59, _, _ =	vpop (xrf0);
	(xrf0) =	vmax.scan.msk.f32 $0xffff, v58  }
0x451: {  	p2 =	sgt.f32 s5, $0.0e+00;
	v31 =	vld @p1 [tilespmem:s0+$0x12000];
	s0 =	rddreg [dreg:$0x7];
	(v2sf) =	vpush v59, $0xF  }
0x452: {  	p3 =	sgt.f32 s7, $0.0e+00;
	v29 =	vld @p0 [tilespmem:s0+$0x12000];
	s0 =	rddreg [dreg:$0xf];
	v60, _, _ =	vpop (xrf0);
	(v2sf) =	vpush v57, $0xF  }
0x453: {  	v34 =	vld @p2 [tilespmem:s0+$0x12000];
	s0 =	rddreg [dreg:$0x18];
	v61, _, _ =	vpop (xrf0);
	(v2sf) =	vpush v60, $0xF  }
0x454: {  	p4 =	sgt.f32 s4, $0.0e+00;
	v33 =	vld @p3 [tilespmem:s0+$0x12000];
	v62, _, _ =	vpop (xrf0);
	(v2sf) =	vpush v61, $0xF  }
0x455: {  	p6 =	sgt.f32 s8, $0.0e+00;
	s0 =	sor.u32 $0x80, s3;
	(v2sf) =	vpush v62, $0xF;
	v63, _, _ =	vpop (xrf0)  }
0x456: {  	p5 =	sgt.f32 s19, $0.0e+00;
	v35 =	vld @p4 [tilespmem:s0+$0x12000];
	s0 =	rddreg [dreg:$0x17];
	v36, _, _ =	vpop (xrf0);
	(v2sf) =	vpush v63, $0xF  }
0x457: {  	v7 =	vmul.f32 @p1 v18, v7;
	(v2sf) =	vpush v36, $0xF;
	v36 =	vld @p6 [tilespmem:s0+$0x12000];
	s0 =	rddreg [dreg:$0x19]  }
0x458: {  	v1 =	vmul.f32 @p0 v13, v1;
	v18 =	vld @p5 [tilespmem:s0+$0x12000];
	s0 =	simm.s32 @p1 $0x0  }
0x459: {  	v2 =	vmul.f32 @p2 v16, v2;
	[tilespmem:v31+s0+$0x0] =	vst.idx.add.f32.msk @p1 $0xffff, v7;
	s0 =	simm.s32 @p0 $0x0  }
0x45a: {  	[tilespmem:v29+s0+$0x0] =	vst.idx.add.f32.msk @p0 $0xffff, v1;
	s0 =	simm.s32 @p2 $0x0;
	v1 =	vmul.f32 @p3 v17, v3;
	p0 =	sgt.f32 s20, $0.0e+00  }
0x45b: {  	[tilespmem:v34+s0+$0x0] =	vst.idx.add.f32.msk @p2 $0xffff, v2;
	s0 =	simm.s32 @p3 $0x0  }
0x45c: {  	[tilespmem:v33+s0+$0x0] =	vst.idx.add.f32.msk @p3 $0xffff, v1;
	s0 =	simm.s32 @!p0 $0x0  }
0x45d: {  	v2 =	vmul.f32 @p4 v23, v11;
	s0 =	simm.s32 @p0 $0x1  }
0x45e: {  	[smem:$0x7C8] =	sst s0;
	s0 =	simm.s32 @p4 $0x0  }
0x45f: {  	[tilespmem:v35+s0+$0x0] =	vst.idx.add.f32.msk @p4 $0xffff, v2  }
0x460: {  	s18 =	spop (v2sf);
	s1 =	rddreg [dreg:$0x13]  }
0x461: {  	v2 =	vld @p0 [tilespmem:s1+$0x12000];
	p0 =	sgt.f32 s18, $0.0e+00  }
0x462: {  	v1 =	vmul.f32 @p6 v21, v6  }
0x463: {  	s1 =	simm.s32 @p6 $0x0;
	s0 =	simm.s32 @!p0 $0x0  }
0x464: {  	v3 =	vmul.f32 @p5 v22, v4;
	s19 =	spop (v2sf);
	[tilespmem:v36+s1+$0x0] =	vst.idx.add.f32.msk @p6 $0xffff, v1;
	s0 =	simm.s32 @p0 $0x1  }
0x465: {  	s20 =	spop (v2sf);
	[smem:$0x7C7] =	sst s0;
	s0 =	simm.s32 @p5 $0x0  }
0x466: {  	s21 =	spop (v2sf);
	[tilespmem:v18+s0+$0x0] =	vst.idx.add.f32.msk @p5 $0xffff, v3;
	s0 =	sor.u32 $0x80, s9  }
0x467: {  	v1 =	vld @p0 [tilespmem:s0+$0x12000];
	p0 =	sgt.f32 s21, $0.0e+00;
	_ =	sdelay $0x1  }
0x468: {  	s1 =	rddreg [dreg:$0x14];
	s0 =	simm.s32 @!p0 $0x0  }
0x469: {  	p6 =	sgt.f32 s20, $0.0e+00;
	s26 =	sld [smem:$0x7C8];
	s0 =	simm.s32 @p0 $0x1  }
0x46a: {  	p5 =	sgt.f32 s19, $0.0e+00;
	[smem:$0x7C9] =	sst s0  }
0x46b: {  	s22 =	spop (v2sf);
	s0 =	rddreg [dreg:$0x10]  }
0x46c: {  	s23 =	spop (v2sf);
	s28 =	sld [smem:$0x7C7];
	v3 =	vld @p5 [tilespmem:s0+$0x12000]  }
0x46d: {  	s25 =	spop (v2sf);
	s29 =	sld [smem:$0x7C8]  }
0x46e: {  	p1 =	sgt.f32 s25, $0.0e+00;
	v4 =	vld @p6 [tilespmem:s1+$0x12000];
	s1 =	rddreg [dreg:$0x11]  }
0x46f: {  	p3 =	sgt.f32 s22, $0.0e+00;
	s0 =	sor.u32 $0x80, s12;
	v6 =	vld @p0 [tilespmem:s1+$0x12000];
	p0 =	seq.s32 s26, $0x1  }
0x470: {  	s1 =	sadd.s32 $0x2480, s24;
	v13 =	vld @p1 [tilespmem:s0+$0x12000];
	v5 =	vmul.f32 @p0 v20, v5;
	s0 =	simm.s32 @p0 $0x0;
	p0 =	seq.s32 s28, $0x1  }
0x471: {  	p2 =	seq.s32 s29, $0x1;
	v7 =	vld @p3 [tilespmem:s1+$0x12000];
	v16 =	vmul.f32 @p0 v27, v19  }
0x472: {  	[tilespmem:v2+s0+$0x0] =	vst.idx.add.f32.msk @p2 $0xffff, v5;
	s0 =	simm.s32 @p0 $0x0;
	v2 =	vmul.f32 @p5 v24, v8  }
0x473: {  	[tilespmem:v1+s0+$0x0] =	vst.idx.add.f32.msk @p0 $0xffff, v16;
	s0 =	simm.s32 @p5 $0x0  }
0x474: {  	[tilespmem:v3+s0+$0x0] =	vst.idx.add.f32.msk @p5 $0xffff, v2  }
0x475: {  	s30 =	sld [smem:$0x7C9];
	_ =	sdelay $0x2  }
0x476: {  	v1 =	vmul.f32 @p6 v26, v9;
	p0 =	seq.s32 s30, $0x1  }
0x477: {  	s0 =	simm.s32 @p6 $0x0;
	v2 =	vmul.f32 @p0 v25, v10  }
0x478: {  	[tilespmem:v4+s0+$0x0] =	vst.idx.add.f32.msk @p6 $0xffff, v1;
	v1 =	vmul.f32 @p3 v28, v12;
	s0 =	simm.s32 @p0 $0x0  }
0x479: {  	p4 =	sgt.f32 s23, $0.0e+00;
	[tilespmem:v6+s0+$0x0] =	vst.idx.add.f32.msk @p0 $0xffff, v2;
	s0 =	simm.s32 @p3 $0x0  }
0x47a: {  	s1 =	sor.u32 $0x80, s10;
	[tilespmem:v7+s0+$0x0] =	vst.idx.add.f32.msk @p3 $0xffff, v1  }
0x47b: {  	v11 =	vld @p4 [tilespmem:s1+$0x12000];
	s31 =	sld [smem:$0x7F0];
	_ =	sdelay $0x2  }
0x47c: {  	s4 =	sadd.s32 $0x1, s31  }
0x47d: {  	p0 =	sne.s32 s4, $0x30  }
.Ltmp15:
0x47e: {  	_ = 	snop;
	(pc) =	sbr.rel @p0 .LBB2_10-.Ltmp15, $4  }
0x47f: {  	v2 =	vmul.f32 @p4 v30, v14  }
0x480: {  	s0 =	simm.s32 @p4 $0x0;
	v1 =	vmul.f32 @p1 v32, v15  }
0x481: {  	[tilespmem:v11+s0+$0x0] =	vst.idx.add.f32.msk @p4 $0xffff, v2;
	s0 =	simm.s32 @p1 $0x0  }
0x482: {  	s8 =	simm.s32 $0x0;
	[tilespmem:v13+s0+$0x0] =	vst.idx.add.f32.msk @p1 $0xffff, v1  }
0x483: {  	s0 =	sld [smem:$0x7F4];
	_ =	sdelay $0x1  }
0x484: {  	s1 =	sld [smem:$0x7F2]  }
0x485: {  	s0 =	smul.u32 $0x12000, s0  }
0x486: {  	s30 =	sld [smem:$0x7F8]  }
0x487: {  	s0 =	sadd.s32 s1, s0  }
0x488: {  	s0 =	sshrl.u32 s0, $0x3  }
0x489: {  	s0 =	sadd.s32 s30, s0  }
0x48a: {  	[hbm4b:s0+s8] =	stream.linear.scatter [tilespmem:s8], [sflag:$0x3], $0x12000, $0x38;
	[tilespmem:$0x18C00] =	vst v63  }
.Ltmp16:
0x48b: {  	s31 =	simm.s32 $0x3;
	(pc) =	sbr.rel .LBB2_26-.Ltmp16, $4  }
0x48c: {  	_ =	swait.ge [sflag:s31], $0x12000  }
0x48d: {  	s2 =	sld [smem:$0x7F5]  }
0x48e: {  	[sflag:s31] =	ssyncset.done $0x0  }
0x48f: {  	s1 =	sld [smem:$0x7FD];
	[sflag:s31] =	ssyncadd.s32 $0xFFFEE000  }
.LBB2_28:
0x490: {  	_ =	sfence.sel $0x180000  }
0x491: {  	[bflag:$0x0] =	sbarrier.arrive $0xFFFF  }
0x492: {  	_ =	strace $0x9000004A  }
0x493: {  	s0 =	stileid.u32;
	[bflag:$0x2] =	sbarrier.arrive $0xFFFF  }
0x494: {  	p0 =	sne.s32 s0, $0x0;
	s0 =	rddreg [dreg:$0x2]  }
0x495: {  	s0 =	sadd.s32 @!p0 $0x100000, s0  }
0x496: {  	[sflag:s0] =	ssyncadd.tile.s32 @!p0 $0x1;
	_ =	shalt  }
.Lfunc_end2:
_tile_overlayer_lowered:
.L_overlay_start_2:
0x497: {  	(tag) =	ssettag $0x2  }
0x498: {  	s0 =	rddreg [dreg:$0x0];
	s2 =	stileid.u32  }
0x499: {  	s1 =	rddreg [dreg:$0x1];
	p0 =	sne.s32 s2, $0x0  }
0x49a: {  	s3 =	rddreg [dreg:$0x2];
	[bflag:$0x3] =	sbarrier.arrive $0xFFFF;
	s2 =	simm.s32 @!p0 $0x1C03  }
0x49b: {  	[timem:s3], [sflag:s2] =	dma.local @!p0 [hbm:s0], s1  }
0x49c: {  	s0 =	simm.s32 @!p0 $0x3  }
0x49d: {  	_ =	swait.ge @!p0 [sflag:s0], s1  }
0x49e: {  	s1 =	ssub.s32 @!p0 $0x0, s1;
	[sflag:s0] =	ssyncset.done @!p0 $0x0  }
0x49f: {  	[sflag:s0] =	ssyncadd.s32 @!p0 s1  }
0x4a0: {  	[bflag:$0x3] =	sbarrier.arrive $0xFFFF  }
0x4a1: {  	_ =	shalt  }

</sc_bundles>
